<compile_context>
chip_gen: v7x
topology: tpu7x:2x2x1
jax: 0.10.2.dev20260603
libtpu: 0.0.44.dev20260713+nightly
codegen_flags: <defaults>
</compile_context>

<pallas_src>
import functools
import jax
import jax.numpy as jnp
from jax import lax
from jax.experimental import pallas as pl
from jax.experimental.pallas import tpu as pltpu
from jax.experimental.pallas import tpu_sc as plsc

_HD = 4096
_S = 2048
_NLAYERS = 3
_THRESH = 0.5
_KEEP = 1843
_LAM = 1.0
_INT_MIN = -2147483648

_NC = 2
_NS = 16
_LN = 16
_NW = _NC * _NS

_DCH = 64
_ECH = 4
_ACH = 8
_EROWS = _S // _NW
_AROWS = 0
_SC_AROWS = _NW * _AROWS



def _attn_body(a0_ref, a1_ref, a2_ref, cs_ref, *, n2):
    i = pl.program_id(0)

    @pl.when(i == 0)
    def _():
        cs_ref[...] = jnp.zeros_like(cs_ref)
    s = (jnp.sum(a0_ref[...], axis=0, keepdims=True)
         + jnp.sum(a1_ref[...], axis=0, keepdims=True))
    w = (i < n2).astype(jnp.float32)
    cs_ref[...] += s + w * jnp.sum(a2_ref[...], axis=0, keepdims=True)




def _tsum(xs):
    while len(xs) > 1:
        nx = [xs[p] + xs[p + 1] for p in range(0, len(xs) - 1, 2)]
        if len(xs) % 2:
            nx.append(xs[-1])
        xs = nx
    return xs[0]


def _sc_body(dec, emb, at2, hsum_o, cn_o, sq_o, ap_o,
             dbuf, ebuf, abuf, accv, hbuf, cnv, sqv, aacc, shsum,
             sem_a, sem_b):
    cid = lax.axis_index("c")
    sid = lax.axis_index("s")
    t = cid * _NS + sid
    sems = [sem_a, sem_b]

    ncols = _HD // _NS
    col0 = sid * ncols
    nch = _S // _DCH

    def _dstart(ci, b):
        pltpu.make_async_copy(
            dec.at[pl.ds(ci * _DCH, _DCH), pl.ds(col0, ncols)],
            dbuf.at[b], sems[b]).start()

    _dstart(0, 0)
    _dstart(1, 1)
    acc0 = tuple(jnp.zeros((_LN,), jnp.float32) for _ in range(ncols // _LN))

    def dchunk(c2, acc):
        for b in range(2):
            ci = 2 * c2 + b
            pltpu.make_async_copy(
                dec.at[pl.ds(ci * _DCH, _DCH), pl.ds(col0, ncols)],
                dbuf.at[b], sems[b]).wait()

            def rbody(r, a, b=b):
                return tuple(a[j] + dbuf[b, r, pl.ds(j * _LN, _LN)]
                             for j in range(ncols // _LN))
            acc = lax.fori_loop(0, _DCH, rbody, acc)

            @pl.when(ci + 2 < nch)
            def _(ci=ci, b=b):
                _dstart(ci + 2, b)
        return acc

    acc = lax.fori_loop(0, nch // 2, dchunk, acc0)

    for j in range(ncols // _LN):
        accv[pl.ds(j * _LN, _LN)] = acc[j]
    pltpu.sync_copy(accv, shsum.at[pl.ds(col0, ncols)])
    plsc.subcore_barrier()
    pltpu.sync_copy(shsum, hbuf)

    @pl.when(jnp.logical_and(cid == 0, sid == 0))
    def _():
        pltpu.sync_copy(hbuf, hsum_o.at[0])

    erow0 = t * _EROWS
    nech = _EROWS // _ECH
    lane_iota = lax.iota(jnp.int32, _LN)

    def _estart(ci, b):
        pltpu.make_async_copy(
            emb.at[pl.ds(erow0 + ci * _ECH, _ECH)],
            ebuf.at[b], sems[b]).start()

    _estart(0, 0)
    _estart(1, 1)

    def echunk(c2, _):
        for b in range(2):
            ci = 2 * c2 + b
            pltpu.make_async_copy(
                emb.at[pl.ds(erow0 + ci * _ECH, _ECH)],
                ebuf.at[b], sems[b]).wait()

            zc = jnp.zeros((_LN,), jnp.float32)

            @plsc.parallel_loop(0, _HD // 128, unroll=2,
                                carry=(zc,) * (2 * _ECH))
            def vs(bb, cs, b=b):
                out = list(cs)
                h8 = [hbuf[pl.ds(bb * 128 + u * _LN, _LN)] for u in range(8)]
                for r in range(_ECH):
                    ev = [ebuf[b, r, pl.ds(bb * 128 + u * _LN, _LN)]
                          for u in range(8)]
                    out[r] = out[r] + _tsum([ev[u] * h8[u] for u in range(8)])
                    out[_ECH + r] = out[_ECH + r] + _tsum(
                        [ev[u] * ev[u] for u in range(8)])
                return tuple(out)

            for r in range(_ECH):
                rl = jnp.full((_LN,), ci * _ECH + r, jnp.int32)
                plsc.store_scatter(cnv, [lane_iota, rl], vs[r])
                plsc.store_scatter(sqv, [lane_iota, rl], vs[_ECH + r])

            @pl.when(ci + 2 < nech)
            def _(ci=ci, b=b):
                _estart(ci + 2, b)
        return 0

    lax.fori_loop(0, nech // 2, echunk, 0)
    outcps = []
    for j in range(_LN):
        outcps.append(pltpu.make_async_copy(
            cnv.at[j], cn_o.at[pl.ds(j * _S + erow0, _EROWS)], sem_a))
        outcps.append(pltpu.make_async_copy(
            sqv.at[j], sq_o.at[pl.ds(j * _S + erow0, _EROWS)], sem_b))
    for cp in outcps:
        cp.start()
    for cp in outcps:
        cp.wait()

    if not _AROWS:
        return
    arow0 = t * _AROWS
    zv = jnp.zeros((_LN,), jnp.float32)

    def zbody(j, _):
        aacc[pl.ds(j * _LN, _LN)] = zv
        return 0
    lax.fori_loop(0, _S // _LN, zbody, 0)

    nach = _AROWS // _ACH

    def _astart(ci, b):
        pltpu.make_async_copy(
            at2.at[pl.ds(arow0 + ci * _ACH, _ACH)],
            abuf.at[b], sems[b]).start()

    _astart(0, 0)
    _astart(1, 1)

    def achunk(c2, _):
        for b in range(2):
            ci = 2 * c2 + b
            pltpu.make_async_copy(
                at2.at[pl.ds(arow0 + ci * _ACH, _ACH)],
                abuf.at[b], sems[b]).wait()

            @plsc.parallel_loop(0, _S // _LN, unroll=4)
            def _(j, b=b):
                vs = [abuf[b, r, pl.ds(j * _LN, _LN)] for r in range(_ACH)]
                aacc[pl.ds(j * _LN, _LN)] = (
                    aacc[pl.ds(j * _LN, _LN)] + _tsum(vs))

            @pl.when(ci + 2 < nach)
            def _(ci=ci, b=b):
                _astart(ci + 2, b)
        return 0

    lax.fori_loop(0, nach // 2, achunk, 0)
    pltpu.sync_copy(aacc, ap_o.at[pl.ds(t * _S, _S)])


_sc_call = functools.partial(
    pl.kernel,
    mesh=plsc.VectorSubcoreMesh(core_axis_name="c", subcore_axis_name="s"),
    compiler_params=pltpu.CompilerParams(needs_layout_passes=False),
    out_type=[
        jax.ShapeDtypeStruct((1, _HD), jnp.float32),
        jax.ShapeDtypeStruct((_LN * _S,), jnp.float32),
        jax.ShapeDtypeStruct((_LN * _S,), jnp.float32),
        jax.ShapeDtypeStruct((_NW * _S,), jnp.float32),
    ],
    scratch_types=[
        pltpu.VMEM((2, _DCH, _HD // _NS), jnp.float32),
        pltpu.VMEM((2, _ECH, _HD), jnp.float32),
        pltpu.VMEM((2, _ACH, _S), jnp.float32),
        pltpu.VMEM((_HD // _NS,), jnp.float32),
        pltpu.VMEM((_HD,), jnp.float32),
        pltpu.VMEM((_LN, _EROWS), jnp.float32),
        pltpu.VMEM((_LN, _EROWS), jnp.float32),
        pltpu.VMEM((_S,), jnp.float32),
        pltpu.VMEM_SHARED((_HD,), jnp.float32),
        pltpu.SemaphoreType.DMA,
        pltpu.SemaphoreType.DMA,
    ],
)(_sc_body)




def _key_i32(x):
    b = lax.bitcast_convert_type(x, jnp.int32)
    return jnp.where(b >= 0, b, jnp.int32(_INT_MIN) - b)


def _final_body(cs_ref, cn_ref, sq_ref, hs_ref, lg_ref, nl_ref,
                cons_ref, acc_ref, core_ref, noise_ref, prune_ref, fl_ref):
    n_attn = jnp.float32(_NLAYERS * 8 * _S)
    agg = cs_ref[...] / n_attn
    a_norm = agg / (jnp.sum(agg) + 1e-8)
    a_scaled = jnp.clip(a_norm * jnp.float32(_S), 0.0, 1.0)

    h_mean = hs_ref[...] / jnp.float32(_S)
    h_norm = jnp.sqrt(jnp.sum(h_mean * h_mean))
    sq = jnp.sum(sq_ref[...], axis=0, keepdims=True)
    vt_norm = jnp.sqrt(sq)
    vdot = jnp.sum(cn_ref[...], axis=0, keepdims=True) / jnp.float32(_S)
    cos = vdot / (vt_norm + 1e-8) / (h_norm + 1e-8)
    sem = 0.5 * (cos + 1.0)
    consistency = 0.5 * sem + 0.5 * a_scaled

    key = _key_i32(consistency)
    k = jnp.int32(_KEEP)

    def count_ge(c):
        return jnp.sum((key >= c).astype(jnp.int32))

    m0 = jnp.where(count_ge(jnp.int32(0)) >= k, jnp.int32(0),
                   jnp.int32(_INT_MIN))

    def body(j, m):
        bit = lax.shift_left(jnp.int32(1), jnp.int32(30) - j)
        cand = m + bit
        return jnp.where(count_ge(cand) >= k, cand, m)

    m = lax.fori_loop(0, 31, body, m0)

    core = jnp.logical_or(key >= m, consistency >= jnp.float32(_THRESH))
    cons_ref[...] = consistency
    acc_ref[...] = consistency
    core_ref[...] = core
    noise_ref[...] = jnp.logical_not(core)
    prune_ref[...] = core
    fl_ref[...] = (1.0 + _LAM) * lg_ref[...] - _LAM * nl_ref[...]


def kernel(input_embeds, decoder_hidden_states, attn_0, attn_1, attn_2,
           logits, noise_logits):
    B, S, D = input_embeds.shape
    H = attn_0.shape[1]
    V = logits.shape[1]
    rows = H * S

    dec = decoder_hidden_states.reshape(S, D)
    emb = input_embeds.reshape(S, D)
    at2 = attn_2.reshape(rows, S)
    hsum, cosnum, sqnorm, apart = _sc_call(dec, emb, at2)

    bq = 512
    nq = rows // bq
    a0 = attn_0.reshape(rows, S)
    a1 = attn_1.reshape(rows, S)
    off2 = _SC_AROWS // bq
    n2 = (rows - _SC_AROWS) // bq

    colsum = pl.pallas_call(
        functools.partial(_attn_body, n2=n2),
        grid=(nq,),
        in_specs=[
            pl.BlockSpec((bq, S), lambda i: (i, 0)),
            pl.BlockSpec((bq, S), lambda i: (i, 0)),
            pl.BlockSpec((bq, S),
                         lambda i: (off2 + jnp.minimum(i, n2 - 1), 0)),
        ],
        out_specs=pl.BlockSpec((1, S), lambda i: (0, 0)),
        out_shape=jax.ShapeDtypeStruct((1, S), jnp.float32),
    )(a0, a1, at2)

    cons, acc, core, noise, prune, final_logits = pl.pallas_call(
        _final_body,
        out_shape=[
            jax.ShapeDtypeStruct((1, S), jnp.float32),
            jax.ShapeDtypeStruct((1, S), jnp.float32),
            jax.ShapeDtypeStruct((1, S), jnp.bool_),
            jax.ShapeDtypeStruct((1, S), jnp.bool_),
            jax.ShapeDtypeStruct((1, S), jnp.bool_),
            jax.ShapeDtypeStruct((B, V), jnp.float32),
        ],
    )(colsum, cosnum.reshape(_LN, S), sqnorm.reshape(_LN, S),
      hsum, logits, noise_logits)

    return (cons.reshape(B, S), acc.reshape(B, S), core.reshape(B, S),
            noise.reshape(B, S), prune.reshape(B, S), final_logits)

# --- scband reference (transcript-rebuilt; emitter-appended) ---
"""Pipeline reference for scband-lla-vareasoning-pruning-adapter-71992241815566 (READ-ONLY COPY).

The authoritative reference and input builder live on the scoring server;
editing this copy changes nothing except your own understanding.
"""

import jax, jax.numpy as jnp
import numpy as np

HIDDEN_DIM = 4096
NUM_LAYERS_ATTN = 3
MOMENTUM = 0.9
CONSISTENCY_THRESHOLD = 0.5
CONTRAST_COEFF = 1.0
MAX_STEPS = 128


def _phase_config(step, max_steps):
    frac = float(step) / float(max_steps)
    if frac < 0.25:
        phase, keep_ratio = 'early_full_context', 0.9
    elif frac < 0.75:
        phase, keep_ratio = 'mid_progressive_prune', 0.7
    else:
        phase, keep_ratio = 'late_core_only', 0.5
    lambda_coeff = CONTRAST_COEFF * (1.0 - 0.5 * frac)
    return phase, keep_ratio, lambda_coeff


def _pruning_pipeline(vision_tokens, decoder_hidden_states, cross_attention_weights, current_step):
    # Aggregate cross-attention over last NUM_LAYERS_ATTN layers, heads and query positions
    attn_stack = jnp.stack(cross_attention_weights[-NUM_LAYERS_ATTN:], axis=0)  # [L,B,H,S,S]
    attn_agg = attn_stack.mean(axis=(0, 2, 3))  # [B,S] per-key-token attention mass
    a_norm = attn_agg / (attn_agg.sum(axis=-1, keepdims=True) + 1e-8)
    S = vision_tokens.shape[1]
    a_scaled = jnp.clip(a_norm * S, 0.0, 1.0)
    # Semantic consistency: cosine similarity with mean decoder hidden state
    h_mean = decoder_hidden_states.mean(axis=1)  # [B,D]
    vt_n = vision_tokens / (jnp.linalg.norm(vision_tokens, axis=-1, keepdims=True) + 1e-8)
    h_n = h_mean / (jnp.linalg.norm(h_mean, axis=-1, keepdims=True) + 1e-8)
    cos = jnp.einsum('bsd,bd->bs', vt_n, h_n)
    sem = 0.5 * (cos + 1.0)
    consistency_scores = 0.5 * sem + 0.5 * a_scaled
    # Momentum accumulation; first step after reset initializes with current scores
    accumulated_scores = consistency_scores
    phase, keep_ratio, lambda_coeff = _phase_config(current_step, MAX_STEPS)
    k = max(1, int(keep_ratio * S))
    topk_vals = jax.lax.top_k(accumulated_scores, k)[0]
    kth = topk_vals[:, -1:]
    core_mask = (accumulated_scores >= kth) | (accumulated_scores >= CONSISTENCY_THRESHOLD)
    noise_mask = jnp.logical_not(core_mask)
    return consistency_scores, accumulated_scores, core_mask, noise_mask, lambda_coeff


def setup_inputs(seed: int = 0) -> dict:
    key = jax.random.key(seed)
    ks = jax.random.split(key, 7)
    B, S, D, H, V = 1, 2048, 4096, 8, 32000
    return {
        'input_embeds': jax.random.normal(ks[0], (B, S, D), dtype=jnp.float32),
        'decoder_hidden_states': jax.random.normal(ks[1], (B, S, D), dtype=jnp.float32),
        'attn_0': jax.random.uniform(ks[2], (B, H, S, S), dtype=jnp.float32),
        'attn_1': jax.random.uniform(ks[3], (B, H, S, S), dtype=jnp.float32),
        'attn_2': jax.random.uniform(ks[4], (B, H, S, S), dtype=jnp.float32),
        'logits': jax.random.normal(ks[5], (B, V), dtype=jnp.float32),
        'noise_logits': jax.random.normal(ks[6], (B, V), dtype=jnp.float32),
    }


def reference(input_embeds, decoder_hidden_states, attn_0, attn_1, attn_2, logits, noise_logits):
    current_step = 0
    cons, acc, core_mask, noise_mask, lam = _pruning_pipeline(
        input_embeds, decoder_hidden_states, [attn_0, attn_1, attn_2], current_step)
    # DRCD: directed residual contrastive decoding
    final_logits = (1.0 + lam) * logits - lam * noise_logits
    pruning_mask = core_mask
    return (cons, acc, core_mask, noise_mask, pruning_mask, final_logits)

if __name__ == "__main__":
    import jax
    _d = setup_inputs()
    print(jax.jit(kernel)(*tuple(_d.values())))

</pallas_src>

<mosaic_0001>
#map = affine_map<(d0, d1) -> (0, 0)>
#map1 = affine_map<(d0, d1) -> (0)>
module attributes {stable_mosaic.version = 14 : i64} {
  func.func @_sc_body(%arg0: i32, %arg1: i32, %arg2: memref<2048x4096xf32, #tpu.memory_space<hbm>>, %arg3: memref<2048x4096xf32, #tpu.memory_space<hbm>>, %arg4: memref<16384x2048xf32, #tpu.memory_space<hbm>>, %arg5: memref<1x4096xf32, #tpu.memory_space<hbm>>, %arg6: memref<32768xf32, #tpu.memory_space<hbm>>, %arg7: memref<32768xf32, #tpu.memory_space<hbm>>, %arg8: memref<65536xf32, #tpu.memory_space<hbm>>, %arg9: memref<2x64x256xf32, #tpu.memory_space<vmem>>, %arg10: memref<2x4x4096xf32, #tpu.memory_space<vmem>>, %arg11: memref<2x8x2048xf32, #tpu.memory_space<vmem>>, %arg12: memref<256xf32, #tpu.memory_space<vmem>>, %arg13: memref<4096xf32, #tpu.memory_space<vmem>>, %arg14: memref<16x64xf32, #tpu.memory_space<vmem>>, %arg15: memref<16x64xf32, #tpu.memory_space<vmem>>, %arg16: memref<2048xf32, #tpu.memory_space<vmem>>, %arg17: memref<4096xf32, #tpu.memory_space<vmem_shared>>, %arg18: memref<!tpu.dma_semaphore, #tpu.memory_space<semaphore_mem>>, %arg19: memref<!tpu.dma_semaphore, #tpu.memory_space<semaphore_mem>>) attributes {dimension_semantics = [#tpu.dimension_semantics<core_parallel>, #tpu.dimension_semantics<subcore_parallel>], iteration_bounds = array<i64: 2, 16>, scalar_prefetch = 0 : i64, scratch_operands = 11 : i64, tpu.core_type = #tpu.core_type<sc_vector_subcore>, window_params = [{transform_indices = #map}, {transform_indices = #map}, {transform_indices = #map}, {transform_indices = #map}, {transform_indices = #map1}, {transform_indices = #map1}, {transform_indices = #map1}]} {
    %mul3A = arith.constant 16 : i32
    %mul3A_0 = arith.muli %arg0, %mul3A : i32
    %add3A = arith.addi %mul3A_0, %arg1 : i32
    %mul3A_1 = arith.constant 256 : i32
    %mul3A_2 = arith.muli %arg1, %mul3A_1 : i32
    %dma_start3A = arith.constant 0 : i32
    %dma_start3A_3 = arith.constant 0 : i32
    %dma_start3A_4 = arith.constant 0 : i32
    %dma_start3A_5 = tpu.memref_slice %arg9[%dma_start3A, %dma_start3A_3, %dma_start3A_4] : memref<2x64x256xf32, #tpu.memory_space<vmem>> -> memref<1x64x256xf32, #tpu.memory_space<vmem>>
    %dma_start3A_6 = tpu.memref_squeeze %dma_start3A_5 : memref<1x64x256xf32, #tpu.memory_space<vmem>> -> memref<64x256xf32, #tpu.memory_space<vmem>>
    %dma_start3A_7 = arith.constant 0 : i32
    %dma_start3A_8 = tpu.memref_slice %arg2[%dma_start3A_7, %mul3A_2] : memref<2048x4096xf32, #tpu.memory_space<hbm>> -> memref<64x256xf32, #tpu.memory_space<hbm>>
    %dma_start3A_9 = arith.constant 0 : i32
    %dma_start3A_10 = arith.constant 0 : i32
    %dma_start3A_11 = tpu.memref_slice %arg9[%dma_start3A, %dma_start3A_9, %dma_start3A_10] : memref<2x64x256xf32, #tpu.memory_space<vmem>> -> memref<1x64x256xf32, #tpu.memory_space<vmem>>
    %dma_start3A_12 = tpu.memref_squeeze %dma_start3A_11 : memref<1x64x256xf32, #tpu.memory_space<vmem>> -> memref<64x256xf32, #tpu.memory_space<vmem>>
    %dma_start3A_13 = arith.constant 0 : i32
    %dma_start3A_14 = tpu.memref_slice %arg2[%dma_start3A_13, %mul3A_2] : memref<2048x4096xf32, #tpu.memory_space<hbm>> -> memref<64x256xf32, #tpu.memory_space<hbm>>
    tpu.enqueue_dma source(%dma_start3A_14 : memref<64x256xf32, #tpu.memory_space<hbm>>) target(%dma_start3A_12 : memref<64x256xf32, #tpu.memory_space<vmem>>) target_semaphore(%arg18 : memref<!tpu.dma_semaphore, #tpu.memory_space<semaphore_mem>>)
    %dma_start3A_15 = arith.constant 1 : i32
    %dma_start3A_16 = arith.constant 0 : i32
    %dma_start3A_17 = arith.constant 0 : i32
    %dma_start3A_18 = tpu.memref_slice %arg9[%dma_start3A_15, %dma_start3A_16, %dma_start3A_17] : memref<2x64x256xf32, #tpu.memory_space<vmem>> -> memref<1x64x256xf32, #tpu.memory_space<vmem>>
    %dma_start3A_19 = tpu.memref_squeeze %dma_start3A_18 : memref<1x64x256xf32, #tpu.memory_space<vmem>> -> memref<64x256xf32, #tpu.memory_space<vmem>>
    %dma_start3A_20 = arith.constant 64 : i32
    %dma_start3A_21 = tpu.memref_slice %arg2[%dma_start3A_20, %mul3A_2] : memref<2048x4096xf32, #tpu.memory_space<hbm>> -> memref<64x256xf32, #tpu.memory_space<hbm>>
    %dma_start3A_22 = arith.constant 0 : i32
    %dma_start3A_23 = arith.constant 0 : i32
    %dma_start3A_24 = tpu.memref_slice %arg9[%dma_start3A_15, %dma_start3A_22, %dma_start3A_23] : memref<2x64x256xf32, #tpu.memory_space<vmem>> -> memref<1x64x256xf32, #tpu.memory_space<vmem>>
    %dma_start3A_25 = tpu.memref_squeeze %dma_start3A_24 : memref<1x64x256xf32, #tpu.memory_space<vmem>> -> memref<64x256xf32, #tpu.memory_space<vmem>>
    %dma_start3A_26 = arith.constant 64 : i32
    %dma_start3A_27 = tpu.memref_slice %arg2[%dma_start3A_26, %mul3A_2] : memref<2048x4096xf32, #tpu.memory_space<hbm>> -> memref<64x256xf32, #tpu.memory_space<hbm>>
    tpu.enqueue_dma source(%dma_start3A_27 : memref<64x256xf32, #tpu.memory_space<hbm>>) target(%dma_start3A_25 : memref<64x256xf32, #tpu.memory_space<vmem>>) target_semaphore(%arg19 : memref<!tpu.dma_semaphore, #tpu.memory_space<semaphore_mem>>)
    %broadcast_in_dim3A = arith.constant 0.000000e+00 : f32
    %broadcast_in_dim3A_28 = vector.broadcast %broadcast_in_dim3A : f32 to vector<16xf32>
    %broadcast_in_dim3A_29 = arith.constant 0.000000e+00 : f32
    %broadcast_in_dim3A_30 = vector.broadcast %broadcast_in_dim3A_29 : f32 to vector<16xf32>
    %broadcast_in_dim3A_31 = arith.constant 0.000000e+00 : f32
    %broadcast_in_dim3A_32 = vector.broadcast %broadcast_in_dim3A_31 : f32 to vector<16xf32>
    %broadcast_in_dim3A_33 = arith.constant 0.000000e+00 : f32
    %broadcast_in_dim3A_34 = vector.broadcast %broadcast_in_dim3A_33 : f32 to vector<16xf32>
    %broadcast_in_dim3A_35 = arith.constant 0.000000e+00 : f32
    %broadcast_in_dim3A_36 = vector.broadcast %broadcast_in_dim3A_35 : f32 to vector<16xf32>
    %broadcast_in_dim3A_37 = arith.constant 0.000000e+00 : f32
    %broadcast_in_dim3A_38 = vector.broadcast %broadcast_in_dim3A_37 : f32 to vector<16xf32>
    %broadcast_in_dim3A_39 = arith.constant 0.000000e+00 : f32
    %broadcast_in_dim3A_40 = vector.broadcast %broadcast_in_dim3A_39 : f32 to vector<16xf32>
    %broadcast_in_dim3A_41 = arith.constant 0.000000e+00 : f32
    %broadcast_in_dim3A_42 = vector.broadcast %broadcast_in_dim3A_41 : f32 to vector<16xf32>
    %broadcast_in_dim3A_43 = arith.constant 0.000000e+00 : f32
    %broadcast_in_dim3A_44 = vector.broadcast %broadcast_in_dim3A_43 : f32 to vector<16xf32>
    %broadcast_in_dim3A_45 = arith.constant 0.000000e+00 : f32
    %broadcast_in_dim3A_46 = vector.broadcast %broadcast_in_dim3A_45 : f32 to vector<16xf32>
    %broadcast_in_dim3A_47 = arith.constant 0.000000e+00 : f32
    %broadcast_in_dim3A_48 = vector.broadcast %broadcast_in_dim3A_47 : f32 to vector<16xf32>
    %broadcast_in_dim3A_49 = arith.constant 0.000000e+00 : f32
    %broadcast_in_dim3A_50 = vector.broadcast %broadcast_in_dim3A_49 : f32 to vector<16xf32>
    %broadcast_in_dim3A_51 = arith.constant 0.000000e+00 : f32
    %broadcast_in_dim3A_52 = vector.broadcast %broadcast_in_dim3A_51 : f32 to vector<16xf32>
    %broadcast_in_dim3A_53 = arith.constant 0.000000e+00 : f32
    %broadcast_in_dim3A_54 = vector.broadcast %broadcast_in_dim3A_53 : f32 to vector<16xf32>
    %broadcast_in_dim3A_55 = arith.constant 0.000000e+00 : f32
    %broadcast_in_dim3A_56 = vector.broadcast %broadcast_in_dim3A_55 : f32 to vector<16xf32>
    %broadcast_in_dim3A_57 = arith.constant 0.000000e+00 : f32
    %broadcast_in_dim3A_58 = vector.broadcast %broadcast_in_dim3A_57 : f32 to vector<16xf32>
    %scan3A = arith.constant 0 : i32
    %scan3A_59 = arith.constant 16 : i32
    %scan3A_60 = arith.addi %scan3A, %scan3A_59 : i32
    %scan3A_61 = arith.constant 1 : i32
    %scan3A_62:16 = scf.for %scan3A_777 = %scan3A to %scan3A_60 step %scan3A_61 iter_args(%scan3A_778 = %broadcast_in_dim3A_28, %scan3A_779 = %broadcast_in_dim3A_30, %scan3A_780 = %broadcast_in_dim3A_32, %scan3A_781 = %broadcast_in_dim3A_34, %scan3A_782 = %broadcast_in_dim3A_36, %scan3A_783 = %broadcast_in_dim3A_38, %scan3A_784 = %broadcast_in_dim3A_40, %scan3A_785 = %broadcast_in_dim3A_42, %scan3A_786 = %broadcast_in_dim3A_44, %scan3A_787 = %broadcast_in_dim3A_46, %scan3A_788 = %broadcast_in_dim3A_48, %scan3A_789 = %broadcast_in_dim3A_50, %scan3A_790 = %broadcast_in_dim3A_52, %scan3A_791 = %broadcast_in_dim3A_54, %scan3A_792 = %broadcast_in_dim3A_56, %scan3A_793 = %broadcast_in_dim3A_58) -> (vector<16xf32>, vector<16xf32>, vector<16xf32>, vector<16xf32>, vector<16xf32>, vector<16xf32>, vector<16xf32>, vector<16xf32>, vector<16xf32>, vector<16xf32>, vector<16xf32>, vector<16xf32>, vector<16xf32>, vector<16xf32>, vector<16xf32>, vector<16xf32>)  : i32 {
      %mul3A_794 = arith.constant 2 : i32
      %mul3A_795 = arith.muli %mul3A_794, %scan3A_777 : i32
      %add3A_796 = arith.constant 0 : i32
      %add3A_797 = arith.addi %mul3A_795, %add3A_796 : i32
      %mul3A_798 = arith.constant 64 : i32
      %mul3A_799 = arith.muli %add3A_797, %mul3A_798 : i32
      %dma_wait3A_800 = arith.constant 0 : i32
      %dma_wait3A_801 = arith.constant 0 : i32
      %dma_wait3A_802 = arith.constant 0 : i32
      %dma_wait3A_803 = tpu.memref_slice %arg9[%dma_wait3A_800, %dma_wait3A_801, %dma_wait3A_802] : memref<2x64x256xf32, #tpu.memory_space<vmem>> -> memref<1x64x256xf32, #tpu.memory_space<vmem>>
      %dma_wait3A_804 = tpu.memref_squeeze %dma_wait3A_803 : memref<1x64x256xf32, #tpu.memory_space<vmem>> -> memref<64x256xf32, #tpu.memory_space<vmem>>
      %dma_wait3A_805 = tpu.memref_slice %arg2[%mul3A_799, %mul3A_2] : memref<2048x4096xf32, #tpu.memory_space<hbm>> -> memref<64x256xf32, #tpu.memory_space<hbm>>
      %dma_wait3A_806 = arith.constant 0 : i32
      %dma_wait3A_807 = arith.constant 0 : i32
      %dma_wait3A_808 = tpu.memref_slice %arg9[%dma_wait3A_800, %dma_wait3A_806, %dma_wait3A_807] : memref<2x64x256xf32, #tpu.memory_space<vmem>> -> memref<1x64x256xf32, #tpu.memory_space<vmem>>
      %dma_wait3A_809 = tpu.memref_squeeze %dma_wait3A_808 : memref<1x64x256xf32, #tpu.memory_space<vmem>> -> memref<64x256xf32, #tpu.memory_space<vmem>>
      %dma_wait3A_810 = tpu.memref_slice %arg2[%mul3A_799, %mul3A_2] : memref<2048x4096xf32, #tpu.memory_space<hbm>> -> memref<64x256xf32, #tpu.memory_space<hbm>>
      tpu.wait_dma2 semaphore(%arg18 : memref<!tpu.dma_semaphore, #tpu.memory_space<semaphore_mem>>) src(%dma_wait3A_810 : memref<64x256xf32, #tpu.memory_space<hbm>>) dst(%dma_wait3A_809 : memref<64x256xf32, #tpu.memory_space<vmem>>)
      %scan3A_811 = arith.constant 0 : i32
      %scan3A_812 = arith.constant 64 : i32
      %scan3A_813 = arith.addi %scan3A_811, %scan3A_812 : i32
      %scan3A_814 = arith.constant 1 : i32
      %scan3A_815:16 = scf.for %scan3A_853 = %scan3A_811 to %scan3A_813 step %scan3A_814 iter_args(%scan3A_854 = %scan3A_778, %scan3A_855 = %scan3A_779, %scan3A_856 = %scan3A_780, %scan3A_857 = %scan3A_781, %scan3A_858 = %scan3A_782, %scan3A_859 = %scan3A_783, %scan3A_860 = %scan3A_784, %scan3A_861 = %scan3A_785, %scan3A_862 = %scan3A_786, %scan3A_863 = %scan3A_787, %scan3A_864 = %scan3A_788, %scan3A_865 = %scan3A_789, %scan3A_866 = %scan3A_790, %scan3A_867 = %scan3A_791, %scan3A_868 = %scan3A_792, %scan3A_869 = %scan3A_793) -> (vector<16xf32>, vector<16xf32>, vector<16xf32>, vector<16xf32>, vector<16xf32>, vector<16xf32>, vector<16xf32>, vector<16xf32>, vector<16xf32>, vector<16xf32>, vector<16xf32>, vector<16xf32>, vector<16xf32>, vector<16xf32>, vector<16xf32>, vector<16xf32>)  : i32 {
        %get3A = arith.constant 0 : i32
        %get3A_870 = arith.index_cast %get3A : i32 to index
        %get3A_871 = arith.index_cast %scan3A_853 : i32 to index
        %get3A_872 = arith.constant 0 : index
        %get3A_873 = tpu.vector_load %arg9[%get3A_870, %get3A_871, %get3A_872] {strides = array<i32>} : memref<2x64x256xf32, #tpu.memory_space<vmem>>, vector<16xf32>,
        %add3A_874 = arith.addf %scan3A_854, %get3A_873 : vector<16xf32>
        %get3A_875 = arith.constant 0 : i32
        %get3A_876 = arith.index_cast %get3A_875 : i32 to index
        %get3A_877 = arith.index_cast %scan3A_853 : i32 to index
        %get3A_878 = arith.constant 16 : index
        %get3A_879 = tpu.vector_load %arg9[%get3A_876, %get3A_877, %get3A_878] {strides = array<i32>} : memref<2x64x256xf32, #tpu.memory_space<vmem>>, vector<16xf32>,
        %add3A_880 = arith.addf %scan3A_855, %get3A_879 : vector<16xf32>
        %get3A_881 = arith.constant 0 : i32
        %get3A_882 = arith.index_cast %get3A_881 : i32 to index
        %get3A_883 = arith.index_cast %scan3A_853 : i32 to index
        %get3A_884 = arith.constant 32 : index
        %get3A_885 = tpu.vector_load %arg9[%get3A_882, %get3A_883, %get3A_884] {strides = array<i32>} : memref<2x64x256xf32, #tpu.memory_space<vmem>>, vector<16xf32>,
        %add3A_886 = arith.addf %scan3A_856, %get3A_885 : vector<16xf32>
        %get3A_887 = arith.constant 0 : i32
        %get3A_888 = arith.index_cast %get3A_887 : i32 to index
        %get3A_889 = arith.index_cast %scan3A_853 : i32 to index
        %get3A_890 = arith.constant 48 : index
        %get3A_891 = tpu.vector_load %arg9[%get3A_888, %get3A_889, %get3A_890] {strides = array<i32>} : memref<2x64x256xf32, #tpu.memory_space<vmem>>, vector<16xf32>,
        %add3A_892 = arith.addf %scan3A_857, %get3A_891 : vector<16xf32>
        %get3A_893 = arith.constant 0 : i32
        %get3A_894 = arith.index_cast %get3A_893 : i32 to index
        %get3A_895 = arith.index_cast %scan3A_853 : i32 to index
        %get3A_896 = arith.constant 64 : index
        %get3A_897 = tpu.vector_load %arg9[%get3A_894, %get3A_895, %get3A_896] {strides = array<i32>} : memref<2x64x256xf32, #tpu.memory_space<vmem>>, vector<16xf32>,
        %add3A_898 = arith.addf %scan3A_858, %get3A_897 : vector<16xf32>
        %get3A_899 = arith.constant 0 : i32
        %get3A_900 = arith.index_cast %get3A_899 : i32 to index
        %get3A_901 = arith.index_cast %scan3A_853 : i32 to index
        %get3A_902 = arith.constant 80 : index
        %get3A_903 = tpu.vector_load %arg9[%get3A_900, %get3A_901, %get3A_902] {strides = array<i32>} : memref<2x64x256xf32, #tpu.memory_space<vmem>>, vector<16xf32>,
        %add3A_904 = arith.addf %scan3A_859, %get3A_903 : vector<16xf32>
        %get3A_905 = arith.constant 0 : i32
        %get3A_906 = arith.index_cast %get3A_905 : i32 to index
        %get3A_907 = arith.index_cast %scan3A_853 : i32 to index
        %get3A_908 = arith.constant 96 : index
        %get3A_909 = tpu.vector_load %arg9[%get3A_906, %get3A_907, %get3A_908] {strides = array<i32>} : memref<2x64x256xf32, #tpu.memory_space<vmem>>, vector<16xf32>,
        %add3A_910 = arith.addf %scan3A_860, %get3A_909 : vector<16xf32>
        %get3A_911 = arith.constant 0 : i32
        %get3A_912 = arith.index_cast %get3A_911 : i32 to index
        %get3A_913 = arith.index_cast %scan3A_853 : i32 to index
        %get3A_914 = arith.constant 112 : index
        %get3A_915 = tpu.vector_load %arg9[%get3A_912, %get3A_913, %get3A_914] {strides = array<i32>} : memref<2x64x256xf32, #tpu.memory_space<vmem>>, vector<16xf32>,
        %add3A_916 = arith.addf %scan3A_861, %get3A_915 : vector<16xf32>
        %get3A_917 = arith.constant 0 : i32
        %get3A_918 = arith.index_cast %get3A_917 : i32 to index
        %get3A_919 = arith.index_cast %scan3A_853 : i32 to index
        %get3A_920 = arith.constant 128 : index
        %get3A_921 = tpu.vector_load %arg9[%get3A_918, %get3A_919, %get3A_920] {strides = array<i32>} : memref<2x64x256xf32, #tpu.memory_space<vmem>>, vector<16xf32>,
        %add3A_922 = arith.addf %scan3A_862, %get3A_921 : vector<16xf32>
        %get3A_923 = arith.constant 0 : i32
        %get3A_924 = arith.index_cast %get3A_923 : i32 to index
        %get3A_925 = arith.index_cast %scan3A_853 : i32 to index
        %get3A_926 = arith.constant 144 : index
        %get3A_927 = tpu.vector_load %arg9[%get3A_924, %get3A_925, %get3A_926] {strides = array<i32>} : memref<2x64x256xf32, #tpu.memory_space<vmem>>, vector<16xf32>,
        %add3A_928 = arith.addf %scan3A_863, %get3A_927 : vector<16xf32>
        %get3A_929 = arith.constant 0 : i32
        %get3A_930 = arith.index_cast %get3A_929 : i32 to index
        %get3A_931 = arith.index_cast %scan3A_853 : i32 to index
        %get3A_932 = arith.constant 160 : index
        %get3A_933 = tpu.vector_load %arg9[%get3A_930, %get3A_931, %get3A_932] {strides = array<i32>} : memref<2x64x256xf32, #tpu.memory_space<vmem>>, vector<16xf32>,
        %add3A_934 = arith.addf %scan3A_864, %get3A_933 : vector<16xf32>
        %get3A_935 = arith.constant 0 : i32
        %get3A_936 = arith.index_cast %get3A_935 : i32 to index
        %get3A_937 = arith.index_cast %scan3A_853 : i32 to index
        %get3A_938 = arith.constant 176 : index
        %get3A_939 = tpu.vector_load %arg9[%get3A_936, %get3A_937, %get3A_938] {strides = array<i32>} : memref<2x64x256xf32, #tpu.memory_space<vmem>>, vector<16xf32>,
        %add3A_940 = arith.addf %scan3A_865, %get3A_939 : vector<16xf32>
        %get3A_941 = arith.constant 0 : i32
        %get3A_942 = arith.index_cast %get3A_941 : i32 to index
        %get3A_943 = arith.index_cast %scan3A_853 : i32 to index
        %get3A_944 = arith.constant 192 : index
        %get3A_945 = tpu.vector_load %arg9[%get3A_942, %get3A_943, %get3A_944] {strides = array<i32>} : memref<2x64x256xf32, #tpu.memory_space<vmem>>, vector<16xf32>,
        %add3A_946 = arith.addf %scan3A_866, %get3A_945 : vector<16xf32>
        %get3A_947 = arith.constant 0 : i32
        %get3A_948 = arith.index_cast %get3A_947 : i32 to index
        %get3A_949 = arith.index_cast %scan3A_853 : i32 to index
        %get3A_950 = arith.constant 208 : index
        %get3A_951 = tpu.vector_load %arg9[%get3A_948, %get3A_949, %get3A_950] {strides = array<i32>} : memref<2x64x256xf32, #tpu.memory_space<vmem>>, vector<16xf32>,
        %add3A_952 = arith.addf %scan3A_867, %get3A_951 : vector<16xf32>
        %get3A_953 = arith.constant 0 : i32
        %get3A_954 = arith.index_cast %get3A_953 : i32 to index
        %get3A_955 = arith.index_cast %scan3A_853 : i32 to index
        %get3A_956 = arith.constant 224 : index
        %get3A_957 = tpu.vector_load %arg9[%get3A_954, %get3A_955, %get3A_956] {strides = array<i32>} : memref<2x64x256xf32, #tpu.memory_space<vmem>>, vector<16xf32>,
        %add3A_958 = arith.addf %scan3A_868, %get3A_957 : vector<16xf32>
        %get3A_959 = arith.constant 0 : i32
        %get3A_960 = arith.index_cast %get3A_959 : i32 to index
        %get3A_961 = arith.index_cast %scan3A_853 : i32 to index
        %get3A_962 = arith.constant 240 : index
        %get3A_963 = tpu.vector_load %arg9[%get3A_960, %get3A_961, %get3A_962] {strides = array<i32>} : memref<2x64x256xf32, #tpu.memory_space<vmem>>, vector<16xf32>,
        %add3A_964 = arith.addf %scan3A_869, %get3A_963 : vector<16xf32>
        scf.yield %add3A_874, %add3A_880, %add3A_886, %add3A_892, %add3A_898, %add3A_904, %add3A_910, %add3A_916, %add3A_922, %add3A_928, %add3A_934, %add3A_940, %add3A_946, %add3A_952, %add3A_958, %add3A_964 : vector<16xf32>, vector<16xf32>, vector<16xf32>, vector<16xf32>, vector<16xf32>, vector<16xf32>, vector<16xf32>, vector<16xf32>, vector<16xf32>, vector<16xf32>, vector<16xf32>, vector<16xf32>, vector<16xf32>, vector<16xf32>, vector<16xf32>, vector<16xf32>
      }
      %scan3A_816 = arith.constant 64 : i32
      %add3A_817 = arith.constant 2 : i32
      %add3A_818 = arith.addi %add3A_797, %add3A_817 : i32
      %lt3A = arith.constant 32 : i32
      %lt3A_819 = arith.cmpi slt, %add3A_818, %lt3A : i32
      %convert_element_type3A_820 = arith.extui %lt3A_819 : i1 to i32
      %cond3A_821 = arith.constant 0 : i32
      %cond3A_822 = arith.cmpi ne, %convert_element_type3A_820, %cond3A_821 : i32
      scf.if %cond3A_822 {
        %add3A_853 = arith.constant 2 : i32
        %add3A_854 = arith.addi %add3A_797, %add3A_853 : i32
        %mul3A_855 = arith.constant 64 : i32
        %mul3A_856 = arith.muli %add3A_854, %mul3A_855 : i32
        %dma_start3A_857 = arith.constant 0 : i32
        %dma_start3A_858 = arith.constant 0 : i32
        %dma_start3A_859 = arith.constant 0 : i32
        %dma_start3A_860 = tpu.memref_slice %arg9[%dma_start3A_857, %dma_start3A_858, %dma_start3A_859] : memref<2x64x256xf32, #tpu.memory_space<vmem>> -> memref<1x64x256xf32, #tpu.memory_space<vmem>>
        %dma_start3A_861 = tpu.memref_squeeze %dma_start3A_860 : memref<1x64x256xf32, #tpu.memory_space<vmem>> -> memref<64x256xf32, #tpu.memory_space<vmem>>
        %dma_start3A_862 = tpu.memref_slice %arg2[%mul3A_856, %mul3A_2] : memref<2048x4096xf32, #tpu.memory_space<hbm>> -> memref<64x256xf32, #tpu.memory_space<hbm>>
        %dma_start3A_863 = arith.constant 0 : i32
        %dma_start3A_864 = arith.constant 0 : i32
        %dma_start3A_865 = tpu.memref_slice %arg9[%dma_start3A_857, %dma_start3A_863, %dma_start3A_864] : memref<2x64x256xf32, #tpu.memory_space<vmem>> -> memref<1x64x256xf32, #tpu.memory_space<vmem>>
        %dma_start3A_866 = tpu.memref_squeeze %dma_start3A_865 : memref<1x64x256xf32, #tpu.memory_space<vmem>> -> memref<64x256xf32, #tpu.memory_space<vmem>>
        %dma_start3A_867 = tpu.memref_slice %arg2[%mul3A_856, %mul3A_2] : memref<2048x4096xf32, #tpu.memory_space<hbm>> -> memref<64x256xf32, #tpu.memory_space<hbm>>
        tpu.enqueue_dma source(%dma_start3A_867 : memref<64x256xf32, #tpu.memory_space<hbm>>) target(%dma_start3A_866 : memref<64x256xf32, #tpu.memory_space<vmem>>) target_semaphore(%arg18 : memref<!tpu.dma_semaphore, #tpu.memory_space<semaphore_mem>>)
      } else {
      }
      %mul3A_823 = arith.constant 2 : i32
      %mul3A_824 = arith.muli %mul3A_823, %scan3A_777 : i32
      %add3A_825 = arith.constant 1 : i32
      %add3A_826 = arith.addi %mul3A_824, %add3A_825 : i32
      %mul3A_827 = arith.constant 64 : i32
      %mul3A_828 = arith.muli %add3A_826, %mul3A_827 : i32
      %dma_wait3A_829 = arith.constant 1 : i32
      %dma_wait3A_830 = arith.constant 0 : i32
      %dma_wait3A_831 = arith.constant 0 : i32
      %dma_wait3A_832 = tpu.memref_slice %arg9[%dma_wait3A_829, %dma_wait3A_830, %dma_wait3A_831] : memref<2x64x256xf32, #tpu.memory_space<vmem>> -> memref<1x64x256xf32, #tpu.memory_space<vmem>>
      %dma_wait3A_833 = tpu.memref_squeeze %dma_wait3A_832 : memref<1x64x256xf32, #tpu.memory_space<vmem>> -> memref<64x256xf32, #tpu.memory_space<vmem>>
      %dma_wait3A_834 = tpu.memref_slice %arg2[%mul3A_828, %mul3A_2] : memref<2048x4096xf32, #tpu.memory_space<hbm>> -> memref<64x256xf32, #tpu.memory_space<hbm>>
      %dma_wait3A_835 = arith.constant 0 : i32
      %dma_wait3A_836 = arith.constant 0 : i32
      %dma_wait3A_837 = tpu.memref_slice %arg9[%dma_wait3A_829, %dma_wait3A_835, %dma_wait3A_836] : memref<2x64x256xf32, #tpu.memory_space<vmem>> -> memref<1x64x256xf32, #tpu.memory_space<vmem>>
      %dma_wait3A_838 = tpu.memref_squeeze %dma_wait3A_837 : memref<1x64x256xf32, #tpu.memory_space<vmem>> -> memref<64x256xf32, #tpu.memory_space<vmem>>
      %dma_wait3A_839 = tpu.memref_slice %arg2[%mul3A_828, %mul3A_2] : memref<2048x4096xf32, #tpu.memory_space<hbm>> -> memref<64x256xf32, #tpu.memory_space<hbm>>
      tpu.wait_dma2 semaphore(%arg19 : memref<!tpu.dma_semaphore, #tpu.memory_space<semaphore_mem>>) src(%dma_wait3A_839 : memref<64x256xf32, #tpu.memory_space<hbm>>) dst(%dma_wait3A_838 : memref<64x256xf32, #tpu.memory_space<vmem>>)
      %scan3A_840 = arith.constant 0 : i32
      %scan3A_841 = arith.constant 64 : i32
      %scan3A_842 = arith.addi %scan3A_840, %scan3A_841 : i32
      %scan3A_843 = arith.constant 1 : i32
      %scan3A_844:16 = scf.for %scan3A_853 = %scan3A_840 to %scan3A_842 step %scan3A_843 iter_args(%scan3A_854 = %scan3A_815#0, %scan3A_855 = %scan3A_815#1, %scan3A_856 = %scan3A_815#2, %scan3A_857 = %scan3A_815#3, %scan3A_858 = %scan3A_815#4, %scan3A_859 = %scan3A_815#5, %scan3A_860 = %scan3A_815#6, %scan3A_861 = %scan3A_815#7, %scan3A_862 = %scan3A_815#8, %scan3A_863 = %scan3A_815#9, %scan3A_864 = %scan3A_815#10, %scan3A_865 = %scan3A_815#11, %scan3A_866 = %scan3A_815#12, %scan3A_867 = %scan3A_815#13, %scan3A_868 = %scan3A_815#14, %scan3A_869 = %scan3A_815#15) -> (vector<16xf32>, vector<16xf32>, vector<16xf32>, vector<16xf32>, vector<16xf32>, vector<16xf32>, vector<16xf32>, vector<16xf32>, vector<16xf32>, vector<16xf32>, vector<16xf32>, vector<16xf32>, vector<16xf32>, vector<16xf32>, vector<16xf32>, vector<16xf32>)  : i32 {
        %get3A = arith.constant 1 : i32
        %get3A_870 = arith.index_cast %get3A : i32 to index
        %get3A_871 = arith.index_cast %scan3A_853 : i32 to index
        %get3A_872 = arith.constant 0 : index
        %get3A_873 = tpu.vector_load %arg9[%get3A_870, %get3A_871, %get3A_872] {strides = array<i32>} : memref<2x64x256xf32, #tpu.memory_space<vmem>>, vector<16xf32>,
        %add3A_874 = arith.addf %scan3A_854, %get3A_873 : vector<16xf32>
        %get3A_875 = arith.constant 1 : i32
        %get3A_876 = arith.index_cast %get3A_875 : i32 to index
        %get3A_877 = arith.index_cast %scan3A_853 : i32 to index
        %get3A_878 = arith.constant 16 : index
        %get3A_879 = tpu.vector_load %arg9[%get3A_876, %get3A_877, %get3A_878] {strides = array<i32>} : memref<2x64x256xf32, #tpu.memory_space<vmem>>, vector<16xf32>,
        %add3A_880 = arith.addf %scan3A_855, %get3A_879 : vector<16xf32>
        %get3A_881 = arith.constant 1 : i32
        %get3A_882 = arith.index_cast %get3A_881 : i32 to index
        %get3A_883 = arith.index_cast %scan3A_853 : i32 to index
        %get3A_884 = arith.constant 32 : index
        %get3A_885 = tpu.vector_load %arg9[%get3A_882, %get3A_883, %get3A_884] {strides = array<i32>} : memref<2x64x256xf32, #tpu.memory_space<vmem>>, vector<16xf32>,
        %add3A_886 = arith.addf %scan3A_856, %get3A_885 : vector<16xf32>
        %get3A_887 = arith.constant 1 : i32
        %get3A_888 = arith.index_cast %get3A_887 : i32 to index
        %get3A_889 = arith.index_cast %scan3A_853 : i32 to index
        %get3A_890 = arith.constant 48 : index
        %get3A_891 = tpu.vector_load %arg9[%get3A_888, %get3A_889, %get3A_890] {strides = array<i32>} : memref<2x64x256xf32, #tpu.memory_space<vmem>>, vector<16xf32>,
        %add3A_892 = arith.addf %scan3A_857, %get3A_891 : vector<16xf32>
        %get3A_893 = arith.constant 1 : i32
        %get3A_894 = arith.index_cast %get3A_893 : i32 to index
        %get3A_895 = arith.index_cast %scan3A_853 : i32 to index
        %get3A_896 = arith.constant 64 : index
        %get3A_897 = tpu.vector_load %arg9[%get3A_894, %get3A_895, %get3A_896] {strides = array<i32>} : memref<2x64x256xf32, #tpu.memory_space<vmem>>, vector<16xf32>,
        %add3A_898 = arith.addf %scan3A_858, %get3A_897 : vector<16xf32>
        %get3A_899 = arith.constant 1 : i32
        %get3A_900 = arith.index_cast %get3A_899 : i32 to index
        %get3A_901 = arith.index_cast %scan3A_853 : i32 to index
        %get3A_902 = arith.constant 80 : index
        %get3A_903 = tpu.vector_load %arg9[%get3A_900, %get3A_901, %get3A_902] {strides = array<i32>} : memref<2x64x256xf32, #tpu.memory_space<vmem>>, vector<16xf32>,
        %add3A_904 = arith.addf %scan3A_859, %get3A_903 : vector<16xf32>
        %get3A_905 = arith.constant 1 : i32
        %get3A_906 = arith.index_cast %get3A_905 : i32 to index
        %get3A_907 = arith.index_cast %scan3A_853 : i32 to index
        %get3A_908 = arith.constant 96 : index
        %get3A_909 = tpu.vector_load %arg9[%get3A_906, %get3A_907, %get3A_908] {strides = array<i32>} : memref<2x64x256xf32, #tpu.memory_space<vmem>>, vector<16xf32>,
        %add3A_910 = arith.addf %scan3A_860, %get3A_909 : vector<16xf32>
        %get3A_911 = arith.constant 1 : i32
        %get3A_912 = arith.index_cast %get3A_911 : i32 to index
        %get3A_913 = arith.index_cast %scan3A_853 : i32 to index
        %get3A_914 = arith.constant 112 : index
        %get3A_915 = tpu.vector_load %arg9[%get3A_912, %get3A_913, %get3A_914] {strides = array<i32>} : memref<2x64x256xf32, #tpu.memory_space<vmem>>, vector<16xf32>,
        %add3A_916 = arith.addf %scan3A_861, %get3A_915 : vector<16xf32>
        %get3A_917 = arith.constant 1 : i32
        %get3A_918 = arith.index_cast %get3A_917 : i32 to index
        %get3A_919 = arith.index_cast %scan3A_853 : i32 to index
        %get3A_920 = arith.constant 128 : index
        %get3A_921 = tpu.vector_load %arg9[%get3A_918, %get3A_919, %get3A_920] {strides = array<i32>} : memref<2x64x256xf32, #tpu.memory_space<vmem>>, vector<16xf32>,
        %add3A_922 = arith.addf %scan3A_862, %get3A_921 : vector<16xf32>
        %get3A_923 = arith.constant 1 : i32
        %get3A_924 = arith.index_cast %get3A_923 : i32 to index
        %get3A_925 = arith.index_cast %scan3A_853 : i32 to index
        %get3A_926 = arith.constant 144 : index
        %get3A_927 = tpu.vector_load %arg9[%get3A_924, %get3A_925, %get3A_926] {strides = array<i32>} : memref<2x64x256xf32, #tpu.memory_space<vmem>>, vector<16xf32>,
        %add3A_928 = arith.addf %scan3A_863, %get3A_927 : vector<16xf32>
        %get3A_929 = arith.constant 1 : i32
        %get3A_930 = arith.index_cast %get3A_929 : i32 to index
        %get3A_931 = arith.index_cast %scan3A_853 : i32 to index
        %get3A_932 = arith.constant 160 : index
        %get3A_933 = tpu.vector_load %arg9[%get3A_930, %get3A_931, %get3A_932] {strides = array<i32>} : memref<2x64x256xf32, #tpu.memory_space<vmem>>, vector<16xf32>,
        %add3A_934 = arith.addf %scan3A_864, %get3A_933 : vector<16xf32>
        %get3A_935 = arith.constant 1 : i32
        %get3A_936 = arith.index_cast %get3A_935 : i32 to index
        %get3A_937 = arith.index_cast %scan3A_853 : i32 to index
        %get3A_938 = arith.constant 176 : index
        %get3A_939 = tpu.vector_load %arg9[%get3A_936, %get3A_937, %get3A_938] {strides = array<i32>} : memref<2x64x256xf32, #tpu.memory_space<vmem>>, vector<16xf32>,
        %add3A_940 = arith.addf %scan3A_865, %get3A_939 : vector<16xf32>
        %get3A_941 = arith.constant 1 : i32
        %get3A_942 = arith.index_cast %get3A_941 : i32 to index
        %get3A_943 = arith.index_cast %scan3A_853 : i32 to index
        %get3A_944 = arith.constant 192 : index
        %get3A_945 = tpu.vector_load %arg9[%get3A_942, %get3A_943, %get3A_944] {strides = array<i32>} : memref<2x64x256xf32, #tpu.memory_space<vmem>>, vector<16xf32>,
        %add3A_946 = arith.addf %scan3A_866, %get3A_945 : vector<16xf32>
        %get3A_947 = arith.constant 1 : i32
        %get3A_948 = arith.index_cast %get3A_947 : i32 to index
        %get3A_949 = arith.index_cast %scan3A_853 : i32 to index
        %get3A_950 = arith.constant 208 : index
        %get3A_951 = tpu.vector_load %arg9[%get3A_948, %get3A_949, %get3A_950] {strides = array<i32>} : memref<2x64x256xf32, #tpu.memory_space<vmem>>, vector<16xf32>,
        %add3A_952 = arith.addf %scan3A_867, %get3A_951 : vector<16xf32>
        %get3A_953 = arith.constant 1 : i32
        %get3A_954 = arith.index_cast %get3A_953 : i32 to index
        %get3A_955 = arith.index_cast %scan3A_853 : i32 to index
        %get3A_956 = arith.constant 224 : index
        %get3A_957 = tpu.vector_load %arg9[%get3A_954, %get3A_955, %get3A_956] {strides = array<i32>} : memref<2x64x256xf32, #tpu.memory_space<vmem>>, vector<16xf32>,
        %add3A_958 = arith.addf %scan3A_868, %get3A_957 : vector<16xf32>
        %get3A_959 = arith.constant 1 : i32
        %get3A_960 = arith.index_cast %get3A_959 : i32 to index
        %get3A_961 = arith.index_cast %scan3A_853 : i32 to index
        %get3A_962 = arith.constant 240 : index
        %get3A_963 = tpu.vector_load %arg9[%get3A_960, %get3A_961, %get3A_962] {strides = array<i32>} : memref<2x64x256xf32, #tpu.memory_space<vmem>>, vector<16xf32>,
        %add3A_964 = arith.addf %scan3A_869, %get3A_963 : vector<16xf32>
        scf.yield %add3A_874, %add3A_880, %add3A_886, %add3A_892, %add3A_898, %add3A_904, %add3A_910, %add3A_916, %add3A_922, %add3A_928, %add3A_934, %add3A_940, %add3A_946, %add3A_952, %add3A_958, %add3A_964 : vector<16xf32>, vector<16xf32>, vector<16xf32>, vector<16xf32>, vector<16xf32>, vector<16xf32>, vector<16xf32>, vector<16xf32>, vector<16xf32>, vector<16xf32>, vector<16xf32>, vector<16xf32>, vector<16xf32>, vector<16xf32>, vector<16xf32>, vector<16xf32>
      }
      %scan3A_845 = arith.constant 64 : i32
      %add3A_846 = arith.constant 2 : i32
      %add3A_847 = arith.addi %add3A_826, %add3A_846 : i32
      %lt3A_848 = arith.constant 32 : i32
      %lt3A_849 = arith.cmpi slt, %add3A_847, %lt3A_848 : i32
      %convert_element_type3A_850 = arith.extui %lt3A_849 : i1 to i32
      %cond3A_851 = arith.constant 0 : i32
      %cond3A_852 = arith.cmpi ne, %convert_element_type3A_850, %cond3A_851 : i32
      scf.if %cond3A_852 {
        %add3A_853 = arith.constant 2 : i32
        %add3A_854 = arith.addi %add3A_826, %add3A_853 : i32
        %mul3A_855 = arith.constant 64 : i32
        %mul3A_856 = arith.muli %add3A_854, %mul3A_855 : i32
        %dma_start3A_857 = arith.constant 1 : i32
        %dma_start3A_858 = arith.constant 0 : i32
        %dma_start3A_859 = arith.constant 0 : i32
        %dma_start3A_860 = tpu.memref_slice %arg9[%dma_start3A_857, %dma_start3A_858, %dma_start3A_859] : memref<2x64x256xf32, #tpu.memory_space<vmem>> -> memref<1x64x256xf32, #tpu.memory_space<vmem>>
        %dma_start3A_861 = tpu.memref_squeeze %dma_start3A_860 : memref<1x64x256xf32, #tpu.memory_space<vmem>> -> memref<64x256xf32, #tpu.memory_space<vmem>>
        %dma_start3A_862 = tpu.memref_slice %arg2[%mul3A_856, %mul3A_2] : memref<2048x4096xf32, #tpu.memory_space<hbm>> -> memref<64x256xf32, #tpu.memory_space<hbm>>
        %dma_start3A_863 = arith.constant 0 : i32
        %dma_start3A_864 = arith.constant 0 : i32
        %dma_start3A_865 = tpu.memref_slice %arg9[%dma_start3A_857, %dma_start3A_863, %dma_start3A_864] : memref<2x64x256xf32, #tpu.memory_space<vmem>> -> memref<1x64x256xf32, #tpu.memory_space<vmem>>
        %dma_start3A_866 = tpu.memref_squeeze %dma_start3A_865 : memref<1x64x256xf32, #tpu.memory_space<vmem>> -> memref<64x256xf32, #tpu.memory_space<vmem>>
        %dma_start3A_867 = tpu.memref_slice %arg2[%mul3A_856, %mul3A_2] : memref<2048x4096xf32, #tpu.memory_space<hbm>> -> memref<64x256xf32, #tpu.memory_space<hbm>>
        tpu.enqueue_dma source(%dma_start3A_867 : memref<64x256xf32, #tpu.memory_space<hbm>>) target(%dma_start3A_866 : memref<64x256xf32, #tpu.memory_space<vmem>>) target_semaphore(%arg19 : memref<!tpu.dma_semaphore, #tpu.memory_space<semaphore_mem>>)
      } else {
      }
      scf.yield %scan3A_844#0, %scan3A_844#1, %scan3A_844#2, %scan3A_844#3, %scan3A_844#4, %scan3A_844#5, %scan3A_844#6, %scan3A_844#7, %scan3A_844#8, %scan3A_844#9, %scan3A_844#10, %scan3A_844#11, %scan3A_844#12, %scan3A_844#13, %scan3A_844#14, %scan3A_844#15 : vector<16xf32>, vector<16xf32>, vector<16xf32>, vector<16xf32>, vector<16xf32>, vector<16xf32>, vector<16xf32>, vector<16xf32>, vector<16xf32>, vector<16xf32>, vector<16xf32>, vector<16xf32>, vector<16xf32>, vector<16xf32>, vector<16xf32>, vector<16xf32>
    }
    %scan3A_63 = arith.constant 16 : i32
    %swap3A = arith.constant 0 : index
    %swap3A_64 = tpu.vector_load %arg12[%swap3A] {strides = array<i32>} : memref<256xf32, #tpu.memory_space<vmem>>, vector<16xf32>,
    tpu.vector_store %arg12[%swap3A], %scan3A_62#0 {strides = array<i32>} : memref<256xf32, #tpu.memory_space<vmem>>, vector<16xf32>,
    %swap3A_65 = arith.constant 16 : index
    %swap3A_66 = tpu.vector_load %arg12[%swap3A_65] {strides = array<i32>} : memref<256xf32, #tpu.memory_space<vmem>>, vector<16xf32>,
    tpu.vector_store %arg12[%swap3A_65], %scan3A_62#1 {strides = array<i32>} : memref<256xf32, #tpu.memory_space<vmem>>, vector<16xf32>,
    %swap3A_67 = arith.constant 32 : index
    %swap3A_68 = tpu.vector_load %arg12[%swap3A_67] {strides = array<i32>} : memref<256xf32, #tpu.memory_space<vmem>>, vector<16xf32>,
    tpu.vector_store %arg12[%swap3A_67], %scan3A_62#2 {strides = array<i32>} : memref<256xf32, #tpu.memory_space<vmem>>, vector<16xf32>,
    %swap3A_69 = arith.constant 48 : index
    %swap3A_70 = tpu.vector_load %arg12[%swap3A_69] {strides = array<i32>} : memref<256xf32, #tpu.memory_space<vmem>>, vector<16xf32>,
    tpu.vector_store %arg12[%swap3A_69], %scan3A_62#3 {strides = array<i32>} : memref<256xf32, #tpu.memory_space<vmem>>, vector<16xf32>,
    %swap3A_71 = arith.constant 64 : index
    %swap3A_72 = tpu.vector_load %arg12[%swap3A_71] {strides = array<i32>} : memref<256xf32, #tpu.memory_space<vmem>>, vector<16xf32>,
    tpu.vector_store %arg12[%swap3A_71], %scan3A_62#4 {strides = array<i32>} : memref<256xf32, #tpu.memory_space<vmem>>, vector<16xf32>,
    %swap3A_73 = arith.constant 80 : index
    %swap3A_74 = tpu.vector_load %arg12[%swap3A_73] {strides = array<i32>} : memref<256xf32, #tpu.memory_space<vmem>>, vector<16xf32>,
    tpu.vector_store %arg12[%swap3A_73], %scan3A_62#5 {strides = array<i32>} : memref<256xf32, #tpu.memory_space<vmem>>, vector<16xf32>,
    %swap3A_75 = arith.constant 96 : index
    %swap3A_76 = tpu.vector_load %arg12[%swap3A_75] {strides = array<i32>} : memref<256xf32, #tpu.memory_space<vmem>>, vector<16xf32>,
    tpu.vector_store %arg12[%swap3A_75], %scan3A_62#6 {strides = array<i32>} : memref<256xf32, #tpu.memory_space<vmem>>, vector<16xf32>,
    %swap3A_77 = arith.constant 112 : index
    %swap3A_78 = tpu.vector_load %arg12[%swap3A_77] {strides = array<i32>} : memref<256xf32, #tpu.memory_space<vmem>>, vector<16xf32>,
    tpu.vector_store %arg12[%swap3A_77], %scan3A_62#7 {strides = array<i32>} : memref<256xf32, #tpu.memory_space<vmem>>, vector<16xf32>,
    %swap3A_79 = arith.constant 128 : index
    %swap3A_80 = tpu.vector_load %arg12[%swap3A_79] {strides = array<i32>} : memref<256xf32, #tpu.memory_space<vmem>>, vector<16xf32>,
    tpu.vector_store %arg12[%swap3A_79], %scan3A_62#8 {strides = array<i32>} : memref<256xf32, #tpu.memory_space<vmem>>, vector<16xf32>,
    %swap3A_81 = arith.constant 144 : index
    %swap3A_82 = tpu.vector_load %arg12[%swap3A_81] {strides = array<i32>} : memref<256xf32, #tpu.memory_space<vmem>>, vector<16xf32>,
    tpu.vector_store %arg12[%swap3A_81], %scan3A_62#9 {strides = array<i32>} : memref<256xf32, #tpu.memory_space<vmem>>, vector<16xf32>,
    %swap3A_83 = arith.constant 160 : index
    %swap3A_84 = tpu.vector_load %arg12[%swap3A_83] {strides = array<i32>} : memref<256xf32, #tpu.memory_space<vmem>>, vector<16xf32>,
    tpu.vector_store %arg12[%swap3A_83], %scan3A_62#10 {strides = array<i32>} : memref<256xf32, #tpu.memory_space<vmem>>, vector<16xf32>,
    %swap3A_85 = arith.constant 176 : index
    %swap3A_86 = tpu.vector_load %arg12[%swap3A_85] {strides = array<i32>} : memref<256xf32, #tpu.memory_space<vmem>>, vector<16xf32>,
    tpu.vector_store %arg12[%swap3A_85], %scan3A_62#11 {strides = array<i32>} : memref<256xf32, #tpu.memory_space<vmem>>, vector<16xf32>,
    %swap3A_87 = arith.constant 192 : index
    %swap3A_88 = tpu.vector_load %arg12[%swap3A_87] {strides = array<i32>} : memref<256xf32, #tpu.memory_space<vmem>>, vector<16xf32>,
    tpu.vector_store %arg12[%swap3A_87], %scan3A_62#12 {strides = array<i32>} : memref<256xf32, #tpu.memory_space<vmem>>, vector<16xf32>,
    %swap3A_89 = arith.constant 208 : index
    %swap3A_90 = tpu.vector_load %arg12[%swap3A_89] {strides = array<i32>} : memref<256xf32, #tpu.memory_space<vmem>>, vector<16xf32>,
    tpu.vector_store %arg12[%swap3A_89], %scan3A_62#13 {strides = array<i32>} : memref<256xf32, #tpu.memory_space<vmem>>, vector<16xf32>,
    %swap3A_91 = arith.constant 224 : index
    %swap3A_92 = tpu.vector_load %arg12[%swap3A_91] {strides = array<i32>} : memref<256xf32, #tpu.memory_space<vmem>>, vector<16xf32>,
    tpu.vector_store %arg12[%swap3A_91], %scan3A_62#14 {strides = array<i32>} : memref<256xf32, #tpu.memory_space<vmem>>, vector<16xf32>,
    %swap3A_93 = arith.constant 240 : index
    %swap3A_94 = tpu.vector_load %arg12[%swap3A_93] {strides = array<i32>} : memref<256xf32, #tpu.memory_space<vmem>>, vector<16xf32>,
    tpu.vector_store %arg12[%swap3A_93], %scan3A_62#15 {strides = array<i32>} : memref<256xf32, #tpu.memory_space<vmem>>, vector<16xf32>,
    "tpu.region"() ({
      %run_scoped3A = tpu.sem_alloc : memref<!tpu.dma_semaphore, #tpu.memory_space<semaphore_mem>>
      %dma_start3A_777 = tpu.memref_slice %arg17[%mul3A_2] : memref<4096xf32, #tpu.memory_space<vmem_shared>> -> memref<256xf32, #tpu.memory_space<vmem_shared>>
      %dma_start3A_778 = tpu.memref_slice %arg17[%mul3A_2] : memref<4096xf32, #tpu.memory_space<vmem_shared>> -> memref<256xf32, #tpu.memory_space<vmem_shared>>
      tpu.enqueue_dma source(%arg12 : memref<256xf32, #tpu.memory_space<vmem>>) target(%dma_start3A_778 : memref<256xf32, #tpu.memory_space<vmem_shared>>) target_semaphore(%run_scoped3A : memref<!tpu.dma_semaphore, #tpu.memory_space<semaphore_mem>>)
      %dma_wait3A_779 = tpu.memref_slice %arg17[%mul3A_2] : memref<4096xf32, #tpu.memory_space<vmem_shared>> -> memref<256xf32, #tpu.memory_space<vmem_shared>>
      %dma_wait3A_780 = tpu.memref_slice %arg17[%mul3A_2] : memref<4096xf32, #tpu.memory_space<vmem_shared>> -> memref<256xf32, #tpu.memory_space<vmem_shared>>
      tpu.wait_dma2 semaphore(%run_scoped3A : memref<!tpu.dma_semaphore, #tpu.memory_space<semaphore_mem>>) src(%arg12 : memref<256xf32, #tpu.memory_space<vmem>>) dst(%dma_wait3A_780 : memref<256xf32, #tpu.memory_space<vmem_shared>>)
      tpu.yield
    }) : () -> ()
    %barrier3A = arith.constant 0 : index
    tpu.barrier barrier_id(%barrier3A)
    "tpu.region"() ({
      %run_scoped3A = tpu.sem_alloc : memref<!tpu.dma_semaphore, #tpu.memory_space<semaphore_mem>>
      tpu.enqueue_dma source(%arg17 : memref<4096xf32, #tpu.memory_space<vmem_shared>>) target(%arg13 : memref<4096xf32, #tpu.memory_space<vmem>>) target_semaphore(%run_scoped3A : memref<!tpu.dma_semaphore, #tpu.memory_space<semaphore_mem>>)
      tpu.wait_dma2 semaphore(%run_scoped3A : memref<!tpu.dma_semaphore, #tpu.memory_space<semaphore_mem>>) src(%arg17 : memref<4096xf32, #tpu.memory_space<vmem_shared>>) dst(%arg13 : memref<4096xf32, #tpu.memory_space<vmem>>)
      tpu.yield
    }) : () -> ()
    %eq3A = arith.constant 0 : i32
    %eq3A_95 = arith.cmpi eq, %arg0, %eq3A : i32
    %eq3A_96 = arith.constant 0 : i32
    %eq3A_97 = arith.cmpi eq, %arg1, %eq3A_96 : i32
    %and3A = arith.andi %eq3A_95, %eq3A_97 : i1
    %convert_element_type3A = arith.extui %and3A : i1 to i32
    %cond3A = arith.constant 0 : i32
    %cond3A_98 = arith.cmpi ne, %convert_element_type3A, %cond3A : i32
    scf.if %cond3A_98 {
      %run_scoped3A = arith.constant 0 : i32
      "tpu.region"() ({
        %run_scoped3A_777 = tpu.sem_alloc : memref<!tpu.dma_semaphore, #tpu.memory_space<semaphore_mem>>
        %dma_start3A_778 = arith.constant 0 : i32
        %dma_start3A_779 = tpu.memref_slice %arg5[%run_scoped3A, %dma_start3A_778] : memref<1x4096xf32, #tpu.memory_space<hbm>> -> memref<1x4096xf32, #tpu.memory_space<hbm>>
        %dma_start3A_780 = tpu.memref_squeeze %dma_start3A_779 : memref<1x4096xf32, #tpu.memory_space<hbm>> -> memref<4096xf32, #tpu.memory_space<hbm>>
        %dma_start3A_781 = arith.constant 0 : i32
        %dma_start3A_782 = tpu.memref_slice %arg5[%run_scoped3A, %dma_start3A_781] : memref<1x4096xf32, #tpu.memory_space<hbm>> -> memref<1x4096xf32, #tpu.memory_space<hbm>>
        %dma_start3A_783 = tpu.memref_squeeze %dma_start3A_782 : memref<1x4096xf32, #tpu.memory_space<hbm>> -> memref<4096xf32, #tpu.memory_space<hbm>>
        tpu.enqueue_dma source(%arg13 : memref<4096xf32, #tpu.memory_space<vmem>>) target(%dma_start3A_783 : memref<4096xf32, #tpu.memory_space<hbm>>) target_semaphore(%run_scoped3A_777 : memref<!tpu.dma_semaphore, #tpu.memory_space<semaphore_mem>>)
        %dma_wait3A_784 = arith.constant 0 : i32
        %dma_wait3A_785 = tpu.memref_slice %arg5[%run_scoped3A, %dma_wait3A_784] : memref<1x4096xf32, #tpu.memory_space<hbm>> -> memref<1x4096xf32, #tpu.memory_space<hbm>>
        %dma_wait3A_786 = tpu.memref_squeeze %dma_wait3A_785 : memref<1x4096xf32, #tpu.memory_space<hbm>> -> memref<4096xf32, #tpu.memory_space<hbm>>
        %dma_wait3A_787 = arith.constant 0 : i32
        %dma_wait3A_788 = tpu.memref_slice %arg5[%run_scoped3A, %dma_wait3A_787] : memref<1x4096xf32, #tpu.memory_space<hbm>> -> memref<1x4096xf32, #tpu.memory_space<hbm>>
        %dma_wait3A_789 = tpu.memref_squeeze %dma_wait3A_788 : memref<1x4096xf32, #tpu.memory_space<hbm>> -> memref<4096xf32, #tpu.memory_space<hbm>>
        tpu.wait_dma2 semaphore(%run_scoped3A_777 : memref<!tpu.dma_semaphore, #tpu.memory_space<semaphore_mem>>) src(%arg13 : memref<4096xf32, #tpu.memory_space<vmem>>) dst(%dma_wait3A_789 : memref<4096xf32, #tpu.memory_space<hbm>>)
        tpu.yield
      }) : () -> ()
    } else {
    }
    %mul3A_99 = arith.constant 64 : i32
    %mul3A_100 = arith.muli %add3A, %mul3A_99 : i32
    %iota3A = tpu.iota {dimensions = array<i32: 0>} : vector<16xi32>
    %add3A_101 = arith.constant 0 : i32
    %add3A_102 = arith.addi %mul3A_100, %add3A_101 : i32
    %dma_start3A_103 = arith.constant 0 : i32
    %dma_start3A_104 = arith.constant 0 : i32
    %dma_start3A_105 = arith.constant 0 : i32
    %dma_start3A_106 = tpu.memref_slice %arg10[%dma_start3A_103, %dma_start3A_104, %dma_start3A_105] : memref<2x4x4096xf32, #tpu.memory_space<vmem>> -> memref<1x4x4096xf32, #tpu.memory_space<vmem>>
    %dma_start3A_107 = tpu.memref_squeeze %dma_start3A_106 : memref<1x4x4096xf32, #tpu.memory_space<vmem>> -> memref<4x4096xf32, #tpu.memory_space<vmem>>
    %dma_start3A_108 = arith.constant 0 : i32
    %dma_start3A_109 = tpu.memref_slice %arg3[%add3A_102, %dma_start3A_108] : memref<2048x4096xf32, #tpu.memory_space<hbm>> -> memref<4x4096xf32, #tpu.memory_space<hbm>>
    %dma_start3A_110 = arith.constant 0 : i32
    %dma_start3A_111 = arith.constant 0 : i32
    %dma_start3A_112 = tpu.memref_slice %arg10[%dma_start3A_103, %dma_start3A_110, %dma_start3A_111] : memref<2x4x4096xf32, #tpu.memory_space<vmem>> -> memref<1x4x4096xf32, #tpu.memory_space<vmem>>
    %dma_start3A_113 = tpu.memref_squeeze %dma_start3A_112 : memref<1x4x4096xf32, #tpu.memory_space<vmem>> -> memref<4x4096xf32, #tpu.memory_space<vmem>>
    %dma_start3A_114 = arith.constant 0 : i32
    %dma_start3A_115 = tpu.memref_slice %arg3[%add3A_102, %dma_start3A_114] : memref<2048x4096xf32, #tpu.memory_space<hbm>> -> memref<4x4096xf32, #tpu.memory_space<hbm>>
    tpu.enqueue_dma source(%dma_start3A_115 : memref<4x4096xf32, #tpu.memory_space<hbm>>) target(%dma_start3A_113 : memref<4x4096xf32, #tpu.memory_space<vmem>>) target_semaphore(%arg18 : memref<!tpu.dma_semaphore, #tpu.memory_space<semaphore_mem>>)
    %add3A_116 = arith.constant 4 : i32
    %add3A_117 = arith.addi %mul3A_100, %add3A_116 : i32
    %dma_start3A_118 = arith.constant 1 : i32
    %dma_start3A_119 = arith.constant 0 : i32
    %dma_start3A_120 = arith.constant 0 : i32
    %dma_start3A_121 = tpu.memref_slice %arg10[%dma_start3A_118, %dma_start3A_119, %dma_start3A_120] : memref<2x4x4096xf32, #tpu.memory_space<vmem>> -> memref<1x4x4096xf32, #tpu.memory_space<vmem>>
    %dma_start3A_122 = tpu.memref_squeeze %dma_start3A_121 : memref<1x4x4096xf32, #tpu.memory_space<vmem>> -> memref<4x4096xf32, #tpu.memory_space<vmem>>
    %dma_start3A_123 = arith.constant 0 : i32
    %dma_start3A_124 = tpu.memref_slice %arg3[%add3A_117, %dma_start3A_123] : memref<2048x4096xf32, #tpu.memory_space<hbm>> -> memref<4x4096xf32, #tpu.memory_space<hbm>>
    %dma_start3A_125 = arith.constant 0 : i32
    %dma_start3A_126 = arith.constant 0 : i32
    %dma_start3A_127 = tpu.memref_slice %arg10[%dma_start3A_118, %dma_start3A_125, %dma_start3A_126] : memref<2x4x4096xf32, #tpu.memory_space<vmem>> -> memref<1x4x4096xf32, #tpu.memory_space<vmem>>
    %dma_start3A_128 = tpu.memref_squeeze %dma_start3A_127 : memref<1x4x4096xf32, #tpu.memory_space<vmem>> -> memref<4x4096xf32, #tpu.memory_space<vmem>>
    %dma_start3A_129 = arith.constant 0 : i32
    %dma_start3A_130 = tpu.memref_slice %arg3[%add3A_117, %dma_start3A_129] : memref<2048x4096xf32, #tpu.memory_space<hbm>> -> memref<4x4096xf32, #tpu.memory_space<hbm>>
    tpu.enqueue_dma source(%dma_start3A_130 : memref<4x4096xf32, #tpu.memory_space<hbm>>) target(%dma_start3A_128 : memref<4x4096xf32, #tpu.memory_space<vmem>>) target_semaphore(%arg19 : memref<!tpu.dma_semaphore, #tpu.memory_space<semaphore_mem>>)
    %scan3A_131 = arith.constant 0 : i32
    %scan3A_132 = arith.constant 0 : i32
    %scan3A_133 = arith.constant 8 : i32
    %scan3A_134 = arith.addi %scan3A_132, %scan3A_133 : i32
    %scan3A_135 = arith.constant 1 : i32
    %scan3A_136 = scf.for %scan3A_777 = %scan3A_132 to %scan3A_134 step %scan3A_135 iter_args(%scan3A_778 = %scan3A_131) -> (i32)  : i32 {
      %mul3A_779 = arith.constant 2 : i32
      %mul3A_780 = arith.muli %mul3A_779, %scan3A_777 : i32
      %add3A_781 = arith.constant 0 : i32
      %add3A_782 = arith.addi %mul3A_780, %add3A_781 : i32
      %mul3A_783 = arith.constant 4 : i32
      %mul3A_784 = arith.muli %add3A_782, %mul3A_783 : i32
      %add3A_785 = arith.addi %mul3A_100, %mul3A_784 : i32
      %dma_wait3A_786 = arith.constant 0 : i32
      %dma_wait3A_787 = arith.constant 0 : i32
      %dma_wait3A_788 = arith.constant 0 : i32
      %dma_wait3A_789 = tpu.memref_slice %arg10[%dma_wait3A_786, %dma_wait3A_787, %dma_wait3A_788] : memref<2x4x4096xf32, #tpu.memory_space<vmem>> -> memref<1x4x4096xf32, #tpu.memory_space<vmem>>
      %dma_wait3A_790 = tpu.memref_squeeze %dma_wait3A_789 : memref<1x4x4096xf32, #tpu.memory_space<vmem>> -> memref<4x4096xf32, #tpu.memory_space<vmem>>
      %dma_wait3A_791 = arith.constant 0 : i32
      %dma_wait3A_792 = tpu.memref_slice %arg3[%add3A_785, %dma_wait3A_791] : memref<2048x4096xf32, #tpu.memory_space<hbm>> -> memref<4x4096xf32, #tpu.memory_space<hbm>>
      %dma_wait3A_793 = arith.constant 0 : i32
      %dma_wait3A_794 = arith.constant 0 : i32
      %dma_wait3A_795 = tpu.memref_slice %arg10[%dma_wait3A_786, %dma_wait3A_793, %dma_wait3A_794] : memref<2x4x4096xf32, #tpu.memory_space<vmem>> -> memref<1x4x4096xf32, #tpu.memory_space<vmem>>
      %dma_wait3A_796 = tpu.memref_squeeze %dma_wait3A_795 : memref<1x4x4096xf32, #tpu.memory_space<vmem>> -> memref<4x4096xf32, #tpu.memory_space<vmem>>
      %dma_wait3A_797 = arith.constant 0 : i32
      %dma_wait3A_798 = tpu.memref_slice %arg3[%add3A_785, %dma_wait3A_797] : memref<2048x4096xf32, #tpu.memory_space<hbm>> -> memref<4x4096xf32, #tpu.memory_space<hbm>>
      tpu.wait_dma2 semaphore(%arg18 : memref<!tpu.dma_semaphore, #tpu.memory_space<semaphore_mem>>) src(%dma_wait3A_798 : memref<4x4096xf32, #tpu.memory_space<hbm>>) dst(%dma_wait3A_796 : memref<4x4096xf32, #tpu.memory_space<vmem>>)
      %broadcast_in_dim3A_799 = arith.constant 0.000000e+00 : f32
      %broadcast_in_dim3A_800 = vector.broadcast %broadcast_in_dim3A_799 : f32 to vector<16xf32>
      %parallel_loop3A = arith.constant 0 : i32
      %parallel_loop3A_801 = arith.constant 32 : i32
      %parallel_loop3A_802 = arith.constant 1 : i32
      %parallel_loop3A_803:8 = scf.for %parallel_loop3A_884 = %parallel_loop3A to %parallel_loop3A_801 step %parallel_loop3A_802 iter_args(%parallel_loop3A_885 = %broadcast_in_dim3A_800, %parallel_loop3A_886 = %broadcast_in_dim3A_800, %parallel_loop3A_887 = %broadcast_in_dim3A_800, %parallel_loop3A_888 = %broadcast_in_dim3A_800, %parallel_loop3A_889 = %broadcast_in_dim3A_800, %parallel_loop3A_890 = %broadcast_in_dim3A_800, %parallel_loop3A_891 = %broadcast_in_dim3A_800, %parallel_loop3A_892 = %broadcast_in_dim3A_800) -> (vector<16xf32>, vector<16xf32>, vector<16xf32>, vector<16xf32>, vector<16xf32>, vector<16xf32>, vector<16xf32>, vector<16xf32>)  : i32 {
        %parallel_loop3A_893 = arith.constant 128 : i32
        %parallel_loop3A_894 = arith.muli %parallel_loop3A_884, %parallel_loop3A_893 : i32
        %parallel_loop3A_895 = arith.constant 0 : i32
        %parallel_loop3A_896 = arith.addi %parallel_loop3A_894, %parallel_loop3A_895 : i32
        %parallel_loop3A_897 = arith.index_cast %parallel_loop3A_896 : i32 to index
        %parallel_loop3A_898 = tpu.vector_load %arg13[%parallel_loop3A_897] {strides = array<i32>} : memref<4096xf32, #tpu.memory_space<vmem>>, vector<16xf32>,
        %parallel_loop3A_899 = arith.constant 128 : i32
        %parallel_loop3A_900 = arith.muli %parallel_loop3A_884, %parallel_loop3A_899 : i32
        %parallel_loop3A_901 = arith.constant 16 : i32
        %parallel_loop3A_902 = arith.addi %parallel_loop3A_900, %parallel_loop3A_901 : i32
        %parallel_loop3A_903 = arith.index_cast %parallel_loop3A_902 : i32 to index
        %parallel_loop3A_904 = tpu.vector_load %arg13[%parallel_loop3A_903] {strides = array<i32>} : memref<4096xf32, #tpu.memory_space<vmem>>, vector<16xf32>,
        %parallel_loop3A_905 = arith.constant 128 : i32
        %parallel_loop3A_906 = arith.muli %parallel_loop3A_884, %parallel_loop3A_905 : i32
        %parallel_loop3A_907 = arith.constant 32 : i32
        %parallel_loop3A_908 = arith.addi %parallel_loop3A_906, %parallel_loop3A_907 : i32
        %parallel_loop3A_909 = arith.index_cast %parallel_loop3A_908 : i32 to index
        %parallel_loop3A_910 = tpu.vector_load %arg13[%parallel_loop3A_909] {strides = array<i32>} : memref<4096xf32, #tpu.memory_space<vmem>>, vector<16xf32>,
        %parallel_loop3A_911 = arith.constant 128 : i32
        %parallel_loop3A_912 = arith.muli %parallel_loop3A_884, %parallel_loop3A_911 : i32
        %parallel_loop3A_913 = arith.constant 48 : i32
        %parallel_loop3A_914 = arith.addi %parallel_loop3A_912, %parallel_loop3A_913 : i32
        %parallel_loop3A_915 = arith.index_cast %parallel_loop3A_914 : i32 to index
        %parallel_loop3A_916 = tpu.vector_load %arg13[%parallel_loop3A_915] {strides = array<i32>} : memref<4096xf32, #tpu.memory_space<vmem>>, vector<16xf32>,
        %parallel_loop3A_917 = arith.constant 128 : i32
        %parallel_loop3A_918 = arith.muli %parallel_loop3A_884, %parallel_loop3A_917 : i32
        %parallel_loop3A_919 = arith.constant 64 : i32
        %parallel_loop3A_920 = arith.addi %parallel_loop3A_918, %parallel_loop3A_919 : i32
        %parallel_loop3A_921 = arith.index_cast %parallel_loop3A_920 : i32 to index
        %parallel_loop3A_922 = tpu.vector_load %arg13[%parallel_loop3A_921] {strides = array<i32>} : memref<4096xf32, #tpu.memory_space<vmem>>, vector<16xf32>,
        %parallel_loop3A_923 = arith.constant 128 : i32
        %parallel_loop3A_924 = arith.muli %parallel_loop3A_884, %parallel_loop3A_923 : i32
        %parallel_loop3A_925 = arith.constant 80 : i32
        %parallel_loop3A_926 = arith.addi %parallel_loop3A_924, %parallel_loop3A_925 : i32
        %parallel_loop3A_927 = arith.index_cast %parallel_loop3A_926 : i32 to index
        %parallel_loop3A_928 = tpu.vector_load %arg13[%parallel_loop3A_927] {strides = array<i32>} : memref<4096xf32, #tpu.memory_space<vmem>>, vector<16xf32>,
        %parallel_loop3A_929 = arith.constant 128 : i32
        %parallel_loop3A_930 = arith.muli %parallel_loop3A_884, %parallel_loop3A_929 : i32
        %parallel_loop3A_931 = arith.constant 96 : i32
        %parallel_loop3A_932 = arith.addi %parallel_loop3A_930, %parallel_loop3A_931 : i32
        %parallel_loop3A_933 = arith.index_cast %parallel_loop3A_932 : i32 to index
        %parallel_loop3A_934 = tpu.vector_load %arg13[%parallel_loop3A_933] {strides = array<i32>} : memref<4096xf32, #tpu.memory_space<vmem>>, vector<16xf32>,
        %parallel_loop3A_935 = arith.constant 128 : i32
        %parallel_loop3A_936 = arith.muli %parallel_loop3A_884, %parallel_loop3A_935 : i32
        %parallel_loop3A_937 = arith.constant 112 : i32
        %parallel_loop3A_938 = arith.addi %parallel_loop3A_936, %parallel_loop3A_937 : i32
        %parallel_loop3A_939 = arith.index_cast %parallel_loop3A_938 : i32 to index
        %parallel_loop3A_940 = tpu.vector_load %arg13[%parallel_loop3A_939] {strides = array<i32>} : memref<4096xf32, #tpu.memory_space<vmem>>, vector<16xf32>,
        %parallel_loop3A_941 = arith.constant 128 : i32
        %parallel_loop3A_942 = arith.muli %parallel_loop3A_884, %parallel_loop3A_941 : i32
        %parallel_loop3A_943 = arith.constant 0 : i32
        %parallel_loop3A_944 = arith.addi %parallel_loop3A_942, %parallel_loop3A_943 : i32
        %parallel_loop3A_945 = arith.constant 0 : i32
        %parallel_loop3A_946 = arith.constant 0 : i32
        %parallel_loop3A_947 = arith.index_cast %parallel_loop3A_945 : i32 to index
        %parallel_loop3A_948 = arith.index_cast %parallel_loop3A_946 : i32 to index
        %parallel_loop3A_949 = arith.index_cast %parallel_loop3A_944 : i32 to index
        %parallel_loop3A_950 = tpu.vector_load %arg10[%parallel_loop3A_947, %parallel_loop3A_948, %parallel_loop3A_949] {strides = array<i32>} : memref<2x4x4096xf32, #tpu.memory_space<vmem>>, vector<16xf32>,
        %parallel_loop3A_951 = arith.constant 128 : i32
        %parallel_loop3A_952 = arith.muli %parallel_loop3A_884, %parallel_loop3A_951 : i32
        %parallel_loop3A_953 = arith.constant 16 : i32
        %parallel_loop3A_954 = arith.addi %parallel_loop3A_952, %parallel_loop3A_953 : i32
        %parallel_loop3A_955 = arith.constant 0 : i32
        %parallel_loop3A_956 = arith.constant 0 : i32
        %parallel_loop3A_957 = arith.index_cast %parallel_loop3A_955 : i32 to index
        %parallel_loop3A_958 = arith.index_cast %parallel_loop3A_956 : i32 to index
        %parallel_loop3A_959 = arith.index_cast %parallel_loop3A_954 : i32 to index
        %parallel_loop3A_960 = tpu.vector_load %arg10[%parallel_loop3A_957, %parallel_loop3A_958, %parallel_loop3A_959] {strides = array<i32>} : memref<2x4x4096xf32, #tpu.memory_space<vmem>>, vector<16xf32>,
        %parallel_loop3A_961 = arith.constant 128 : i32
        %parallel_loop3A_962 = arith.muli %parallel_loop3A_884, %parallel_loop3A_961 : i32
        %parallel_loop3A_963 = arith.constant 32 : i32
        %parallel_loop3A_964 = arith.addi %parallel_loop3A_962, %parallel_loop3A_963 : i32
        %parallel_loop3A_965 = arith.constant 0 : i32
        %parallel_loop3A_966 = arith.constant 0 : i32
        %parallel_loop3A_967 = arith.index_cast %parallel_loop3A_965 : i32 to index
        %parallel_loop3A_968 = arith.index_cast %parallel_loop3A_966 : i32 to index
        %parallel_loop3A_969 = arith.index_cast %parallel_loop3A_964 : i32 to index
        %parallel_loop3A_970 = tpu.vector_load %arg10[%parallel_loop3A_967, %parallel_loop3A_968, %parallel_loop3A_969] {strides = array<i32>} : memref<2x4x4096xf32, #tpu.memory_space<vmem>>, vector<16xf32>,
        %parallel_loop3A_971 = arith.constant 128 : i32
        %parallel_loop3A_972 = arith.muli %parallel_loop3A_884, %parallel_loop3A_971 : i32
        %parallel_loop3A_973 = arith.constant 48 : i32
        %parallel_loop3A_974 = arith.addi %parallel_loop3A_972, %parallel_loop3A_973 : i32
        %parallel_loop3A_975 = arith.constant 0 : i32
        %parallel_loop3A_976 = arith.constant 0 : i32
        %parallel_loop3A_977 = arith.index_cast %parallel_loop3A_975 : i32 to index
        %parallel_loop3A_978 = arith.index_cast %parallel_loop3A_976 : i32 to index
        %parallel_loop3A_979 = arith.index_cast %parallel_loop3A_974 : i32 to index
        %parallel_loop3A_980 = tpu.vector_load %arg10[%parallel_loop3A_977, %parallel_loop3A_978, %parallel_loop3A_979] {strides = array<i32>} : memref<2x4x4096xf32, #tpu.memory_space<vmem>>, vector<16xf32>,
        %parallel_loop3A_981 = arith.constant 128 : i32
        %parallel_loop3A_982 = arith.muli %parallel_loop3A_884, %parallel_loop3A_981 : i32
        %parallel_loop3A_983 = arith.constant 64 : i32
        %parallel_loop3A_984 = arith.addi %parallel_loop3A_982, %parallel_loop3A_983 : i32
        %parallel_loop3A_985 = arith.constant 0 : i32
        %parallel_loop3A_986 = arith.constant 0 : i32
        %parallel_loop3A_987 = arith.index_cast %parallel_loop3A_985 : i32 to index
        %parallel_loop3A_988 = arith.index_cast %parallel_loop3A_986 : i32 to index
        %parallel_loop3A_989 = arith.index_cast %parallel_loop3A_984 : i32 to index
        %parallel_loop3A_990 = tpu.vector_load %arg10[%parallel_loop3A_987, %parallel_loop3A_988, %parallel_loop3A_989] {strides = array<i32>} : memref<2x4x4096xf32, #tpu.memory_space<vmem>>, vector<16xf32>,
        %parallel_loop3A_991 = arith.constant 128 : i32
        %parallel_loop3A_992 = arith.muli %parallel_loop3A_884, %parallel_loop3A_991 : i32
        %parallel_loop3A_993 = arith.constant 80 : i32
        %parallel_loop3A_994 = arith.addi %parallel_loop3A_992, %parallel_loop3A_993 : i32
        %parallel_loop3A_995 = arith.constant 0 : i32
        %parallel_loop3A_996 = arith.constant 0 : i32
        %parallel_loop3A_997 = arith.index_cast %parallel_loop3A_995 : i32 to index
        %parallel_loop3A_998 = arith.index_cast %parallel_loop3A_996 : i32 to index
        %parallel_loop3A_999 = arith.index_cast %parallel_loop3A_994 : i32 to index
        %parallel_loop3A_1000 = tpu.vector_load %arg10[%parallel_loop3A_997, %parallel_loop3A_998, %parallel_loop3A_999] {strides = array<i32>} : memref<2x4x4096xf32, #tpu.memory_space<vmem>>, vector<16xf32>,
        %parallel_loop3A_1001 = arith.constant 128 : i32
        %parallel_loop3A_1002 = arith.muli %parallel_loop3A_884, %parallel_loop3A_1001 : i32
        %parallel_loop3A_1003 = arith.constant 96 : i32
        %parallel_loop3A_1004 = arith.addi %parallel_loop3A_1002, %parallel_loop3A_1003 : i32
        %parallel_loop3A_1005 = arith.constant 0 : i32
        %parallel_loop3A_1006 = arith.constant 0 : i32
        %parallel_loop3A_1007 = arith.index_cast %parallel_loop3A_1005 : i32 to index
        %parallel_loop3A_1008 = arith.index_cast %parallel_loop3A_1006 : i32 to index
        %parallel_loop3A_1009 = arith.index_cast %parallel_loop3A_1004 : i32 to index
        %parallel_loop3A_1010 = tpu.vector_load %arg10[%parallel_loop3A_1007, %parallel_loop3A_1008, %parallel_loop3A_1009] {strides = array<i32>} : memref<2x4x4096xf32, #tpu.memory_space<vmem>>, vector<16xf32>,
        %parallel_loop3A_1011 = arith.constant 128 : i32
        %parallel_loop3A_1012 = arith.muli %parallel_loop3A_884, %parallel_loop3A_1011 : i32
        %parallel_loop3A_1013 = arith.constant 112 : i32
        %parallel_loop3A_1014 = arith.addi %parallel_loop3A_1012, %parallel_loop3A_1013 : i32
        %parallel_loop3A_1015 = arith.constant 0 : i32
        %parallel_loop3A_1016 = arith.constant 0 : i32
        %parallel_loop3A_1017 = arith.index_cast %parallel_loop3A_1015 : i32 to index
        %parallel_loop3A_1018 = arith.index_cast %parallel_loop3A_1016 : i32 to index
        %parallel_loop3A_1019 = arith.index_cast %parallel_loop3A_1014 : i32 to index
        %parallel_loop3A_1020 = tpu.vector_load %arg10[%parallel_loop3A_1017, %parallel_loop3A_1018, %parallel_loop3A_1019] {strides = array<i32>} : memref<2x4x4096xf32, #tpu.memory_space<vmem>>, vector<16xf32>,
        %parallel_loop3A_1021 = arith.mulf %parallel_loop3A_950, %parallel_loop3A_898 : vector<16xf32>
        %parallel_loop3A_1022 = arith.mulf %parallel_loop3A_960, %parallel_loop3A_904 : vector<16xf32>
        %parallel_loop3A_1023 = arith.mulf %parallel_loop3A_970, %parallel_loop3A_910 : vector<16xf32>
        %parallel_loop3A_1024 = arith.mulf %parallel_loop3A_980, %parallel_loop3A_916 : vector<16xf32>
        %parallel_loop3A_1025 = arith.mulf %parallel_loop3A_990, %parallel_loop3A_922 : vector<16xf32>
        %parallel_loop3A_1026 = arith.mulf %parallel_loop3A_1000, %parallel_loop3A_928 : vector<16xf32>
        %parallel_loop3A_1027 = arith.mulf %parallel_loop3A_1010, %parallel_loop3A_934 : vector<16xf32>
        %parallel_loop3A_1028 = arith.mulf %parallel_loop3A_1020, %parallel_loop3A_940 : vector<16xf32>
        %parallel_loop3A_1029 = arith.addf %parallel_loop3A_1021, %parallel_loop3A_1022 : vector<16xf32>
        %parallel_loop3A_1030 = arith.addf %parallel_loop3A_1023, %parallel_loop3A_1024 : vector<16xf32>
        %parallel_loop3A_1031 = arith.addf %parallel_loop3A_1025, %parallel_loop3A_1026 : vector<16xf32>
        %parallel_loop3A_1032 = arith.addf %parallel_loop3A_1027, %parallel_loop3A_1028 : vector<16xf32>
        %parallel_loop3A_1033 = arith.addf %parallel_loop3A_1029, %parallel_loop3A_1030 : vector<16xf32>
        %parallel_loop3A_1034 = arith.addf %parallel_loop3A_1031, %parallel_loop3A_1032 : vector<16xf32>
        %parallel_loop3A_1035 = arith.addf %parallel_loop3A_1033, %parallel_loop3A_1034 : vector<16xf32>
        %parallel_loop3A_1036 = arith.addf %parallel_loop3A_885, %parallel_loop3A_1035 : vector<16xf32>
        %parallel_loop3A_1037 = arith.mulf %parallel_loop3A_950, %parallel_loop3A_950 : vector<16xf32>
        %parallel_loop3A_1038 = arith.mulf %parallel_loop3A_960, %parallel_loop3A_960 : vector<16xf32>
        %parallel_loop3A_1039 = arith.mulf %parallel_loop3A_970, %parallel_loop3A_970 : vector<16xf32>
        %parallel_loop3A_1040 = arith.mulf %parallel_loop3A_980, %parallel_loop3A_980 : vector<16xf32>
        %parallel_loop3A_1041 = arith.mulf %parallel_loop3A_990, %parallel_loop3A_990 : vector<16xf32>
        %parallel_loop3A_1042 = arith.mulf %parallel_loop3A_1000, %parallel_loop3A_1000 : vector<16xf32>
        %parallel_loop3A_1043 = arith.mulf %parallel_loop3A_1010, %parallel_loop3A_1010 : vector<16xf32>
        %parallel_loop3A_1044 = arith.mulf %parallel_loop3A_1020, %parallel_loop3A_1020 : vector<16xf32>
        %parallel_loop3A_1045 = arith.addf %parallel_loop3A_1037, %parallel_loop3A_1038 : vector<16xf32>
        %parallel_loop3A_1046 = arith.addf %parallel_loop3A_1039, %parallel_loop3A_1040 : vector<16xf32>
        %parallel_loop3A_1047 = arith.addf %parallel_loop3A_1041, %parallel_loop3A_1042 : vector<16xf32>
        %parallel_loop3A_1048 = arith.addf %parallel_loop3A_1043, %parallel_loop3A_1044 : vector<16xf32>
        %parallel_loop3A_1049 = arith.addf %parallel_loop3A_1045, %parallel_loop3A_1046 : vector<16xf32>
        %parallel_loop3A_1050 = arith.addf %parallel_loop3A_1047, %parallel_loop3A_1048 : vector<16xf32>
        %parallel_loop3A_1051 = arith.addf %parallel_loop3A_1049, %parallel_loop3A_1050 : vector<16xf32>
        %parallel_loop3A_1052 = arith.addf %parallel_loop3A_889, %parallel_loop3A_1051 : vector<16xf32>
        %parallel_loop3A_1053 = arith.constant 128 : i32
        %parallel_loop3A_1054 = arith.muli %parallel_loop3A_884, %parallel_loop3A_1053 : i32
        %parallel_loop3A_1055 = arith.constant 0 : i32
        %parallel_loop3A_1056 = arith.addi %parallel_loop3A_1054, %parallel_loop3A_1055 : i32
        %parallel_loop3A_1057 = arith.constant 0 : i32
        %parallel_loop3A_1058 = arith.constant 1 : i32
        %parallel_loop3A_1059 = arith.index_cast %parallel_loop3A_1057 : i32 to index
        %parallel_loop3A_1060 = arith.index_cast %parallel_loop3A_1058 : i32 to index
        %parallel_loop3A_1061 = arith.index_cast %parallel_loop3A_1056 : i32 to index
        %parallel_loop3A_1062 = tpu.vector_load %arg10[%parallel_loop3A_1059, %parallel_loop3A_1060, %parallel_loop3A_1061] {strides = array<i32>} : memref<2x4x4096xf32, #tpu.memory_space<vmem>>, vector<16xf32>,
        %parallel_loop3A_1063 = arith.constant 128 : i32
        %parallel_loop3A_1064 = arith.muli %parallel_loop3A_884, %parallel_loop3A_1063 : i32
        %parallel_loop3A_1065 = arith.constant 16 : i32
        %parallel_loop3A_1066 = arith.addi %parallel_loop3A_1064, %parallel_loop3A_1065 : i32
        %parallel_loop3A_1067 = arith.constant 0 : i32
        %parallel_loop3A_1068 = arith.constant 1 : i32
        %parallel_loop3A_1069 = arith.index_cast %parallel_loop3A_1067 : i32 to index
        %parallel_loop3A_1070 = arith.index_cast %parallel_loop3A_1068 : i32 to index
        %parallel_loop3A_1071 = arith.index_cast %parallel_loop3A_1066 : i32 to index
        %parallel_loop3A_1072 = tpu.vector_load %arg10[%parallel_loop3A_1069, %parallel_loop3A_1070, %parallel_loop3A_1071] {strides = array<i32>} : memref<2x4x4096xf32, #tpu.memory_space<vmem>>, vector<16xf32>,
        %parallel_loop3A_1073 = arith.constant 128 : i32
        %parallel_loop3A_1074 = arith.muli %parallel_loop3A_884, %parallel_loop3A_1073 : i32
        %parallel_loop3A_1075 = arith.constant 32 : i32
        %parallel_loop3A_1076 = arith.addi %parallel_loop3A_1074, %parallel_loop3A_1075 : i32
        %parallel_loop3A_1077 = arith.constant 0 : i32
        %parallel_loop3A_1078 = arith.constant 1 : i32
        %parallel_loop3A_1079 = arith.index_cast %parallel_loop3A_1077 : i32 to index
        %parallel_loop3A_1080 = arith.index_cast %parallel_loop3A_1078 : i32 to index
        %parallel_loop3A_1081 = arith.index_cast %parallel_loop3A_1076 : i32 to index
        %parallel_loop3A_1082 = tpu.vector_load %arg10[%parallel_loop3A_1079, %parallel_loop3A_1080, %parallel_loop3A_1081] {strides = array<i32>} : memref<2x4x4096xf32, #tpu.memory_space<vmem>>, vector<16xf32>,
        %parallel_loop3A_1083 = arith.constant 128 : i32
        %parallel_loop3A_1084 = arith.muli %parallel_loop3A_884, %parallel_loop3A_1083 : i32
        %parallel_loop3A_1085 = arith.constant 48 : i32
        %parallel_loop3A_1086 = arith.addi %parallel_loop3A_1084, %parallel_loop3A_1085 : i32
        %parallel_loop3A_1087 = arith.constant 0 : i32
        %parallel_loop3A_1088 = arith.constant 1 : i32
        %parallel_loop3A_1089 = arith.index_cast %parallel_loop3A_1087 : i32 to index
        %parallel_loop3A_1090 = arith.index_cast %parallel_loop3A_1088 : i32 to index
        %parallel_loop3A_1091 = arith.index_cast %parallel_loop3A_1086 : i32 to index
        %parallel_loop3A_1092 = tpu.vector_load %arg10[%parallel_loop3A_1089, %parallel_loop3A_1090, %parallel_loop3A_1091] {strides = array<i32>} : memref<2x4x4096xf32, #tpu.memory_space<vmem>>, vector<16xf32>,
        %parallel_loop3A_1093 = arith.constant 128 : i32
        %parallel_loop3A_1094 = arith.muli %parallel_loop3A_884, %parallel_loop3A_1093 : i32
        %parallel_loop3A_1095 = arith.constant 64 : i32
        %parallel_loop3A_1096 = arith.addi %parallel_loop3A_1094, %parallel_loop3A_1095 : i32
        %parallel_loop3A_1097 = arith.constant 0 : i32
        %parallel_loop3A_1098 = arith.constant 1 : i32
        %parallel_loop3A_1099 = arith.index_cast %parallel_loop3A_1097 : i32 to index
        %parallel_loop3A_1100 = arith.index_cast %parallel_loop3A_1098 : i32 to index
        %parallel_loop3A_1101 = arith.index_cast %parallel_loop3A_1096 : i32 to index
        %parallel_loop3A_1102 = tpu.vector_load %arg10[%parallel_loop3A_1099, %parallel_loop3A_1100, %parallel_loop3A_1101] {strides = array<i32>} : memref<2x4x4096xf32, #tpu.memory_space<vmem>>, vector<16xf32>,
        %parallel_loop3A_1103 = arith.constant 128 : i32
        %parallel_loop3A_1104 = arith.muli %parallel_loop3A_884, %parallel_loop3A_1103 : i32
        %parallel_loop3A_1105 = arith.constant 80 : i32
        %parallel_loop3A_1106 = arith.addi %parallel_loop3A_1104, %parallel_loop3A_1105 : i32
        %parallel_loop3A_1107 = arith.constant 0 : i32
        %parallel_loop3A_1108 = arith.constant 1 : i32
        %parallel_loop3A_1109 = arith.index_cast %parallel_loop3A_1107 : i32 to index
        %parallel_loop3A_1110 = arith.index_cast %parallel_loop3A_1108 : i32 to index
        %parallel_loop3A_1111 = arith.index_cast %parallel_loop3A_1106 : i32 to index
        %parallel_loop3A_1112 = tpu.vector_load %arg10[%parallel_loop3A_1109, %parallel_loop3A_1110, %parallel_loop3A_1111] {strides = array<i32>} : memref<2x4x4096xf32, #tpu.memory_space<vmem>>, vector<16xf32>,
        %parallel_loop3A_1113 = arith.constant 128 : i32
        %parallel_loop3A_1114 = arith.muli %parallel_loop3A_884, %parallel_loop3A_1113 : i32
        %parallel_loop3A_1115 = arith.constant 96 : i32
        %parallel_loop3A_1116 = arith.addi %parallel_loop3A_1114, %parallel_loop3A_1115 : i32
        %parallel_loop3A_1117 = arith.constant 0 : i32
        %parallel_loop3A_1118 = arith.constant 1 : i32
        %parallel_loop3A_1119 = arith.index_cast %parallel_loop3A_1117 : i32 to index
        %parallel_loop3A_1120 = arith.index_cast %parallel_loop3A_1118 : i32 to index
        %parallel_loop3A_1121 = arith.index_cast %parallel_loop3A_1116 : i32 to index
        %parallel_loop3A_1122 = tpu.vector_load %arg10[%parallel_loop3A_1119, %parallel_loop3A_1120, %parallel_loop3A_1121] {strides = array<i32>} : memref<2x4x4096xf32, #tpu.memory_space<vmem>>, vector<16xf32>,
        %parallel_loop3A_1123 = arith.constant 128 : i32
        %parallel_loop3A_1124 = arith.muli %parallel_loop3A_884, %parallel_loop3A_1123 : i32
        %parallel_loop3A_1125 = arith.constant 112 : i32
        %parallel_loop3A_1126 = arith.addi %parallel_loop3A_1124, %parallel_loop3A_1125 : i32
        %parallel_loop3A_1127 = arith.constant 0 : i32
        %parallel_loop3A_1128 = arith.constant 1 : i32
        %parallel_loop3A_1129 = arith.index_cast %parallel_loop3A_1127 : i32 to index
        %parallel_loop3A_1130 = arith.index_cast %parallel_loop3A_1128 : i32 to index
        %parallel_loop3A_1131 = arith.index_cast %parallel_loop3A_1126 : i32 to index
        %parallel_loop3A_1132 = tpu.vector_load %arg10[%parallel_loop3A_1129, %parallel_loop3A_1130, %parallel_loop3A_1131] {strides = array<i32>} : memref<2x4x4096xf32, #tpu.memory_space<vmem>>, vector<16xf32>,
        %parallel_loop3A_1133 = arith.mulf %parallel_loop3A_1062, %parallel_loop3A_898 : vector<16xf32>
        %parallel_loop3A_1134 = arith.mulf %parallel_loop3A_1072, %parallel_loop3A_904 : vector<16xf32>
        %parallel_loop3A_1135 = arith.mulf %parallel_loop3A_1082, %parallel_loop3A_910 : vector<16xf32>
        %parallel_loop3A_1136 = arith.mulf %parallel_loop3A_1092, %parallel_loop3A_916 : vector<16xf32>
        %parallel_loop3A_1137 = arith.mulf %parallel_loop3A_1102, %parallel_loop3A_922 : vector<16xf32>
        %parallel_loop3A_1138 = arith.mulf %parallel_loop3A_1112, %parallel_loop3A_928 : vector<16xf32>
        %parallel_loop3A_1139 = arith.mulf %parallel_loop3A_1122, %parallel_loop3A_934 : vector<16xf32>
        %parallel_loop3A_1140 = arith.mulf %parallel_loop3A_1132, %parallel_loop3A_940 : vector<16xf32>
        %parallel_loop3A_1141 = arith.addf %parallel_loop3A_1133, %parallel_loop3A_1134 : vector<16xf32>
        %parallel_loop3A_1142 = arith.addf %parallel_loop3A_1135, %parallel_loop3A_1136 : vector<16xf32>
        %parallel_loop3A_1143 = arith.addf %parallel_loop3A_1137, %parallel_loop3A_1138 : vector<16xf32>
        %parallel_loop3A_1144 = arith.addf %parallel_loop3A_1139, %parallel_loop3A_1140 : vector<16xf32>
        %parallel_loop3A_1145 = arith.addf %parallel_loop3A_1141, %parallel_loop3A_1142 : vector<16xf32>
        %parallel_loop3A_1146 = arith.addf %parallel_loop3A_1143, %parallel_loop3A_1144 : vector<16xf32>
        %parallel_loop3A_1147 = arith.addf %parallel_loop3A_1145, %parallel_loop3A_1146 : vector<16xf32>
        %parallel_loop3A_1148 = arith.addf %parallel_loop3A_886, %parallel_loop3A_1147 : vector<16xf32>
        %parallel_loop3A_1149 = arith.mulf %parallel_loop3A_1062, %parallel_loop3A_1062 : vector<16xf32>
        %parallel_loop3A_1150 = arith.mulf %parallel_loop3A_1072, %parallel_loop3A_1072 : vector<16xf32>
        %parallel_loop3A_1151 = arith.mulf %parallel_loop3A_1082, %parallel_loop3A_1082 : vector<16xf32>
        %parallel_loop3A_1152 = arith.mulf %parallel_loop3A_1092, %parallel_loop3A_1092 : vector<16xf32>
        %parallel_loop3A_1153 = arith.mulf %parallel_loop3A_1102, %parallel_loop3A_1102 : vector<16xf32>
        %parallel_loop3A_1154 = arith.mulf %parallel_loop3A_1112, %parallel_loop3A_1112 : vector<16xf32>
        %parallel_loop3A_1155 = arith.mulf %parallel_loop3A_1122, %parallel_loop3A_1122 : vector<16xf32>
        %parallel_loop3A_1156 = arith.mulf %parallel_loop3A_1132, %parallel_loop3A_1132 : vector<16xf32>
        %parallel_loop3A_1157 = arith.addf %parallel_loop3A_1149, %parallel_loop3A_1150 : vector<16xf32>
        %parallel_loop3A_1158 = arith.addf %parallel_loop3A_1151, %parallel_loop3A_1152 : vector<16xf32>
        %parallel_loop3A_1159 = arith.addf %parallel_loop3A_1153, %parallel_loop3A_1154 : vector<16xf32>
        %parallel_loop3A_1160 = arith.addf %parallel_loop3A_1155, %parallel_loop3A_1156 : vector<16xf32>
        %parallel_loop3A_1161 = arith.addf %parallel_loop3A_1157, %parallel_loop3A_1158 : vector<16xf32>
        %parallel_loop3A_1162 = arith.addf %parallel_loop3A_1159, %parallel_loop3A_1160 : vector<16xf32>
        %parallel_loop3A_1163 = arith.addf %parallel_loop3A_1161, %parallel_loop3A_1162 : vector<16xf32>
        %parallel_loop3A_1164 = arith.addf %parallel_loop3A_890, %parallel_loop3A_1163 : vector<16xf32>
        %parallel_loop3A_1165 = arith.constant 128 : i32
        %parallel_loop3A_1166 = arith.muli %parallel_loop3A_884, %parallel_loop3A_1165 : i32
        %parallel_loop3A_1167 = arith.constant 0 : i32
        %parallel_loop3A_1168 = arith.addi %parallel_loop3A_1166, %parallel_loop3A_1167 : i32
        %parallel_loop3A_1169 = arith.constant 0 : i32
        %parallel_loop3A_1170 = arith.constant 2 : i32
        %parallel_loop3A_1171 = arith.index_cast %parallel_loop3A_1169 : i32 to index
        %parallel_loop3A_1172 = arith.index_cast %parallel_loop3A_1170 : i32 to index
        %parallel_loop3A_1173 = arith.index_cast %parallel_loop3A_1168 : i32 to index
        %parallel_loop3A_1174 = tpu.vector_load %arg10[%parallel_loop3A_1171, %parallel_loop3A_1172, %parallel_loop3A_1173] {strides = array<i32>} : memref<2x4x4096xf32, #tpu.memory_space<vmem>>, vector<16xf32>,
        %parallel_loop3A_1175 = arith.constant 128 : i32
        %parallel_loop3A_1176 = arith.muli %parallel_loop3A_884, %parallel_loop3A_1175 : i32
        %parallel_loop3A_1177 = arith.constant 16 : i32
        %parallel_loop3A_1178 = arith.addi %parallel_loop3A_1176, %parallel_loop3A_1177 : i32
        %parallel_loop3A_1179 = arith.constant 0 : i32
        %parallel_loop3A_1180 = arith.constant 2 : i32
        %parallel_loop3A_1181 = arith.index_cast %parallel_loop3A_1179 : i32 to index
        %parallel_loop3A_1182 = arith.index_cast %parallel_loop3A_1180 : i32 to index
        %parallel_loop3A_1183 = arith.index_cast %parallel_loop3A_1178 : i32 to index
        %parallel_loop3A_1184 = tpu.vector_load %arg10[%parallel_loop3A_1181, %parallel_loop3A_1182, %parallel_loop3A_1183] {strides = array<i32>} : memref<2x4x4096xf32, #tpu.memory_space<vmem>>, vector<16xf32>,
        %parallel_loop3A_1185 = arith.constant 128 : i32
        %parallel_loop3A_1186 = arith.muli %parallel_loop3A_884, %parallel_loop3A_1185 : i32
        %parallel_loop3A_1187 = arith.constant 32 : i32
        %parallel_loop3A_1188 = arith.addi %parallel_loop3A_1186, %parallel_loop3A_1187 : i32
        %parallel_loop3A_1189 = arith.constant 0 : i32
        %parallel_loop3A_1190 = arith.constant 2 : i32
        %parallel_loop3A_1191 = arith.index_cast %parallel_loop3A_1189 : i32 to index
        %parallel_loop3A_1192 = arith.index_cast %parallel_loop3A_1190 : i32 to index
        %parallel_loop3A_1193 = arith.index_cast %parallel_loop3A_1188 : i32 to index
        %parallel_loop3A_1194 = tpu.vector_load %arg10[%parallel_loop3A_1191, %parallel_loop3A_1192, %parallel_loop3A_1193] {strides = array<i32>} : memref<2x4x4096xf32, #tpu.memory_space<vmem>>, vector<16xf32>,
        %parallel_loop3A_1195 = arith.constant 128 : i32
        %parallel_loop3A_1196 = arith.muli %parallel_loop3A_884, %parallel_loop3A_1195 : i32
        %parallel_loop3A_1197 = arith.constant 48 : i32
        %parallel_loop3A_1198 = arith.addi %parallel_loop3A_1196, %parallel_loop3A_1197 : i32
        %parallel_loop3A_1199 = arith.constant 0 : i32
        %parallel_loop3A_1200 = arith.constant 2 : i32
        %parallel_loop3A_1201 = arith.index_cast %parallel_loop3A_1199 : i32 to index
        %parallel_loop3A_1202 = arith.index_cast %parallel_loop3A_1200 : i32 to index
        %parallel_loop3A_1203 = arith.index_cast %parallel_loop3A_1198 : i32 to index
        %parallel_loop3A_1204 = tpu.vector_load %arg10[%parallel_loop3A_1201, %parallel_loop3A_1202, %parallel_loop3A_1203] {strides = array<i32>} : memref<2x4x4096xf32, #tpu.memory_space<vmem>>, vector<16xf32>,
        %parallel_loop3A_1205 = arith.constant 128 : i32
        %parallel_loop3A_1206 = arith.muli %parallel_loop3A_884, %parallel_loop3A_1205 : i32
        %parallel_loop3A_1207 = arith.constant 64 : i32
        %parallel_loop3A_1208 = arith.addi %parallel_loop3A_1206, %parallel_loop3A_1207 : i32
        %parallel_loop3A_1209 = arith.constant 0 : i32
        %parallel_loop3A_1210 = arith.constant 2 : i32
        %parallel_loop3A_1211 = arith.index_cast %parallel_loop3A_1209 : i32 to index
        %parallel_loop3A_1212 = arith.index_cast %parallel_loop3A_1210 : i32 to index
        %parallel_loop3A_1213 = arith.index_cast %parallel_loop3A_1208 : i32 to index
        %parallel_loop3A_1214 = tpu.vector_load %arg10[%parallel_loop3A_1211, %parallel_loop3A_1212, %parallel_loop3A_1213] {strides = array<i32>} : memref<2x4x4096xf32, #tpu.memory_space<vmem>>, vector<16xf32>,
        %parallel_loop3A_1215 = arith.constant 128 : i32
        %parallel_loop3A_1216 = arith.muli %parallel_loop3A_884, %parallel_loop3A_1215 : i32
        %parallel_loop3A_1217 = arith.constant 80 : i32
        %parallel_loop3A_1218 = arith.addi %parallel_loop3A_1216, %parallel_loop3A_1217 : i32
        %parallel_loop3A_1219 = arith.constant 0 : i32
        %parallel_loop3A_1220 = arith.constant 2 : i32
        %parallel_loop3A_1221 = arith.index_cast %parallel_loop3A_1219 : i32 to index
        %parallel_loop3A_1222 = arith.index_cast %parallel_loop3A_1220 : i32 to index
        %parallel_loop3A_1223 = arith.index_cast %parallel_loop3A_1218 : i32 to index
        %parallel_loop3A_1224 = tpu.vector_load %arg10[%parallel_loop3A_1221, %parallel_loop3A_1222, %parallel_loop3A_1223] {strides = array<i32>} : memref<2x4x4096xf32, #tpu.memory_space<vmem>>, vector<16xf32>,
        %parallel_loop3A_1225 = arith.constant 128 : i32
        %parallel_loop3A_1226 = arith.muli %parallel_loop3A_884, %parallel_loop3A_1225 : i32
        %parallel_loop3A_1227 = arith.constant 96 : i32
        %parallel_loop3A_1228 = arith.addi %parallel_loop3A_1226, %parallel_loop3A_1227 : i32
        %parallel_loop3A_1229 = arith.constant 0 : i32
        %parallel_loop3A_1230 = arith.constant 2 : i32
        %parallel_loop3A_1231 = arith.index_cast %parallel_loop3A_1229 : i32 to index
        %parallel_loop3A_1232 = arith.index_cast %parallel_loop3A_1230 : i32 to index
        %parallel_loop3A_1233 = arith.index_cast %parallel_loop3A_1228 : i32 to index
        %parallel_loop3A_1234 = tpu.vector_load %arg10[%parallel_loop3A_1231, %parallel_loop3A_1232, %parallel_loop3A_1233] {strides = array<i32>} : memref<2x4x4096xf32, #tpu.memory_space<vmem>>, vector<16xf32>,
        %parallel_loop3A_1235 = arith.constant 128 : i32
        %parallel_loop3A_1236 = arith.muli %parallel_loop3A_884, %parallel_loop3A_1235 : i32
        %parallel_loop3A_1237 = arith.constant 112 : i32
        %parallel_loop3A_1238 = arith.addi %parallel_loop3A_1236, %parallel_loop3A_1237 : i32
        %parallel_loop3A_1239 = arith.constant 0 : i32
        %parallel_loop3A_1240 = arith.constant 2 : i32
        %parallel_loop3A_1241 = arith.index_cast %parallel_loop3A_1239 : i32 to index
        %parallel_loop3A_1242 = arith.index_cast %parallel_loop3A_1240 : i32 to index
        %parallel_loop3A_1243 = arith.index_cast %parallel_loop3A_1238 : i32 to index
        %parallel_loop3A_1244 = tpu.vector_load %arg10[%parallel_loop3A_1241, %parallel_loop3A_1242, %parallel_loop3A_1243] {strides = array<i32>} : memref<2x4x4096xf32, #tpu.memory_space<vmem>>, vector<16xf32>,
        %parallel_loop3A_1245 = arith.mulf %parallel_loop3A_1174, %parallel_loop3A_898 : vector<16xf32>
        %parallel_loop3A_1246 = arith.mulf %parallel_loop3A_1184, %parallel_loop3A_904 : vector<16xf32>
        %parallel_loop3A_1247 = arith.mulf %parallel_loop3A_1194, %parallel_loop3A_910 : vector<16xf32>
        %parallel_loop3A_1248 = arith.mulf %parallel_loop3A_1204, %parallel_loop3A_916 : vector<16xf32>
        %parallel_loop3A_1249 = arith.mulf %parallel_loop3A_1214, %parallel_loop3A_922 : vector<16xf32>
        %parallel_loop3A_1250 = arith.mulf %parallel_loop3A_1224, %parallel_loop3A_928 : vector<16xf32>
        %parallel_loop3A_1251 = arith.mulf %parallel_loop3A_1234, %parallel_loop3A_934 : vector<16xf32>
        %parallel_loop3A_1252 = arith.mulf %parallel_loop3A_1244, %parallel_loop3A_940 : vector<16xf32>
        %parallel_loop3A_1253 = arith.addf %parallel_loop3A_1245, %parallel_loop3A_1246 : vector<16xf32>
        %parallel_loop3A_1254 = arith.addf %parallel_loop3A_1247, %parallel_loop3A_1248 : vector<16xf32>
        %parallel_loop3A_1255 = arith.addf %parallel_loop3A_1249, %parallel_loop3A_1250 : vector<16xf32>
        %parallel_loop3A_1256 = arith.addf %parallel_loop3A_1251, %parallel_loop3A_1252 : vector<16xf32>
        %parallel_loop3A_1257 = arith.addf %parallel_loop3A_1253, %parallel_loop3A_1254 : vector<16xf32>
        %parallel_loop3A_1258 = arith.addf %parallel_loop3A_1255, %parallel_loop3A_1256 : vector<16xf32>
        %parallel_loop3A_1259 = arith.addf %parallel_loop3A_1257, %parallel_loop3A_1258 : vector<16xf32>
        %parallel_loop3A_1260 = arith.addf %parallel_loop3A_887, %parallel_loop3A_1259 : vector<16xf32>
        %parallel_loop3A_1261 = arith.mulf %parallel_loop3A_1174, %parallel_loop3A_1174 : vector<16xf32>
        %parallel_loop3A_1262 = arith.mulf %parallel_loop3A_1184, %parallel_loop3A_1184 : vector<16xf32>
        %parallel_loop3A_1263 = arith.mulf %parallel_loop3A_1194, %parallel_loop3A_1194 : vector<16xf32>
        %parallel_loop3A_1264 = arith.mulf %parallel_loop3A_1204, %parallel_loop3A_1204 : vector<16xf32>
        %parallel_loop3A_1265 = arith.mulf %parallel_loop3A_1214, %parallel_loop3A_1214 : vector<16xf32>
        %parallel_loop3A_1266 = arith.mulf %parallel_loop3A_1224, %parallel_loop3A_1224 : vector<16xf32>
        %parallel_loop3A_1267 = arith.mulf %parallel_loop3A_1234, %parallel_loop3A_1234 : vector<16xf32>
        %parallel_loop3A_1268 = arith.mulf %parallel_loop3A_1244, %parallel_loop3A_1244 : vector<16xf32>
        %parallel_loop3A_1269 = arith.addf %parallel_loop3A_1261, %parallel_loop3A_1262 : vector<16xf32>
        %parallel_loop3A_1270 = arith.addf %parallel_loop3A_1263, %parallel_loop3A_1264 : vector<16xf32>
        %parallel_loop3A_1271 = arith.addf %parallel_loop3A_1265, %parallel_loop3A_1266 : vector<16xf32>
        %parallel_loop3A_1272 = arith.addf %parallel_loop3A_1267, %parallel_loop3A_1268 : vector<16xf32>
        %parallel_loop3A_1273 = arith.addf %parallel_loop3A_1269, %parallel_loop3A_1270 : vector<16xf32>
        %parallel_loop3A_1274 = arith.addf %parallel_loop3A_1271, %parallel_loop3A_1272 : vector<16xf32>
        %parallel_loop3A_1275 = arith.addf %parallel_loop3A_1273, %parallel_loop3A_1274 : vector<16xf32>
        %parallel_loop3A_1276 = arith.addf %parallel_loop3A_891, %parallel_loop3A_1275 : vector<16xf32>
        %parallel_loop3A_1277 = arith.constant 128 : i32
        %parallel_loop3A_1278 = arith.muli %parallel_loop3A_884, %parallel_loop3A_1277 : i32
        %parallel_loop3A_1279 = arith.constant 0 : i32
        %parallel_loop3A_1280 = arith.addi %parallel_loop3A_1278, %parallel_loop3A_1279 : i32
        %parallel_loop3A_1281 = arith.constant 0 : i32
        %parallel_loop3A_1282 = arith.constant 3 : i32
        %parallel_loop3A_1283 = arith.index_cast %parallel_loop3A_1281 : i32 to index
        %parallel_loop3A_1284 = arith.index_cast %parallel_loop3A_1282 : i32 to index
        %parallel_loop3A_1285 = arith.index_cast %parallel_loop3A_1280 : i32 to index
        %parallel_loop3A_1286 = tpu.vector_load %arg10[%parallel_loop3A_1283, %parallel_loop3A_1284, %parallel_loop3A_1285] {strides = array<i32>} : memref<2x4x4096xf32, #tpu.memory_space<vmem>>, vector<16xf32>,
        %parallel_loop3A_1287 = arith.constant 128 : i32
        %parallel_loop3A_1288 = arith.muli %parallel_loop3A_884, %parallel_loop3A_1287 : i32
        %parallel_loop3A_1289 = arith.constant 16 : i32
        %parallel_loop3A_1290 = arith.addi %parallel_loop3A_1288, %parallel_loop3A_1289 : i32
        %parallel_loop3A_1291 = arith.constant 0 : i32
        %parallel_loop3A_1292 = arith.constant 3 : i32
        %parallel_loop3A_1293 = arith.index_cast %parallel_loop3A_1291 : i32 to index
        %parallel_loop3A_1294 = arith.index_cast %parallel_loop3A_1292 : i32 to index
        %parallel_loop3A_1295 = arith.index_cast %parallel_loop3A_1290 : i32 to index
        %parallel_loop3A_1296 = tpu.vector_load %arg10[%parallel_loop3A_1293, %parallel_loop3A_1294, %parallel_loop3A_1295] {strides = array<i32>} : memref<2x4x4096xf32, #tpu.memory_space<vmem>>, vector<16xf32>,
        %parallel_loop3A_1297 = arith.constant 128 : i32
        %parallel_loop3A_1298 = arith.muli %parallel_loop3A_884, %parallel_loop3A_1297 : i32
        %parallel_loop3A_1299 = arith.constant 32 : i32
        %parallel_loop3A_1300 = arith.addi %parallel_loop3A_1298, %parallel_loop3A_1299 : i32
        %parallel_loop3A_1301 = arith.constant 0 : i32
        %parallel_loop3A_1302 = arith.constant 3 : i32
        %parallel_loop3A_1303 = arith.index_cast %parallel_loop3A_1301 : i32 to index
        %parallel_loop3A_1304 = arith.index_cast %parallel_loop3A_1302 : i32 to index
        %parallel_loop3A_1305 = arith.index_cast %parallel_loop3A_1300 : i32 to index
        %parallel_loop3A_1306 = tpu.vector_load %arg10[%parallel_loop3A_1303, %parallel_loop3A_1304, %parallel_loop3A_1305] {strides = array<i32>} : memref<2x4x4096xf32, #tpu.memory_space<vmem>>, vector<16xf32>,
        %parallel_loop3A_1307 = arith.constant 128 : i32
        %parallel_loop3A_1308 = arith.muli %parallel_loop3A_884, %parallel_loop3A_1307 : i32
        %parallel_loop3A_1309 = arith.constant 48 : i32
        %parallel_loop3A_1310 = arith.addi %parallel_loop3A_1308, %parallel_loop3A_1309 : i32
        %parallel_loop3A_1311 = arith.constant 0 : i32
        %parallel_loop3A_1312 = arith.constant 3 : i32
        %parallel_loop3A_1313 = arith.index_cast %parallel_loop3A_1311 : i32 to index
        %parallel_loop3A_1314 = arith.index_cast %parallel_loop3A_1312 : i32 to index
        %parallel_loop3A_1315 = arith.index_cast %parallel_loop3A_1310 : i32 to index
        %parallel_loop3A_1316 = tpu.vector_load %arg10[%parallel_loop3A_1313, %parallel_loop3A_1314, %parallel_loop3A_1315] {strides = array<i32>} : memref<2x4x4096xf32, #tpu.memory_space<vmem>>, vector<16xf32>,
        %parallel_loop3A_1317 = arith.constant 128 : i32
        %parallel_loop3A_1318 = arith.muli %parallel_loop3A_884, %parallel_loop3A_1317 : i32
        %parallel_loop3A_1319 = arith.constant 64 : i32
        %parallel_loop3A_1320 = arith.addi %parallel_loop3A_1318, %parallel_loop3A_1319 : i32
        %parallel_loop3A_1321 = arith.constant 0 : i32
        %parallel_loop3A_1322 = arith.constant 3 : i32
        %parallel_loop3A_1323 = arith.index_cast %parallel_loop3A_1321 : i32 to index
        %parallel_loop3A_1324 = arith.index_cast %parallel_loop3A_1322 : i32 to index
        %parallel_loop3A_1325 = arith.index_cast %parallel_loop3A_1320 : i32 to index
        %parallel_loop3A_1326 = tpu.vector_load %arg10[%parallel_loop3A_1323, %parallel_loop3A_1324, %parallel_loop3A_1325] {strides = array<i32>} : memref<2x4x4096xf32, #tpu.memory_space<vmem>>, vector<16xf32>,
        %parallel_loop3A_1327 = arith.constant 128 : i32
        %parallel_loop3A_1328 = arith.muli %parallel_loop3A_884, %parallel_loop3A_1327 : i32
        %parallel_loop3A_1329 = arith.constant 80 : i32
        %parallel_loop3A_1330 = arith.addi %parallel_loop3A_1328, %parallel_loop3A_1329 : i32
        %parallel_loop3A_1331 = arith.constant 0 : i32
        %parallel_loop3A_1332 = arith.constant 3 : i32
        %parallel_loop3A_1333 = arith.index_cast %parallel_loop3A_1331 : i32 to index
        %parallel_loop3A_1334 = arith.index_cast %parallel_loop3A_1332 : i32 to index
        %parallel_loop3A_1335 = arith.index_cast %parallel_loop3A_1330 : i32 to index
        %parallel_loop3A_1336 = tpu.vector_load %arg10[%parallel_loop3A_1333, %parallel_loop3A_1334, %parallel_loop3A_1335] {strides = array<i32>} : memref<2x4x4096xf32, #tpu.memory_space<vmem>>, vector<16xf32>,
        %parallel_loop3A_1337 = arith.constant 128 : i32
        %parallel_loop3A_1338 = arith.muli %parallel_loop3A_884, %parallel_loop3A_1337 : i32
        %parallel_loop3A_1339 = arith.constant 96 : i32
        %parallel_loop3A_1340 = arith.addi %parallel_loop3A_1338, %parallel_loop3A_1339 : i32
        %parallel_loop3A_1341 = arith.constant 0 : i32
        %parallel_loop3A_1342 = arith.constant 3 : i32
        %parallel_loop3A_1343 = arith.index_cast %parallel_loop3A_1341 : i32 to index
        %parallel_loop3A_1344 = arith.index_cast %parallel_loop3A_1342 : i32 to index
        %parallel_loop3A_1345 = arith.index_cast %parallel_loop3A_1340 : i32 to index
        %parallel_loop3A_1346 = tpu.vector_load %arg10[%parallel_loop3A_1343, %parallel_loop3A_1344, %parallel_loop3A_1345] {strides = array<i32>} : memref<2x4x4096xf32, #tpu.memory_space<vmem>>, vector<16xf32>,
        %parallel_loop3A_1347 = arith.constant 128 : i32
        %parallel_loop3A_1348 = arith.muli %parallel_loop3A_884, %parallel_loop3A_1347 : i32
        %parallel_loop3A_1349 = arith.constant 112 : i32
        %parallel_loop3A_1350 = arith.addi %parallel_loop3A_1348, %parallel_loop3A_1349 : i32
        %parallel_loop3A_1351 = arith.constant 0 : i32
        %parallel_loop3A_1352 = arith.constant 3 : i32
        %parallel_loop3A_1353 = arith.index_cast %parallel_loop3A_1351 : i32 to index
        %parallel_loop3A_1354 = arith.index_cast %parallel_loop3A_1352 : i32 to index
        %parallel_loop3A_1355 = arith.index_cast %parallel_loop3A_1350 : i32 to index
        %parallel_loop3A_1356 = tpu.vector_load %arg10[%parallel_loop3A_1353, %parallel_loop3A_1354, %parallel_loop3A_1355] {strides = array<i32>} : memref<2x4x4096xf32, #tpu.memory_space<vmem>>, vector<16xf32>,
        %parallel_loop3A_1357 = arith.mulf %parallel_loop3A_1286, %parallel_loop3A_898 : vector<16xf32>
        %parallel_loop3A_1358 = arith.mulf %parallel_loop3A_1296, %parallel_loop3A_904 : vector<16xf32>
        %parallel_loop3A_1359 = arith.mulf %parallel_loop3A_1306, %parallel_loop3A_910 : vector<16xf32>
        %parallel_loop3A_1360 = arith.mulf %parallel_loop3A_1316, %parallel_loop3A_916 : vector<16xf32>
        %parallel_loop3A_1361 = arith.mulf %parallel_loop3A_1326, %parallel_loop3A_922 : vector<16xf32>
        %parallel_loop3A_1362 = arith.mulf %parallel_loop3A_1336, %parallel_loop3A_928 : vector<16xf32>
        %parallel_loop3A_1363 = arith.mulf %parallel_loop3A_1346, %parallel_loop3A_934 : vector<16xf32>
        %parallel_loop3A_1364 = arith.mulf %parallel_loop3A_1356, %parallel_loop3A_940 : vector<16xf32>
        %parallel_loop3A_1365 = arith.addf %parallel_loop3A_1357, %parallel_loop3A_1358 : vector<16xf32>
        %parallel_loop3A_1366 = arith.addf %parallel_loop3A_1359, %parallel_loop3A_1360 : vector<16xf32>
        %parallel_loop3A_1367 = arith.addf %parallel_loop3A_1361, %parallel_loop3A_1362 : vector<16xf32>
        %parallel_loop3A_1368 = arith.addf %parallel_loop3A_1363, %parallel_loop3A_1364 : vector<16xf32>
        %parallel_loop3A_1369 = arith.addf %parallel_loop3A_1365, %parallel_loop3A_1366 : vector<16xf32>
        %parallel_loop3A_1370 = arith.addf %parallel_loop3A_1367, %parallel_loop3A_1368 : vector<16xf32>
        %parallel_loop3A_1371 = arith.addf %parallel_loop3A_1369, %parallel_loop3A_1370 : vector<16xf32>
        %parallel_loop3A_1372 = arith.addf %parallel_loop3A_888, %parallel_loop3A_1371 : vector<16xf32>
        %parallel_loop3A_1373 = arith.mulf %parallel_loop3A_1286, %parallel_loop3A_1286 : vector<16xf32>
        %parallel_loop3A_1374 = arith.mulf %parallel_loop3A_1296, %parallel_loop3A_1296 : vector<16xf32>
        %parallel_loop3A_1375 = arith.mulf %parallel_loop3A_1306, %parallel_loop3A_1306 : vector<16xf32>
        %parallel_loop3A_1376 = arith.mulf %parallel_loop3A_1316, %parallel_loop3A_1316 : vector<16xf32>
        %parallel_loop3A_1377 = arith.mulf %parallel_loop3A_1326, %parallel_loop3A_1326 : vector<16xf32>
        %parallel_loop3A_1378 = arith.mulf %parallel_loop3A_1336, %parallel_loop3A_1336 : vector<16xf32>
        %parallel_loop3A_1379 = arith.mulf %parallel_loop3A_1346, %parallel_loop3A_1346 : vector<16xf32>
        %parallel_loop3A_1380 = arith.mulf %parallel_loop3A_1356, %parallel_loop3A_1356 : vector<16xf32>
        %parallel_loop3A_1381 = arith.addf %parallel_loop3A_1373, %parallel_loop3A_1374 : vector<16xf32>
        %parallel_loop3A_1382 = arith.addf %parallel_loop3A_1375, %parallel_loop3A_1376 : vector<16xf32>
        %parallel_loop3A_1383 = arith.addf %parallel_loop3A_1377, %parallel_loop3A_1378 : vector<16xf32>
        %parallel_loop3A_1384 = arith.addf %parallel_loop3A_1379, %parallel_loop3A_1380 : vector<16xf32>
        %parallel_loop3A_1385 = arith.addf %parallel_loop3A_1381, %parallel_loop3A_1382 : vector<16xf32>
        %parallel_loop3A_1386 = arith.addf %parallel_loop3A_1383, %parallel_loop3A_1384 : vector<16xf32>
        %parallel_loop3A_1387 = arith.addf %parallel_loop3A_1385, %parallel_loop3A_1386 : vector<16xf32>
        %parallel_loop3A_1388 = arith.addf %parallel_loop3A_892, %parallel_loop3A_1387 : vector<16xf32>
        scf.yield %parallel_loop3A_1036, %parallel_loop3A_1148, %parallel_loop3A_1260, %parallel_loop3A_1372, %parallel_loop3A_1052, %parallel_loop3A_1164, %parallel_loop3A_1276, %parallel_loop3A_1388 : vector<16xf32>, vector<16xf32>, vector<16xf32>, vector<16xf32>, vector<16xf32>, vector<16xf32>, vector<16xf32>, vector<16xf32>
      } {sc.loop_unroll_factor = 2 : i64, sc.parallel_access}
      %mul3A_804 = arith.constant 4 : i32
      %mul3A_805 = arith.muli %add3A_782, %mul3A_804 : i32
      %add3A_806 = arith.constant 0 : i32
      %add3A_807 = arith.addi %mul3A_805, %add3A_806 : i32
      %broadcast_in_dim3A_808 = vector.broadcast %add3A_807 : i32 to vector<16xi32>
      tpu.vector_store_idx %arg14[%iota3A, %broadcast_in_dim3A_808], %parallel_loop3A_803#0 : memref<16x64xf32, #tpu.memory_space<vmem>>[vector<16xi32>, vector<16xi32>], vector<16xf32>,
      tpu.vector_store_idx %arg15[%iota3A, %broadcast_in_dim3A_808], %parallel_loop3A_803#4 : memref<16x64xf32, #tpu.memory_space<vmem>>[vector<16xi32>, vector<16xi32>], vector<16xf32>,
      %mul3A_809 = arith.constant 4 : i32
      %mul3A_810 = arith.muli %add3A_782, %mul3A_809 : i32
      %add3A_811 = arith.constant 1 : i32
      %add3A_812 = arith.addi %mul3A_810, %add3A_811 : i32
      %broadcast_in_dim3A_813 = vector.broadcast %add3A_812 : i32 to vector<16xi32>
      tpu.vector_store_idx %arg14[%iota3A, %broadcast_in_dim3A_813], %parallel_loop3A_803#1 : memref<16x64xf32, #tpu.memory_space<vmem>>[vector<16xi32>, vector<16xi32>], vector<16xf32>,
      tpu.vector_store_idx %arg15[%iota3A, %broadcast_in_dim3A_813], %parallel_loop3A_803#5 : memref<16x64xf32, #tpu.memory_space<vmem>>[vector<16xi32>, vector<16xi32>], vector<16xf32>,
      %mul3A_814 = arith.constant 4 : i32
      %mul3A_815 = arith.muli %add3A_782, %mul3A_814 : i32
      %add3A_816 = arith.constant 2 : i32
      %add3A_817 = arith.addi %mul3A_815, %add3A_816 : i32
      %broadcast_in_dim3A_818 = vector.broadcast %add3A_817 : i32 to vector<16xi32>
      tpu.vector_store_idx %arg14[%iota3A, %broadcast_in_dim3A_818], %parallel_loop3A_803#2 : memref<16x64xf32, #tpu.memory_space<vmem>>[vector<16xi32>, vector<16xi32>], vector<16xf32>,
      tpu.vector_store_idx %arg15[%iota3A, %broadcast_in_dim3A_818], %parallel_loop3A_803#6 : memref<16x64xf32, #tpu.memory_space<vmem>>[vector<16xi32>, vector<16xi32>], vector<16xf32>,
      %mul3A_819 = arith.constant 4 : i32
      %mul3A_820 = arith.muli %add3A_782, %mul3A_819 : i32
      %add3A_821 = arith.constant 3 : i32
      %add3A_822 = arith.addi %mul3A_820, %add3A_821 : i32
      %broadcast_in_dim3A_823 = vector.broadcast %add3A_822 : i32 to vector<16xi32>
      tpu.vector_store_idx %arg14[%iota3A, %broadcast_in_dim3A_823], %parallel_loop3A_803#3 : memref<16x64xf32, #tpu.memory_space<vmem>>[vector<16xi32>, vector<16xi32>], vector<16xf32>,
      tpu.vector_store_idx %arg15[%iota3A, %broadcast_in_dim3A_823], %parallel_loop3A_803#7 : memref<16x64xf32, #tpu.memory_space<vmem>>[vector<16xi32>, vector<16xi32>], vector<16xf32>,
      %add3A_824 = arith.constant 2 : i32
      %add3A_825 = arith.addi %add3A_782, %add3A_824 : i32
      %lt3A = arith.constant 16 : i32
      %lt3A_826 = arith.cmpi slt, %add3A_825, %lt3A : i32
      %convert_element_type3A_827 = arith.extui %lt3A_826 : i1 to i32
      %cond3A_828 = arith.constant 0 : i32
      %cond3A_829 = arith.cmpi ne, %convert_element_type3A_827, %cond3A_828 : i32
      scf.if %cond3A_829 {
        %add3A_884 = arith.constant 2 : i32
        %add3A_885 = arith.addi %add3A_782, %add3A_884 : i32
        %mul3A_886 = arith.constant 4 : i32
        %mul3A_887 = arith.muli %add3A_885, %mul3A_886 : i32
        %add3A_888 = arith.addi %mul3A_100, %mul3A_887 : i32
        %dma_start3A_889 = arith.constant 0 : i32
        %dma_start3A_890 = arith.constant 0 : i32
        %dma_start3A_891 = arith.constant 0 : i32
        %dma_start3A_892 = tpu.memref_slice %arg10[%dma_start3A_889, %dma_start3A_890, %dma_start3A_891] : memref<2x4x4096xf32, #tpu.memory_space<vmem>> -> memref<1x4x4096xf32, #tpu.memory_space<vmem>>
        %dma_start3A_893 = tpu.memref_squeeze %dma_start3A_892 : memref<1x4x4096xf32, #tpu.memory_space<vmem>> -> memref<4x4096xf32, #tpu.memory_space<vmem>>
        %dma_start3A_894 = arith.constant 0 : i32
        %dma_start3A_895 = tpu.memref_slice %arg3[%add3A_888, %dma_start3A_894] : memref<2048x4096xf32, #tpu.memory_space<hbm>> -> memref<4x4096xf32, #tpu.memory_space<hbm>>
        %dma_start3A_896 = arith.constant 0 : i32
        %dma_start3A_897 = arith.constant 0 : i32
        %dma_start3A_898 = tpu.memref_slice %arg10[%dma_start3A_889, %dma_start3A_896, %dma_start3A_897] : memref<2x4x4096xf32, #tpu.memory_space<vmem>> -> memref<1x4x4096xf32, #tpu.memory_space<vmem>>
        %dma_start3A_899 = tpu.memref_squeeze %dma_start3A_898 : memref<1x4x4096xf32, #tpu.memory_space<vmem>> -> memref<4x4096xf32, #tpu.memory_space<vmem>>
        %dma_start3A_900 = arith.constant 0 : i32
        %dma_start3A_901 = tpu.memref_slice %arg3[%add3A_888, %dma_start3A_900] : memref<2048x4096xf32, #tpu.memory_space<hbm>> -> memref<4x4096xf32, #tpu.memory_space<hbm>>
        tpu.enqueue_dma source(%dma_start3A_901 : memref<4x4096xf32, #tpu.memory_space<hbm>>) target(%dma_start3A_899 : memref<4x4096xf32, #tpu.memory_space<vmem>>) target_semaphore(%arg18 : memref<!tpu.dma_semaphore, #tpu.memory_space<semaphore_mem>>)
      } else {
      }
      %mul3A_830 = arith.constant 2 : i32
      %mul3A_831 = arith.muli %mul3A_830, %scan3A_777 : i32
      %add3A_832 = arith.constant 1 : i32
      %add3A_833 = arith.addi %mul3A_831, %add3A_832 : i32
      %mul3A_834 = arith.constant 4 : i32
      %mul3A_835 = arith.muli %add3A_833, %mul3A_834 : i32
      %add3A_836 = arith.addi %mul3A_100, %mul3A_835 : i32
      %dma_wait3A_837 = arith.constant 1 : i32
      %dma_wait3A_838 = arith.constant 0 : i32
      %dma_wait3A_839 = arith.constant 0 : i32
      %dma_wait3A_840 = tpu.memref_slice %arg10[%dma_wait3A_837, %dma_wait3A_838, %dma_wait3A_839] : memref<2x4x4096xf32, #tpu.memory_space<vmem>> -> memref<1x4x4096xf32, #tpu.memory_space<vmem>>
      %dma_wait3A_841 = tpu.memref_squeeze %dma_wait3A_840 : memref<1x4x4096xf32, #tpu.memory_space<vmem>> -> memref<4x4096xf32, #tpu.memory_space<vmem>>
      %dma_wait3A_842 = arith.constant 0 : i32
      %dma_wait3A_843 = tpu.memref_slice %arg3[%add3A_836, %dma_wait3A_842] : memref<2048x4096xf32, #tpu.memory_space<hbm>> -> memref<4x4096xf32, #tpu.memory_space<hbm>>
      %dma_wait3A_844 = arith.constant 0 : i32
      %dma_wait3A_845 = arith.constant 0 : i32
      %dma_wait3A_846 = tpu.memref_slice %arg10[%dma_wait3A_837, %dma_wait3A_844, %dma_wait3A_845] : memref<2x4x4096xf32, #tpu.memory_space<vmem>> -> memref<1x4x4096xf32, #tpu.memory_space<vmem>>
      %dma_wait3A_847 = tpu.memref_squeeze %dma_wait3A_846 : memref<1x4x4096xf32, #tpu.memory_space<vmem>> -> memref<4x4096xf32, #tpu.memory_space<vmem>>
      %dma_wait3A_848 = arith.constant 0 : i32
      %dma_wait3A_849 = tpu.memref_slice %arg3[%add3A_836, %dma_wait3A_848] : memref<2048x4096xf32, #tpu.memory_space<hbm>> -> memref<4x4096xf32, #tpu.memory_space<hbm>>
      tpu.wait_dma2 semaphore(%arg19 : memref<!tpu.dma_semaphore, #tpu.memory_space<semaphore_mem>>) src(%dma_wait3A_849 : memref<4x4096xf32, #tpu.memory_space<hbm>>) dst(%dma_wait3A_847 : memref<4x4096xf32, #tpu.memory_space<vmem>>)
      %broadcast_in_dim3A_850 = arith.constant 0.000000e+00 : f32
      %broadcast_in_dim3A_851 = vector.broadcast %broadcast_in_dim3A_850 : f32 to vector<16xf32>
      %parallel_loop3A_852 = arith.constant 0 : i32
      %parallel_loop3A_853 = arith.constant 32 : i32
      %parallel_loop3A_854 = arith.constant 1 : i32
      %parallel_loop3A_855:8 = scf.for %parallel_loop3A_884 = %parallel_loop3A_852 to %parallel_loop3A_853 step %parallel_loop3A_854 iter_args(%parallel_loop3A_885 = %broadcast_in_dim3A_851, %parallel_loop3A_886 = %broadcast_in_dim3A_851, %parallel_loop3A_887 = %broadcast_in_dim3A_851, %parallel_loop3A_888 = %broadcast_in_dim3A_851, %parallel_loop3A_889 = %broadcast_in_dim3A_851, %parallel_loop3A_890 = %broadcast_in_dim3A_851, %parallel_loop3A_891 = %broadcast_in_dim3A_851, %parallel_loop3A_892 = %broadcast_in_dim3A_851) -> (vector<16xf32>, vector<16xf32>, vector<16xf32>, vector<16xf32>, vector<16xf32>, vector<16xf32>, vector<16xf32>, vector<16xf32>)  : i32 {
        %parallel_loop3A_893 = arith.constant 128 : i32
        %parallel_loop3A_894 = arith.muli %parallel_loop3A_884, %parallel_loop3A_893 : i32
        %parallel_loop3A_895 = arith.constant 0 : i32
        %parallel_loop3A_896 = arith.addi %parallel_loop3A_894, %parallel_loop3A_895 : i32
        %parallel_loop3A_897 = arith.index_cast %parallel_loop3A_896 : i32 to index
        %parallel_loop3A_898 = tpu.vector_load %arg13[%parallel_loop3A_897] {strides = array<i32>} : memref<4096xf32, #tpu.memory_space<vmem>>, vector<16xf32>,
        %parallel_loop3A_899 = arith.constant 128 : i32
        %parallel_loop3A_900 = arith.muli %parallel_loop3A_884, %parallel_loop3A_899 : i32
        %parallel_loop3A_901 = arith.constant 16 : i32
        %parallel_loop3A_902 = arith.addi %parallel_loop3A_900, %parallel_loop3A_901 : i32
        %parallel_loop3A_903 = arith.index_cast %parallel_loop3A_902 : i32 to index
        %parallel_loop3A_904 = tpu.vector_load %arg13[%parallel_loop3A_903] {strides = array<i32>} : memref<4096xf32, #tpu.memory_space<vmem>>, vector<16xf32>,
        %parallel_loop3A_905 = arith.constant 128 : i32
        %parallel_loop3A_906 = arith.muli %parallel_loop3A_884, %parallel_loop3A_905 : i32
        %parallel_loop3A_907 = arith.constant 32 : i32
        %parallel_loop3A_908 = arith.addi %parallel_loop3A_906, %parallel_loop3A_907 : i32
        %parallel_loop3A_909 = arith.index_cast %parallel_loop3A_908 : i32 to index
        %parallel_loop3A_910 = tpu.vector_load %arg13[%parallel_loop3A_909] {strides = array<i32>} : memref<4096xf32, #tpu.memory_space<vmem>>, vector<16xf32>,
        %parallel_loop3A_911 = arith.constant 128 : i32
        %parallel_loop3A_912 = arith.muli %parallel_loop3A_884, %parallel_loop3A_911 : i32
        %parallel_loop3A_913 = arith.constant 48 : i32
        %parallel_loop3A_914 = arith.addi %parallel_loop3A_912, %parallel_loop3A_913 : i32
        %parallel_loop3A_915 = arith.index_cast %parallel_loop3A_914 : i32 to index
        %parallel_loop3A_916 = tpu.vector_load %arg13[%parallel_loop3A_915] {strides = array<i32>} : memref<4096xf32, #tpu.memory_space<vmem>>, vector<16xf32>,
        %parallel_loop3A_917 = arith.constant 128 : i32
        %parallel_loop3A_918 = arith.muli %parallel_loop3A_884, %parallel_loop3A_917 : i32
        %parallel_loop3A_919 = arith.constant 64 : i32
        %parallel_loop3A_920 = arith.addi %parallel_loop3A_918, %parallel_loop3A_919 : i32
        %parallel_loop3A_921 = arith.index_cast %parallel_loop3A_920 : i32 to index
        %parallel_loop3A_922 = tpu.vector_load %arg13[%parallel_loop3A_921] {strides = array<i32>} : memref<4096xf32, #tpu.memory_space<vmem>>, vector<16xf32>,
        %parallel_loop3A_923 = arith.constant 128 : i32
        %parallel_loop3A_924 = arith.muli %parallel_loop3A_884, %parallel_loop3A_923 : i32
        %parallel_loop3A_925 = arith.constant 80 : i32
        %parallel_loop3A_926 = arith.addi %parallel_loop3A_924, %parallel_loop3A_925 : i32
        %parallel_loop3A_927 = arith.index_cast %parallel_loop3A_926 : i32 to index
        %parallel_loop3A_928 = tpu.vector_load %arg13[%parallel_loop3A_927] {strides = array<i32>} : memref<4096xf32, #tpu.memory_space<vmem>>, vector<16xf32>,
        %parallel_loop3A_929 = arith.constant 128 : i32
        %parallel_loop3A_930 = arith.muli %parallel_loop3A_884, %parallel_loop3A_929 : i32
        %parallel_loop3A_931 = arith.constant 96 : i32
        %parallel_loop3A_932 = arith.addi %parallel_loop3A_930, %parallel_loop3A_931 : i32
        %parallel_loop3A_933 = arith.index_cast %parallel_loop3A_932 : i32 to index
        %parallel_loop3A_934 = tpu.vector_load %arg13[%parallel_loop3A_933] {strides = array<i32>} : memref<4096xf32, #tpu.memory_space<vmem>>, vector<16xf32>,
        %parallel_loop3A_935 = arith.constant 128 : i32
        %parallel_loop3A_936 = arith.muli %parallel_loop3A_884, %parallel_loop3A_935 : i32
        %parallel_loop3A_937 = arith.constant 112 : i32
        %parallel_loop3A_938 = arith.addi %parallel_loop3A_936, %parallel_loop3A_937 : i32
        %parallel_loop3A_939 = arith.index_cast %parallel_loop3A_938 : i32 to index
        %parallel_loop3A_940 = tpu.vector_load %arg13[%parallel_loop3A_939] {strides = array<i32>} : memref<4096xf32, #tpu.memory_space<vmem>>, vector<16xf32>,
        %parallel_loop3A_941 = arith.constant 128 : i32
        %parallel_loop3A_942 = arith.muli %parallel_loop3A_884, %parallel_loop3A_941 : i32
        %parallel_loop3A_943 = arith.constant 0 : i32
        %parallel_loop3A_944 = arith.addi %parallel_loop3A_942, %parallel_loop3A_943 : i32
        %parallel_loop3A_945 = arith.constant 1 : i32
        %parallel_loop3A_946 = arith.constant 0 : i32
        %parallel_loop3A_947 = arith.index_cast %parallel_loop3A_945 : i32 to index
        %parallel_loop3A_948 = arith.index_cast %parallel_loop3A_946 : i32 to index
        %parallel_loop3A_949 = arith.index_cast %parallel_loop3A_944 : i32 to index
        %parallel_loop3A_950 = tpu.vector_load %arg10[%parallel_loop3A_947, %parallel_loop3A_948, %parallel_loop3A_949] {strides = array<i32>} : memref<2x4x4096xf32, #tpu.memory_space<vmem>>, vector<16xf32>,
        %parallel_loop3A_951 = arith.constant 128 : i32
        %parallel_loop3A_952 = arith.muli %parallel_loop3A_884, %parallel_loop3A_951 : i32
        %parallel_loop3A_953 = arith.constant 16 : i32
        %parallel_loop3A_954 = arith.addi %parallel_loop3A_952, %parallel_loop3A_953 : i32
        %parallel_loop3A_955 = arith.constant 1 : i32
        %parallel_loop3A_956 = arith.constant 0 : i32
        %parallel_loop3A_957 = arith.index_cast %parallel_loop3A_955 : i32 to index
        %parallel_loop3A_958 = arith.index_cast %parallel_loop3A_956 : i32 to index
        %parallel_loop3A_959 = arith.index_cast %parallel_loop3A_954 : i32 to index
        %parallel_loop3A_960 = tpu.vector_load %arg10[%parallel_loop3A_957, %parallel_loop3A_958, %parallel_loop3A_959] {strides = array<i32>} : memref<2x4x4096xf32, #tpu.memory_space<vmem>>, vector<16xf32>,
        %parallel_loop3A_961 = arith.constant 128 : i32
        %parallel_loop3A_962 = arith.muli %parallel_loop3A_884, %parallel_loop3A_961 : i32
        %parallel_loop3A_963 = arith.constant 32 : i32
        %parallel_loop3A_964 = arith.addi %parallel_loop3A_962, %parallel_loop3A_963 : i32
        %parallel_loop3A_965 = arith.constant 1 : i32
        %parallel_loop3A_966 = arith.constant 0 : i32
        %parallel_loop3A_967 = arith.index_cast %parallel_loop3A_965 : i32 to index
        %parallel_loop3A_968 = arith.index_cast %parallel_loop3A_966 : i32 to index
        %parallel_loop3A_969 = arith.index_cast %parallel_loop3A_964 : i32 to index
        %parallel_loop3A_970 = tpu.vector_load %arg10[%parallel_loop3A_967, %parallel_loop3A_968, %parallel_loop3A_969] {strides = array<i32>} : memref<2x4x4096xf32, #tpu.memory_space<vmem>>, vector<16xf32>,
        %parallel_loop3A_971 = arith.constant 128 : i32
        %parallel_loop3A_972 = arith.muli %parallel_loop3A_884, %parallel_loop3A_971 : i32
        %parallel_loop3A_973 = arith.constant 48 : i32
        %parallel_loop3A_974 = arith.addi %parallel_loop3A_972, %parallel_loop3A_973 : i32
        %parallel_loop3A_975 = arith.constant 1 : i32
        %parallel_loop3A_976 = arith.constant 0 : i32
        %parallel_loop3A_977 = arith.index_cast %parallel_loop3A_975 : i32 to index
        %parallel_loop3A_978 = arith.index_cast %parallel_loop3A_976 : i32 to index
        %parallel_loop3A_979 = arith.index_cast %parallel_loop3A_974 : i32 to index
        %parallel_loop3A_980 = tpu.vector_load %arg10[%parallel_loop3A_977, %parallel_loop3A_978, %parallel_loop3A_979] {strides = array<i32>} : memref<2x4x4096xf32, #tpu.memory_space<vmem>>, vector<16xf32>,
        %parallel_loop3A_981 = arith.constant 128 : i32
        %parallel_loop3A_982 = arith.muli %parallel_loop3A_884, %parallel_loop3A_981 : i32
        %parallel_loop3A_983 = arith.constant 64 : i32
        %parallel_loop3A_984 = arith.addi %parallel_loop3A_982, %parallel_loop3A_983 : i32
        %parallel_loop3A_985 = arith.constant 1 : i32
        %parallel_loop3A_986 = arith.constant 0 : i32
        %parallel_loop3A_987 = arith.index_cast %parallel_loop3A_985 : i32 to index
        %parallel_loop3A_988 = arith.index_cast %parallel_loop3A_986 : i32 to index
        %parallel_loop3A_989 = arith.index_cast %parallel_loop3A_984 : i32 to index
        %parallel_loop3A_990 = tpu.vector_load %arg10[%parallel_loop3A_987, %parallel_loop3A_988, %parallel_loop3A_989] {strides = array<i32>} : memref<2x4x4096xf32, #tpu.memory_space<vmem>>, vector<16xf32>,
        %parallel_loop3A_991 = arith.constant 128 : i32
        %parallel_loop3A_992 = arith.muli %parallel_loop3A_884, %parallel_loop3A_991 : i32
        %parallel_loop3A_993 = arith.constant 80 : i32
        %parallel_loop3A_994 = arith.addi %parallel_loop3A_992, %parallel_loop3A_993 : i32
        %parallel_loop3A_995 = arith.constant 1 : i32
        %parallel_loop3A_996 = arith.constant 0 : i32
        %parallel_loop3A_997 = arith.index_cast %parallel_loop3A_995 : i32 to index
        %parallel_loop3A_998 = arith.index_cast %parallel_loop3A_996 : i32 to index
        %parallel_loop3A_999 = arith.index_cast %parallel_loop3A_994 : i32 to index
        %parallel_loop3A_1000 = tpu.vector_load %arg10[%parallel_loop3A_997, %parallel_loop3A_998, %parallel_loop3A_999] {strides = array<i32>} : memref<2x4x4096xf32, #tpu.memory_space<vmem>>, vector<16xf32>,
        %parallel_loop3A_1001 = arith.constant 128 : i32
        %parallel_loop3A_1002 = arith.muli %parallel_loop3A_884, %parallel_loop3A_1001 : i32
        %parallel_loop3A_1003 = arith.constant 96 : i32
        %parallel_loop3A_1004 = arith.addi %parallel_loop3A_1002, %parallel_loop3A_1003 : i32
        %parallel_loop3A_1005 = arith.constant 1 : i32
        %parallel_loop3A_1006 = arith.constant 0 : i32
        %parallel_loop3A_1007 = arith.index_cast %parallel_loop3A_1005 : i32 to index
        %parallel_loop3A_1008 = arith.index_cast %parallel_loop3A_1006 : i32 to index
        %parallel_loop3A_1009 = arith.index_cast %parallel_loop3A_1004 : i32 to index
        %parallel_loop3A_1010 = tpu.vector_load %arg10[%parallel_loop3A_1007, %parallel_loop3A_1008, %parallel_loop3A_1009] {strides = array<i32>} : memref<2x4x4096xf32, #tpu.memory_space<vmem>>, vector<16xf32>,
        %parallel_loop3A_1011 = arith.constant 128 : i32
        %parallel_loop3A_1012 = arith.muli %parallel_loop3A_884, %parallel_loop3A_1011 : i32
        %parallel_loop3A_1013 = arith.constant 112 : i32
        %parallel_loop3A_1014 = arith.addi %parallel_loop3A_1012, %parallel_loop3A_1013 : i32
        %parallel_loop3A_1015 = arith.constant 1 : i32
        %parallel_loop3A_1016 = arith.constant 0 : i32
        %parallel_loop3A_1017 = arith.index_cast %parallel_loop3A_1015 : i32 to index
        %parallel_loop3A_1018 = arith.index_cast %parallel_loop3A_1016 : i32 to index
        %parallel_loop3A_1019 = arith.index_cast %parallel_loop3A_1014 : i32 to index
        %parallel_loop3A_1020 = tpu.vector_load %arg10[%parallel_loop3A_1017, %parallel_loop3A_1018, %parallel_loop3A_1019] {strides = array<i32>} : memref<2x4x4096xf32, #tpu.memory_space<vmem>>, vector<16xf32>,
        %parallel_loop3A_1021 = arith.mulf %parallel_loop3A_950, %parallel_loop3A_898 : vector<16xf32>
        %parallel_loop3A_1022 = arith.mulf %parallel_loop3A_960, %parallel_loop3A_904 : vector<16xf32>
        %parallel_loop3A_1023 = arith.mulf %parallel_loop3A_970, %parallel_loop3A_910 : vector<16xf32>
        %parallel_loop3A_1024 = arith.mulf %parallel_loop3A_980, %parallel_loop3A_916 : vector<16xf32>
        %parallel_loop3A_1025 = arith.mulf %parallel_loop3A_990, %parallel_loop3A_922 : vector<16xf32>
        %parallel_loop3A_1026 = arith.mulf %parallel_loop3A_1000, %parallel_loop3A_928 : vector<16xf32>
        %parallel_loop3A_1027 = arith.mulf %parallel_loop3A_1010, %parallel_loop3A_934 : vector<16xf32>
        %parallel_loop3A_1028 = arith.mulf %parallel_loop3A_1020, %parallel_loop3A_940 : vector<16xf32>
        %parallel_loop3A_1029 = arith.addf %parallel_loop3A_1021, %parallel_loop3A_1022 : vector<16xf32>
        %parallel_loop3A_1030 = arith.addf %parallel_loop3A_1023, %parallel_loop3A_1024 : vector<16xf32>
        %parallel_loop3A_1031 = arith.addf %parallel_loop3A_1025, %parallel_loop3A_1026 : vector<16xf32>
        %parallel_loop3A_1032 = arith.addf %parallel_loop3A_1027, %parallel_loop3A_1028 : vector<16xf32>
        %parallel_loop3A_1033 = arith.addf %parallel_loop3A_1029, %parallel_loop3A_1030 : vector<16xf32>
        %parallel_loop3A_1034 = arith.addf %parallel_loop3A_1031, %parallel_loop3A_1032 : vector<16xf32>
        %parallel_loop3A_1035 = arith.addf %parallel_loop3A_1033, %parallel_loop3A_1034 : vector<16xf32>
        %parallel_loop3A_1036 = arith.addf %parallel_loop3A_885, %parallel_loop3A_1035 : vector<16xf32>
        %parallel_loop3A_1037 = arith.mulf %parallel_loop3A_950, %parallel_loop3A_950 : vector<16xf32>
        %parallel_loop3A_1038 = arith.mulf %parallel_loop3A_960, %parallel_loop3A_960 : vector<16xf32>
        %parallel_loop3A_1039 = arith.mulf %parallel_loop3A_970, %parallel_loop3A_970 : vector<16xf32>
        %parallel_loop3A_1040 = arith.mulf %parallel_loop3A_980, %parallel_loop3A_980 : vector<16xf32>
        %parallel_loop3A_1041 = arith.mulf %parallel_loop3A_990, %parallel_loop3A_990 : vector<16xf32>
        %parallel_loop3A_1042 = arith.mulf %parallel_loop3A_1000, %parallel_loop3A_1000 : vector<16xf32>
        %parallel_loop3A_1043 = arith.mulf %parallel_loop3A_1010, %parallel_loop3A_1010 : vector<16xf32>
        %parallel_loop3A_1044 = arith.mulf %parallel_loop3A_1020, %parallel_loop3A_1020 : vector<16xf32>
        %parallel_loop3A_1045 = arith.addf %parallel_loop3A_1037, %parallel_loop3A_1038 : vector<16xf32>
        %parallel_loop3A_1046 = arith.addf %parallel_loop3A_1039, %parallel_loop3A_1040 : vector<16xf32>
        %parallel_loop3A_1047 = arith.addf %parallel_loop3A_1041, %parallel_loop3A_1042 : vector<16xf32>
        %parallel_loop3A_1048 = arith.addf %parallel_loop3A_1043, %parallel_loop3A_1044 : vector<16xf32>
        %parallel_loop3A_1049 = arith.addf %parallel_loop3A_1045, %parallel_loop3A_1046 : vector<16xf32>
        %parallel_loop3A_1050 = arith.addf %parallel_loop3A_1047, %parallel_loop3A_1048 : vector<16xf32>
        %parallel_loop3A_1051 = arith.addf %parallel_loop3A_1049, %parallel_loop3A_1050 : vector<16xf32>
        %parallel_loop3A_1052 = arith.addf %parallel_loop3A_889, %parallel_loop3A_1051 : vector<16xf32>
        %parallel_loop3A_1053 = arith.constant 128 : i32
        %parallel_loop3A_1054 = arith.muli %parallel_loop3A_884, %parallel_loop3A_1053 : i32
        %parallel_loop3A_1055 = arith.constant 0 : i32
        %parallel_loop3A_1056 = arith.addi %parallel_loop3A_1054, %parallel_loop3A_1055 : i32
        %parallel_loop3A_1057 = arith.constant 1 : i32
        %parallel_loop3A_1058 = arith.constant 1 : i32
        %parallel_loop3A_1059 = arith.index_cast %parallel_loop3A_1057 : i32 to index
        %parallel_loop3A_1060 = arith.index_cast %parallel_loop3A_1058 : i32 to index
        %parallel_loop3A_1061 = arith.index_cast %parallel_loop3A_1056 : i32 to index
        %parallel_loop3A_1062 = tpu.vector_load %arg10[%parallel_loop3A_1059, %parallel_loop3A_1060, %parallel_loop3A_1061] {strides = array<i32>} : memref<2x4x4096xf32, #tpu.memory_space<vmem>>, vector<16xf32>,
        %parallel_loop3A_1063 = arith.constant 128 : i32
        %parallel_loop3A_1064 = arith.muli %parallel_loop3A_884, %parallel_loop3A_1063 : i32
        %parallel_loop3A_1065 = arith.constant 16 : i32
        %parallel_loop3A_1066 = arith.addi %parallel_loop3A_1064, %parallel_loop3A_1065 : i32
        %parallel_loop3A_1067 = arith.constant 1 : i32
        %parallel_loop3A_1068 = arith.constant 1 : i32
        %parallel_loop3A_1069 = arith.index_cast %parallel_loop3A_1067 : i32 to index
        %parallel_loop3A_1070 = arith.index_cast %parallel_loop3A_1068 : i32 to index
        %parallel_loop3A_1071 = arith.index_cast %parallel_loop3A_1066 : i32 to index
        %parallel_loop3A_1072 = tpu.vector_load %arg10[%parallel_loop3A_1069, %parallel_loop3A_1070, %parallel_loop3A_1071] {strides = array<i32>} : memref<2x4x4096xf32, #tpu.memory_space<vmem>>, vector<16xf32>,
        %parallel_loop3A_1073 = arith.constant 128 : i32
        %parallel_loop3A_1074 = arith.muli %parallel_loop3A_884, %parallel_loop3A_1073 : i32
        %parallel_loop3A_1075 = arith.constant 32 : i32
        %parallel_loop3A_1076 = arith.addi %parallel_loop3A_1074, %parallel_loop3A_1075 : i32
        %parallel_loop3A_1077 = arith.constant 1 : i32
        %parallel_loop3A_1078 = arith.constant 1 : i32
        %parallel_loop3A_1079 = arith.index_cast %parallel_loop3A_1077 : i32 to index
        %parallel_loop3A_1080 = arith.index_cast %parallel_loop3A_1078 : i32 to index
        %parallel_loop3A_1081 = arith.index_cast %parallel_loop3A_1076 : i32 to index
        %parallel_loop3A_1082 = tpu.vector_load %arg10[%parallel_loop3A_1079, %parallel_loop3A_1080, %parallel_loop3A_1081] {strides = array<i32>} : memref<2x4x4096xf32, #tpu.memory_space<vmem>>, vector<16xf32>,
        %parallel_loop3A_1083 = arith.constant 128 : i32
        %parallel_loop3A_1084 = arith.muli %parallel_loop3A_884, %parallel_loop3A_1083 : i32
        %parallel_loop3A_1085 = arith.constant 48 : i32
        %parallel_loop3A_1086 = arith.addi %parallel_loop3A_1084, %parallel_loop3A_1085 : i32
        %parallel_loop3A_1087 = arith.constant 1 : i32
        %parallel_loop3A_1088 = arith.constant 1 : i32
        %parallel_loop3A_1089 = arith.index_cast %parallel_loop3A_1087 : i32 to index
        %parallel_loop3A_1090 = arith.index_cast %parallel_loop3A_1088 : i32 to index
        %parallel_loop3A_1091 = arith.index_cast %parallel_loop3A_1086 : i32 to index
        %parallel_loop3A_1092 = tpu.vector_load %arg10[%parallel_loop3A_1089, %parallel_loop3A_1090, %parallel_loop3A_1091] {strides = array<i32>} : memref<2x4x4096xf32, #tpu.memory_space<vmem>>, vector<16xf32>,
        %parallel_loop3A_1093 = arith.constant 128 : i32
        %parallel_loop3A_1094 = arith.muli %parallel_loop3A_884, %parallel_loop3A_1093 : i32
        %parallel_loop3A_1095 = arith.constant 64 : i32
        %parallel_loop3A_1096 = arith.addi %parallel_loop3A_1094, %parallel_loop3A_1095 : i32
        %parallel_loop3A_1097 = arith.constant 1 : i32
        %parallel_loop3A_1098 = arith.constant 1 : i32
        %parallel_loop3A_1099 = arith.index_cast %parallel_loop3A_1097 : i32 to index
        %parallel_loop3A_1100 = arith.index_cast %parallel_loop3A_1098 : i32 to index
        %parallel_loop3A_1101 = arith.index_cast %parallel_loop3A_1096 : i32 to index
        %parallel_loop3A_1102 = tpu.vector_load %arg10[%parallel_loop3A_1099, %parallel_loop3A_1100, %parallel_loop3A_1101] {strides = array<i32>} : memref<2x4x4096xf32, #tpu.memory_space<vmem>>, vector<16xf32>,
        %parallel_loop3A_1103 = arith.constant 128 : i32
        %parallel_loop3A_1104 = arith.muli %parallel_loop3A_884, %parallel_loop3A_1103 : i32
        %parallel_loop3A_1105 = arith.constant 80 : i32
        %parallel_loop3A_1106 = arith.addi %parallel_loop3A_1104, %parallel_loop3A_1105 : i32
        %parallel_loop3A_1107 = arith.constant 1 : i32
        %parallel_loop3A_1108 = arith.constant 1 : i32
        %parallel_loop3A_1109 = arith.index_cast %parallel_loop3A_1107 : i32 to index
        %parallel_loop3A_1110 = arith.index_cast %parallel_loop3A_1108 : i32 to index
        %parallel_loop3A_1111 = arith.index_cast %parallel_loop3A_1106 : i32 to index
        %parallel_loop3A_1112 = tpu.vector_load %arg10[%parallel_loop3A_1109, %parallel_loop3A_1110, %parallel_loop3A_1111] {strides = array<i32>} : memref<2x4x4096xf32, #tpu.memory_space<vmem>>, vector<16xf32>,
        %parallel_loop3A_1113 = arith.constant 128 : i32
        %parallel_loop3A_1114 = arith.muli %parallel_loop3A_884, %parallel_loop3A_1113 : i32
        %parallel_loop3A_1115 = arith.constant 96 : i32
        %parallel_loop3A_1116 = arith.addi %parallel_loop3A_1114, %parallel_loop3A_1115 : i32
        %parallel_loop3A_1117 = arith.constant 1 : i32
        %parallel_loop3A_1118 = arith.constant 1 : i32
        %parallel_loop3A_1119 = arith.index_cast %parallel_loop3A_1117 : i32 to index
        %parallel_loop3A_1120 = arith.index_cast %parallel_loop3A_1118 : i32 to index
        %parallel_loop3A_1121 = arith.index_cast %parallel_loop3A_1116 : i32 to index
        %parallel_loop3A_1122 = tpu.vector_load %arg10[%parallel_loop3A_1119, %parallel_loop3A_1120, %parallel_loop3A_1121] {strides = array<i32>} : memref<2x4x4096xf32, #tpu.memory_space<vmem>>, vector<16xf32>,
        %parallel_loop3A_1123 = arith.constant 128 : i32
        %parallel_loop3A_1124 = arith.muli %parallel_loop3A_884, %parallel_loop3A_1123 : i32
        %parallel_loop3A_1125 = arith.constant 112 : i32
        %parallel_loop3A_1126 = arith.addi %parallel_loop3A_1124, %parallel_loop3A_1125 : i32
        %parallel_loop3A_1127 = arith.constant 1 : i32
        %parallel_loop3A_1128 = arith.constant 1 : i32
        %parallel_loop3A_1129 = arith.index_cast %parallel_loop3A_1127 : i32 to index
        %parallel_loop3A_1130 = arith.index_cast %parallel_loop3A_1128 : i32 to index
        %parallel_loop3A_1131 = arith.index_cast %parallel_loop3A_1126 : i32 to index
        %parallel_loop3A_1132 = tpu.vector_load %arg10[%parallel_loop3A_1129, %parallel_loop3A_1130, %parallel_loop3A_1131] {strides = array<i32>} : memref<2x4x4096xf32, #tpu.memory_space<vmem>>, vector<16xf32>,
        %parallel_loop3A_1133 = arith.mulf %parallel_loop3A_1062, %parallel_loop3A_898 : vector<16xf32>
        %parallel_loop3A_1134 = arith.mulf %parallel_loop3A_1072, %parallel_loop3A_904 : vector<16xf32>
        %parallel_loop3A_1135 = arith.mulf %parallel_loop3A_1082, %parallel_loop3A_910 : vector<16xf32>
        %parallel_loop3A_1136 = arith.mulf %parallel_loop3A_1092, %parallel_loop3A_916 : vector<16xf32>
        %parallel_loop3A_1137 = arith.mulf %parallel_loop3A_1102, %parallel_loop3A_922 : vector<16xf32>
        %parallel_loop3A_1138 = arith.mulf %parallel_loop3A_1112, %parallel_loop3A_928 : vector<16xf32>
        %parallel_loop3A_1139 = arith.mulf %parallel_loop3A_1122, %parallel_loop3A_934 : vector<16xf32>
        %parallel_loop3A_1140 = arith.mulf %parallel_loop3A_1132, %parallel_loop3A_940 : vector<16xf32>
        %parallel_loop3A_1141 = arith.addf %parallel_loop3A_1133, %parallel_loop3A_1134 : vector<16xf32>
        %parallel_loop3A_1142 = arith.addf %parallel_loop3A_1135, %parallel_loop3A_1136 : vector<16xf32>
        %parallel_loop3A_1143 = arith.addf %parallel_loop3A_1137, %parallel_loop3A_1138 : vector<16xf32>
        %parallel_loop3A_1144 = arith.addf %parallel_loop3A_1139, %parallel_loop3A_1140 : vector<16xf32>
        %parallel_loop3A_1145 = arith.addf %parallel_loop3A_1141, %parallel_loop3A_1142 : vector<16xf32>
        %parallel_loop3A_1146 = arith.addf %parallel_loop3A_1143, %parallel_loop3A_1144 : vector<16xf32>
        %parallel_loop3A_1147 = arith.addf %parallel_loop3A_1145, %parallel_loop3A_1146 : vector<16xf32>
        %parallel_loop3A_1148 = arith.addf %parallel_loop3A_886, %parallel_loop3A_1147 : vector<16xf32>
        %parallel_loop3A_1149 = arith.mulf %parallel_loop3A_1062, %parallel_loop3A_1062 : vector<16xf32>
        %parallel_loop3A_1150 = arith.mulf %parallel_loop3A_1072, %parallel_loop3A_1072 : vector<16xf32>
        %parallel_loop3A_1151 = arith.mulf %parallel_loop3A_1082, %parallel_loop3A_1082 : vector<16xf32>
        %parallel_loop3A_1152 = arith.mulf %parallel_loop3A_1092, %parallel_loop3A_1092 : vector<16xf32>
        %parallel_loop3A_1153 = arith.mulf %parallel_loop3A_1102, %parallel_loop3A_1102 : vector<16xf32>
        %parallel_loop3A_1154 = arith.mulf %parallel_loop3A_1112, %parallel_loop3A_1112 : vector<16xf32>
        %parallel_loop3A_1155 = arith.mulf %parallel_loop3A_1122, %parallel_loop3A_1122 : vector<16xf32>
        %parallel_loop3A_1156 = arith.mulf %parallel_loop3A_1132, %parallel_loop3A_1132 : vector<16xf32>
        %parallel_loop3A_1157 = arith.addf %parallel_loop3A_1149, %parallel_loop3A_1150 : vector<16xf32>
        %parallel_loop3A_1158 = arith.addf %parallel_loop3A_1151, %parallel_loop3A_1152 : vector<16xf32>
        %parallel_loop3A_1159 = arith.addf %parallel_loop3A_1153, %parallel_loop3A_1154 : vector<16xf32>
        %parallel_loop3A_1160 = arith.addf %parallel_loop3A_1155, %parallel_loop3A_1156 : vector<16xf32>
        %parallel_loop3A_1161 = arith.addf %parallel_loop3A_1157, %parallel_loop3A_1158 : vector<16xf32>
        %parallel_loop3A_1162 = arith.addf %parallel_loop3A_1159, %parallel_loop3A_1160 : vector<16xf32>
        %parallel_loop3A_1163 = arith.addf %parallel_loop3A_1161, %parallel_loop3A_1162 : vector<16xf32>
        %parallel_loop3A_1164 = arith.addf %parallel_loop3A_890, %parallel_loop3A_1163 : vector<16xf32>
        %parallel_loop3A_1165 = arith.constant 128 : i32
        %parallel_loop3A_1166 = arith.muli %parallel_loop3A_884, %parallel_loop3A_1165 : i32
        %parallel_loop3A_1167 = arith.constant 0 : i32
        %parallel_loop3A_1168 = arith.addi %parallel_loop3A_1166, %parallel_loop3A_1167 : i32
        %parallel_loop3A_1169 = arith.constant 1 : i32
        %parallel_loop3A_1170 = arith.constant 2 : i32
        %parallel_loop3A_1171 = arith.index_cast %parallel_loop3A_1169 : i32 to index
        %parallel_loop3A_1172 = arith.index_cast %parallel_loop3A_1170 : i32 to index
        %parallel_loop3A_1173 = arith.index_cast %parallel_loop3A_1168 : i32 to index
        %parallel_loop3A_1174 = tpu.vector_load %arg10[%parallel_loop3A_1171, %parallel_loop3A_1172, %parallel_loop3A_1173] {strides = array<i32>} : memref<2x4x4096xf32, #tpu.memory_space<vmem>>, vector<16xf32>,
        %parallel_loop3A_1175 = arith.constant 128 : i32
        %parallel_loop3A_1176 = arith.muli %parallel_loop3A_884, %parallel_loop3A_1175 : i32
        %parallel_loop3A_1177 = arith.constant 16 : i32
        %parallel_loop3A_1178 = arith.addi %parallel_loop3A_1176, %parallel_loop3A_1177 : i32
        %parallel_loop3A_1179 = arith.constant 1 : i32
        %parallel_loop3A_1180 = arith.constant 2 : i32
        %parallel_loop3A_1181 = arith.index_cast %parallel_loop3A_1179 : i32 to index
        %parallel_loop3A_1182 = arith.index_cast %parallel_loop3A_1180 : i32 to index
        %parallel_loop3A_1183 = arith.index_cast %parallel_loop3A_1178 : i32 to index
        %parallel_loop3A_1184 = tpu.vector_load %arg10[%parallel_loop3A_1181, %parallel_loop3A_1182, %parallel_loop3A_1183] {strides = array<i32>} : memref<2x4x4096xf32, #tpu.memory_space<vmem>>, vector<16xf32>,
        %parallel_loop3A_1185 = arith.constant 128 : i32
        %parallel_loop3A_1186 = arith.muli %parallel_loop3A_884, %parallel_loop3A_1185 : i32
        %parallel_loop3A_1187 = arith.constant 32 : i32
        %parallel_loop3A_1188 = arith.addi %parallel_loop3A_1186, %parallel_loop3A_1187 : i32
        %parallel_loop3A_1189 = arith.constant 1 : i32
        %parallel_loop3A_1190 = arith.constant 2 : i32
        %parallel_loop3A_1191 = arith.index_cast %parallel_loop3A_1189 : i32 to index
        %parallel_loop3A_1192 = arith.index_cast %parallel_loop3A_1190 : i32 to index
        %parallel_loop3A_1193 = arith.index_cast %parallel_loop3A_1188 : i32 to index
        %parallel_loop3A_1194 = tpu.vector_load %arg10[%parallel_loop3A_1191, %parallel_loop3A_1192, %parallel_loop3A_1193] {strides = array<i32>} : memref<2x4x4096xf32, #tpu.memory_space<vmem>>, vector<16xf32>,
        %parallel_loop3A_1195 = arith.constant 128 : i32
        %parallel_loop3A_1196 = arith.muli %parallel_loop3A_884, %parallel_loop3A_1195 : i32
        %parallel_loop3A_1197 = arith.constant 48 : i32
        %parallel_loop3A_1198 = arith.addi %parallel_loop3A_1196, %parallel_loop3A_1197 : i32
        %parallel_loop3A_1199 = arith.constant 1 : i32
        %parallel_loop3A_1200 = arith.constant 2 : i32
        %parallel_loop3A_1201 = arith.index_cast %parallel_loop3A_1199 : i32 to index
        %parallel_loop3A_1202 = arith.index_cast %parallel_loop3A_1200 : i32 to index
        %parallel_loop3A_1203 = arith.index_cast %parallel_loop3A_1198 : i32 to index
        %parallel_loop3A_1204 = tpu.vector_load %arg10[%parallel_loop3A_1201, %parallel_loop3A_1202, %parallel_loop3A_1203] {strides = array<i32>} : memref<2x4x4096xf32, #tpu.memory_space<vmem>>, vector<16xf32>,
        %parallel_loop3A_1205 = arith.constant 128 : i32
        %parallel_loop3A_1206 = arith.muli %parallel_loop3A_884, %parallel_loop3A_1205 : i32
        %parallel_loop3A_1207 = arith.constant 64 : i32
        %parallel_loop3A_1208 = arith.addi %parallel_loop3A_1206, %parallel_loop3A_1207 : i32
        %parallel_loop3A_1209 = arith.constant 1 : i32
        %parallel_loop3A_1210 = arith.constant 2 : i32
        %parallel_loop3A_1211 = arith.index_cast %parallel_loop3A_1209 : i32 to index
        %parallel_loop3A_1212 = arith.index_cast %parallel_loop3A_1210 : i32 to index
        %parallel_loop3A_1213 = arith.index_cast %parallel_loop3A_1208 : i32 to index
        %parallel_loop3A_1214 = tpu.vector_load %arg10[%parallel_loop3A_1211, %parallel_loop3A_1212, %parallel_loop3A_1213] {strides = array<i32>} : memref<2x4x4096xf32, #tpu.memory_space<vmem>>, vector<16xf32>,
        %parallel_loop3A_1215 = arith.constant 128 : i32
        %parallel_loop3A_1216 = arith.muli %parallel_loop3A_884, %parallel_loop3A_1215 : i32
        %parallel_loop3A_1217 = arith.constant 80 : i32
        %parallel_loop3A_1218 = arith.addi %parallel_loop3A_1216, %parallel_loop3A_1217 : i32
        %parallel_loop3A_1219 = arith.constant 1 : i32
        %parallel_loop3A_1220 = arith.constant 2 : i32
        %parallel_loop3A_1221 = arith.index_cast %parallel_loop3A_1219 : i32 to index
        %parallel_loop3A_1222 = arith.index_cast %parallel_loop3A_1220 : i32 to index
        %parallel_loop3A_1223 = arith.index_cast %parallel_loop3A_1218 : i32 to index
        %parallel_loop3A_1224 = tpu.vector_load %arg10[%parallel_loop3A_1221, %parallel_loop3A_1222, %parallel_loop3A_1223] {strides = array<i32>} : memref<2x4x4096xf32, #tpu.memory_space<vmem>>, vector<16xf32>,
        %parallel_loop3A_1225 = arith.constant 128 : i32
        %parallel_loop3A_1226 = arith.muli %parallel_loop3A_884, %parallel_loop3A_1225 : i32
        %parallel_loop3A_1227 = arith.constant 96 : i32
        %parallel_loop3A_1228 = arith.addi %parallel_loop3A_1226, %parallel_loop3A_1227 : i32
        %parallel_loop3A_1229 = arith.constant 1 : i32
        %parallel_loop3A_1230 = arith.constant 2 : i32
        %parallel_loop3A_1231 = arith.index_cast %parallel_loop3A_1229 : i32 to index
        %parallel_loop3A_1232 = arith.index_cast %parallel_loop3A_1230 : i32 to index
        %parallel_loop3A_1233 = arith.index_cast %parallel_loop3A_1228 : i32 to index
        %parallel_loop3A_1234 = tpu.vector_load %arg10[%parallel_loop3A_1231, %parallel_loop3A_1232, %parallel_loop3A_1233] {strides = array<i32>} : memref<2x4x4096xf32, #tpu.memory_space<vmem>>, vector<16xf32>,
        %parallel_loop3A_1235 = arith.constant 128 : i32
        %parallel_loop3A_1236 = arith.muli %parallel_loop3A_884, %parallel_loop3A_1235 : i32
        %parallel_loop3A_1237 = arith.constant 112 : i32
        %parallel_loop3A_1238 = arith.addi %parallel_loop3A_1236, %parallel_loop3A_1237 : i32
        %parallel_loop3A_1239 = arith.constant 1 : i32
        %parallel_loop3A_1240 = arith.constant 2 : i32
        %parallel_loop3A_1241 = arith.index_cast %parallel_loop3A_1239 : i32 to index
        %parallel_loop3A_1242 = arith.index_cast %parallel_loop3A_1240 : i32 to index
        %parallel_loop3A_1243 = arith.index_cast %parallel_loop3A_1238 : i32 to index
        %parallel_loop3A_1244 = tpu.vector_load %arg10[%parallel_loop3A_1241, %parallel_loop3A_1242, %parallel_loop3A_1243] {strides = array<i32>} : memref<2x4x4096xf32, #tpu.memory_space<vmem>>, vector<16xf32>,
        %parallel_loop3A_1245 = arith.mulf %parallel_loop3A_1174, %parallel_loop3A_898 : vector<16xf32>
        %parallel_loop3A_1246 = arith.mulf %parallel_loop3A_1184, %parallel_loop3A_904 : vector<16xf32>
        %parallel_loop3A_1247 = arith.mulf %parallel_loop3A_1194, %parallel_loop3A_910 : vector<16xf32>
        %parallel_loop3A_1248 = arith.mulf %parallel_loop3A_1204, %parallel_loop3A_916 : vector<16xf32>
        %parallel_loop3A_1249 = arith.mulf %parallel_loop3A_1214, %parallel_loop3A_922 : vector<16xf32>
        %parallel_loop3A_1250 = arith.mulf %parallel_loop3A_1224, %parallel_loop3A_928 : vector<16xf32>
        %parallel_loop3A_1251 = arith.mulf %parallel_loop3A_1234, %parallel_loop3A_934 : vector<16xf32>
        %parallel_loop3A_1252 = arith.mulf %parallel_loop3A_1244, %parallel_loop3A_940 : vector<16xf32>
        %parallel_loop3A_1253 = arith.addf %parallel_loop3A_1245, %parallel_loop3A_1246 : vector<16xf32>
        %parallel_loop3A_1254 = arith.addf %parallel_loop3A_1247, %parallel_loop3A_1248 : vector<16xf32>
        %parallel_loop3A_1255 = arith.addf %parallel_loop3A_1249, %parallel_loop3A_1250 : vector<16xf32>
        %parallel_loop3A_1256 = arith.addf %parallel_loop3A_1251, %parallel_loop3A_1252 : vector<16xf32>
        %parallel_loop3A_1257 = arith.addf %parallel_loop3A_1253, %parallel_loop3A_1254 : vector<16xf32>
        %parallel_loop3A_1258 = arith.addf %parallel_loop3A_1255, %parallel_loop3A_1256 : vector<16xf32>
        %parallel_loop3A_1259 = arith.addf %parallel_loop3A_1257, %parallel_loop3A_1258 : vector<16xf32>
        %parallel_loop3A_1260 = arith.addf %parallel_loop3A_887, %parallel_loop3A_1259 : vector<16xf32>
        %parallel_loop3A_1261 = arith.mulf %parallel_loop3A_1174, %parallel_loop3A_1174 : vector<16xf32>
        %parallel_loop3A_1262 = arith.mulf %parallel_loop3A_1184, %parallel_loop3A_1184 : vector<16xf32>
        %parallel_loop3A_1263 = arith.mulf %parallel_loop3A_1194, %parallel_loop3A_1194 : vector<16xf32>
        %parallel_loop3A_1264 = arith.mulf %parallel_loop3A_1204, %parallel_loop3A_1204 : vector<16xf32>
        %parallel_loop3A_1265 = arith.mulf %parallel_loop3A_1214, %parallel_loop3A_1214 : vector<16xf32>
        %parallel_loop3A_1266 = arith.mulf %parallel_loop3A_1224, %parallel_loop3A_1224 : vector<16xf32>
        %parallel_loop3A_1267 = arith.mulf %parallel_loop3A_1234, %parallel_loop3A_1234 : vector<16xf32>
        %parallel_loop3A_1268 = arith.mulf %parallel_loop3A_1244, %parallel_loop3A_1244 : vector<16xf32>
        %parallel_loop3A_1269 = arith.addf %parallel_loop3A_1261, %parallel_loop3A_1262 : vector<16xf32>
        %parallel_loop3A_1270 = arith.addf %parallel_loop3A_1263, %parallel_loop3A_1264 : vector<16xf32>
        %parallel_loop3A_1271 = arith.addf %parallel_loop3A_1265, %parallel_loop3A_1266 : vector<16xf32>
        %parallel_loop3A_1272 = arith.addf %parallel_loop3A_1267, %parallel_loop3A_1268 : vector<16xf32>
        %parallel_loop3A_1273 = arith.addf %parallel_loop3A_1269, %parallel_loop3A_1270 : vector<16xf32>
        %parallel_loop3A_1274 = arith.addf %parallel_loop3A_1271, %parallel_loop3A_1272 : vector<16xf32>
        %parallel_loop3A_1275 = arith.addf %parallel_loop3A_1273, %parallel_loop3A_1274 : vector<16xf32>
        %parallel_loop3A_1276 = arith.addf %parallel_loop3A_891, %parallel_loop3A_1275 : vector<16xf32>
        %parallel_loop3A_1277 = arith.constant 128 : i32
        %parallel_loop3A_1278 = arith.muli %parallel_loop3A_884, %parallel_loop3A_1277 : i32
        %parallel_loop3A_1279 = arith.constant 0 : i32
        %parallel_loop3A_1280 = arith.addi %parallel_loop3A_1278, %parallel_loop3A_1279 : i32
        %parallel_loop3A_1281 = arith.constant 1 : i32
        %parallel_loop3A_1282 = arith.constant 3 : i32
        %parallel_loop3A_1283 = arith.index_cast %parallel_loop3A_1281 : i32 to index
        %parallel_loop3A_1284 = arith.index_cast %parallel_loop3A_1282 : i32 to index
        %parallel_loop3A_1285 = arith.index_cast %parallel_loop3A_1280 : i32 to index
        %parallel_loop3A_1286 = tpu.vector_load %arg10[%parallel_loop3A_1283, %parallel_loop3A_1284, %parallel_loop3A_1285] {strides = array<i32>} : memref<2x4x4096xf32, #tpu.memory_space<vmem>>, vector<16xf32>,
        %parallel_loop3A_1287 = arith.constant 128 : i32
        %parallel_loop3A_1288 = arith.muli %parallel_loop3A_884, %parallel_loop3A_1287 : i32
        %parallel_loop3A_1289 = arith.constant 16 : i32
        %parallel_loop3A_1290 = arith.addi %parallel_loop3A_1288, %parallel_loop3A_1289 : i32
        %parallel_loop3A_1291 = arith.constant 1 : i32
        %parallel_loop3A_1292 = arith.constant 3 : i32
        %parallel_loop3A_1293 = arith.index_cast %parallel_loop3A_1291 : i32 to index
        %parallel_loop3A_1294 = arith.index_cast %parallel_loop3A_1292 : i32 to index
        %parallel_loop3A_1295 = arith.index_cast %parallel_loop3A_1290 : i32 to index
        %parallel_loop3A_1296 = tpu.vector_load %arg10[%parallel_loop3A_1293, %parallel_loop3A_1294, %parallel_loop3A_1295] {strides = array<i32>} : memref<2x4x4096xf32, #tpu.memory_space<vmem>>, vector<16xf32>,
        %parallel_loop3A_1297 = arith.constant 128 : i32
        %parallel_loop3A_1298 = arith.muli %parallel_loop3A_884, %parallel_loop3A_1297 : i32
        %parallel_loop3A_1299 = arith.constant 32 : i32
        %parallel_loop3A_1300 = arith.addi %parallel_loop3A_1298, %parallel_loop3A_1299 : i32
        %parallel_loop3A_1301 = arith.constant 1 : i32
        %parallel_loop3A_1302 = arith.constant 3 : i32
        %parallel_loop3A_1303 = arith.index_cast %parallel_loop3A_1301 : i32 to index
        %parallel_loop3A_1304 = arith.index_cast %parallel_loop3A_1302 : i32 to index
        %parallel_loop3A_1305 = arith.index_cast %parallel_loop3A_1300 : i32 to index
        %parallel_loop3A_1306 = tpu.vector_load %arg10[%parallel_loop3A_1303, %parallel_loop3A_1304, %parallel_loop3A_1305] {strides = array<i32>} : memref<2x4x4096xf32, #tpu.memory_space<vmem>>, vector<16xf32>,
        %parallel_loop3A_1307 = arith.constant 128 : i32
        %parallel_loop3A_1308 = arith.muli %parallel_loop3A_884, %parallel_loop3A_1307 : i32
        %parallel_loop3A_1309 = arith.constant 48 : i32
        %parallel_loop3A_1310 = arith.addi %parallel_loop3A_1308, %parallel_loop3A_1309 : i32
        %parallel_loop3A_1311 = arith.constant 1 : i32
        %parallel_loop3A_1312 = arith.constant 3 : i32
        %parallel_loop3A_1313 = arith.index_cast %parallel_loop3A_1311 : i32 to index
        %parallel_loop3A_1314 = arith.index_cast %parallel_loop3A_1312 : i32 to index
        %parallel_loop3A_1315 = arith.index_cast %parallel_loop3A_1310 : i32 to index
        %parallel_loop3A_1316 = tpu.vector_load %arg10[%parallel_loop3A_1313, %parallel_loop3A_1314, %parallel_loop3A_1315] {strides = array<i32>} : memref<2x4x4096xf32, #tpu.memory_space<vmem>>, vector<16xf32>,
        %parallel_loop3A_1317 = arith.constant 128 : i32
        %parallel_loop3A_1318 = arith.muli %parallel_loop3A_884, %parallel_loop3A_1317 : i32
        %parallel_loop3A_1319 = arith.constant 64 : i32
        %parallel_loop3A_1320 = arith.addi %parallel_loop3A_1318, %parallel_loop3A_1319 : i32
        %parallel_loop3A_1321 = arith.constant 1 : i32
        %parallel_loop3A_1322 = arith.constant 3 : i32
        %parallel_loop3A_1323 = arith.index_cast %parallel_loop3A_1321 : i32 to index
        %parallel_loop3A_1324 = arith.index_cast %parallel_loop3A_1322 : i32 to index
        %parallel_loop3A_1325 = arith.index_cast %parallel_loop3A_1320 : i32 to index
        %parallel_loop3A_1326 = tpu.vector_load %arg10[%parallel_loop3A_1323, %parallel_loop3A_1324, %parallel_loop3A_1325] {strides = array<i32>} : memref<2x4x4096xf32, #tpu.memory_space<vmem>>, vector<16xf32>,
        %parallel_loop3A_1327 = arith.constant 128 : i32
        %parallel_loop3A_1328 = arith.muli %parallel_loop3A_884, %parallel_loop3A_1327 : i32
        %parallel_loop3A_1329 = arith.constant 80 : i32
        %parallel_loop3A_1330 = arith.addi %parallel_loop3A_1328, %parallel_loop3A_1329 : i32
        %parallel_loop3A_1331 = arith.constant 1 : i32
        %parallel_loop3A_1332 = arith.constant 3 : i32
        %parallel_loop3A_1333 = arith.index_cast %parallel_loop3A_1331 : i32 to index
        %parallel_loop3A_1334 = arith.index_cast %parallel_loop3A_1332 : i32 to index
        %parallel_loop3A_1335 = arith.index_cast %parallel_loop3A_1330 : i32 to index
        %parallel_loop3A_1336 = tpu.vector_load %arg10[%parallel_loop3A_1333, %parallel_loop3A_1334, %parallel_loop3A_1335] {strides = array<i32>} : memref<2x4x4096xf32, #tpu.memory_space<vmem>>, vector<16xf32>,
        %parallel_loop3A_1337 = arith.constant 128 : i32
        %parallel_loop3A_1338 = arith.muli %parallel_loop3A_884, %parallel_loop3A_1337 : i32
        %parallel_loop3A_1339 = arith.constant 96 : i32
        %parallel_loop3A_1340 = arith.addi %parallel_loop3A_1338, %parallel_loop3A_1339 : i32
        %parallel_loop3A_1341 = arith.constant 1 : i32
        %parallel_loop3A_1342 = arith.constant 3 : i32
        %parallel_loop3A_1343 = arith.index_cast %parallel_loop3A_1341 : i32 to index
        %parallel_loop3A_1344 = arith.index_cast %parallel_loop3A_1342 : i32 to index
        %parallel_loop3A_1345 = arith.index_cast %parallel_loop3A_1340 : i32 to index
        %parallel_loop3A_1346 = tpu.vector_load %arg10[%parallel_loop3A_1343, %parallel_loop3A_1344, %parallel_loop3A_1345] {strides = array<i32>} : memref<2x4x4096xf32, #tpu.memory_space<vmem>>, vector<16xf32>,
        %parallel_loop3A_1347 = arith.constant 128 : i32
        %parallel_loop3A_1348 = arith.muli %parallel_loop3A_884, %parallel_loop3A_1347 : i32
        %parallel_loop3A_1349 = arith.constant 112 : i32
        %parallel_loop3A_1350 = arith.addi %parallel_loop3A_1348, %parallel_loop3A_1349 : i32
        %parallel_loop3A_1351 = arith.constant 1 : i32
        %parallel_loop3A_1352 = arith.constant 3 : i32
        %parallel_loop3A_1353 = arith.index_cast %parallel_loop3A_1351 : i32 to index
        %parallel_loop3A_1354 = arith.index_cast %parallel_loop3A_1352 : i32 to index
        %parallel_loop3A_1355 = arith.index_cast %parallel_loop3A_1350 : i32 to index
        %parallel_loop3A_1356 = tpu.vector_load %arg10[%parallel_loop3A_1353, %parallel_loop3A_1354, %parallel_loop3A_1355] {strides = array<i32>} : memref<2x4x4096xf32, #tpu.memory_space<vmem>>, vector<16xf32>,
        %parallel_loop3A_1357 = arith.mulf %parallel_loop3A_1286, %parallel_loop3A_898 : vector<16xf32>
        %parallel_loop3A_1358 = arith.mulf %parallel_loop3A_1296, %parallel_loop3A_904 : vector<16xf32>
        %parallel_loop3A_1359 = arith.mulf %parallel_loop3A_1306, %parallel_loop3A_910 : vector<16xf32>
        %parallel_loop3A_1360 = arith.mulf %parallel_loop3A_1316, %parallel_loop3A_916 : vector<16xf32>
        %parallel_loop3A_1361 = arith.mulf %parallel_loop3A_1326, %parallel_loop3A_922 : vector<16xf32>
        %parallel_loop3A_1362 = arith.mulf %parallel_loop3A_1336, %parallel_loop3A_928 : vector<16xf32>
        %parallel_loop3A_1363 = arith.mulf %parallel_loop3A_1346, %parallel_loop3A_934 : vector<16xf32>
        %parallel_loop3A_1364 = arith.mulf %parallel_loop3A_1356, %parallel_loop3A_940 : vector<16xf32>
        %parallel_loop3A_1365 = arith.addf %parallel_loop3A_1357, %parallel_loop3A_1358 : vector<16xf32>
        %parallel_loop3A_1366 = arith.addf %parallel_loop3A_1359, %parallel_loop3A_1360 : vector<16xf32>
        %parallel_loop3A_1367 = arith.addf %parallel_loop3A_1361, %parallel_loop3A_1362 : vector<16xf32>
        %parallel_loop3A_1368 = arith.addf %parallel_loop3A_1363, %parallel_loop3A_1364 : vector<16xf32>
        %parallel_loop3A_1369 = arith.addf %parallel_loop3A_1365, %parallel_loop3A_1366 : vector<16xf32>
        %parallel_loop3A_1370 = arith.addf %parallel_loop3A_1367, %parallel_loop3A_1368 : vector<16xf32>
        %parallel_loop3A_1371 = arith.addf %parallel_loop3A_1369, %parallel_loop3A_1370 : vector<16xf32>
        %parallel_loop3A_1372 = arith.addf %parallel_loop3A_888, %parallel_loop3A_1371 : vector<16xf32>
        %parallel_loop3A_1373 = arith.mulf %parallel_loop3A_1286, %parallel_loop3A_1286 : vector<16xf32>
        %parallel_loop3A_1374 = arith.mulf %parallel_loop3A_1296, %parallel_loop3A_1296 : vector<16xf32>
        %parallel_loop3A_1375 = arith.mulf %parallel_loop3A_1306, %parallel_loop3A_1306 : vector<16xf32>
        %parallel_loop3A_1376 = arith.mulf %parallel_loop3A_1316, %parallel_loop3A_1316 : vector<16xf32>
        %parallel_loop3A_1377 = arith.mulf %parallel_loop3A_1326, %parallel_loop3A_1326 : vector<16xf32>
        %parallel_loop3A_1378 = arith.mulf %parallel_loop3A_1336, %parallel_loop3A_1336 : vector<16xf32>
        %parallel_loop3A_1379 = arith.mulf %parallel_loop3A_1346, %parallel_loop3A_1346 : vector<16xf32>
        %parallel_loop3A_1380 = arith.mulf %parallel_loop3A_1356, %parallel_loop3A_1356 : vector<16xf32>
        %parallel_loop3A_1381 = arith.addf %parallel_loop3A_1373, %parallel_loop3A_1374 : vector<16xf32>
        %parallel_loop3A_1382 = arith.addf %parallel_loop3A_1375, %parallel_loop3A_1376 : vector<16xf32>
        %parallel_loop3A_1383 = arith.addf %parallel_loop3A_1377, %parallel_loop3A_1378 : vector<16xf32>
        %parallel_loop3A_1384 = arith.addf %parallel_loop3A_1379, %parallel_loop3A_1380 : vector<16xf32>
        %parallel_loop3A_1385 = arith.addf %parallel_loop3A_1381, %parallel_loop3A_1382 : vector<16xf32>
        %parallel_loop3A_1386 = arith.addf %parallel_loop3A_1383, %parallel_loop3A_1384 : vector<16xf32>
        %parallel_loop3A_1387 = arith.addf %parallel_loop3A_1385, %parallel_loop3A_1386 : vector<16xf32>
        %parallel_loop3A_1388 = arith.addf %parallel_loop3A_892, %parallel_loop3A_1387 : vector<16xf32>
        scf.yield %parallel_loop3A_1036, %parallel_loop3A_1148, %parallel_loop3A_1260, %parallel_loop3A_1372, %parallel_loop3A_1052, %parallel_loop3A_1164, %parallel_loop3A_1276, %parallel_loop3A_1388 : vector<16xf32>, vector<16xf32>, vector<16xf32>, vector<16xf32>, vector<16xf32>, vector<16xf32>, vector<16xf32>, vector<16xf32>
      } {sc.loop_unroll_factor = 2 : i64, sc.parallel_access}
      %mul3A_856 = arith.constant 4 : i32
      %mul3A_857 = arith.muli %add3A_833, %mul3A_856 : i32
      %add3A_858 = arith.constant 0 : i32
      %add3A_859 = arith.addi %mul3A_857, %add3A_858 : i32
      %broadcast_in_dim3A_860 = vector.broadcast %add3A_859 : i32 to vector<16xi32>
      tpu.vector_store_idx %arg14[%iota3A, %broadcast_in_dim3A_860], %parallel_loop3A_855#0 : memref<16x64xf32, #tpu.memory_space<vmem>>[vector<16xi32>, vector<16xi32>], vector<16xf32>,
      tpu.vector_store_idx %arg15[%iota3A, %broadcast_in_dim3A_860], %parallel_loop3A_855#4 : memref<16x64xf32, #tpu.memory_space<vmem>>[vector<16xi32>, vector<16xi32>], vector<16xf32>,
      %mul3A_861 = arith.constant 4 : i32
      %mul3A_862 = arith.muli %add3A_833, %mul3A_861 : i32
      %add3A_863 = arith.constant 1 : i32
      %add3A_864 = arith.addi %mul3A_862, %add3A_863 : i32
      %broadcast_in_dim3A_865 = vector.broadcast %add3A_864 : i32 to vector<16xi32>
      tpu.vector_store_idx %arg14[%iota3A, %broadcast_in_dim3A_865], %parallel_loop3A_855#1 : memref<16x64xf32, #tpu.memory_space<vmem>>[vector<16xi32>, vector<16xi32>], vector<16xf32>,
      tpu.vector_store_idx %arg15[%iota3A, %broadcast_in_dim3A_865], %parallel_loop3A_855#5 : memref<16x64xf32, #tpu.memory_space<vmem>>[vector<16xi32>, vector<16xi32>], vector<16xf32>,
      %mul3A_866 = arith.constant 4 : i32
      %mul3A_867 = arith.muli %add3A_833, %mul3A_866 : i32
      %add3A_868 = arith.constant 2 : i32
      %add3A_869 = arith.addi %mul3A_867, %add3A_868 : i32
      %broadcast_in_dim3A_870 = vector.broadcast %add3A_869 : i32 to vector<16xi32>
      tpu.vector_store_idx %arg14[%iota3A, %broadcast_in_dim3A_870], %parallel_loop3A_855#2 : memref<16x64xf32, #tpu.memory_space<vmem>>[vector<16xi32>, vector<16xi32>], vector<16xf32>,
      tpu.vector_store_idx %arg15[%iota3A, %broadcast_in_dim3A_870], %parallel_loop3A_855#6 : memref<16x64xf32, #tpu.memory_space<vmem>>[vector<16xi32>, vector<16xi32>], vector<16xf32>,
      %mul3A_871 = arith.constant 4 : i32
      %mul3A_872 = arith.muli %add3A_833, %mul3A_871 : i32
      %add3A_873 = arith.constant 3 : i32
      %add3A_874 = arith.addi %mul3A_872, %add3A_873 : i32
      %broadcast_in_dim3A_875 = vector.broadcast %add3A_874 : i32 to vector<16xi32>
      tpu.vector_store_idx %arg14[%iota3A, %broadcast_in_dim3A_875], %parallel_loop3A_855#3 : memref<16x64xf32, #tpu.memory_space<vmem>>[vector<16xi32>, vector<16xi32>], vector<16xf32>,
      tpu.vector_store_idx %arg15[%iota3A, %broadcast_in_dim3A_875], %parallel_loop3A_855#7 : memref<16x64xf32, #tpu.memory_space<vmem>>[vector<16xi32>, vector<16xi32>], vector<16xf32>,
      %add3A_876 = arith.constant 2 : i32
      %add3A_877 = arith.addi %add3A_833, %add3A_876 : i32
      %lt3A_878 = arith.constant 16 : i32
      %lt3A_879 = arith.cmpi slt, %add3A_877, %lt3A_878 : i32
      %convert_element_type3A_880 = arith.extui %lt3A_879 : i1 to i32
      %cond3A_881 = arith.constant 0 : i32
      %cond3A_882 = arith.cmpi ne, %convert_element_type3A_880, %cond3A_881 : i32
      scf.if %cond3A_882 {
        %add3A_884 = arith.constant 2 : i32
        %add3A_885 = arith.addi %add3A_833, %add3A_884 : i32
        %mul3A_886 = arith.constant 4 : i32
        %mul3A_887 = arith.muli %add3A_885, %mul3A_886 : i32
        %add3A_888 = arith.addi %mul3A_100, %mul3A_887 : i32
        %dma_start3A_889 = arith.constant 1 : i32
        %dma_start3A_890 = arith.constant 0 : i32
        %dma_start3A_891 = arith.constant 0 : i32
        %dma_start3A_892 = tpu.memref_slice %arg10[%dma_start3A_889, %dma_start3A_890, %dma_start3A_891] : memref<2x4x4096xf32, #tpu.memory_space<vmem>> -> memref<1x4x4096xf32, #tpu.memory_space<vmem>>
        %dma_start3A_893 = tpu.memref_squeeze %dma_start3A_892 : memref<1x4x4096xf32, #tpu.memory_space<vmem>> -> memref<4x4096xf32, #tpu.memory_space<vmem>>
        %dma_start3A_894 = arith.constant 0 : i32
        %dma_start3A_895 = tpu.memref_slice %arg3[%add3A_888, %dma_start3A_894] : memref<2048x4096xf32, #tpu.memory_space<hbm>> -> memref<4x4096xf32, #tpu.memory_space<hbm>>
        %dma_start3A_896 = arith.constant 0 : i32
        %dma_start3A_897 = arith.constant 0 : i32
        %dma_start3A_898 = tpu.memref_slice %arg10[%dma_start3A_889, %dma_start3A_896, %dma_start3A_897] : memref<2x4x4096xf32, #tpu.memory_space<vmem>> -> memref<1x4x4096xf32, #tpu.memory_space<vmem>>
        %dma_start3A_899 = tpu.memref_squeeze %dma_start3A_898 : memref<1x4x4096xf32, #tpu.memory_space<vmem>> -> memref<4x4096xf32, #tpu.memory_space<vmem>>
        %dma_start3A_900 = arith.constant 0 : i32
        %dma_start3A_901 = tpu.memref_slice %arg3[%add3A_888, %dma_start3A_900] : memref<2048x4096xf32, #tpu.memory_space<hbm>> -> memref<4x4096xf32, #tpu.memory_space<hbm>>
        tpu.enqueue_dma source(%dma_start3A_901 : memref<4x4096xf32, #tpu.memory_space<hbm>>) target(%dma_start3A_899 : memref<4x4096xf32, #tpu.memory_space<vmem>>) target_semaphore(%arg19 : memref<!tpu.dma_semaphore, #tpu.memory_space<semaphore_mem>>)
      } else {
      }
      %scan3A_883 = arith.constant 0 : i32
      scf.yield %scan3A_883 : i32
    }
    %scan3A_137 = arith.constant 8 : i32
    %add3A_138 = arith.constant 0 : i32
    %add3A_139 = arith.addi %add3A_138, %mul3A_100 : i32
    %add3A_140 = arith.constant 0 : i32
    %add3A_141 = arith.addi %add3A_140, %mul3A_100 : i32
    %add3A_142 = arith.constant 2048 : i32
    %add3A_143 = arith.addi %add3A_142, %mul3A_100 : i32
    %add3A_144 = arith.constant 2048 : i32
    %add3A_145 = arith.addi %add3A_144, %mul3A_100 : i32
    %add3A_146 = arith.constant 4096 : i32
    %add3A_147 = arith.addi %add3A_146, %mul3A_100 : i32
    %add3A_148 = arith.constant 4096 : i32
    %add3A_149 = arith.addi %add3A_148, %mul3A_100 : i32
    %add3A_150 = arith.constant 6144 : i32
    %add3A_151 = arith.addi %add3A_150, %mul3A_100 : i32
    %add3A_152 = arith.constant 6144 : i32
    %add3A_153 = arith.addi %add3A_152, %mul3A_100 : i32
    %add3A_154 = arith.constant 8192 : i32
    %add3A_155 = arith.addi %add3A_154, %mul3A_100 : i32
    %add3A_156 = arith.constant 8192 : i32
    %add3A_157 = arith.addi %add3A_156, %mul3A_100 : i32
    %add3A_158 = arith.constant 10240 : i32
    %add3A_159 = arith.addi %add3A_158, %mul3A_100 : i32
    %add3A_160 = arith.constant 10240 : i32
    %add3A_161 = arith.addi %add3A_160, %mul3A_100 : i32
    %add3A_162 = arith.constant 12288 : i32
    %add3A_163 = arith.addi %add3A_162, %mul3A_100 : i32
    %add3A_164 = arith.constant 12288 : i32
    %add3A_165 = arith.addi %add3A_164, %mul3A_100 : i32
    %add3A_166 = arith.constant 14336 : i32
    %add3A_167 = arith.addi %add3A_166, %mul3A_100 : i32
    %add3A_168 = arith.constant 14336 : i32
    %add3A_169 = arith.addi %add3A_168, %mul3A_100 : i32
    %add3A_170 = arith.constant 16384 : i32
    %add3A_171 = arith.addi %add3A_170, %mul3A_100 : i32
    %add3A_172 = arith.constant 16384 : i32
    %add3A_173 = arith.addi %add3A_172, %mul3A_100 : i32
    %add3A_174 = arith.constant 18432 : i32
    %add3A_175 = arith.addi %add3A_174, %mul3A_100 : i32
    %add3A_176 = arith.constant 18432 : i32
    %add3A_177 = arith.addi %add3A_176, %mul3A_100 : i32
    %add3A_178 = arith.constant 20480 : i32
    %add3A_179 = arith.addi %add3A_178, %mul3A_100 : i32
    %add3A_180 = arith.constant 20480 : i32
    %add3A_181 = arith.addi %add3A_180, %mul3A_100 : i32
    %add3A_182 = arith.constant 22528 : i32
    %add3A_183 = arith.addi %add3A_182, %mul3A_100 : i32
    %add3A_184 = arith.constant 22528 : i32
    %add3A_185 = arith.addi %add3A_184, %mul3A_100 : i32
    %add3A_186 = arith.constant 24576 : i32
    %add3A_187 = arith.addi %add3A_186, %mul3A_100 : i32
    %add3A_188 = arith.constant 24576 : i32
    %add3A_189 = arith.addi %add3A_188, %mul3A_100 : i32
    %add3A_190 = arith.constant 26624 : i32
    %add3A_191 = arith.addi %add3A_190, %mul3A_100 : i32
    %add3A_192 = arith.constant 26624 : i32
    %add3A_193 = arith.addi %add3A_192, %mul3A_100 : i32
    %add3A_194 = arith.constant 28672 : i32
    %add3A_195 = arith.addi %add3A_194, %mul3A_100 : i32
    %add3A_196 = arith.constant 28672 : i32
    %add3A_197 = arith.addi %add3A_196, %mul3A_100 : i32
    %add3A_198 = arith.constant 30720 : i32
    %add3A_199 = arith.addi %add3A_198, %mul3A_100 : i32
    %add3A_200 = arith.constant 30720 : i32
    %add3A_201 = arith.addi %add3A_200, %mul3A_100 : i32
    %dma_start3A_202 = arith.constant 0 : i32
    %dma_start3A_203 = arith.constant 0 : i32
    %dma_start3A_204 = tpu.memref_slice %arg14[%dma_start3A_202, %dma_start3A_203] : memref<16x64xf32, #tpu.memory_space<vmem>> -> memref<1x64xf32, #tpu.memory_space<vmem>>
    %dma_start3A_205 = tpu.memref_squeeze %dma_start3A_204 : memref<1x64xf32, #tpu.memory_space<vmem>> -> memref<64xf32, #tpu.memory_space<vmem>>
    %dma_start3A_206 = tpu.memref_slice %arg6[%add3A_139] : memref<32768xf32, #tpu.memory_space<hbm>> -> memref<64xf32, #tpu.memory_space<hbm>>
    %dma_start3A_207 = tpu.memref_slice %arg6[%add3A_139] : memref<32768xf32, #tpu.memory_space<hbm>> -> memref<64xf32, #tpu.memory_space<hbm>>
    %dma_start3A_208 = arith.constant 0 : i32
    %dma_start3A_209 = tpu.memref_slice %arg14[%dma_start3A_202, %dma_start3A_208] : memref<16x64xf32, #tpu.memory_space<vmem>> -> memref<1x64xf32, #tpu.memory_space<vmem>>
    %dma_start3A_210 = tpu.memref_squeeze %dma_start3A_209 : memref<1x64xf32, #tpu.memory_space<vmem>> -> memref<64xf32, #tpu.memory_space<vmem>>
    tpu.enqueue_dma source(%dma_start3A_210 : memref<64xf32, #tpu.memory_space<vmem>>) target(%dma_start3A_207 : memref<64xf32, #tpu.memory_space<hbm>>) target_semaphore(%arg18 : memref<!tpu.dma_semaphore, #tpu.memory_space<semaphore_mem>>)
    %dma_start3A_211 = arith.constant 0 : i32
    %dma_start3A_212 = arith.constant 0 : i32
    %dma_start3A_213 = tpu.memref_slice %arg15[%dma_start3A_211, %dma_start3A_212] : memref<16x64xf32, #tpu.memory_space<vmem>> -> memref<1x64xf32, #tpu.memory_space<vmem>>
    %dma_start3A_214 = tpu.memref_squeeze %dma_start3A_213 : memref<1x64xf32, #tpu.memory_space<vmem>> -> memref<64xf32, #tpu.memory_space<vmem>>
    %dma_start3A_215 = tpu.memref_slice %arg7[%add3A_141] : memref<32768xf32, #tpu.memory_space<hbm>> -> memref<64xf32, #tpu.memory_space<hbm>>
    %dma_start3A_216 = tpu.memref_slice %arg7[%add3A_141] : memref<32768xf32, #tpu.memory_space<hbm>> -> memref<64xf32, #tpu.memory_space<hbm>>
    %dma_start3A_217 = arith.constant 0 : i32
    %dma_start3A_218 = tpu.memref_slice %arg15[%dma_start3A_211, %dma_start3A_217] : memref<16x64xf32, #tpu.memory_space<vmem>> -> memref<1x64xf32, #tpu.memory_space<vmem>>
    %dma_start3A_219 = tpu.memref_squeeze %dma_start3A_218 : memref<1x64xf32, #tpu.memory_space<vmem>> -> memref<64xf32, #tpu.memory_space<vmem>>
    tpu.enqueue_dma source(%dma_start3A_219 : memref<64xf32, #tpu.memory_space<vmem>>) target(%dma_start3A_216 : memref<64xf32, #tpu.memory_space<hbm>>) target_semaphore(%arg19 : memref<!tpu.dma_semaphore, #tpu.memory_space<semaphore_mem>>)
    %dma_start3A_220 = arith.constant 1 : i32
    %dma_start3A_221 = arith.constant 0 : i32
    %dma_start3A_222 = tpu.memref_slice %arg14[%dma_start3A_220, %dma_start3A_221] : memref<16x64xf32, #tpu.memory_space<vmem>> -> memref<1x64xf32, #tpu.memory_space<vmem>>
    %dma_start3A_223 = tpu.memref_squeeze %dma_start3A_222 : memref<1x64xf32, #tpu.memory_space<vmem>> -> memref<64xf32, #tpu.memory_space<vmem>>
    %dma_start3A_224 = tpu.memref_slice %arg6[%add3A_143] : memref<32768xf32, #tpu.memory_space<hbm>> -> memref<64xf32, #tpu.memory_space<hbm>>
    %dma_start3A_225 = tpu.memref_slice %arg6[%add3A_143] : memref<32768xf32, #tpu.memory_space<hbm>> -> memref<64xf32, #tpu.memory_space<hbm>>
    %dma_start3A_226 = arith.constant 0 : i32
    %dma_start3A_227 = tpu.memref_slice %arg14[%dma_start3A_220, %dma_start3A_226] : memref<16x64xf32, #tpu.memory_space<vmem>> -> memref<1x64xf32, #tpu.memory_space<vmem>>
    %dma_start3A_228 = tpu.memref_squeeze %dma_start3A_227 : memref<1x64xf32, #tpu.memory_space<vmem>> -> memref<64xf32, #tpu.memory_space<vmem>>
    tpu.enqueue_dma source(%dma_start3A_228 : memref<64xf32, #tpu.memory_space<vmem>>) target(%dma_start3A_225 : memref<64xf32, #tpu.memory_space<hbm>>) target_semaphore(%arg18 : memref<!tpu.dma_semaphore, #tpu.memory_space<semaphore_mem>>)
    %dma_start3A_229 = arith.constant 1 : i32
    %dma_start3A_230 = arith.constant 0 : i32
    %dma_start3A_231 = tpu.memref_slice %arg15[%dma_start3A_229, %dma_start3A_230] : memref<16x64xf32, #tpu.memory_space<vmem>> -> memref<1x64xf32, #tpu.memory_space<vmem>>
    %dma_start3A_232 = tpu.memref_squeeze %dma_start3A_231 : memref<1x64xf32, #tpu.memory_space<vmem>> -> memref<64xf32, #tpu.memory_space<vmem>>
    %dma_start3A_233 = tpu.memref_slice %arg7[%add3A_145] : memref<32768xf32, #tpu.memory_space<hbm>> -> memref<64xf32, #tpu.memory_space<hbm>>
    %dma_start3A_234 = tpu.memref_slice %arg7[%add3A_145] : memref<32768xf32, #tpu.memory_space<hbm>> -> memref<64xf32, #tpu.memory_space<hbm>>
    %dma_start3A_235 = arith.constant 0 : i32
    %dma_start3A_236 = tpu.memref_slice %arg15[%dma_start3A_229, %dma_start3A_235] : memref<16x64xf32, #tpu.memory_space<vmem>> -> memref<1x64xf32, #tpu.memory_space<vmem>>
    %dma_start3A_237 = tpu.memref_squeeze %dma_start3A_236 : memref<1x64xf32, #tpu.memory_space<vmem>> -> memref<64xf32, #tpu.memory_space<vmem>>
    tpu.enqueue_dma source(%dma_start3A_237 : memref<64xf32, #tpu.memory_space<vmem>>) target(%dma_start3A_234 : memref<64xf32, #tpu.memory_space<hbm>>) target_semaphore(%arg19 : memref<!tpu.dma_semaphore, #tpu.memory_space<semaphore_mem>>)
    %dma_start3A_238 = arith.constant 2 : i32
    %dma_start3A_239 = arith.constant 0 : i32
    %dma_start3A_240 = tpu.memref_slice %arg14[%dma_start3A_238, %dma_start3A_239] : memref<16x64xf32, #tpu.memory_space<vmem>> -> memref<1x64xf32, #tpu.memory_space<vmem>>
    %dma_start3A_241 = tpu.memref_squeeze %dma_start3A_240 : memref<1x64xf32, #tpu.memory_space<vmem>> -> memref<64xf32, #tpu.memory_space<vmem>>
    %dma_start3A_242 = tpu.memref_slice %arg6[%add3A_147] : memref<32768xf32, #tpu.memory_space<hbm>> -> memref<64xf32, #tpu.memory_space<hbm>>
    %dma_start3A_243 = tpu.memref_slice %arg6[%add3A_147] : memref<32768xf32, #tpu.memory_space<hbm>> -> memref<64xf32, #tpu.memory_space<hbm>>
    %dma_start3A_244 = arith.constant 0 : i32
    %dma_start3A_245 = tpu.memref_slice %arg14[%dma_start3A_238, %dma_start3A_244] : memref<16x64xf32, #tpu.memory_space<vmem>> -> memref<1x64xf32, #tpu.memory_space<vmem>>
    %dma_start3A_246 = tpu.memref_squeeze %dma_start3A_245 : memref<1x64xf32, #tpu.memory_space<vmem>> -> memref<64xf32, #tpu.memory_space<vmem>>
    tpu.enqueue_dma source(%dma_start3A_246 : memref<64xf32, #tpu.memory_space<vmem>>) target(%dma_start3A_243 : memref<64xf32, #tpu.memory_space<hbm>>) target_semaphore(%arg18 : memref<!tpu.dma_semaphore, #tpu.memory_space<semaphore_mem>>)
    %dma_start3A_247 = arith.constant 2 : i32
    %dma_start3A_248 = arith.constant 0 : i32
    %dma_start3A_249 = tpu.memref_slice %arg15[%dma_start3A_247, %dma_start3A_248] : memref<16x64xf32, #tpu.memory_space<vmem>> -> memref<1x64xf32, #tpu.memory_space<vmem>>
    %dma_start3A_250 = tpu.memref_squeeze %dma_start3A_249 : memref<1x64xf32, #tpu.memory_space<vmem>> -> memref<64xf32, #tpu.memory_space<vmem>>
    %dma_start3A_251 = tpu.memref_slice %arg7[%add3A_149] : memref<32768xf32, #tpu.memory_space<hbm>> -> memref<64xf32, #tpu.memory_space<hbm>>
    %dma_start3A_252 = tpu.memref_slice %arg7[%add3A_149] : memref<32768xf32, #tpu.memory_space<hbm>> -> memref<64xf32, #tpu.memory_space<hbm>>
    %dma_start3A_253 = arith.constant 0 : i32
    %dma_start3A_254 = tpu.memref_slice %arg15[%dma_start3A_247, %dma_start3A_253] : memref<16x64xf32, #tpu.memory_space<vmem>> -> memref<1x64xf32, #tpu.memory_space<vmem>>
    %dma_start3A_255 = tpu.memref_squeeze %dma_start3A_254 : memref<1x64xf32, #tpu.memory_space<vmem>> -> memref<64xf32, #tpu.memory_space<vmem>>
    tpu.enqueue_dma source(%dma_start3A_255 : memref<64xf32, #tpu.memory_space<vmem>>) target(%dma_start3A_252 : memref<64xf32, #tpu.memory_space<hbm>>) target_semaphore(%arg19 : memref<!tpu.dma_semaphore, #tpu.memory_space<semaphore_mem>>)
    %dma_start3A_256 = arith.constant 3 : i32
    %dma_start3A_257 = arith.constant 0 : i32
    %dma_start3A_258 = tpu.memref_slice %arg14[%dma_start3A_256, %dma_start3A_257] : memref<16x64xf32, #tpu.memory_space<vmem>> -> memref<1x64xf32, #tpu.memory_space<vmem>>
    %dma_start3A_259 = tpu.memref_squeeze %dma_start3A_258 : memref<1x64xf32, #tpu.memory_space<vmem>> -> memref<64xf32, #tpu.memory_space<vmem>>
    %dma_start3A_260 = tpu.memref_slice %arg6[%add3A_151] : memref<32768xf32, #tpu.memory_space<hbm>> -> memref<64xf32, #tpu.memory_space<hbm>>
    %dma_start3A_261 = tpu.memref_slice %arg6[%add3A_151] : memref<32768xf32, #tpu.memory_space<hbm>> -> memref<64xf32, #tpu.memory_space<hbm>>
    %dma_start3A_262 = arith.constant 0 : i32
    %dma_start3A_263 = tpu.memref_slice %arg14[%dma_start3A_256, %dma_start3A_262] : memref<16x64xf32, #tpu.memory_space<vmem>> -> memref<1x64xf32, #tpu.memory_space<vmem>>
    %dma_start3A_264 = tpu.memref_squeeze %dma_start3A_263 : memref<1x64xf32, #tpu.memory_space<vmem>> -> memref<64xf32, #tpu.memory_space<vmem>>
    tpu.enqueue_dma source(%dma_start3A_264 : memref<64xf32, #tpu.memory_space<vmem>>) target(%dma_start3A_261 : memref<64xf32, #tpu.memory_space<hbm>>) target_semaphore(%arg18 : memref<!tpu.dma_semaphore, #tpu.memory_space<semaphore_mem>>)
    %dma_start3A_265 = arith.constant 3 : i32
    %dma_start3A_266 = arith.constant 0 : i32
    %dma_start3A_267 = tpu.memref_slice %arg15[%dma_start3A_265, %dma_start3A_266] : memref<16x64xf32, #tpu.memory_space<vmem>> -> memref<1x64xf32, #tpu.memory_space<vmem>>
    %dma_start3A_268 = tpu.memref_squeeze %dma_start3A_267 : memref<1x64xf32, #tpu.memory_space<vmem>> -> memref<64xf32, #tpu.memory_space<vmem>>
    %dma_start3A_269 = tpu.memref_slice %arg7[%add3A_153] : memref<32768xf32, #tpu.memory_space<hbm>> -> memref<64xf32, #tpu.memory_space<hbm>>
    %dma_start3A_270 = tpu.memref_slice %arg7[%add3A_153] : memref<32768xf32, #tpu.memory_space<hbm>> -> memref<64xf32, #tpu.memory_space<hbm>>
    %dma_start3A_271 = arith.constant 0 : i32
    %dma_start3A_272 = tpu.memref_slice %arg15[%dma_start3A_265, %dma_start3A_271] : memref<16x64xf32, #tpu.memory_space<vmem>> -> memref<1x64xf32, #tpu.memory_space<vmem>>
    %dma_start3A_273 = tpu.memref_squeeze %dma_start3A_272 : memref<1x64xf32, #tpu.memory_space<vmem>> -> memref<64xf32, #tpu.memory_space<vmem>>
    tpu.enqueue_dma source(%dma_start3A_273 : memref<64xf32, #tpu.memory_space<vmem>>) target(%dma_start3A_270 : memref<64xf32, #tpu.memory_space<hbm>>) target_semaphore(%arg19 : memref<!tpu.dma_semaphore, #tpu.memory_space<semaphore_mem>>)
    %dma_start3A_274 = arith.constant 4 : i32
    %dma_start3A_275 = arith.constant 0 : i32
    %dma_start3A_276 = tpu.memref_slice %arg14[%dma_start3A_274, %dma_start3A_275] : memref<16x64xf32, #tpu.memory_space<vmem>> -> memref<1x64xf32, #tpu.memory_space<vmem>>
    %dma_start3A_277 = tpu.memref_squeeze %dma_start3A_276 : memref<1x64xf32, #tpu.memory_space<vmem>> -> memref<64xf32, #tpu.memory_space<vmem>>
    %dma_start3A_278 = tpu.memref_slice %arg6[%add3A_155] : memref<32768xf32, #tpu.memory_space<hbm>> -> memref<64xf32, #tpu.memory_space<hbm>>
    %dma_start3A_279 = tpu.memref_slice %arg6[%add3A_155] : memref<32768xf32, #tpu.memory_space<hbm>> -> memref<64xf32, #tpu.memory_space<hbm>>
    %dma_start3A_280 = arith.constant 0 : i32
    %dma_start3A_281 = tpu.memref_slice %arg14[%dma_start3A_274, %dma_start3A_280] : memref<16x64xf32, #tpu.memory_space<vmem>> -> memref<1x64xf32, #tpu.memory_space<vmem>>
    %dma_start3A_282 = tpu.memref_squeeze %dma_start3A_281 : memref<1x64xf32, #tpu.memory_space<vmem>> -> memref<64xf32, #tpu.memory_space<vmem>>
    tpu.enqueue_dma source(%dma_start3A_282 : memref<64xf32, #tpu.memory_space<vmem>>) target(%dma_start3A_279 : memref<64xf32, #tpu.memory_space<hbm>>) target_semaphore(%arg18 : memref<!tpu.dma_semaphore, #tpu.memory_space<semaphore_mem>>)
    %dma_start3A_283 = arith.constant 4 : i32
    %dma_start3A_284 = arith.constant 0 : i32
    %dma_start3A_285 = tpu.memref_slice %arg15[%dma_start3A_283, %dma_start3A_284] : memref<16x64xf32, #tpu.memory_space<vmem>> -> memref<1x64xf32, #tpu.memory_space<vmem>>
    %dma_start3A_286 = tpu.memref_squeeze %dma_start3A_285 : memref<1x64xf32, #tpu.memory_space<vmem>> -> memref<64xf32, #tpu.memory_space<vmem>>
    %dma_start3A_287 = tpu.memref_slice %arg7[%add3A_157] : memref<32768xf32, #tpu.memory_space<hbm>> -> memref<64xf32, #tpu.memory_space<hbm>>
    %dma_start3A_288 = tpu.memref_slice %arg7[%add3A_157] : memref<32768xf32, #tpu.memory_space<hbm>> -> memref<64xf32, #tpu.memory_space<hbm>>
    %dma_start3A_289 = arith.constant 0 : i32
    %dma_start3A_290 = tpu.memref_slice %arg15[%dma_start3A_283, %dma_start3A_289] : memref<16x64xf32, #tpu.memory_space<vmem>> -> memref<1x64xf32, #tpu.memory_space<vmem>>
    %dma_start3A_291 = tpu.memref_squeeze %dma_start3A_290 : memref<1x64xf32, #tpu.memory_space<vmem>> -> memref<64xf32, #tpu.memory_space<vmem>>
    tpu.enqueue_dma source(%dma_start3A_291 : memref<64xf32, #tpu.memory_space<vmem>>) target(%dma_start3A_288 : memref<64xf32, #tpu.memory_space<hbm>>) target_semaphore(%arg19 : memref<!tpu.dma_semaphore, #tpu.memory_space<semaphore_mem>>)
    %dma_start3A_292 = arith.constant 5 : i32
    %dma_start3A_293 = arith.constant 0 : i32
    %dma_start3A_294 = tpu.memref_slice %arg14[%dma_start3A_292, %dma_start3A_293] : memref<16x64xf32, #tpu.memory_space<vmem>> -> memref<1x64xf32, #tpu.memory_space<vmem>>
    %dma_start3A_295 = tpu.memref_squeeze %dma_start3A_294 : memref<1x64xf32, #tpu.memory_space<vmem>> -> memref<64xf32, #tpu.memory_space<vmem>>
    %dma_start3A_296 = tpu.memref_slice %arg6[%add3A_159] : memref<32768xf32, #tpu.memory_space<hbm>> -> memref<64xf32, #tpu.memory_space<hbm>>
    %dma_start3A_297 = tpu.memref_slice %arg6[%add3A_159] : memref<32768xf32, #tpu.memory_space<hbm>> -> memref<64xf32, #tpu.memory_space<hbm>>
    %dma_start3A_298 = arith.constant 0 : i32
    %dma_start3A_299 = tpu.memref_slice %arg14[%dma_start3A_292, %dma_start3A_298] : memref<16x64xf32, #tpu.memory_space<vmem>> -> memref<1x64xf32, #tpu.memory_space<vmem>>
    %dma_start3A_300 = tpu.memref_squeeze %dma_start3A_299 : memref<1x64xf32, #tpu.memory_space<vmem>> -> memref<64xf32, #tpu.memory_space<vmem>>
    tpu.enqueue_dma source(%dma_start3A_300 : memref<64xf32, #tpu.memory_space<vmem>>) target(%dma_start3A_297 : memref<64xf32, #tpu.memory_space<hbm>>) target_semaphore(%arg18 : memref<!tpu.dma_semaphore, #tpu.memory_space<semaphore_mem>>)
    %dma_start3A_301 = arith.constant 5 : i32
    %dma_start3A_302 = arith.constant 0 : i32
    %dma_start3A_303 = tpu.memref_slice %arg15[%dma_start3A_301, %dma_start3A_302] : memref<16x64xf32, #tpu.memory_space<vmem>> -> memref<1x64xf32, #tpu.memory_space<vmem>>
    %dma_start3A_304 = tpu.memref_squeeze %dma_start3A_303 : memref<1x64xf32, #tpu.memory_space<vmem>> -> memref<64xf32, #tpu.memory_space<vmem>>
    %dma_start3A_305 = tpu.memref_slice %arg7[%add3A_161] : memref<32768xf32, #tpu.memory_space<hbm>> -> memref<64xf32, #tpu.memory_space<hbm>>
    %dma_start3A_306 = tpu.memref_slice %arg7[%add3A_161] : memref<32768xf32, #tpu.memory_space<hbm>> -> memref<64xf32, #tpu.memory_space<hbm>>
    %dma_start3A_307 = arith.constant 0 : i32
    %dma_start3A_308 = tpu.memref_slice %arg15[%dma_start3A_301, %dma_start3A_307] : memref<16x64xf32, #tpu.memory_space<vmem>> -> memref<1x64xf32, #tpu.memory_space<vmem>>
    %dma_start3A_309 = tpu.memref_squeeze %dma_start3A_308 : memref<1x64xf32, #tpu.memory_space<vmem>> -> memref<64xf32, #tpu.memory_space<vmem>>
    tpu.enqueue_dma source(%dma_start3A_309 : memref<64xf32, #tpu.memory_space<vmem>>) target(%dma_start3A_306 : memref<64xf32, #tpu.memory_space<hbm>>) target_semaphore(%arg19 : memref<!tpu.dma_semaphore, #tpu.memory_space<semaphore_mem>>)
    %dma_start3A_310 = arith.constant 6 : i32
    %dma_start3A_311 = arith.constant 0 : i32
    %dma_start3A_312 = tpu.memref_slice %arg14[%dma_start3A_310, %dma_start3A_311] : memref<16x64xf32, #tpu.memory_space<vmem>> -> memref<1x64xf32, #tpu.memory_space<vmem>>
    %dma_start3A_313 = tpu.memref_squeeze %dma_start3A_312 : memref<1x64xf32, #tpu.memory_space<vmem>> -> memref<64xf32, #tpu.memory_space<vmem>>
    %dma_start3A_314 = tpu.memref_slice %arg6[%add3A_163] : memref<32768xf32, #tpu.memory_space<hbm>> -> memref<64xf32, #tpu.memory_space<hbm>>
    %dma_start3A_315 = tpu.memref_slice %arg6[%add3A_163] : memref<32768xf32, #tpu.memory_space<hbm>> -> memref<64xf32, #tpu.memory_space<hbm>>
    %dma_start3A_316 = arith.constant 0 : i32
    %dma_start3A_317 = tpu.memref_slice %arg14[%dma_start3A_310, %dma_start3A_316] : memref<16x64xf32, #tpu.memory_space<vmem>> -> memref<1x64xf32, #tpu.memory_space<vmem>>
    %dma_start3A_318 = tpu.memref_squeeze %dma_start3A_317 : memref<1x64xf32, #tpu.memory_space<vmem>> -> memref<64xf32, #tpu.memory_space<vmem>>
    tpu.enqueue_dma source(%dma_start3A_318 : memref<64xf32, #tpu.memory_space<vmem>>) target(%dma_start3A_315 : memref<64xf32, #tpu.memory_space<hbm>>) target_semaphore(%arg18 : memref<!tpu.dma_semaphore, #tpu.memory_space<semaphore_mem>>)
    %dma_start3A_319 = arith.constant 6 : i32
    %dma_start3A_320 = arith.constant 0 : i32
    %dma_start3A_321 = tpu.memref_slice %arg15[%dma_start3A_319, %dma_start3A_320] : memref<16x64xf32, #tpu.memory_space<vmem>> -> memref<1x64xf32, #tpu.memory_space<vmem>>
    %dma_start3A_322 = tpu.memref_squeeze %dma_start3A_321 : memref<1x64xf32, #tpu.memory_space<vmem>> -> memref<64xf32, #tpu.memory_space<vmem>>
    %dma_start3A_323 = tpu.memref_slice %arg7[%add3A_165] : memref<32768xf32, #tpu.memory_space<hbm>> -> memref<64xf32, #tpu.memory_space<hbm>>
    %dma_start3A_324 = tpu.memref_slice %arg7[%add3A_165] : memref<32768xf32, #tpu.memory_space<hbm>> -> memref<64xf32, #tpu.memory_space<hbm>>
    %dma_start3A_325 = arith.constant 0 : i32
    %dma_start3A_326 = tpu.memref_slice %arg15[%dma_start3A_319, %dma_start3A_325] : memref<16x64xf32, #tpu.memory_space<vmem>> -> memref<1x64xf32, #tpu.memory_space<vmem>>
    %dma_start3A_327 = tpu.memref_squeeze %dma_start3A_326 : memref<1x64xf32, #tpu.memory_space<vmem>> -> memref<64xf32, #tpu.memory_space<vmem>>
    tpu.enqueue_dma source(%dma_start3A_327 : memref<64xf32, #tpu.memory_space<vmem>>) target(%dma_start3A_324 : memref<64xf32, #tpu.memory_space<hbm>>) target_semaphore(%arg19 : memref<!tpu.dma_semaphore, #tpu.memory_space<semaphore_mem>>)
    %dma_start3A_328 = arith.constant 7 : i32
    %dma_start3A_329 = arith.constant 0 : i32
    %dma_start3A_330 = tpu.memref_slice %arg14[%dma_start3A_328, %dma_start3A_329] : memref<16x64xf32, #tpu.memory_space<vmem>> -> memref<1x64xf32, #tpu.memory_space<vmem>>
    %dma_start3A_331 = tpu.memref_squeeze %dma_start3A_330 : memref<1x64xf32, #tpu.memory_space<vmem>> -> memref<64xf32, #tpu.memory_space<vmem>>
    %dma_start3A_332 = tpu.memref_slice %arg6[%add3A_167] : memref<32768xf32, #tpu.memory_space<hbm>> -> memref<64xf32, #tpu.memory_space<hbm>>
    %dma_start3A_333 = tpu.memref_slice %arg6[%add3A_167] : memref<32768xf32, #tpu.memory_space<hbm>> -> memref<64xf32, #tpu.memory_space<hbm>>
    %dma_start3A_334 = arith.constant 0 : i32
    %dma_start3A_335 = tpu.memref_slice %arg14[%dma_start3A_328, %dma_start3A_334] : memref<16x64xf32, #tpu.memory_space<vmem>> -> memref<1x64xf32, #tpu.memory_space<vmem>>
    %dma_start3A_336 = tpu.memref_squeeze %dma_start3A_335 : memref<1x64xf32, #tpu.memory_space<vmem>> -> memref<64xf32, #tpu.memory_space<vmem>>
    tpu.enqueue_dma source(%dma_start3A_336 : memref<64xf32, #tpu.memory_space<vmem>>) target(%dma_start3A_333 : memref<64xf32, #tpu.memory_space<hbm>>) target_semaphore(%arg18 : memref<!tpu.dma_semaphore, #tpu.memory_space<semaphore_mem>>)
    %dma_start3A_337 = arith.constant 7 : i32
    %dma_start3A_338 = arith.constant 0 : i32
    %dma_start3A_339 = tpu.memref_slice %arg15[%dma_start3A_337, %dma_start3A_338] : memref<16x64xf32, #tpu.memory_space<vmem>> -> memref<1x64xf32, #tpu.memory_space<vmem>>
    %dma_start3A_340 = tpu.memref_squeeze %dma_start3A_339 : memref<1x64xf32, #tpu.memory_space<vmem>> -> memref<64xf32, #tpu.memory_space<vmem>>
    %dma_start3A_341 = tpu.memref_slice %arg7[%add3A_169] : memref<32768xf32, #tpu.memory_space<hbm>> -> memref<64xf32, #tpu.memory_space<hbm>>
    %dma_start3A_342 = tpu.memref_slice %arg7[%add3A_169] : memref<32768xf32, #tpu.memory_space<hbm>> -> memref<64xf32, #tpu.memory_space<hbm>>
    %dma_start3A_343 = arith.constant 0 : i32
    %dma_start3A_344 = tpu.memref_slice %arg15[%dma_start3A_337, %dma_start3A_343] : memref<16x64xf32, #tpu.memory_space<vmem>> -> memref<1x64xf32, #tpu.memory_space<vmem>>
    %dma_start3A_345 = tpu.memref_squeeze %dma_start3A_344 : memref<1x64xf32, #tpu.memory_space<vmem>> -> memref<64xf32, #tpu.memory_space<vmem>>
    tpu.enqueue_dma source(%dma_start3A_345 : memref<64xf32, #tpu.memory_space<vmem>>) target(%dma_start3A_342 : memref<64xf32, #tpu.memory_space<hbm>>) target_semaphore(%arg19 : memref<!tpu.dma_semaphore, #tpu.memory_space<semaphore_mem>>)
    %dma_start3A_346 = arith.constant 8 : i32
    %dma_start3A_347 = arith.constant 0 : i32
    %dma_start3A_348 = tpu.memref_slice %arg14[%dma_start3A_346, %dma_start3A_347] : memref<16x64xf32, #tpu.memory_space<vmem>> -> memref<1x64xf32, #tpu.memory_space<vmem>>
    %dma_start3A_349 = tpu.memref_squeeze %dma_start3A_348 : memref<1x64xf32, #tpu.memory_space<vmem>> -> memref<64xf32, #tpu.memory_space<vmem>>
    %dma_start3A_350 = tpu.memref_slice %arg6[%add3A_171] : memref<32768xf32, #tpu.memory_space<hbm>> -> memref<64xf32, #tpu.memory_space<hbm>>
    %dma_start3A_351 = tpu.memref_slice %arg6[%add3A_171] : memref<32768xf32, #tpu.memory_space<hbm>> -> memref<64xf32, #tpu.memory_space<hbm>>
    %dma_start3A_352 = arith.constant 0 : i32
    %dma_start3A_353 = tpu.memref_slice %arg14[%dma_start3A_346, %dma_start3A_352] : memref<16x64xf32, #tpu.memory_space<vmem>> -> memref<1x64xf32, #tpu.memory_space<vmem>>
    %dma_start3A_354 = tpu.memref_squeeze %dma_start3A_353 : memref<1x64xf32, #tpu.memory_space<vmem>> -> memref<64xf32, #tpu.memory_space<vmem>>
    tpu.enqueue_dma source(%dma_start3A_354 : memref<64xf32, #tpu.memory_space<vmem>>) target(%dma_start3A_351 : memref<64xf32, #tpu.memory_space<hbm>>) target_semaphore(%arg18 : memref<!tpu.dma_semaphore, #tpu.memory_space<semaphore_mem>>)
    %dma_start3A_355 = arith.constant 8 : i32
    %dma_start3A_356 = arith.constant 0 : i32
    %dma_start3A_357 = tpu.memref_slice %arg15[%dma_start3A_355, %dma_start3A_356] : memref<16x64xf32, #tpu.memory_space<vmem>> -> memref<1x64xf32, #tpu.memory_space<vmem>>
    %dma_start3A_358 = tpu.memref_squeeze %dma_start3A_357 : memref<1x64xf32, #tpu.memory_space<vmem>> -> memref<64xf32, #tpu.memory_space<vmem>>
    %dma_start3A_359 = tpu.memref_slice %arg7[%add3A_173] : memref<32768xf32, #tpu.memory_space<hbm>> -> memref<64xf32, #tpu.memory_space<hbm>>
    %dma_start3A_360 = tpu.memref_slice %arg7[%add3A_173] : memref<32768xf32, #tpu.memory_space<hbm>> -> memref<64xf32, #tpu.memory_space<hbm>>
    %dma_start3A_361 = arith.constant 0 : i32
    %dma_start3A_362 = tpu.memref_slice %arg15[%dma_start3A_355, %dma_start3A_361] : memref<16x64xf32, #tpu.memory_space<vmem>> -> memref<1x64xf32, #tpu.memory_space<vmem>>
    %dma_start3A_363 = tpu.memref_squeeze %dma_start3A_362 : memref<1x64xf32, #tpu.memory_space<vmem>> -> memref<64xf32, #tpu.memory_space<vmem>>
    tpu.enqueue_dma source(%dma_start3A_363 : memref<64xf32, #tpu.memory_space<vmem>>) target(%dma_start3A_360 : memref<64xf32, #tpu.memory_space<hbm>>) target_semaphore(%arg19 : memref<!tpu.dma_semaphore, #tpu.memory_space<semaphore_mem>>)
    %dma_start3A_364 = arith.constant 9 : i32
    %dma_start3A_365 = arith.constant 0 : i32
    %dma_start3A_366 = tpu.memref_slice %arg14[%dma_start3A_364, %dma_start3A_365] : memref<16x64xf32, #tpu.memory_space<vmem>> -> memref<1x64xf32, #tpu.memory_space<vmem>>
    %dma_start3A_367 = tpu.memref_squeeze %dma_start3A_366 : memref<1x64xf32, #tpu.memory_space<vmem>> -> memref<64xf32, #tpu.memory_space<vmem>>
    %dma_start3A_368 = tpu.memref_slice %arg6[%add3A_175] : memref<32768xf32, #tpu.memory_space<hbm>> -> memref<64xf32, #tpu.memory_space<hbm>>
    %dma_start3A_369 = tpu.memref_slice %arg6[%add3A_175] : memref<32768xf32, #tpu.memory_space<hbm>> -> memref<64xf32, #tpu.memory_space<hbm>>
    %dma_start3A_370 = arith.constant 0 : i32
    %dma_start3A_371 = tpu.memref_slice %arg14[%dma_start3A_364, %dma_start3A_370] : memref<16x64xf32, #tpu.memory_space<vmem>> -> memref<1x64xf32, #tpu.memory_space<vmem>>
    %dma_start3A_372 = tpu.memref_squeeze %dma_start3A_371 : memref<1x64xf32, #tpu.memory_space<vmem>> -> memref<64xf32, #tpu.memory_space<vmem>>
    tpu.enqueue_dma source(%dma_start3A_372 : memref<64xf32, #tpu.memory_space<vmem>>) target(%dma_start3A_369 : memref<64xf32, #tpu.memory_space<hbm>>) target_semaphore(%arg18 : memref<!tpu.dma_semaphore, #tpu.memory_space<semaphore_mem>>)
    %dma_start3A_373 = arith.constant 9 : i32
    %dma_start3A_374 = arith.constant 0 : i32
    %dma_start3A_375 = tpu.memref_slice %arg15[%dma_start3A_373, %dma_start3A_374] : memref<16x64xf32, #tpu.memory_space<vmem>> -> memref<1x64xf32, #tpu.memory_space<vmem>>
    %dma_start3A_376 = tpu.memref_squeeze %dma_start3A_375 : memref<1x64xf32, #tpu.memory_space<vmem>> -> memref<64xf32, #tpu.memory_space<vmem>>
    %dma_start3A_377 = tpu.memref_slice %arg7[%add3A_177] : memref<32768xf32, #tpu.memory_space<hbm>> -> memref<64xf32, #tpu.memory_space<hbm>>
    %dma_start3A_378 = tpu.memref_slice %arg7[%add3A_177] : memref<32768xf32, #tpu.memory_space<hbm>> -> memref<64xf32, #tpu.memory_space<hbm>>
    %dma_start3A_379 = arith.constant 0 : i32
    %dma_start3A_380 = tpu.memref_slice %arg15[%dma_start3A_373, %dma_start3A_379] : memref<16x64xf32, #tpu.memory_space<vmem>> -> memref<1x64xf32, #tpu.memory_space<vmem>>
    %dma_start3A_381 = tpu.memref_squeeze %dma_start3A_380 : memref<1x64xf32, #tpu.memory_space<vmem>> -> memref<64xf32, #tpu.memory_space<vmem>>
    tpu.enqueue_dma source(%dma_start3A_381 : memref<64xf32, #tpu.memory_space<vmem>>) target(%dma_start3A_378 : memref<64xf32, #tpu.memory_space<hbm>>) target_semaphore(%arg19 : memref<!tpu.dma_semaphore, #tpu.memory_space<semaphore_mem>>)
    %dma_start3A_382 = arith.constant 10 : i32
    %dma_start3A_383 = arith.constant 0 : i32
    %dma_start3A_384 = tpu.memref_slice %arg14[%dma_start3A_382, %dma_start3A_383] : memref<16x64xf32, #tpu.memory_space<vmem>> -> memref<1x64xf32, #tpu.memory_space<vmem>>
    %dma_start3A_385 = tpu.memref_squeeze %dma_start3A_384 : memref<1x64xf32, #tpu.memory_space<vmem>> -> memref<64xf32, #tpu.memory_space<vmem>>
    %dma_start3A_386 = tpu.memref_slice %arg6[%add3A_179] : memref<32768xf32, #tpu.memory_space<hbm>> -> memref<64xf32, #tpu.memory_space<hbm>>
    %dma_start3A_387 = tpu.memref_slice %arg6[%add3A_179] : memref<32768xf32, #tpu.memory_space<hbm>> -> memref<64xf32, #tpu.memory_space<hbm>>
    %dma_start3A_388 = arith.constant 0 : i32
    %dma_start3A_389 = tpu.memref_slice %arg14[%dma_start3A_382, %dma_start3A_388] : memref<16x64xf32, #tpu.memory_space<vmem>> -> memref<1x64xf32, #tpu.memory_space<vmem>>
    %dma_start3A_390 = tpu.memref_squeeze %dma_start3A_389 : memref<1x64xf32, #tpu.memory_space<vmem>> -> memref<64xf32, #tpu.memory_space<vmem>>
    tpu.enqueue_dma source(%dma_start3A_390 : memref<64xf32, #tpu.memory_space<vmem>>) target(%dma_start3A_387 : memref<64xf32, #tpu.memory_space<hbm>>) target_semaphore(%arg18 : memref<!tpu.dma_semaphore, #tpu.memory_space<semaphore_mem>>)
    %dma_start3A_391 = arith.constant 10 : i32
    %dma_start3A_392 = arith.constant 0 : i32
    %dma_start3A_393 = tpu.memref_slice %arg15[%dma_start3A_391, %dma_start3A_392] : memref<16x64xf32, #tpu.memory_space<vmem>> -> memref<1x64xf32, #tpu.memory_space<vmem>>
    %dma_start3A_394 = tpu.memref_squeeze %dma_start3A_393 : memref<1x64xf32, #tpu.memory_space<vmem>> -> memref<64xf32, #tpu.memory_space<vmem>>
    %dma_start3A_395 = tpu.memref_slice %arg7[%add3A_181] : memref<32768xf32, #tpu.memory_space<hbm>> -> memref<64xf32, #tpu.memory_space<hbm>>
    %dma_start3A_396 = tpu.memref_slice %arg7[%add3A_181] : memref<32768xf32, #tpu.memory_space<hbm>> -> memref<64xf32, #tpu.memory_space<hbm>>
    %dma_start3A_397 = arith.constant 0 : i32
    %dma_start3A_398 = tpu.memref_slice %arg15[%dma_start3A_391, %dma_start3A_397] : memref<16x64xf32, #tpu.memory_space<vmem>> -> memref<1x64xf32, #tpu.memory_space<vmem>>
    %dma_start3A_399 = tpu.memref_squeeze %dma_start3A_398 : memref<1x64xf32, #tpu.memory_space<vmem>> -> memref<64xf32, #tpu.memory_space<vmem>>
    tpu.enqueue_dma source(%dma_start3A_399 : memref<64xf32, #tpu.memory_space<vmem>>) target(%dma_start3A_396 : memref<64xf32, #tpu.memory_space<hbm>>) target_semaphore(%arg19 : memref<!tpu.dma_semaphore, #tpu.memory_space<semaphore_mem>>)
    %dma_start3A_400 = arith.constant 11 : i32
    %dma_start3A_401 = arith.constant 0 : i32
    %dma_start3A_402 = tpu.memref_slice %arg14[%dma_start3A_400, %dma_start3A_401] : memref<16x64xf32, #tpu.memory_space<vmem>> -> memref<1x64xf32, #tpu.memory_space<vmem>>
    %dma_start3A_403 = tpu.memref_squeeze %dma_start3A_402 : memref<1x64xf32, #tpu.memory_space<vmem>> -> memref<64xf32, #tpu.memory_space<vmem>>
    %dma_start3A_404 = tpu.memref_slice %arg6[%add3A_183] : memref<32768xf32, #tpu.memory_space<hbm>> -> memref<64xf32, #tpu.memory_space<hbm>>
    %dma_start3A_405 = tpu.memref_slice %arg6[%add3A_183] : memref<32768xf32, #tpu.memory_space<hbm>> -> memref<64xf32, #tpu.memory_space<hbm>>
    %dma_start3A_406 = arith.constant 0 : i32
    %dma_start3A_407 = tpu.memref_slice %arg14[%dma_start3A_400, %dma_start3A_406] : memref<16x64xf32, #tpu.memory_space<vmem>> -> memref<1x64xf32, #tpu.memory_space<vmem>>
    %dma_start3A_408 = tpu.memref_squeeze %dma_start3A_407 : memref<1x64xf32, #tpu.memory_space<vmem>> -> memref<64xf32, #tpu.memory_space<vmem>>
    tpu.enqueue_dma source(%dma_start3A_408 : memref<64xf32, #tpu.memory_space<vmem>>) target(%dma_start3A_405 : memref<64xf32, #tpu.memory_space<hbm>>) target_semaphore(%arg18 : memref<!tpu.dma_semaphore, #tpu.memory_space<semaphore_mem>>)
    %dma_start3A_409 = arith.constant 11 : i32
    %dma_start3A_410 = arith.constant 0 : i32
    %dma_start3A_411 = tpu.memref_slice %arg15[%dma_start3A_409, %dma_start3A_410] : memref<16x64xf32, #tpu.memory_space<vmem>> -> memref<1x64xf32, #tpu.memory_space<vmem>>
    %dma_start3A_412 = tpu.memref_squeeze %dma_start3A_411 : memref<1x64xf32, #tpu.memory_space<vmem>> -> memref<64xf32, #tpu.memory_space<vmem>>
    %dma_start3A_413 = tpu.memref_slice %arg7[%add3A_185] : memref<32768xf32, #tpu.memory_space<hbm>> -> memref<64xf32, #tpu.memory_space<hbm>>
    %dma_start3A_414 = tpu.memref_slice %arg7[%add3A_185] : memref<32768xf32, #tpu.memory_space<hbm>> -> memref<64xf32, #tpu.memory_space<hbm>>
    %dma_start3A_415 = arith.constant 0 : i32
    %dma_start3A_416 = tpu.memref_slice %arg15[%dma_start3A_409, %dma_start3A_415] : memref<16x64xf32, #tpu.memory_space<vmem>> -> memref<1x64xf32, #tpu.memory_space<vmem>>
    %dma_start3A_417 = tpu.memref_squeeze %dma_start3A_416 : memref<1x64xf32, #tpu.memory_space<vmem>> -> memref<64xf32, #tpu.memory_space<vmem>>
    tpu.enqueue_dma source(%dma_start3A_417 : memref<64xf32, #tpu.memory_space<vmem>>) target(%dma_start3A_414 : memref<64xf32, #tpu.memory_space<hbm>>) target_semaphore(%arg19 : memref<!tpu.dma_semaphore, #tpu.memory_space<semaphore_mem>>)
    %dma_start3A_418 = arith.constant 12 : i32
    %dma_start3A_419 = arith.constant 0 : i32
    %dma_start3A_420 = tpu.memref_slice %arg14[%dma_start3A_418, %dma_start3A_419] : memref<16x64xf32, #tpu.memory_space<vmem>> -> memref<1x64xf32, #tpu.memory_space<vmem>>
    %dma_start3A_421 = tpu.memref_squeeze %dma_start3A_420 : memref<1x64xf32, #tpu.memory_space<vmem>> -> memref<64xf32, #tpu.memory_space<vmem>>
    %dma_start3A_422 = tpu.memref_slice %arg6[%add3A_187] : memref<32768xf32, #tpu.memory_space<hbm>> -> memref<64xf32, #tpu.memory_space<hbm>>
    %dma_start3A_423 = tpu.memref_slice %arg6[%add3A_187] : memref<32768xf32, #tpu.memory_space<hbm>> -> memref<64xf32, #tpu.memory_space<hbm>>
    %dma_start3A_424 = arith.constant 0 : i32
    %dma_start3A_425 = tpu.memref_slice %arg14[%dma_start3A_418, %dma_start3A_424] : memref<16x64xf32, #tpu.memory_space<vmem>> -> memref<1x64xf32, #tpu.memory_space<vmem>>
    %dma_start3A_426 = tpu.memref_squeeze %dma_start3A_425 : memref<1x64xf32, #tpu.memory_space<vmem>> -> memref<64xf32, #tpu.memory_space<vmem>>
    tpu.enqueue_dma source(%dma_start3A_426 : memref<64xf32, #tpu.memory_space<vmem>>) target(%dma_start3A_423 : memref<64xf32, #tpu.memory_space<hbm>>) target_semaphore(%arg18 : memref<!tpu.dma_semaphore, #tpu.memory_space<semaphore_mem>>)
    %dma_start3A_427 = arith.constant 12 : i32
    %dma_start3A_428 = arith.constant 0 : i32
    %dma_start3A_429 = tpu.memref_slice %arg15[%dma_start3A_427, %dma_start3A_428] : memref<16x64xf32, #tpu.memory_space<vmem>> -> memref<1x64xf32, #tpu.memory_space<vmem>>
    %dma_start3A_430 = tpu.memref_squeeze %dma_start3A_429 : memref<1x64xf32, #tpu.memory_space<vmem>> -> memref<64xf32, #tpu.memory_space<vmem>>
    %dma_start3A_431 = tpu.memref_slice %arg7[%add3A_189] : memref<32768xf32, #tpu.memory_space<hbm>> -> memref<64xf32, #tpu.memory_space<hbm>>
    %dma_start3A_432 = tpu.memref_slice %arg7[%add3A_189] : memref<32768xf32, #tpu.memory_space<hbm>> -> memref<64xf32, #tpu.memory_space<hbm>>
    %dma_start3A_433 = arith.constant 0 : i32
    %dma_start3A_434 = tpu.memref_slice %arg15[%dma_start3A_427, %dma_start3A_433] : memref<16x64xf32, #tpu.memory_space<vmem>> -> memref<1x64xf32, #tpu.memory_space<vmem>>
    %dma_start3A_435 = tpu.memref_squeeze %dma_start3A_434 : memref<1x64xf32, #tpu.memory_space<vmem>> -> memref<64xf32, #tpu.memory_space<vmem>>
    tpu.enqueue_dma source(%dma_start3A_435 : memref<64xf32, #tpu.memory_space<vmem>>) target(%dma_start3A_432 : memref<64xf32, #tpu.memory_space<hbm>>) target_semaphore(%arg19 : memref<!tpu.dma_semaphore, #tpu.memory_space<semaphore_mem>>)
    %dma_start3A_436 = arith.constant 13 : i32
    %dma_start3A_437 = arith.constant 0 : i32
    %dma_start3A_438 = tpu.memref_slice %arg14[%dma_start3A_436, %dma_start3A_437] : memref<16x64xf32, #tpu.memory_space<vmem>> -> memref<1x64xf32, #tpu.memory_space<vmem>>
    %dma_start3A_439 = tpu.memref_squeeze %dma_start3A_438 : memref<1x64xf32, #tpu.memory_space<vmem>> -> memref<64xf32, #tpu.memory_space<vmem>>
    %dma_start3A_440 = tpu.memref_slice %arg6[%add3A_191] : memref<32768xf32, #tpu.memory_space<hbm>> -> memref<64xf32, #tpu.memory_space<hbm>>
    %dma_start3A_441 = tpu.memref_slice %arg6[%add3A_191] : memref<32768xf32, #tpu.memory_space<hbm>> -> memref<64xf32, #tpu.memory_space<hbm>>
    %dma_start3A_442 = arith.constant 0 : i32
    %dma_start3A_443 = tpu.memref_slice %arg14[%dma_start3A_436, %dma_start3A_442] : memref<16x64xf32, #tpu.memory_space<vmem>> -> memref<1x64xf32, #tpu.memory_space<vmem>>
    %dma_start3A_444 = tpu.memref_squeeze %dma_start3A_443 : memref<1x64xf32, #tpu.memory_space<vmem>> -> memref<64xf32, #tpu.memory_space<vmem>>
    tpu.enqueue_dma source(%dma_start3A_444 : memref<64xf32, #tpu.memory_space<vmem>>) target(%dma_start3A_441 : memref<64xf32, #tpu.memory_space<hbm>>) target_semaphore(%arg18 : memref<!tpu.dma_semaphore, #tpu.memory_space<semaphore_mem>>)
    %dma_start3A_445 = arith.constant 13 : i32
    %dma_start3A_446 = arith.constant 0 : i32
    %dma_start3A_447 = tpu.memref_slice %arg15[%dma_start3A_445, %dma_start3A_446] : memref<16x64xf32, #tpu.memory_space<vmem>> -> memref<1x64xf32, #tpu.memory_space<vmem>>
    %dma_start3A_448 = tpu.memref_squeeze %dma_start3A_447 : memref<1x64xf32, #tpu.memory_space<vmem>> -> memref<64xf32, #tpu.memory_space<vmem>>
    %dma_start3A_449 = tpu.memref_slice %arg7[%add3A_193] : memref<32768xf32, #tpu.memory_space<hbm>> -> memref<64xf32, #tpu.memory_space<hbm>>
    %dma_start3A_450 = tpu.memref_slice %arg7[%add3A_193] : memref<32768xf32, #tpu.memory_space<hbm>> -> memref<64xf32, #tpu.memory_space<hbm>>
    %dma_start3A_451 = arith.constant 0 : i32
    %dma_start3A_452 = tpu.memref_slice %arg15[%dma_start3A_445, %dma_start3A_451] : memref<16x64xf32, #tpu.memory_space<vmem>> -> memref<1x64xf32, #tpu.memory_space<vmem>>
    %dma_start3A_453 = tpu.memref_squeeze %dma_start3A_452 : memref<1x64xf32, #tpu.memory_space<vmem>> -> memref<64xf32, #tpu.memory_space<vmem>>
    tpu.enqueue_dma source(%dma_start3A_453 : memref<64xf32, #tpu.memory_space<vmem>>) target(%dma_start3A_450 : memref<64xf32, #tpu.memory_space<hbm>>) target_semaphore(%arg19 : memref<!tpu.dma_semaphore, #tpu.memory_space<semaphore_mem>>)
    %dma_start3A_454 = arith.constant 14 : i32
    %dma_start3A_455 = arith.constant 0 : i32
    %dma_start3A_456 = tpu.memref_slice %arg14[%dma_start3A_454, %dma_start3A_455] : memref<16x64xf32, #tpu.memory_space<vmem>> -> memref<1x64xf32, #tpu.memory_space<vmem>>
    %dma_start3A_457 = tpu.memref_squeeze %dma_start3A_456 : memref<1x64xf32, #tpu.memory_space<vmem>> -> memref<64xf32, #tpu.memory_space<vmem>>
    %dma_start3A_458 = tpu.memref_slice %arg6[%add3A_195] : memref<32768xf32, #tpu.memory_space<hbm>> -> memref<64xf32, #tpu.memory_space<hbm>>
    %dma_start3A_459 = tpu.memref_slice %arg6[%add3A_195] : memref<32768xf32, #tpu.memory_space<hbm>> -> memref<64xf32, #tpu.memory_space<hbm>>
    %dma_start3A_460 = arith.constant 0 : i32
    %dma_start3A_461 = tpu.memref_slice %arg14[%dma_start3A_454, %dma_start3A_460] : memref<16x64xf32, #tpu.memory_space<vmem>> -> memref<1x64xf32, #tpu.memory_space<vmem>>
    %dma_start3A_462 = tpu.memref_squeeze %dma_start3A_461 : memref<1x64xf32, #tpu.memory_space<vmem>> -> memref<64xf32, #tpu.memory_space<vmem>>
    tpu.enqueue_dma source(%dma_start3A_462 : memref<64xf32, #tpu.memory_space<vmem>>) target(%dma_start3A_459 : memref<64xf32, #tpu.memory_space<hbm>>) target_semaphore(%arg18 : memref<!tpu.dma_semaphore, #tpu.memory_space<semaphore_mem>>)
    %dma_start3A_463 = arith.constant 14 : i32
    %dma_start3A_464 = arith.constant 0 : i32
    %dma_start3A_465 = tpu.memref_slice %arg15[%dma_start3A_463, %dma_start3A_464] : memref<16x64xf32, #tpu.memory_space<vmem>> -> memref<1x64xf32, #tpu.memory_space<vmem>>
    %dma_start3A_466 = tpu.memref_squeeze %dma_start3A_465 : memref<1x64xf32, #tpu.memory_space<vmem>> -> memref<64xf32, #tpu.memory_space<vmem>>
    %dma_start3A_467 = tpu.memref_slice %arg7[%add3A_197] : memref<32768xf32, #tpu.memory_space<hbm>> -> memref<64xf32, #tpu.memory_space<hbm>>
    %dma_start3A_468 = tpu.memref_slice %arg7[%add3A_197] : memref<32768xf32, #tpu.memory_space<hbm>> -> memref<64xf32, #tpu.memory_space<hbm>>
    %dma_start3A_469 = arith.constant 0 : i32
    %dma_start3A_470 = tpu.memref_slice %arg15[%dma_start3A_463, %dma_start3A_469] : memref<16x64xf32, #tpu.memory_space<vmem>> -> memref<1x64xf32, #tpu.memory_space<vmem>>
    %dma_start3A_471 = tpu.memref_squeeze %dma_start3A_470 : memref<1x64xf32, #tpu.memory_space<vmem>> -> memref<64xf32, #tpu.memory_space<vmem>>
    tpu.enqueue_dma source(%dma_start3A_471 : memref<64xf32, #tpu.memory_space<vmem>>) target(%dma_start3A_468 : memref<64xf32, #tpu.memory_space<hbm>>) target_semaphore(%arg19 : memref<!tpu.dma_semaphore, #tpu.memory_space<semaphore_mem>>)
    %dma_start3A_472 = arith.constant 15 : i32
    %dma_start3A_473 = arith.constant 0 : i32
    %dma_start3A_474 = tpu.memref_slice %arg14[%dma_start3A_472, %dma_start3A_473] : memref<16x64xf32, #tpu.memory_space<vmem>> -> memref<1x64xf32, #tpu.memory_space<vmem>>
    %dma_start3A_475 = tpu.memref_squeeze %dma_start3A_474 : memref<1x64xf32, #tpu.memory_space<vmem>> -> memref<64xf32, #tpu.memory_space<vmem>>
    %dma_start3A_476 = tpu.memref_slice %arg6[%add3A_199] : memref<32768xf32, #tpu.memory_space<hbm>> -> memref<64xf32, #tpu.memory_space<hbm>>
    %dma_start3A_477 = tpu.memref_slice %arg6[%add3A_199] : memref<32768xf32, #tpu.memory_space<hbm>> -> memref<64xf32, #tpu.memory_space<hbm>>
    %dma_start3A_478 = arith.constant 0 : i32
    %dma_start3A_479 = tpu.memref_slice %arg14[%dma_start3A_472, %dma_start3A_478] : memref<16x64xf32, #tpu.memory_space<vmem>> -> memref<1x64xf32, #tpu.memory_space<vmem>>
    %dma_start3A_480 = tpu.memref_squeeze %dma_start3A_479 : memref<1x64xf32, #tpu.memory_space<vmem>> -> memref<64xf32, #tpu.memory_space<vmem>>
    tpu.enqueue_dma source(%dma_start3A_480 : memref<64xf32, #tpu.memory_space<vmem>>) target(%dma_start3A_477 : memref<64xf32, #tpu.memory_space<hbm>>) target_semaphore(%arg18 : memref<!tpu.dma_semaphore, #tpu.memory_space<semaphore_mem>>)
    %dma_start3A_481 = arith.constant 15 : i32
    %dma_start3A_482 = arith.constant 0 : i32
    %dma_start3A_483 = tpu.memref_slice %arg15[%dma_start3A_481, %dma_start3A_482] : memref<16x64xf32, #tpu.memory_space<vmem>> -> memref<1x64xf32, #tpu.memory_space<vmem>>
    %dma_start3A_484 = tpu.memref_squeeze %dma_start3A_483 : memref<1x64xf32, #tpu.memory_space<vmem>> -> memref<64xf32, #tpu.memory_space<vmem>>
    %dma_start3A_485 = tpu.memref_slice %arg7[%add3A_201] : memref<32768xf32, #tpu.memory_space<hbm>> -> memref<64xf32, #tpu.memory_space<hbm>>
    %dma_start3A_486 = tpu.memref_slice %arg7[%add3A_201] : memref<32768xf32, #tpu.memory_space<hbm>> -> memref<64xf32, #tpu.memory_space<hbm>>
    %dma_start3A_487 = arith.constant 0 : i32
    %dma_start3A_488 = tpu.memref_slice %arg15[%dma_start3A_481, %dma_start3A_487] : memref<16x64xf32, #tpu.memory_space<vmem>> -> memref<1x64xf32, #tpu.memory_space<vmem>>
    %dma_start3A_489 = tpu.memref_squeeze %dma_start3A_488 : memref<1x64xf32, #tpu.memory_space<vmem>> -> memref<64xf32, #tpu.memory_space<vmem>>
    tpu.enqueue_dma source(%dma_start3A_489 : memref<64xf32, #tpu.memory_space<vmem>>) target(%dma_start3A_486 : memref<64xf32, #tpu.memory_space<hbm>>) target_semaphore(%arg19 : memref<!tpu.dma_semaphore, #tpu.memory_space<semaphore_mem>>)
    %dma_wait3A = arith.constant 0 : i32
    %dma_wait3A_490 = arith.constant 0 : i32
    %dma_wait3A_491 = tpu.memref_slice %arg14[%dma_wait3A, %dma_wait3A_490] : memref<16x64xf32, #tpu.memory_space<vmem>> -> memref<1x64xf32, #tpu.memory_space<vmem>>
    %dma_wait3A_492 = tpu.memref_squeeze %dma_wait3A_491 : memref<1x64xf32, #tpu.memory_space<vmem>> -> memref<64xf32, #tpu.memory_space<vmem>>
    %dma_wait3A_493 = tpu.memref_slice %arg6[%add3A_139] : memref<32768xf32, #tpu.memory_space<hbm>> -> memref<64xf32, #tpu.memory_space<hbm>>
    %dma_wait3A_494 = tpu.memref_slice %arg6[%add3A_139] : memref<32768xf32, #tpu.memory_space<hbm>> -> memref<64xf32, #tpu.memory_space<hbm>>
    %dma_wait3A_495 = arith.constant 0 : i32
    %dma_wait3A_496 = tpu.memref_slice %arg14[%dma_wait3A, %dma_wait3A_495] : memref<16x64xf32, #tpu.memory_space<vmem>> -> memref<1x64xf32, #tpu.memory_space<vmem>>
    %dma_wait3A_497 = tpu.memref_squeeze %dma_wait3A_496 : memref<1x64xf32, #tpu.memory_space<vmem>> -> memref<64xf32, #tpu.memory_space<vmem>>
    tpu.wait_dma2 semaphore(%arg18 : memref<!tpu.dma_semaphore, #tpu.memory_space<semaphore_mem>>) src(%dma_wait3A_497 : memref<64xf32, #tpu.memory_space<vmem>>) dst(%dma_wait3A_494 : memref<64xf32, #tpu.memory_space<hbm>>)
    %dma_wait3A_498 = arith.constant 0 : i32
    %dma_wait3A_499 = arith.constant 0 : i32
    %dma_wait3A_500 = tpu.memref_slice %arg15[%dma_wait3A_498, %dma_wait3A_499] : memref<16x64xf32, #tpu.memory_space<vmem>> -> memref<1x64xf32, #tpu.memory_space<vmem>>
    %dma_wait3A_501 = tpu.memref_squeeze %dma_wait3A_500 : memref<1x64xf32, #tpu.memory_space<vmem>> -> memref<64xf32, #tpu.memory_space<vmem>>
    %dma_wait3A_502 = tpu.memref_slice %arg7[%add3A_141] : memref<32768xf32, #tpu.memory_space<hbm>> -> memref<64xf32, #tpu.memory_space<hbm>>
    %dma_wait3A_503 = tpu.memref_slice %arg7[%add3A_141] : memref<32768xf32, #tpu.memory_space<hbm>> -> memref<64xf32, #tpu.memory_space<hbm>>
    %dma_wait3A_504 = arith.constant 0 : i32
    %dma_wait3A_505 = tpu.memref_slice %arg15[%dma_wait3A_498, %dma_wait3A_504] : memref<16x64xf32, #tpu.memory_space<vmem>> -> memref<1x64xf32, #tpu.memory_space<vmem>>
    %dma_wait3A_506 = tpu.memref_squeeze %dma_wait3A_505 : memref<1x64xf32, #tpu.memory_space<vmem>> -> memref<64xf32, #tpu.memory_space<vmem>>
    tpu.wait_dma2 semaphore(%arg19 : memref<!tpu.dma_semaphore, #tpu.memory_space<semaphore_mem>>) src(%dma_wait3A_506 : memref<64xf32, #tpu.memory_space<vmem>>) dst(%dma_wait3A_503 : memref<64xf32, #tpu.memory_space<hbm>>)
    %dma_wait3A_507 = arith.constant 1 : i32
    %dma_wait3A_508 = arith.constant 0 : i32
    %dma_wait3A_509 = tpu.memref_slice %arg14[%dma_wait3A_507, %dma_wait3A_508] : memref<16x64xf32, #tpu.memory_space<vmem>> -> memref<1x64xf32, #tpu.memory_space<vmem>>
    %dma_wait3A_510 = tpu.memref_squeeze %dma_wait3A_509 : memref<1x64xf32, #tpu.memory_space<vmem>> -> memref<64xf32, #tpu.memory_space<vmem>>
    %dma_wait3A_511 = tpu.memref_slice %arg6[%add3A_143] : memref<32768xf32, #tpu.memory_space<hbm>> -> memref<64xf32, #tpu.memory_space<hbm>>
    %dma_wait3A_512 = tpu.memref_slice %arg6[%add3A_143] : memref<32768xf32, #tpu.memory_space<hbm>> -> memref<64xf32, #tpu.memory_space<hbm>>
    %dma_wait3A_513 = arith.constant 0 : i32
    %dma_wait3A_514 = tpu.memref_slice %arg14[%dma_wait3A_507, %dma_wait3A_513] : memref<16x64xf32, #tpu.memory_space<vmem>> -> memref<1x64xf32, #tpu.memory_space<vmem>>
    %dma_wait3A_515 = tpu.memref_squeeze %dma_wait3A_514 : memref<1x64xf32, #tpu.memory_space<vmem>> -> memref<64xf32, #tpu.memory_space<vmem>>
    tpu.wait_dma2 semaphore(%arg18 : memref<!tpu.dma_semaphore, #tpu.memory_space<semaphore_mem>>) src(%dma_wait3A_515 : memref<64xf32, #tpu.memory_space<vmem>>) dst(%dma_wait3A_512 : memref<64xf32, #tpu.memory_space<hbm>>)
    %dma_wait3A_516 = arith.constant 1 : i32
    %dma_wait3A_517 = arith.constant 0 : i32
    %dma_wait3A_518 = tpu.memref_slice %arg15[%dma_wait3A_516, %dma_wait3A_517] : memref<16x64xf32, #tpu.memory_space<vmem>> -> memref<1x64xf32, #tpu.memory_space<vmem>>
    %dma_wait3A_519 = tpu.memref_squeeze %dma_wait3A_518 : memref<1x64xf32, #tpu.memory_space<vmem>> -> memref<64xf32, #tpu.memory_space<vmem>>
    %dma_wait3A_520 = tpu.memref_slice %arg7[%add3A_145] : memref<32768xf32, #tpu.memory_space<hbm>> -> memref<64xf32, #tpu.memory_space<hbm>>
    %dma_wait3A_521 = tpu.memref_slice %arg7[%add3A_145] : memref<32768xf32, #tpu.memory_space<hbm>> -> memref<64xf32, #tpu.memory_space<hbm>>
    %dma_wait3A_522 = arith.constant 0 : i32
    %dma_wait3A_523 = tpu.memref_slice %arg15[%dma_wait3A_516, %dma_wait3A_522] : memref<16x64xf32, #tpu.memory_space<vmem>> -> memref<1x64xf32, #tpu.memory_space<vmem>>
    %dma_wait3A_524 = tpu.memref_squeeze %dma_wait3A_523 : memref<1x64xf32, #tpu.memory_space<vmem>> -> memref<64xf32, #tpu.memory_space<vmem>>
    tpu.wait_dma2 semaphore(%arg19 : memref<!tpu.dma_semaphore, #tpu.memory_space<semaphore_mem>>) src(%dma_wait3A_524 : memref<64xf32, #tpu.memory_space<vmem>>) dst(%dma_wait3A_521 : memref<64xf32, #tpu.memory_space<hbm>>)
    %dma_wait3A_525 = arith.constant 2 : i32
    %dma_wait3A_526 = arith.constant 0 : i32
    %dma_wait3A_527 = tpu.memref_slice %arg14[%dma_wait3A_525, %dma_wait3A_526] : memref<16x64xf32, #tpu.memory_space<vmem>> -> memref<1x64xf32, #tpu.memory_space<vmem>>
    %dma_wait3A_528 = tpu.memref_squeeze %dma_wait3A_527 : memref<1x64xf32, #tpu.memory_space<vmem>> -> memref<64xf32, #tpu.memory_space<vmem>>
    %dma_wait3A_529 = tpu.memref_slice %arg6[%add3A_147] : memref<32768xf32, #tpu.memory_space<hbm>> -> memref<64xf32, #tpu.memory_space<hbm>>
    %dma_wait3A_530 = tpu.memref_slice %arg6[%add3A_147] : memref<32768xf32, #tpu.memory_space<hbm>> -> memref<64xf32, #tpu.memory_space<hbm>>
    %dma_wait3A_531 = arith.constant 0 : i32
    %dma_wait3A_532 = tpu.memref_slice %arg14[%dma_wait3A_525, %dma_wait3A_531] : memref<16x64xf32, #tpu.memory_space<vmem>> -> memref<1x64xf32, #tpu.memory_space<vmem>>
    %dma_wait3A_533 = tpu.memref_squeeze %dma_wait3A_532 : memref<1x64xf32, #tpu.memory_space<vmem>> -> memref<64xf32, #tpu.memory_space<vmem>>
    tpu.wait_dma2 semaphore(%arg18 : memref<!tpu.dma_semaphore, #tpu.memory_space<semaphore_mem>>) src(%dma_wait3A_533 : memref<64xf32, #tpu.memory_space<vmem>>) dst(%dma_wait3A_530 : memref<64xf32, #tpu.memory_space<hbm>>)
    %dma_wait3A_534 = arith.constant 2 : i32
    %dma_wait3A_535 = arith.constant 0 : i32
    %dma_wait3A_536 = tpu.memref_slice %arg15[%dma_wait3A_534, %dma_wait3A_535] : memref<16x64xf32, #tpu.memory_space<vmem>> -> memref<1x64xf32, #tpu.memory_space<vmem>>
    %dma_wait3A_537 = tpu.memref_squeeze %dma_wait3A_536 : memref<1x64xf32, #tpu.memory_space<vmem>> -> memref<64xf32, #tpu.memory_space<vmem>>
    %dma_wait3A_538 = tpu.memref_slice %arg7[%add3A_149] : memref<32768xf32, #tpu.memory_space<hbm>> -> memref<64xf32, #tpu.memory_space<hbm>>
    %dma_wait3A_539 = tpu.memref_slice %arg7[%add3A_149] : memref<32768xf32, #tpu.memory_space<hbm>> -> memref<64xf32, #tpu.memory_space<hbm>>
    %dma_wait3A_540 = arith.constant 0 : i32
    %dma_wait3A_541 = tpu.memref_slice %arg15[%dma_wait3A_534, %dma_wait3A_540] : memref<16x64xf32, #tpu.memory_space<vmem>> -> memref<1x64xf32, #tpu.memory_space<vmem>>
    %dma_wait3A_542 = tpu.memref_squeeze %dma_wait3A_541 : memref<1x64xf32, #tpu.memory_space<vmem>> -> memref<64xf32, #tpu.memory_space<vmem>>
    tpu.wait_dma2 semaphore(%arg19 : memref<!tpu.dma_semaphore, #tpu.memory_space<semaphore_mem>>) src(%dma_wait3A_542 : memref<64xf32, #tpu.memory_space<vmem>>) dst(%dma_wait3A_539 : memref<64xf32, #tpu.memory_space<hbm>>)
    %dma_wait3A_543 = arith.constant 3 : i32
    %dma_wait3A_544 = arith.constant 0 : i32
    %dma_wait3A_545 = tpu.memref_slice %arg14[%dma_wait3A_543, %dma_wait3A_544] : memref<16x64xf32, #tpu.memory_space<vmem>> -> memref<1x64xf32, #tpu.memory_space<vmem>>
    %dma_wait3A_546 = tpu.memref_squeeze %dma_wait3A_545 : memref<1x64xf32, #tpu.memory_space<vmem>> -> memref<64xf32, #tpu.memory_space<vmem>>
    %dma_wait3A_547 = tpu.memref_slice %arg6[%add3A_151] : memref<32768xf32, #tpu.memory_space<hbm>> -> memref<64xf32, #tpu.memory_space<hbm>>
    %dma_wait3A_548 = tpu.memref_slice %arg6[%add3A_151] : memref<32768xf32, #tpu.memory_space<hbm>> -> memref<64xf32, #tpu.memory_space<hbm>>
    %dma_wait3A_549 = arith.constant 0 : i32
    %dma_wait3A_550 = tpu.memref_slice %arg14[%dma_wait3A_543, %dma_wait3A_549] : memref<16x64xf32, #tpu.memory_space<vmem>> -> memref<1x64xf32, #tpu.memory_space<vmem>>
    %dma_wait3A_551 = tpu.memref_squeeze %dma_wait3A_550 : memref<1x64xf32, #tpu.memory_space<vmem>> -> memref<64xf32, #tpu.memory_space<vmem>>
    tpu.wait_dma2 semaphore(%arg18 : memref<!tpu.dma_semaphore, #tpu.memory_space<semaphore_mem>>) src(%dma_wait3A_551 : memref<64xf32, #tpu.memory_space<vmem>>) dst(%dma_wait3A_548 : memref<64xf32, #tpu.memory_space<hbm>>)
    %dma_wait3A_552 = arith.constant 3 : i32
    %dma_wait3A_553 = arith.constant 0 : i32
    %dma_wait3A_554 = tpu.memref_slice %arg15[%dma_wait3A_552, %dma_wait3A_553] : memref<16x64xf32, #tpu.memory_space<vmem>> -> memref<1x64xf32, #tpu.memory_space<vmem>>
    %dma_wait3A_555 = tpu.memref_squeeze %dma_wait3A_554 : memref<1x64xf32, #tpu.memory_space<vmem>> -> memref<64xf32, #tpu.memory_space<vmem>>
    %dma_wait3A_556 = tpu.memref_slice %arg7[%add3A_153] : memref<32768xf32, #tpu.memory_space<hbm>> -> memref<64xf32, #tpu.memory_space<hbm>>
    %dma_wait3A_557 = tpu.memref_slice %arg7[%add3A_153] : memref<32768xf32, #tpu.memory_space<hbm>> -> memref<64xf32, #tpu.memory_space<hbm>>
    %dma_wait3A_558 = arith.constant 0 : i32
    %dma_wait3A_559 = tpu.memref_slice %arg15[%dma_wait3A_552, %dma_wait3A_558] : memref<16x64xf32, #tpu.memory_space<vmem>> -> memref<1x64xf32, #tpu.memory_space<vmem>>
    %dma_wait3A_560 = tpu.memref_squeeze %dma_wait3A_559 : memref<1x64xf32, #tpu.memory_space<vmem>> -> memref<64xf32, #tpu.memory_space<vmem>>
    tpu.wait_dma2 semaphore(%arg19 : memref<!tpu.dma_semaphore, #tpu.memory_space<semaphore_mem>>) src(%dma_wait3A_560 : memref<64xf32, #tpu.memory_space<vmem>>) dst(%dma_wait3A_557 : memref<64xf32, #tpu.memory_space<hbm>>)
    %dma_wait3A_561 = arith.constant 4 : i32
    %dma_wait3A_562 = arith.constant 0 : i32
    %dma_wait3A_563 = tpu.memref_slice %arg14[%dma_wait3A_561, %dma_wait3A_562] : memref<16x64xf32, #tpu.memory_space<vmem>> -> memref<1x64xf32, #tpu.memory_space<vmem>>
    %dma_wait3A_564 = tpu.memref_squeeze %dma_wait3A_563 : memref<1x64xf32, #tpu.memory_space<vmem>> -> memref<64xf32, #tpu.memory_space<vmem>>
    %dma_wait3A_565 = tpu.memref_slice %arg6[%add3A_155] : memref<32768xf32, #tpu.memory_space<hbm>> -> memref<64xf32, #tpu.memory_space<hbm>>
    %dma_wait3A_566 = tpu.memref_slice %arg6[%add3A_155] : memref<32768xf32, #tpu.memory_space<hbm>> -> memref<64xf32, #tpu.memory_space<hbm>>
    %dma_wait3A_567 = arith.constant 0 : i32
    %dma_wait3A_568 = tpu.memref_slice %arg14[%dma_wait3A_561, %dma_wait3A_567] : memref<16x64xf32, #tpu.memory_space<vmem>> -> memref<1x64xf32, #tpu.memory_space<vmem>>
    %dma_wait3A_569 = tpu.memref_squeeze %dma_wait3A_568 : memref<1x64xf32, #tpu.memory_space<vmem>> -> memref<64xf32, #tpu.memory_space<vmem>>
    tpu.wait_dma2 semaphore(%arg18 : memref<!tpu.dma_semaphore, #tpu.memory_space<semaphore_mem>>) src(%dma_wait3A_569 : memref<64xf32, #tpu.memory_space<vmem>>) dst(%dma_wait3A_566 : memref<64xf32, #tpu.memory_space<hbm>>)
    %dma_wait3A_570 = arith.constant 4 : i32
    %dma_wait3A_571 = arith.constant 0 : i32
    %dma_wait3A_572 = tpu.memref_slice %arg15[%dma_wait3A_570, %dma_wait3A_571] : memref<16x64xf32, #tpu.memory_space<vmem>> -> memref<1x64xf32, #tpu.memory_space<vmem>>
    %dma_wait3A_573 = tpu.memref_squeeze %dma_wait3A_572 : memref<1x64xf32, #tpu.memory_space<vmem>> -> memref<64xf32, #tpu.memory_space<vmem>>
    %dma_wait3A_574 = tpu.memref_slice %arg7[%add3A_157] : memref<32768xf32, #tpu.memory_space<hbm>> -> memref<64xf32, #tpu.memory_space<hbm>>
    %dma_wait3A_575 = tpu.memref_slice %arg7[%add3A_157] : memref<32768xf32, #tpu.memory_space<hbm>> -> memref<64xf32, #tpu.memory_space<hbm>>
    %dma_wait3A_576 = arith.constant 0 : i32
    %dma_wait3A_577 = tpu.memref_slice %arg15[%dma_wait3A_570, %dma_wait3A_576] : memref<16x64xf32, #tpu.memory_space<vmem>> -> memref<1x64xf32, #tpu.memory_space<vmem>>
    %dma_wait3A_578 = tpu.memref_squeeze %dma_wait3A_577 : memref<1x64xf32, #tpu.memory_space<vmem>> -> memref<64xf32, #tpu.memory_space<vmem>>
    tpu.wait_dma2 semaphore(%arg19 : memref<!tpu.dma_semaphore, #tpu.memory_space<semaphore_mem>>) src(%dma_wait3A_578 : memref<64xf32, #tpu.memory_space<vmem>>) dst(%dma_wait3A_575 : memref<64xf32, #tpu.memory_space<hbm>>)
    %dma_wait3A_579 = arith.constant 5 : i32
    %dma_wait3A_580 = arith.constant 0 : i32
    %dma_wait3A_581 = tpu.memref_slice %arg14[%dma_wait3A_579, %dma_wait3A_580] : memref<16x64xf32, #tpu.memory_space<vmem>> -> memref<1x64xf32, #tpu.memory_space<vmem>>
    %dma_wait3A_582 = tpu.memref_squeeze %dma_wait3A_581 : memref<1x64xf32, #tpu.memory_space<vmem>> -> memref<64xf32, #tpu.memory_space<vmem>>
    %dma_wait3A_583 = tpu.memref_slice %arg6[%add3A_159] : memref<32768xf32, #tpu.memory_space<hbm>> -> memref<64xf32, #tpu.memory_space<hbm>>
    %dma_wait3A_584 = tpu.memref_slice %arg6[%add3A_159] : memref<32768xf32, #tpu.memory_space<hbm>> -> memref<64xf32, #tpu.memory_space<hbm>>
    %dma_wait3A_585 = arith.constant 0 : i32
    %dma_wait3A_586 = tpu.memref_slice %arg14[%dma_wait3A_579, %dma_wait3A_585] : memref<16x64xf32, #tpu.memory_space<vmem>> -> memref<1x64xf32, #tpu.memory_space<vmem>>
    %dma_wait3A_587 = tpu.memref_squeeze %dma_wait3A_586 : memref<1x64xf32, #tpu.memory_space<vmem>> -> memref<64xf32, #tpu.memory_space<vmem>>
    tpu.wait_dma2 semaphore(%arg18 : memref<!tpu.dma_semaphore, #tpu.memory_space<semaphore_mem>>) src(%dma_wait3A_587 : memref<64xf32, #tpu.memory_space<vmem>>) dst(%dma_wait3A_584 : memref<64xf32, #tpu.memory_space<hbm>>)
    %dma_wait3A_588 = arith.constant 5 : i32
    %dma_wait3A_589 = arith.constant 0 : i32
    %dma_wait3A_590 = tpu.memref_slice %arg15[%dma_wait3A_588, %dma_wait3A_589] : memref<16x64xf32, #tpu.memory_space<vmem>> -> memref<1x64xf32, #tpu.memory_space<vmem>>
    %dma_wait3A_591 = tpu.memref_squeeze %dma_wait3A_590 : memref<1x64xf32, #tpu.memory_space<vmem>> -> memref<64xf32, #tpu.memory_space<vmem>>
    %dma_wait3A_592 = tpu.memref_slice %arg7[%add3A_161] : memref<32768xf32, #tpu.memory_space<hbm>> -> memref<64xf32, #tpu.memory_space<hbm>>
    %dma_wait3A_593 = tpu.memref_slice %arg7[%add3A_161] : memref<32768xf32, #tpu.memory_space<hbm>> -> memref<64xf32, #tpu.memory_space<hbm>>
    %dma_wait3A_594 = arith.constant 0 : i32
    %dma_wait3A_595 = tpu.memref_slice %arg15[%dma_wait3A_588, %dma_wait3A_594] : memref<16x64xf32, #tpu.memory_space<vmem>> -> memref<1x64xf32, #tpu.memory_space<vmem>>
    %dma_wait3A_596 = tpu.memref_squeeze %dma_wait3A_595 : memref<1x64xf32, #tpu.memory_space<vmem>> -> memref<64xf32, #tpu.memory_space<vmem>>
    tpu.wait_dma2 semaphore(%arg19 : memref<!tpu.dma_semaphore, #tpu.memory_space<semaphore_mem>>) src(%dma_wait3A_596 : memref<64xf32, #tpu.memory_space<vmem>>) dst(%dma_wait3A_593 : memref<64xf32, #tpu.memory_space<hbm>>)
    %dma_wait3A_597 = arith.constant 6 : i32
    %dma_wait3A_598 = arith.constant 0 : i32
    %dma_wait3A_599 = tpu.memref_slice %arg14[%dma_wait3A_597, %dma_wait3A_598] : memref<16x64xf32, #tpu.memory_space<vmem>> -> memref<1x64xf32, #tpu.memory_space<vmem>>
    %dma_wait3A_600 = tpu.memref_squeeze %dma_wait3A_599 : memref<1x64xf32, #tpu.memory_space<vmem>> -> memref<64xf32, #tpu.memory_space<vmem>>
    %dma_wait3A_601 = tpu.memref_slice %arg6[%add3A_163] : memref<32768xf32, #tpu.memory_space<hbm>> -> memref<64xf32, #tpu.memory_space<hbm>>
    %dma_wait3A_602 = tpu.memref_slice %arg6[%add3A_163] : memref<32768xf32, #tpu.memory_space<hbm>> -> memref<64xf32, #tpu.memory_space<hbm>>
    %dma_wait3A_603 = arith.constant 0 : i32
    %dma_wait3A_604 = tpu.memref_slice %arg14[%dma_wait3A_597, %dma_wait3A_603] : memref<16x64xf32, #tpu.memory_space<vmem>> -> memref<1x64xf32, #tpu.memory_space<vmem>>
    %dma_wait3A_605 = tpu.memref_squeeze %dma_wait3A_604 : memref<1x64xf32, #tpu.memory_space<vmem>> -> memref<64xf32, #tpu.memory_space<vmem>>
    tpu.wait_dma2 semaphore(%arg18 : memref<!tpu.dma_semaphore, #tpu.memory_space<semaphore_mem>>) src(%dma_wait3A_605 : memref<64xf32, #tpu.memory_space<vmem>>) dst(%dma_wait3A_602 : memref<64xf32, #tpu.memory_space<hbm>>)
    %dma_wait3A_606 = arith.constant 6 : i32
    %dma_wait3A_607 = arith.constant 0 : i32
    %dma_wait3A_608 = tpu.memref_slice %arg15[%dma_wait3A_606, %dma_wait3A_607] : memref<16x64xf32, #tpu.memory_space<vmem>> -> memref<1x64xf32, #tpu.memory_space<vmem>>
    %dma_wait3A_609 = tpu.memref_squeeze %dma_wait3A_608 : memref<1x64xf32, #tpu.memory_space<vmem>> -> memref<64xf32, #tpu.memory_space<vmem>>
    %dma_wait3A_610 = tpu.memref_slice %arg7[%add3A_165] : memref<32768xf32, #tpu.memory_space<hbm>> -> memref<64xf32, #tpu.memory_space<hbm>>
    %dma_wait3A_611 = tpu.memref_slice %arg7[%add3A_165] : memref<32768xf32, #tpu.memory_space<hbm>> -> memref<64xf32, #tpu.memory_space<hbm>>
    %dma_wait3A_612 = arith.constant 0 : i32
    %dma_wait3A_613 = tpu.memref_slice %arg15[%dma_wait3A_606, %dma_wait3A_612] : memref<16x64xf32, #tpu.memory_space<vmem>> -> memref<1x64xf32, #tpu.memory_space<vmem>>
    %dma_wait3A_614 = tpu.memref_squeeze %dma_wait3A_613 : memref<1x64xf32, #tpu.memory_space<vmem>> -> memref<64xf32, #tpu.memory_space<vmem>>
    tpu.wait_dma2 semaphore(%arg19 : memref<!tpu.dma_semaphore, #tpu.memory_space<semaphore_mem>>) src(%dma_wait3A_614 : memref<64xf32, #tpu.memory_space<vmem>>) dst(%dma_wait3A_611 : memref<64xf32, #tpu.memory_space<hbm>>)
    %dma_wait3A_615 = arith.constant 7 : i32
    %dma_wait3A_616 = arith.constant 0 : i32
    %dma_wait3A_617 = tpu.memref_slice %arg14[%dma_wait3A_615, %dma_wait3A_616] : memref<16x64xf32, #tpu.memory_space<vmem>> -> memref<1x64xf32, #tpu.memory_space<vmem>>
    %dma_wait3A_618 = tpu.memref_squeeze %dma_wait3A_617 : memref<1x64xf32, #tpu.memory_space<vmem>> -> memref<64xf32, #tpu.memory_space<vmem>>
    %dma_wait3A_619 = tpu.memref_slice %arg6[%add3A_167] : memref<32768xf32, #tpu.memory_space<hbm>> -> memref<64xf32, #tpu.memory_space<hbm>>
    %dma_wait3A_620 = tpu.memref_slice %arg6[%add3A_167] : memref<32768xf32, #tpu.memory_space<hbm>> -> memref<64xf32, #tpu.memory_space<hbm>>
    %dma_wait3A_621 = arith.constant 0 : i32
    %dma_wait3A_622 = tpu.memref_slice %arg14[%dma_wait3A_615, %dma_wait3A_621] : memref<16x64xf32, #tpu.memory_space<vmem>> -> memref<1x64xf32, #tpu.memory_space<vmem>>
    %dma_wait3A_623 = tpu.memref_squeeze %dma_wait3A_622 : memref<1x64xf32, #tpu.memory_space<vmem>> -> memref<64xf32, #tpu.memory_space<vmem>>
    tpu.wait_dma2 semaphore(%arg18 : memref<!tpu.dma_semaphore, #tpu.memory_space<semaphore_mem>>) src(%dma_wait3A_623 : memref<64xf32, #tpu.memory_space<vmem>>) dst(%dma_wait3A_620 : memref<64xf32, #tpu.memory_space<hbm>>)
    %dma_wait3A_624 = arith.constant 7 : i32
    %dma_wait3A_625 = arith.constant 0 : i32
    %dma_wait3A_626 = tpu.memref_slice %arg15[%dma_wait3A_624, %dma_wait3A_625] : memref<16x64xf32, #tpu.memory_space<vmem>> -> memref<1x64xf32, #tpu.memory_space<vmem>>
    %dma_wait3A_627 = tpu.memref_squeeze %dma_wait3A_626 : memref<1x64xf32, #tpu.memory_space<vmem>> -> memref<64xf32, #tpu.memory_space<vmem>>
    %dma_wait3A_628 = tpu.memref_slice %arg7[%add3A_169] : memref<32768xf32, #tpu.memory_space<hbm>> -> memref<64xf32, #tpu.memory_space<hbm>>
    %dma_wait3A_629 = tpu.memref_slice %arg7[%add3A_169] : memref<32768xf32, #tpu.memory_space<hbm>> -> memref<64xf32, #tpu.memory_space<hbm>>
    %dma_wait3A_630 = arith.constant 0 : i32
    %dma_wait3A_631 = tpu.memref_slice %arg15[%dma_wait3A_624, %dma_wait3A_630] : memref<16x64xf32, #tpu.memory_space<vmem>> -> memref<1x64xf32, #tpu.memory_space<vmem>>
    %dma_wait3A_632 = tpu.memref_squeeze %dma_wait3A_631 : memref<1x64xf32, #tpu.memory_space<vmem>> -> memref<64xf32, #tpu.memory_space<vmem>>
    tpu.wait_dma2 semaphore(%arg19 : memref<!tpu.dma_semaphore, #tpu.memory_space<semaphore_mem>>) src(%dma_wait3A_632 : memref<64xf32, #tpu.memory_space<vmem>>) dst(%dma_wait3A_629 : memref<64xf32, #tpu.memory_space<hbm>>)
    %dma_wait3A_633 = arith.constant 8 : i32
    %dma_wait3A_634 = arith.constant 0 : i32
    %dma_wait3A_635 = tpu.memref_slice %arg14[%dma_wait3A_633, %dma_wait3A_634] : memref<16x64xf32, #tpu.memory_space<vmem>> -> memref<1x64xf32, #tpu.memory_space<vmem>>
    %dma_wait3A_636 = tpu.memref_squeeze %dma_wait3A_635 : memref<1x64xf32, #tpu.memory_space<vmem>> -> memref<64xf32, #tpu.memory_space<vmem>>
    %dma_wait3A_637 = tpu.memref_slice %arg6[%add3A_171] : memref<32768xf32, #tpu.memory_space<hbm>> -> memref<64xf32, #tpu.memory_space<hbm>>
    %dma_wait3A_638 = tpu.memref_slice %arg6[%add3A_171] : memref<32768xf32, #tpu.memory_space<hbm>> -> memref<64xf32, #tpu.memory_space<hbm>>
    %dma_wait3A_639 = arith.constant 0 : i32
    %dma_wait3A_640 = tpu.memref_slice %arg14[%dma_wait3A_633, %dma_wait3A_639] : memref<16x64xf32, #tpu.memory_space<vmem>> -> memref<1x64xf32, #tpu.memory_space<vmem>>
    %dma_wait3A_641 = tpu.memref_squeeze %dma_wait3A_640 : memref<1x64xf32, #tpu.memory_space<vmem>> -> memref<64xf32, #tpu.memory_space<vmem>>
    tpu.wait_dma2 semaphore(%arg18 : memref<!tpu.dma_semaphore, #tpu.memory_space<semaphore_mem>>) src(%dma_wait3A_641 : memref<64xf32, #tpu.memory_space<vmem>>) dst(%dma_wait3A_638 : memref<64xf32, #tpu.memory_space<hbm>>)
    %dma_wait3A_642 = arith.constant 8 : i32
    %dma_wait3A_643 = arith.constant 0 : i32
    %dma_wait3A_644 = tpu.memref_slice %arg15[%dma_wait3A_642, %dma_wait3A_643] : memref<16x64xf32, #tpu.memory_space<vmem>> -> memref<1x64xf32, #tpu.memory_space<vmem>>
    %dma_wait3A_645 = tpu.memref_squeeze %dma_wait3A_644 : memref<1x64xf32, #tpu.memory_space<vmem>> -> memref<64xf32, #tpu.memory_space<vmem>>
    %dma_wait3A_646 = tpu.memref_slice %arg7[%add3A_173] : memref<32768xf32, #tpu.memory_space<hbm>> -> memref<64xf32, #tpu.memory_space<hbm>>
    %dma_wait3A_647 = tpu.memref_slice %arg7[%add3A_173] : memref<32768xf32, #tpu.memory_space<hbm>> -> memref<64xf32, #tpu.memory_space<hbm>>
    %dma_wait3A_648 = arith.constant 0 : i32
    %dma_wait3A_649 = tpu.memref_slice %arg15[%dma_wait3A_642, %dma_wait3A_648] : memref<16x64xf32, #tpu.memory_space<vmem>> -> memref<1x64xf32, #tpu.memory_space<vmem>>
    %dma_wait3A_650 = tpu.memref_squeeze %dma_wait3A_649 : memref<1x64xf32, #tpu.memory_space<vmem>> -> memref<64xf32, #tpu.memory_space<vmem>>
    tpu.wait_dma2 semaphore(%arg19 : memref<!tpu.dma_semaphore, #tpu.memory_space<semaphore_mem>>) src(%dma_wait3A_650 : memref<64xf32, #tpu.memory_space<vmem>>) dst(%dma_wait3A_647 : memref<64xf32, #tpu.memory_space<hbm>>)
    %dma_wait3A_651 = arith.constant 9 : i32
    %dma_wait3A_652 = arith.constant 0 : i32
    %dma_wait3A_653 = tpu.memref_slice %arg14[%dma_wait3A_651, %dma_wait3A_652] : memref<16x64xf32, #tpu.memory_space<vmem>> -> memref<1x64xf32, #tpu.memory_space<vmem>>
    %dma_wait3A_654 = tpu.memref_squeeze %dma_wait3A_653 : memref<1x64xf32, #tpu.memory_space<vmem>> -> memref<64xf32, #tpu.memory_space<vmem>>
    %dma_wait3A_655 = tpu.memref_slice %arg6[%add3A_175] : memref<32768xf32, #tpu.memory_space<hbm>> -> memref<64xf32, #tpu.memory_space<hbm>>
    %dma_wait3A_656 = tpu.memref_slice %arg6[%add3A_175] : memref<32768xf32, #tpu.memory_space<hbm>> -> memref<64xf32, #tpu.memory_space<hbm>>
    %dma_wait3A_657 = arith.constant 0 : i32
    %dma_wait3A_658 = tpu.memref_slice %arg14[%dma_wait3A_651, %dma_wait3A_657] : memref<16x64xf32, #tpu.memory_space<vmem>> -> memref<1x64xf32, #tpu.memory_space<vmem>>
    %dma_wait3A_659 = tpu.memref_squeeze %dma_wait3A_658 : memref<1x64xf32, #tpu.memory_space<vmem>> -> memref<64xf32, #tpu.memory_space<vmem>>
    tpu.wait_dma2 semaphore(%arg18 : memref<!tpu.dma_semaphore, #tpu.memory_space<semaphore_mem>>) src(%dma_wait3A_659 : memref<64xf32, #tpu.memory_space<vmem>>) dst(%dma_wait3A_656 : memref<64xf32, #tpu.memory_space<hbm>>)
    %dma_wait3A_660 = arith.constant 9 : i32
    %dma_wait3A_661 = arith.constant 0 : i32
    %dma_wait3A_662 = tpu.memref_slice %arg15[%dma_wait3A_660, %dma_wait3A_661] : memref<16x64xf32, #tpu.memory_space<vmem>> -> memref<1x64xf32, #tpu.memory_space<vmem>>
    %dma_wait3A_663 = tpu.memref_squeeze %dma_wait3A_662 : memref<1x64xf32, #tpu.memory_space<vmem>> -> memref<64xf32, #tpu.memory_space<vmem>>
    %dma_wait3A_664 = tpu.memref_slice %arg7[%add3A_177] : memref<32768xf32, #tpu.memory_space<hbm>> -> memref<64xf32, #tpu.memory_space<hbm>>
    %dma_wait3A_665 = tpu.memref_slice %arg7[%add3A_177] : memref<32768xf32, #tpu.memory_space<hbm>> -> memref<64xf32, #tpu.memory_space<hbm>>
    %dma_wait3A_666 = arith.constant 0 : i32
    %dma_wait3A_667 = tpu.memref_slice %arg15[%dma_wait3A_660, %dma_wait3A_666] : memref<16x64xf32, #tpu.memory_space<vmem>> -> memref<1x64xf32, #tpu.memory_space<vmem>>
    %dma_wait3A_668 = tpu.memref_squeeze %dma_wait3A_667 : memref<1x64xf32, #tpu.memory_space<vmem>> -> memref<64xf32, #tpu.memory_space<vmem>>
    tpu.wait_dma2 semaphore(%arg19 : memref<!tpu.dma_semaphore, #tpu.memory_space<semaphore_mem>>) src(%dma_wait3A_668 : memref<64xf32, #tpu.memory_space<vmem>>) dst(%dma_wait3A_665 : memref<64xf32, #tpu.memory_space<hbm>>)
    %dma_wait3A_669 = arith.constant 10 : i32
    %dma_wait3A_670 = arith.constant 0 : i32
    %dma_wait3A_671 = tpu.memref_slice %arg14[%dma_wait3A_669, %dma_wait3A_670] : memref<16x64xf32, #tpu.memory_space<vmem>> -> memref<1x64xf32, #tpu.memory_space<vmem>>
    %dma_wait3A_672 = tpu.memref_squeeze %dma_wait3A_671 : memref<1x64xf32, #tpu.memory_space<vmem>> -> memref<64xf32, #tpu.memory_space<vmem>>
    %dma_wait3A_673 = tpu.memref_slice %arg6[%add3A_179] : memref<32768xf32, #tpu.memory_space<hbm>> -> memref<64xf32, #tpu.memory_space<hbm>>
    %dma_wait3A_674 = tpu.memref_slice %arg6[%add3A_179] : memref<32768xf32, #tpu.memory_space<hbm>> -> memref<64xf32, #tpu.memory_space<hbm>>
    %dma_wait3A_675 = arith.constant 0 : i32
    %dma_wait3A_676 = tpu.memref_slice %arg14[%dma_wait3A_669, %dma_wait3A_675] : memref<16x64xf32, #tpu.memory_space<vmem>> -> memref<1x64xf32, #tpu.memory_space<vmem>>
    %dma_wait3A_677 = tpu.memref_squeeze %dma_wait3A_676 : memref<1x64xf32, #tpu.memory_space<vmem>> -> memref<64xf32, #tpu.memory_space<vmem>>
    tpu.wait_dma2 semaphore(%arg18 : memref<!tpu.dma_semaphore, #tpu.memory_space<semaphore_mem>>) src(%dma_wait3A_677 : memref<64xf32, #tpu.memory_space<vmem>>) dst(%dma_wait3A_674 : memref<64xf32, #tpu.memory_space<hbm>>)
    %dma_wait3A_678 = arith.constant 10 : i32
    %dma_wait3A_679 = arith.constant 0 : i32
    %dma_wait3A_680 = tpu.memref_slice %arg15[%dma_wait3A_678, %dma_wait3A_679] : memref<16x64xf32, #tpu.memory_space<vmem>> -> memref<1x64xf32, #tpu.memory_space<vmem>>
    %dma_wait3A_681 = tpu.memref_squeeze %dma_wait3A_680 : memref<1x64xf32, #tpu.memory_space<vmem>> -> memref<64xf32, #tpu.memory_space<vmem>>
    %dma_wait3A_682 = tpu.memref_slice %arg7[%add3A_181] : memref<32768xf32, #tpu.memory_space<hbm>> -> memref<64xf32, #tpu.memory_space<hbm>>
    %dma_wait3A_683 = tpu.memref_slice %arg7[%add3A_181] : memref<32768xf32, #tpu.memory_space<hbm>> -> memref<64xf32, #tpu.memory_space<hbm>>
    %dma_wait3A_684 = arith.constant 0 : i32
    %dma_wait3A_685 = tpu.memref_slice %arg15[%dma_wait3A_678, %dma_wait3A_684] : memref<16x64xf32, #tpu.memory_space<vmem>> -> memref<1x64xf32, #tpu.memory_space<vmem>>
    %dma_wait3A_686 = tpu.memref_squeeze %dma_wait3A_685 : memref<1x64xf32, #tpu.memory_space<vmem>> -> memref<64xf32, #tpu.memory_space<vmem>>
    tpu.wait_dma2 semaphore(%arg19 : memref<!tpu.dma_semaphore, #tpu.memory_space<semaphore_mem>>) src(%dma_wait3A_686 : memref<64xf32, #tpu.memory_space<vmem>>) dst(%dma_wait3A_683 : memref<64xf32, #tpu.memory_space<hbm>>)
    %dma_wait3A_687 = arith.constant 11 : i32
    %dma_wait3A_688 = arith.constant 0 : i32
    %dma_wait3A_689 = tpu.memref_slice %arg14[%dma_wait3A_687, %dma_wait3A_688] : memref<16x64xf32, #tpu.memory_space<vmem>> -> memref<1x64xf32, #tpu.memory_space<vmem>>
    %dma_wait3A_690 = tpu.memref_squeeze %dma_wait3A_689 : memref<1x64xf32, #tpu.memory_space<vmem>> -> memref<64xf32, #tpu.memory_space<vmem>>
    %dma_wait3A_691 = tpu.memref_slice %arg6[%add3A_183] : memref<32768xf32, #tpu.memory_space<hbm>> -> memref<64xf32, #tpu.memory_space<hbm>>
    %dma_wait3A_692 = tpu.memref_slice %arg6[%add3A_183] : memref<32768xf32, #tpu.memory_space<hbm>> -> memref<64xf32, #tpu.memory_space<hbm>>
    %dma_wait3A_693 = arith.constant 0 : i32
    %dma_wait3A_694 = tpu.memref_slice %arg14[%dma_wait3A_687, %dma_wait3A_693] : memref<16x64xf32, #tpu.memory_space<vmem>> -> memref<1x64xf32, #tpu.memory_space<vmem>>
    %dma_wait3A_695 = tpu.memref_squeeze %dma_wait3A_694 : memref<1x64xf32, #tpu.memory_space<vmem>> -> memref<64xf32, #tpu.memory_space<vmem>>
    tpu.wait_dma2 semaphore(%arg18 : memref<!tpu.dma_semaphore, #tpu.memory_space<semaphore_mem>>) src(%dma_wait3A_695 : memref<64xf32, #tpu.memory_space<vmem>>) dst(%dma_wait3A_692 : memref<64xf32, #tpu.memory_space<hbm>>)
    %dma_wait3A_696 = arith.constant 11 : i32
    %dma_wait3A_697 = arith.constant 0 : i32
    %dma_wait3A_698 = tpu.memref_slice %arg15[%dma_wait3A_696, %dma_wait3A_697] : memref<16x64xf32, #tpu.memory_space<vmem>> -> memref<1x64xf32, #tpu.memory_space<vmem>>
    %dma_wait3A_699 = tpu.memref_squeeze %dma_wait3A_698 : memref<1x64xf32, #tpu.memory_space<vmem>> -> memref<64xf32, #tpu.memory_space<vmem>>
    %dma_wait3A_700 = tpu.memref_slice %arg7[%add3A_185] : memref<32768xf32, #tpu.memory_space<hbm>> -> memref<64xf32, #tpu.memory_space<hbm>>
    %dma_wait3A_701 = tpu.memref_slice %arg7[%add3A_185] : memref<32768xf32, #tpu.memory_space<hbm>> -> memref<64xf32, #tpu.memory_space<hbm>>
    %dma_wait3A_702 = arith.constant 0 : i32
    %dma_wait3A_703 = tpu.memref_slice %arg15[%dma_wait3A_696, %dma_wait3A_702] : memref<16x64xf32, #tpu.memory_space<vmem>> -> memref<1x64xf32, #tpu.memory_space<vmem>>
    %dma_wait3A_704 = tpu.memref_squeeze %dma_wait3A_703 : memref<1x64xf32, #tpu.memory_space<vmem>> -> memref<64xf32, #tpu.memory_space<vmem>>
    tpu.wait_dma2 semaphore(%arg19 : memref<!tpu.dma_semaphore, #tpu.memory_space<semaphore_mem>>) src(%dma_wait3A_704 : memref<64xf32, #tpu.memory_space<vmem>>) dst(%dma_wait3A_701 : memref<64xf32, #tpu.memory_space<hbm>>)
    %dma_wait3A_705 = arith.constant 12 : i32
    %dma_wait3A_706 = arith.constant 0 : i32
    %dma_wait3A_707 = tpu.memref_slice %arg14[%dma_wait3A_705, %dma_wait3A_706] : memref<16x64xf32, #tpu.memory_space<vmem>> -> memref<1x64xf32, #tpu.memory_space<vmem>>
    %dma_wait3A_708 = tpu.memref_squeeze %dma_wait3A_707 : memref<1x64xf32, #tpu.memory_space<vmem>> -> memref<64xf32, #tpu.memory_space<vmem>>
    %dma_wait3A_709 = tpu.memref_slice %arg6[%add3A_187] : memref<32768xf32, #tpu.memory_space<hbm>> -> memref<64xf32, #tpu.memory_space<hbm>>
    %dma_wait3A_710 = tpu.memref_slice %arg6[%add3A_187] : memref<32768xf32, #tpu.memory_space<hbm>> -> memref<64xf32, #tpu.memory_space<hbm>>
    %dma_wait3A_711 = arith.constant 0 : i32
    %dma_wait3A_712 = tpu.memref_slice %arg14[%dma_wait3A_705, %dma_wait3A_711] : memref<16x64xf32, #tpu.memory_space<vmem>> -> memref<1x64xf32, #tpu.memory_space<vmem>>
    %dma_wait3A_713 = tpu.memref_squeeze %dma_wait3A_712 : memref<1x64xf32, #tpu.memory_space<vmem>> -> memref<64xf32, #tpu.memory_space<vmem>>
    tpu.wait_dma2 semaphore(%arg18 : memref<!tpu.dma_semaphore, #tpu.memory_space<semaphore_mem>>) src(%dma_wait3A_713 : memref<64xf32, #tpu.memory_space<vmem>>) dst(%dma_wait3A_710 : memref<64xf32, #tpu.memory_space<hbm>>)
    %dma_wait3A_714 = arith.constant 12 : i32
    %dma_wait3A_715 = arith.constant 0 : i32
    %dma_wait3A_716 = tpu.memref_slice %arg15[%dma_wait3A_714, %dma_wait3A_715] : memref<16x64xf32, #tpu.memory_space<vmem>> -> memref<1x64xf32, #tpu.memory_space<vmem>>
    %dma_wait3A_717 = tpu.memref_squeeze %dma_wait3A_716 : memref<1x64xf32, #tpu.memory_space<vmem>> -> memref<64xf32, #tpu.memory_space<vmem>>
    %dma_wait3A_718 = tpu.memref_slice %arg7[%add3A_189] : memref<32768xf32, #tpu.memory_space<hbm>> -> memref<64xf32, #tpu.memory_space<hbm>>
    %dma_wait3A_719 = tpu.memref_slice %arg7[%add3A_189] : memref<32768xf32, #tpu.memory_space<hbm>> -> memref<64xf32, #tpu.memory_space<hbm>>
    %dma_wait3A_720 = arith.constant 0 : i32
    %dma_wait3A_721 = tpu.memref_slice %arg15[%dma_wait3A_714, %dma_wait3A_720] : memref<16x64xf32, #tpu.memory_space<vmem>> -> memref<1x64xf32, #tpu.memory_space<vmem>>
    %dma_wait3A_722 = tpu.memref_squeeze %dma_wait3A_721 : memref<1x64xf32, #tpu.memory_space<vmem>> -> memref<64xf32, #tpu.memory_space<vmem>>
    tpu.wait_dma2 semaphore(%arg19 : memref<!tpu.dma_semaphore, #tpu.memory_space<semaphore_mem>>) src(%dma_wait3A_722 : memref<64xf32, #tpu.memory_space<vmem>>) dst(%dma_wait3A_719 : memref<64xf32, #tpu.memory_space<hbm>>)
    %dma_wait3A_723 = arith.constant 13 : i32
    %dma_wait3A_724 = arith.constant 0 : i32
    %dma_wait3A_725 = tpu.memref_slice %arg14[%dma_wait3A_723, %dma_wait3A_724] : memref<16x64xf32, #tpu.memory_space<vmem>> -> memref<1x64xf32, #tpu.memory_space<vmem>>
    %dma_wait3A_726 = tpu.memref_squeeze %dma_wait3A_725 : memref<1x64xf32, #tpu.memory_space<vmem>> -> memref<64xf32, #tpu.memory_space<vmem>>
    %dma_wait3A_727 = tpu.memref_slice %arg6[%add3A_191] : memref<32768xf32, #tpu.memory_space<hbm>> -> memref<64xf32, #tpu.memory_space<hbm>>
    %dma_wait3A_728 = tpu.memref_slice %arg6[%add3A_191] : memref<32768xf32, #tpu.memory_space<hbm>> -> memref<64xf32, #tpu.memory_space<hbm>>
    %dma_wait3A_729 = arith.constant 0 : i32
    %dma_wait3A_730 = tpu.memref_slice %arg14[%dma_wait3A_723, %dma_wait3A_729] : memref<16x64xf32, #tpu.memory_space<vmem>> -> memref<1x64xf32, #tpu.memory_space<vmem>>
    %dma_wait3A_731 = tpu.memref_squeeze %dma_wait3A_730 : memref<1x64xf32, #tpu.memory_space<vmem>> -> memref<64xf32, #tpu.memory_space<vmem>>
    tpu.wait_dma2 semaphore(%arg18 : memref<!tpu.dma_semaphore, #tpu.memory_space<semaphore_mem>>) src(%dma_wait3A_731 : memref<64xf32, #tpu.memory_space<vmem>>) dst(%dma_wait3A_728 : memref<64xf32, #tpu.memory_space<hbm>>)
    %dma_wait3A_732 = arith.constant 13 : i32
    %dma_wait3A_733 = arith.constant 0 : i32
    %dma_wait3A_734 = tpu.memref_slice %arg15[%dma_wait3A_732, %dma_wait3A_733] : memref<16x64xf32, #tpu.memory_space<vmem>> -> memref<1x64xf32, #tpu.memory_space<vmem>>
    %dma_wait3A_735 = tpu.memref_squeeze %dma_wait3A_734 : memref<1x64xf32, #tpu.memory_space<vmem>> -> memref<64xf32, #tpu.memory_space<vmem>>
    %dma_wait3A_736 = tpu.memref_slice %arg7[%add3A_193] : memref<32768xf32, #tpu.memory_space<hbm>> -> memref<64xf32, #tpu.memory_space<hbm>>
    %dma_wait3A_737 = tpu.memref_slice %arg7[%add3A_193] : memref<32768xf32, #tpu.memory_space<hbm>> -> memref<64xf32, #tpu.memory_space<hbm>>
    %dma_wait3A_738 = arith.constant 0 : i32
    %dma_wait3A_739 = tpu.memref_slice %arg15[%dma_wait3A_732, %dma_wait3A_738] : memref<16x64xf32, #tpu.memory_space<vmem>> -> memref<1x64xf32, #tpu.memory_space<vmem>>
    %dma_wait3A_740 = tpu.memref_squeeze %dma_wait3A_739 : memref<1x64xf32, #tpu.memory_space<vmem>> -> memref<64xf32, #tpu.memory_space<vmem>>
    tpu.wait_dma2 semaphore(%arg19 : memref<!tpu.dma_semaphore, #tpu.memory_space<semaphore_mem>>) src(%dma_wait3A_740 : memref<64xf32, #tpu.memory_space<vmem>>) dst(%dma_wait3A_737 : memref<64xf32, #tpu.memory_space<hbm>>)
    %dma_wait3A_741 = arith.constant 14 : i32
    %dma_wait3A_742 = arith.constant 0 : i32
    %dma_wait3A_743 = tpu.memref_slice %arg14[%dma_wait3A_741, %dma_wait3A_742] : memref<16x64xf32, #tpu.memory_space<vmem>> -> memref<1x64xf32, #tpu.memory_space<vmem>>
    %dma_wait3A_744 = tpu.memref_squeeze %dma_wait3A_743 : memref<1x64xf32, #tpu.memory_space<vmem>> -> memref<64xf32, #tpu.memory_space<vmem>>
    %dma_wait3A_745 = tpu.memref_slice %arg6[%add3A_195] : memref<32768xf32, #tpu.memory_space<hbm>> -> memref<64xf32, #tpu.memory_space<hbm>>
    %dma_wait3A_746 = tpu.memref_slice %arg6[%add3A_195] : memref<32768xf32, #tpu.memory_space<hbm>> -> memref<64xf32, #tpu.memory_space<hbm>>
    %dma_wait3A_747 = arith.constant 0 : i32
    %dma_wait3A_748 = tpu.memref_slice %arg14[%dma_wait3A_741, %dma_wait3A_747] : memref<16x64xf32, #tpu.memory_space<vmem>> -> memref<1x64xf32, #tpu.memory_space<vmem>>
    %dma_wait3A_749 = tpu.memref_squeeze %dma_wait3A_748 : memref<1x64xf32, #tpu.memory_space<vmem>> -> memref<64xf32, #tpu.memory_space<vmem>>
    tpu.wait_dma2 semaphore(%arg18 : memref<!tpu.dma_semaphore, #tpu.memory_space<semaphore_mem>>) src(%dma_wait3A_749 : memref<64xf32, #tpu.memory_space<vmem>>) dst(%dma_wait3A_746 : memref<64xf32, #tpu.memory_space<hbm>>)
    %dma_wait3A_750 = arith.constant 14 : i32
    %dma_wait3A_751 = arith.constant 0 : i32
    %dma_wait3A_752 = tpu.memref_slice %arg15[%dma_wait3A_750, %dma_wait3A_751] : memref<16x64xf32, #tpu.memory_space<vmem>> -> memref<1x64xf32, #tpu.memory_space<vmem>>
    %dma_wait3A_753 = tpu.memref_squeeze %dma_wait3A_752 : memref<1x64xf32, #tpu.memory_space<vmem>> -> memref<64xf32, #tpu.memory_space<vmem>>
    %dma_wait3A_754 = tpu.memref_slice %arg7[%add3A_197] : memref<32768xf32, #tpu.memory_space<hbm>> -> memref<64xf32, #tpu.memory_space<hbm>>
    %dma_wait3A_755 = tpu.memref_slice %arg7[%add3A_197] : memref<32768xf32, #tpu.memory_space<hbm>> -> memref<64xf32, #tpu.memory_space<hbm>>
    %dma_wait3A_756 = arith.constant 0 : i32
    %dma_wait3A_757 = tpu.memref_slice %arg15[%dma_wait3A_750, %dma_wait3A_756] : memref<16x64xf32, #tpu.memory_space<vmem>> -> memref<1x64xf32, #tpu.memory_space<vmem>>
    %dma_wait3A_758 = tpu.memref_squeeze %dma_wait3A_757 : memref<1x64xf32, #tpu.memory_space<vmem>> -> memref<64xf32, #tpu.memory_space<vmem>>
    tpu.wait_dma2 semaphore(%arg19 : memref<!tpu.dma_semaphore, #tpu.memory_space<semaphore_mem>>) src(%dma_wait3A_758 : memref<64xf32, #tpu.memory_space<vmem>>) dst(%dma_wait3A_755 : memref<64xf32, #tpu.memory_space<hbm>>)
    %dma_wait3A_759 = arith.constant 15 : i32
    %dma_wait3A_760 = arith.constant 0 : i32
    %dma_wait3A_761 = tpu.memref_slice %arg14[%dma_wait3A_759, %dma_wait3A_760] : memref<16x64xf32, #tpu.memory_space<vmem>> -> memref<1x64xf32, #tpu.memory_space<vmem>>
    %dma_wait3A_762 = tpu.memref_squeeze %dma_wait3A_761 : memref<1x64xf32, #tpu.memory_space<vmem>> -> memref<64xf32, #tpu.memory_space<vmem>>
    %dma_wait3A_763 = tpu.memref_slice %arg6[%add3A_199] : memref<32768xf32, #tpu.memory_space<hbm>> -> memref<64xf32, #tpu.memory_space<hbm>>
    %dma_wait3A_764 = tpu.memref_slice %arg6[%add3A_199] : memref<32768xf32, #tpu.memory_space<hbm>> -> memref<64xf32, #tpu.memory_space<hbm>>
    %dma_wait3A_765 = arith.constant 0 : i32
    %dma_wait3A_766 = tpu.memref_slice %arg14[%dma_wait3A_759, %dma_wait3A_765] : memref<16x64xf32, #tpu.memory_space<vmem>> -> memref<1x64xf32, #tpu.memory_space<vmem>>
    %dma_wait3A_767 = tpu.memref_squeeze %dma_wait3A_766 : memref<1x64xf32, #tpu.memory_space<vmem>> -> memref<64xf32, #tpu.memory_space<vmem>>
    tpu.wait_dma2 semaphore(%arg18 : memref<!tpu.dma_semaphore, #tpu.memory_space<semaphore_mem>>) src(%dma_wait3A_767 : memref<64xf32, #tpu.memory_space<vmem>>) dst(%dma_wait3A_764 : memref<64xf32, #tpu.memory_space<hbm>>)
    %dma_wait3A_768 = arith.constant 15 : i32
    %dma_wait3A_769 = arith.constant 0 : i32
    %dma_wait3A_770 = tpu.memref_slice %arg15[%dma_wait3A_768, %dma_wait3A_769] : memref<16x64xf32, #tpu.memory_space<vmem>> -> memref<1x64xf32, #tpu.memory_space<vmem>>
    %dma_wait3A_771 = tpu.memref_squeeze %dma_wait3A_770 : memref<1x64xf32, #tpu.memory_space<vmem>> -> memref<64xf32, #tpu.memory_space<vmem>>
    %dma_wait3A_772 = tpu.memref_slice %arg7[%add3A_201] : memref<32768xf32, #tpu.memory_space<hbm>> -> memref<64xf32, #tpu.memory_space<hbm>>
    %dma_wait3A_773 = tpu.memref_slice %arg7[%add3A_201] : memref<32768xf32, #tpu.memory_space<hbm>> -> memref<64xf32, #tpu.memory_space<hbm>>
    %dma_wait3A_774 = arith.constant 0 : i32
    %dma_wait3A_775 = tpu.memref_slice %arg15[%dma_wait3A_768, %dma_wait3A_774] : memref<16x64xf32, #tpu.memory_space<vmem>> -> memref<1x64xf32, #tpu.memory_space<vmem>>
    %dma_wait3A_776 = tpu.memref_squeeze %dma_wait3A_775 : memref<1x64xf32, #tpu.memory_space<vmem>> -> memref<64xf32, #tpu.memory_space<vmem>>
    tpu.wait_dma2 semaphore(%arg19 : memref<!tpu.dma_semaphore, #tpu.memory_space<semaphore_mem>>) src(%dma_wait3A_776 : memref<64xf32, #tpu.memory_space<vmem>>) dst(%dma_wait3A_773 : memref<64xf32, #tpu.memory_space<hbm>>)
    return
  }
}

module attributes {stable_mosaic.version = 14 : i64} {
  func.func @_attn_body(%arg0: i32, %arg1: memref<512x2048xf32, #tpu.memory_space<vmem>>, %arg2: memref<512x2048xf32, #tpu.memory_space<vmem>>, %arg3: memref<512x2048xf32, #tpu.memory_space<vmem>>, %arg4: memref<1x2048xf32, #tpu.memory_space<vmem>>) attributes {dimension_semantics = [#tpu.dimension_semantics<arbitrary>], iteration_bounds = array<i64: 32>, scalar_prefetch = 0 : i64, scratch_operands = 0 : i64, tpu.core_type = #tpu.core_type<tc>, window_params = [{transform_indices = @transform_0, window_bounds = array<i64: 512, 2048>}, {transform_indices = @transform_1, window_bounds = array<i64: 512, 2048>}, {transform_indices = @transform_2, window_bounds = array<i64: 512, 2048>}, {pipeline_mode = #tpu.pipeline_mode<synchronous>, transform_indices = @transform_3, window_bounds = array<i64: 1, 2048>}]} {
    %eq3A = arith.constant 0 : i32
    %eq3A_0 = arith.cmpi eq, %arg0, %eq3A : i32
    %convert_element_type3A = arith.extui %eq3A_0 : i1 to i32
    %cond3A = arith.constant 0 : i32
    %cond3A_1 = arith.cmpi ne, %convert_element_type3A, %cond3A : i32
    scf.if %cond3A_1 {
      %broadcast_in_dim3A_28 = arith.constant 0.000000e+00 : f32
      %broadcast_in_dim3A_29 = vector.broadcast %broadcast_in_dim3A_28 : f32 to vector<1x2048xf32>
      %swap3A_30 = arith.constant 0 : index
      %swap3A_31 = arith.constant 0 : index
      %swap3A_32 = vector.load %arg4[%swap3A_30, %swap3A_31] : memref<1x2048xf32, #tpu.memory_space<vmem>>, vector<1x2048xf32>
      tpu.vector_store %arg4[%swap3A_30, %swap3A_31], %broadcast_in_dim3A_29 {strides = array<i32>} : memref<1x2048xf32, #tpu.memory_space<vmem>>, vector<1x2048xf32>,
    } else {
    }
    %get3A = arith.constant 0 : index
    %get3A_2 = arith.constant 0 : index
    %get3A_3 = vector.load %arg1[%get3A, %get3A_2] : memref<512x2048xf32, #tpu.memory_space<vmem>>, vector<512x2048xf32>
    %reduce_sum3A = arith.constant dense<0.000000e+00> : vector<2048xf32>
    %reduce_sum3A_4 = vector.multi_reduction <add>, %get3A_3, %reduce_sum3A [0] : vector<512x2048xf32> to vector<2048xf32>
    %broadcast_in_dim3A = vector.shape_cast %reduce_sum3A_4 : vector<2048xf32> to vector<1x2048xf32>
    %get3A_5 = arith.constant 0 : index
    %get3A_6 = arith.constant 0 : index
    %get3A_7 = vector.load %arg2[%get3A_5, %get3A_6] : memref<512x2048xf32, #tpu.memory_space<vmem>>, vector<512x2048xf32>
    %reduce_sum3A_8 = arith.constant dense<0.000000e+00> : vector<2048xf32>
    %reduce_sum3A_9 = vector.multi_reduction <add>, %get3A_7, %reduce_sum3A_8 [0] : vector<512x2048xf32> to vector<2048xf32>
    %broadcast_in_dim3A_10 = vector.shape_cast %reduce_sum3A_9 : vector<2048xf32> to vector<1x2048xf32>
    %add3A = arith.addf %broadcast_in_dim3A, %broadcast_in_dim3A_10 : vector<1x2048xf32>
    %lt3A = arith.constant 32 : i32
    %lt3A_11 = arith.cmpi slt, %arg0, %lt3A : i32
    %convert_element_type3A_12 = arith.extui %lt3A_11 : i1 to i32
    %convert_element_type3A_13 = arith.sitofp %convert_element_type3A_12 : i32 to f32
    %get3A_14 = arith.constant 0 : index
    %get3A_15 = arith.constant 0 : index
    %get3A_16 = vector.load %arg4[%get3A_14, %get3A_15] : memref<1x2048xf32, #tpu.memory_space<vmem>>, vector<1x2048xf32>
    %get3A_17 = arith.constant 0 : index
    %get3A_18 = arith.constant 0 : index
    %get3A_19 = vector.load %arg3[%get3A_17, %get3A_18] : memref<512x2048xf32, #tpu.memory_space<vmem>>, vector<512x2048xf32>
    %reduce_sum3A_20 = arith.constant dense<0.000000e+00> : vector<2048xf32>
    %reduce_sum3A_21 = vector.multi_reduction <add>, %get3A_19, %reduce_sum3A_20 [0] : vector<512x2048xf32> to vector<2048xf32>
    %broadcast_in_dim3A_22 = vector.shape_cast %reduce_sum3A_21 : vector<2048xf32> to vector<1x2048xf32>
    %mul3A = vector.broadcast %convert_element_type3A_13 : f32 to vector<1x2048xf32>
    %mul3A_23 = arith.mulf %mul3A, %broadcast_in_dim3A_22 : vector<1x2048xf32>
    %add3A_24 = arith.addf %add3A, %mul3A_23 : vector<1x2048xf32>
    %add3A_25 = arith.addf %get3A_16, %add3A_24 : vector<1x2048xf32>
    %swap3A = arith.constant 0 : index
    %swap3A_26 = arith.constant 0 : index
    %swap3A_27 = vector.load %arg4[%swap3A, %swap3A_26] : memref<1x2048xf32, #tpu.memory_space<vmem>>, vector<1x2048xf32>
    tpu.vector_store %arg4[%swap3A, %swap3A_26], %add3A_25 {strides = array<i32>} : memref<1x2048xf32, #tpu.memory_space<vmem>>, vector<1x2048xf32>,
    return
  }
  func.func @transform_0(%arg0: i32) -> (i32, i32) {
    %c0_i32 = arith.constant 0 : i32
    %c0_i32_0 = arith.constant 0 : i32
    return %arg0, %c0_i32 : i32, i32
  }
  func.func @transform_1(%arg0: i32) -> (i32, i32) {
    %c0_i32 = arith.constant 0 : i32
    %c0_i32_0 = arith.constant 0 : i32
    return %arg0, %c0_i32 : i32, i32
  }
  func.func @transform_2(%arg0: i32) -> (i32, i32) {
    %min3A = arith.constant 31 : i32
    %min3A_0 = arith.minsi %arg0, %min3A : i32
    %add3A = arith.constant 0 : i32
    %add3A_1 = arith.addi %add3A, %min3A_0 : i32
    %c0_i32 = arith.constant 0 : i32
    %c0_i32_2 = arith.constant 0 : i32
    return %add3A_1, %c0_i32 : i32, i32
  }
  func.func @transform_3(%arg0: i32) -> (i32, i32) {
    %c0_i32 = arith.constant 0 : i32
    %c0_i32_0 = arith.constant 0 : i32
    %c0_i32_1 = arith.constant 0 : i32
    return %c0_i32, %c0_i32_0 : i32, i32
  }
}

module attributes {stable_mosaic.version = 14 : i64} {
  func.func @_final_body(%arg0: memref<1x2048xf32, #tpu.memory_space<vmem>>, %arg1: memref<16x2048xf32, #tpu.memory_space<vmem>>, %arg2: memref<16x2048xf32, #tpu.memory_space<vmem>>, %arg3: memref<1x4096xf32, #tpu.memory_space<vmem>>, %arg4: memref<1x32000xf32, #tpu.memory_space<vmem>>, %arg5: memref<1x32000xf32, #tpu.memory_space<vmem>>, %arg6: memref<1x2048xf32, #tpu.memory_space<vmem>>, %arg7: memref<1x2048xf32, #tpu.memory_space<vmem>>, %arg8: memref<1x2048xi32, #tpu.memory_space<vmem>>, %arg9: memref<1x2048xi32, #tpu.memory_space<vmem>>, %arg10: memref<1x2048xi32, #tpu.memory_space<vmem>>, %arg11: memref<1x32000xf32, #tpu.memory_space<vmem>>) attributes {dimension_semantics = [], scalar_prefetch = 0 : i64, scratch_operands = 0 : i64, tpu.core_type = #tpu.core_type<tc>} {
    %get3A = arith.constant 0 : index
    %get3A_0 = arith.constant 0 : index
    %get3A_1 = vector.load %arg0[%get3A, %get3A_0] : memref<1x2048xf32, #tpu.memory_space<vmem>>, vector<1x2048xf32>
    %div3A = arith.constant 4.915200e+04 : f32
    %div3A_2 = vector.broadcast %div3A : f32 to vector<1x2048xf32>
    %div3A_3 = arith.divf %get3A_1, %div3A_2 : vector<1x2048xf32>
    %reduce_sum3A = vector.shape_cast %div3A_3 : vector<1x2048xf32> to vector<1x1x2048xf32>
    %reduce_sum3A_4 = arith.constant dense<0.000000e+00> : vector<1xf32>
    %reduce_sum3A_5 = vector.multi_reduction <add>, %reduce_sum3A, %reduce_sum3A_4 [1, 2] : vector<1x1x2048xf32> to vector<1xf32>
    %reduce_sum3A_6 = vector.shape_cast %reduce_sum3A_5 : vector<1xf32> to vector<1x1x1xf32>
    %reduce_sum3A_7 = vector.extract %reduce_sum3A_6[0, 0, 0] : f32 from vector<1x1x1xf32>
    %add3A = arith.constant 9.99999993E-9 : f32
    %add3A_8 = arith.addf %reduce_sum3A_7, %add3A : f32
    %div3A_9 = vector.broadcast %add3A_8 : f32 to vector<1x2048xf32>
    %div3A_10 = arith.divf %div3A_3, %div3A_9 : vector<1x2048xf32>
    %mul3A = arith.constant 2.048000e+03 : f32
    %mul3A_11 = vector.broadcast %mul3A : f32 to vector<1x2048xf32>
    %mul3A_12 = arith.mulf %div3A_10, %mul3A_11 : vector<1x2048xf32>
    %jit3A = arith.constant 0.000000e+00 : f32
    %jit3A_13 = arith.constant 1.000000e+00 : f32
    %max3A = vector.broadcast %jit3A : f32 to vector<1x2048xf32>
    %max3A_14 = arith.maximumf %max3A, %mul3A_12 : vector<1x2048xf32>
    %min3A = vector.broadcast %jit3A_13 : f32 to vector<1x2048xf32>
    %min3A_15 = arith.minimumf %min3A, %max3A_14 : vector<1x2048xf32>
    %get3A_16 = arith.constant 0 : index
    %get3A_17 = arith.constant 0 : index
    %get3A_18 = vector.load %arg3[%get3A_16, %get3A_17] : memref<1x4096xf32, #tpu.memory_space<vmem>>, vector<1x4096xf32>
    %div3A_19 = arith.constant 2.048000e+03 : f32
    %div3A_20 = vector.broadcast %div3A_19 : f32 to vector<1x4096xf32>
    %div3A_21 = arith.divf %get3A_18, %div3A_20 : vector<1x4096xf32>
    %mul3A_22 = arith.mulf %div3A_21, %div3A_21 : vector<1x4096xf32>
    %reduce_sum3A_23 = vector.shape_cast %mul3A_22 : vector<1x4096xf32> to vector<1x1x4096xf32>
    %reduce_sum3A_24 = arith.constant dense<0.000000e+00> : vector<1xf32>
    %reduce_sum3A_25 = vector.multi_reduction <add>, %reduce_sum3A_23, %reduce_sum3A_24 [1, 2] : vector<1x1x4096xf32> to vector<1xf32>
    %reduce_sum3A_26 = vector.shape_cast %reduce_sum3A_25 : vector<1xf32> to vector<1x1x1xf32>
    %reduce_sum3A_27 = vector.extract %reduce_sum3A_26[0, 0, 0] : f32 from vector<1x1x1xf32>
    %sqrt3A = math.sqrt %reduce_sum3A_27 : f32
    %get3A_28 = arith.constant 0 : index
    %get3A_29 = arith.constant 0 : index
    %get3A_30 = vector.load %arg2[%get3A_28, %get3A_29] : memref<16x2048xf32, #tpu.memory_space<vmem>>, vector<16x2048xf32>
    %reduce_sum3A_31 = arith.constant dense<0.000000e+00> : vector<2048xf32>
    %reduce_sum3A_32 = vector.multi_reduction <add>, %get3A_30, %reduce_sum3A_31 [0] : vector<16x2048xf32> to vector<2048xf32>
    %broadcast_in_dim3A = vector.shape_cast %reduce_sum3A_32 : vector<2048xf32> to vector<1x2048xf32>
    %sqrt3A_33 = math.sqrt %broadcast_in_dim3A : vector<1x2048xf32>
    %get3A_34 = arith.constant 0 : index
    %get3A_35 = arith.constant 0 : index
    %get3A_36 = vector.load %arg1[%get3A_34, %get3A_35] : memref<16x2048xf32, #tpu.memory_space<vmem>>, vector<16x2048xf32>
    %reduce_sum3A_37 = arith.constant dense<0.000000e+00> : vector<2048xf32>
    %reduce_sum3A_38 = vector.multi_reduction <add>, %get3A_36, %reduce_sum3A_37 [0] : vector<16x2048xf32> to vector<2048xf32>
    %broadcast_in_dim3A_39 = vector.shape_cast %reduce_sum3A_38 : vector<2048xf32> to vector<1x2048xf32>
    %div3A_40 = arith.constant 2.048000e+03 : f32
    %div3A_41 = vector.broadcast %div3A_40 : f32 to vector<1x2048xf32>
    %div3A_42 = arith.divf %broadcast_in_dim3A_39, %div3A_41 : vector<1x2048xf32>
    %add3A_43 = arith.constant 9.99999993E-9 : f32
    %add3A_44 = vector.broadcast %add3A_43 : f32 to vector<1x2048xf32>
    %add3A_45 = arith.addf %sqrt3A_33, %add3A_44 : vector<1x2048xf32>
    %div3A_46 = arith.divf %div3A_42, %add3A_45 : vector<1x2048xf32>
    %add3A_47 = arith.constant 9.99999993E-9 : f32
    %add3A_48 = arith.addf %sqrt3A, %add3A_47 : f32
    %div3A_49 = vector.broadcast %add3A_48 : f32 to vector<1x2048xf32>
    %div3A_50 = arith.divf %div3A_46, %div3A_49 : vector<1x2048xf32>
    %add3A_51 = arith.constant 1.000000e+00 : f32
    %add3A_52 = vector.broadcast %add3A_51 : f32 to vector<1x2048xf32>
    %add3A_53 = arith.addf %div3A_50, %add3A_52 : vector<1x2048xf32>
    %mul3A_54 = arith.constant 5.000000e-01 : f32
    %mul3A_55 = vector.broadcast %mul3A_54 : f32 to vector<1x2048xf32>
    %mul3A_56 = arith.mulf %mul3A_55, %add3A_53 : vector<1x2048xf32>
    %mul3A_57 = arith.constant 5.000000e-01 : f32
    %mul3A_58 = vector.broadcast %mul3A_57 : f32 to vector<1x2048xf32>
    %mul3A_59 = arith.mulf %mul3A_58, %mul3A_56 : vector<1x2048xf32>
    %mul3A_60 = arith.constant 5.000000e-01 : f32
    %mul3A_61 = vector.broadcast %mul3A_60 : f32 to vector<1x2048xf32>
    %mul3A_62 = arith.mulf %mul3A_61, %min3A_15 : vector<1x2048xf32>
    %add3A_63 = arith.addf %mul3A_59, %mul3A_62 : vector<1x2048xf32>
    %bitcast_convert_type3A = tpu.bitcast %add3A_63 : vector<1x2048xf32> -> vector<1x2048xi32>
    %ge3A = arith.constant 0 : i32
    %ge3A_64 = vector.broadcast %ge3A : i32 to vector<1x2048xi32>
    %ge3A_65 = arith.cmpi sge, %bitcast_convert_type3A, %ge3A_64 : vector<1x2048xi32>
    %sub3A = arith.constant -2147483648 : i32
    %sub3A_66 = vector.broadcast %sub3A : i32 to vector<1x2048xi32>
    %sub3A_67 = arith.subi %sub3A_66, %bitcast_convert_type3A : vector<1x2048xi32>
    %select_n3A = arith.select %ge3A_65, %bitcast_convert_type3A, %sub3A_67 : vector<1x2048xi1>, vector<1x2048xi32>
    %ge3A_68 = arith.constant 0 : i32
    %ge3A_69 = vector.broadcast %ge3A_68 : i32 to vector<1x2048xi32>
    %ge3A_70 = arith.cmpi sge, %select_n3A, %ge3A_69 : vector<1x2048xi32>
    %convert_element_type3A = arith.extui %ge3A_70 : vector<1x2048xi1> to vector<1x2048xi32>
    %reduce_sum3A_71 = vector.shape_cast %convert_element_type3A : vector<1x2048xi32> to vector<1x1x2048xi32>
    %reduce_sum3A_72 = arith.constant dense<0> : vector<1xi32>
    %reduce_sum3A_73 = vector.multi_reduction <add>, %reduce_sum3A_71, %reduce_sum3A_72 [1, 2] : vector<1x1x2048xi32> to vector<1xi32>
    %reduce_sum3A_74 = vector.shape_cast %reduce_sum3A_73 : vector<1xi32> to vector<1x1x1xi32>
    %reduce_sum3A_75 = vector.extract %reduce_sum3A_74[0, 0, 0] : i32 from vector<1x1x1xi32>
    %ge3A_76 = arith.constant 1843 : i32
    %ge3A_77 = arith.cmpi sge, %reduce_sum3A_75, %ge3A_76 : i32
    %jit3A_78 = arith.constant 0 : i32
    %jit3A_79 = arith.constant -2147483648 : i32
    %select_n3A_80 = arith.select %ge3A_77, %jit3A_78, %jit3A_79 : i32
    %scan3A = arith.constant 1843 : i32
    %scan3A_81 = arith.constant 0 : i32
    %scan3A_82 = arith.constant 31 : i32
    %scan3A_83 = arith.addi %scan3A_81, %scan3A_82 : i32
    %scan3A_84 = arith.constant 1 : i32
    %scan3A_85 = scf.for %scan3A_132 = %scan3A_81 to %scan3A_83 step %scan3A_84 iter_args(%scan3A_133 = %select_n3A_80) -> (i32)  : i32 {
      %sub3A_134 = arith.constant 30 : i32
      %sub3A_135 = arith.subi %sub3A_134, %scan3A_132 : i32
      %shift_left3A = arith.constant 1 : i32
      %shift_left3A_136 = arith.shli %shift_left3A, %sub3A_135 : i32
      %add3A_137 = arith.addi %scan3A_133, %shift_left3A_136 : i32
      %ge3A_138 = vector.broadcast %add3A_137 : i32 to vector<1x2048xi32>
      %ge3A_139 = arith.cmpi sge, %select_n3A, %ge3A_138 : vector<1x2048xi32>
      %convert_element_type3A_140 = arith.extui %ge3A_139 : vector<1x2048xi1> to vector<1x2048xi32>
      %reduce_sum3A_141 = vector.shape_cast %convert_element_type3A_140 : vector<1x2048xi32> to vector<1x1x2048xi32>
      %reduce_sum3A_142 = arith.constant dense<0> : vector<1xi32>
      %reduce_sum3A_143 = vector.multi_reduction <add>, %reduce_sum3A_141, %reduce_sum3A_142 [1, 2] : vector<1x1x2048xi32> to vector<1xi32>
      %reduce_sum3A_144 = vector.shape_cast %reduce_sum3A_143 : vector<1xi32> to vector<1x1x1xi32>
      %reduce_sum3A_145 = vector.extract %reduce_sum3A_144[0, 0, 0] : i32 from vector<1x1x1xi32>
      %ge3A_146 = arith.cmpi sge, %reduce_sum3A_145, %scan3A : i32
      %select_n3A_147 = arith.select %ge3A_146, %add3A_137, %scan3A_133 : i32
      scf.yield %select_n3A_147 : i32
    }
    %scan3A_86 = arith.constant 31 : i32
    %ge3A_87 = vector.broadcast %scan3A_85 : i32 to vector<1x2048xi32>
    %ge3A_88 = arith.cmpi sge, %select_n3A, %ge3A_87 : vector<1x2048xi32>
    %ge3A_89 = arith.constant 5.000000e-01 : f32
    %ge3A_90 = vector.broadcast %ge3A_89 : f32 to vector<1x2048xf32>
    %ge3A_91 = arith.cmpf oge, %add3A_63, %ge3A_90 : vector<1x2048xf32>
    %or3A = arith.ori %ge3A_88, %ge3A_91 : vector<1x2048xi1>
    %swap3A = arith.constant 0 : index
    %swap3A_92 = arith.constant 0 : index
    %swap3A_93 = vector.load %arg6[%swap3A, %swap3A_92] : memref<1x2048xf32, #tpu.memory_space<vmem>>, vector<1x2048xf32>
    tpu.vector_store %arg6[%swap3A, %swap3A_92], %add3A_63 {strides = array<i32>} : memref<1x2048xf32, #tpu.memory_space<vmem>>, vector<1x2048xf32>,
    %swap3A_94 = arith.constant 0 : index
    %swap3A_95 = arith.constant 0 : index
    %swap3A_96 = vector.load %arg7[%swap3A_94, %swap3A_95] : memref<1x2048xf32, #tpu.memory_space<vmem>>, vector<1x2048xf32>
    tpu.vector_store %arg7[%swap3A_94, %swap3A_95], %add3A_63 {strides = array<i32>} : memref<1x2048xf32, #tpu.memory_space<vmem>>, vector<1x2048xf32>,
    %swap3A_97 = arith.constant 0 : index
    %swap3A_98 = arith.constant 0 : index
    %swap3A_99 = vector.load %arg8[%swap3A_97, %swap3A_98] : memref<1x2048xi32, #tpu.memory_space<vmem>>, vector<1x2048xi32>
    %swap3A_100 = arith.extui %or3A : vector<1x2048xi1> to vector<1x2048xi32>
    %swap3A_101 = arith.constant dense<0> : vector<1x2048xi32>
    %swap3A_102 = arith.cmpi ne, %swap3A_99, %swap3A_101 : vector<1x2048xi32>
    tpu.vector_store %arg8[%swap3A_97, %swap3A_98], %swap3A_100 {strides = array<i32>} : memref<1x2048xi32, #tpu.memory_space<vmem>>, vector<1x2048xi32>,
    %not3A = arith.constant dense<true> : vector<1x2048xi1>
    %not3A_103 = arith.xori %or3A, %not3A : vector<1x2048xi1>
    %swap3A_104 = arith.constant 0 : index
    %swap3A_105 = arith.constant 0 : index
    %swap3A_106 = vector.load %arg9[%swap3A_104, %swap3A_105] : memref<1x2048xi32, #tpu.memory_space<vmem>>, vector<1x2048xi32>
    %swap3A_107 = arith.extui %not3A_103 : vector<1x2048xi1> to vector<1x2048xi32>
    %swap3A_108 = arith.constant dense<0> : vector<1x2048xi32>
    %swap3A_109 = arith.cmpi ne, %swap3A_106, %swap3A_108 : vector<1x2048xi32>
    tpu.vector_store %arg9[%swap3A_104, %swap3A_105], %swap3A_107 {strides = array<i32>} : memref<1x2048xi32, #tpu.memory_space<vmem>>, vector<1x2048xi32>,
    %swap3A_110 = arith.constant 0 : index
    %swap3A_111 = arith.constant 0 : index
    %swap3A_112 = vector.load %arg10[%swap3A_110, %swap3A_111] : memref<1x2048xi32, #tpu.memory_space<vmem>>, vector<1x2048xi32>
    %swap3A_113 = arith.extui %or3A : vector<1x2048xi1> to vector<1x2048xi32>
    %swap3A_114 = arith.constant dense<0> : vector<1x2048xi32>
    %swap3A_115 = arith.cmpi ne, %swap3A_112, %swap3A_114 : vector<1x2048xi32>
    tpu.vector_store %arg10[%swap3A_110, %swap3A_111], %swap3A_113 {strides = array<i32>} : memref<1x2048xi32, #tpu.memory_space<vmem>>, vector<1x2048xi32>,
    %get3A_116 = arith.constant 0 : index
    %get3A_117 = arith.constant 0 : index
    %get3A_118 = vector.load %arg4[%get3A_116, %get3A_117] : memref<1x32000xf32, #tpu.memory_space<vmem>>, vector<1x32000xf32>
    %mul3A_119 = arith.constant 2.000000e+00 : f32
    %mul3A_120 = vector.broadcast %mul3A_119 : f32 to vector<1x32000xf32>
    %mul3A_121 = arith.mulf %mul3A_120, %get3A_118 : vector<1x32000xf32>
    %get3A_122 = arith.constant 0 : index
    %get3A_123 = arith.constant 0 : index
    %get3A_124 = vector.load %arg5[%get3A_122, %get3A_123] : memref<1x32000xf32, #tpu.memory_space<vmem>>, vector<1x32000xf32>
    %mul3A_125 = arith.constant 1.000000e+00 : f32
    %mul3A_126 = vector.broadcast %mul3A_125 : f32 to vector<1x32000xf32>
    %mul3A_127 = arith.mulf %mul3A_126, %get3A_124 : vector<1x32000xf32>
    %sub3A_128 = arith.subf %mul3A_121, %mul3A_127 : vector<1x32000xf32>
    %swap3A_129 = arith.constant 0 : index
    %swap3A_130 = arith.constant 0 : index
    %swap3A_131 = vector.load %arg11[%swap3A_129, %swap3A_130] : memref<1x32000xf32, #tpu.memory_space<vmem>>, vector<1x32000xf32>
    tpu.vector_store %arg11[%swap3A_129, %swap3A_130], %sub3A_128 {strides = array<i32>} : memref<1x32000xf32, #tpu.memory_space<vmem>>, vector<1x32000xf32>,
    return
  }
}

</mosaic_0001>

<sc_bundles>
// kernel: kernel.5.cloned.1.call-start
scs
__scs_entry_jumppad:
0x0: {  	(pc) =	sbr.rel $0x88, $3  }
0x1: {  	(tag) =	ssettag $0x0;
	lr =	simm.s32 $0x1  }
0x2: {  	[smem:$0x3F9A] =	sst lr;
	_ =	strace $0xD0000000  }
0x3: {  	_ = 	snop  }
0x4: {  	_ = 	snop  }
0x5: {  	_ = 	snop  }
0x6: {  	_ = 	snop  }
0x7: {  	_ = 	snop  }
__scs_overlays_trampoline_lowered:
0x8: {  	[smem:$0x3FA9] =	sst s0  }
0x9: {  	[smem:$0x3FAA] =	sst s1  }
0xa: {  	[smem:$0x3FAB] =	sst s2  }
0xb: {  	[smem:$0x3FAC] =	sst s3  }
0xc: {  	[smem:$0x3FAD] =	sst s4  }
0xd: {  	[smem:$0x3FAE] =	sst s5  }
0xe: {  	[smem:$0x3FAF] =	sst s6  }
0xf: {  	[smem:$0x3FB0] =	sst s7  }
0x10: {  	[smem:$0x3FB1] =	sst s8  }
0x11: {  	[smem:$0x3FB2] =	sst s9;
	s0 =	simm.s32 @!p0 $0x0  }
0x12: {  	s1 =	sld [smem:$0x3F98];
	s0 =	simm.s32 @p0 $0x1  }
0x13: {  	[smem:$0x3FB3] =	sst s0;
	s0 =	simm.s32 @!p1 $0x0  }
0x14: {  	s2 =	sld [smem:$0x3F97];
	s0 =	simm.s32 @p1 $0x1  }
0x15: {  	[smem:$0x3FB4] =	sst s0;
	s0 =	simm.s32 @!p2 $0x0  }
0x16: {  	s3 =	sld [smem:$0x3FDB];
	s0 =	simm.s32 @p2 $0x1  }
0x17: {  	s4 =	simm.s32 $0x1BF5;
	[smem:$0x3FB6] =	sst s0  }
0x18: {  	s0 =	sld [smem:$0x3F99];
	_ =	swait.ge [sflag:s4], $0x0  }
0x19: {  	s7 =	sld [smem:$0x3F9A]  }
0x1a: {  	s8 =	sadd.s32 $0xFFFFE003, lr  }
0x1b: {  	s9 =	sadd.s32 $0xFFFFFEF7, lr;
	s5 =	simm.s32 $0xFFFFFFFF;
	p2 =	slt.u32 s8, $0xFFFFF086  }
0x1c: {  	p1 =	slt.u32 s9, $0xF7A;
	s5 =	simm.s32 @!p2 $0x0  }
0x1d: {  	s5 =	simm.s32 @p1 $0x1;
	p0 =	seq.s32 s7, s2  }
0x1e: {  	s7 =	smul.u32 @!p0 $0xF7A, s2;
	p2 =	seq.s32 @!p0 s5, $0x0  }
0x1f: {  	s9 =	smul.u32 $0xF7A, s1;
	s8 =	simm.s32 @!p0 $0x1BF5;
	p2 =	por !p2, p0  }
0x20: {  	[sflag:s8] =	ssyncset.s32 @!p0 $0xFFFFF086;
	s6 =	sadd.s32 @!p0 s3, s7;
	s7 =	simm.s32 @!p0 $0x108  }
0x21: {  	s3 =	sadd.s32 s3, s9;
	s6 =	sadd.s32 @!p0 $0x88, s6;
	s7 =	simm.s32 @p2 $0x1082  }
0x22: {  	[simem:s7], [sflag:s8] =	dma.local @!p0 [hbm:s6], $0xF7A  }
0x23: {  	s9 =	sor.u32 $0xD0000000, s2;
	s6 =	simm.s32 $0x108;
	_ =	swait.ge @!p0 [sflag:s8], $0x0  }
0x24: {  	s3 =	sadd.s32 $0x88, s3;
	s6 =	simm.s32 @!p1 $0x1082;
	[sflag:s4] =	ssyncset.s32 $0xFFFFF086  }
0x25: {  	[simem:s6], [sflag:s4] =	dma.local [hbm:s3], $0xF7A  }
0x26: {  	[smem:$0x3F9A] =	sst s1;
	(tag) =	ssettag s2;
	_ =	strace s9  }
0x27: {  	s1 =	sld [smem:$0x3FAA]  }
0x28: {  	s2 =	sld [smem:$0x3FAB]  }
0x29: {  	s4 =	sld [smem:$0x3FAD]  }
0x2a: {  	p0 =	seq.s32 s5, $0x0;
	s5 =	sld [smem:$0x3FAE]  }
0x2b: {  	s6 =	sld [smem:$0x3FAF]  }
0x2c: {  	s7 =	sld [smem:$0x3FB0]  }
0x2d: {  	s3 =	simm.s32 $0x108;
	s8 =	sld [smem:$0x3FB1]  }
0x2e: {  	s3 =	simm.s32 @!p0 $0x1082;
	s9 =	sld [smem:$0x3FB2]  }
0x2f: {  	lr =	sadd.s32 s0, s3;
	s0 =	sld [smem:$0x3FA9]  }
0x30: {  	s3 =	sld [smem:$0x3FAC]  }
0x31: {  	[smem:$0x3FB5] =	sst s10  }
0x32: {  	s10 =	sld [smem:$0x3FB3];
	_ =	sdelay $0x3  }
0x33: {  	p0 =	seq.s32 s10, $0x1;
	s10 =	sld [smem:$0x3FB5];
	_ =	sdelay $0x3  }
0x34: {  	[smem:$0x3FB5] =	sst s10  }
0x35: {  	s10 =	sld [smem:$0x3FB4];
	_ =	sdelay $0x3  }
0x36: {  	p1 =	seq.s32 s10, $0x1;
	s10 =	sld [smem:$0x3FB5];
	_ =	sdelay $0x3  }
0x37: {  	[smem:$0x3FB5] =	sst s10  }
0x38: {  	s10 =	sld [smem:$0x3FB6]  }
0x39: {  	_ = 	snop;
	(pc) =	sbr.ind lr, $3  }
0x3a: {  	_ = 	snop  }
0x3b: {  	_ = 	snop  }
0x3c: {  	p2 =	seq.s32 s10, $0x1;
	s10 =	sld [smem:$0x3FB5]  }
0x3d: {  	_ =	shalt  }
0x3e: {  	_ =	shalt  }
0x3f: {  	_ =	shalt  }
0x40: {  	_ =	shalt  }
0x41: {  	_ =	shalt  }
0x42: {  	_ =	shalt  }
0x43: {  	_ =	shalt  }
0x44: {  	_ =	shalt  }
0x45: {  	_ =	shalt  }
0x46: {  	_ =	shalt  }
0x47: {  	_ =	shalt  }
0x48: {  	_ =	shalt  }
0x49: {  	_ =	shalt  }
0x4a: {  	_ =	shalt  }
0x4b: {  	_ =	shalt  }
0x4c: {  	_ =	shalt  }
0x4d: {  	_ =	shalt  }
0x4e: {  	_ =	shalt  }
0x4f: {  	_ =	shalt  }
0x50: {  	_ =	shalt  }
0x51: {  	_ =	shalt  }
0x52: {  	_ =	shalt  }
0x53: {  	_ =	shalt  }
0x54: {  	_ =	shalt  }
0x55: {  	_ =	shalt  }
0x56: {  	_ =	shalt  }
0x57: {  	_ =	shalt  }
0x58: {  	_ =	shalt  }
0x59: {  	_ =	shalt  }
0x5a: {  	_ =	shalt  }
0x5b: {  	_ =	shalt  }
0x5c: {  	_ =	shalt  }
0x5d: {  	_ =	shalt  }
0x5e: {  	_ =	shalt  }
0x5f: {  	_ =	shalt  }
0x60: {  	_ =	shalt  }
0x61: {  	_ =	shalt  }
0x62: {  	_ =	shalt  }
0x63: {  	_ =	shalt  }
0x64: {  	_ =	shalt  }
0x65: {  	_ =	shalt  }
0x66: {  	_ =	shalt  }
0x67: {  	_ =	shalt  }
0x68: {  	_ =	shalt  }
0x69: {  	_ =	shalt  }
0x6a: {  	_ =	shalt  }
0x6b: {  	_ =	shalt  }
0x6c: {  	_ =	shalt  }
0x6d: {  	_ =	shalt  }
0x6e: {  	_ =	shalt  }
0x6f: {  	_ =	shalt  }
0x70: {  	_ =	shalt  }
0x71: {  	_ =	shalt  }
0x72: {  	_ =	shalt  }
0x73: {  	_ =	shalt  }
0x74: {  	_ =	shalt  }
0x75: {  	_ =	shalt  }
0x76: {  	_ =	shalt  }
0x77: {  	_ =	shalt  }
0x78: {  	_ =	shalt  }
0x79: {  	_ =	shalt  }
0x7a: {  	_ =	shalt  }
0x7b: {  	_ =	shalt  }
0x7c: {  	_ =	shalt  }
0x7d: {  	_ =	shalt  }
0x7e: {  	_ =	shalt  }
0x7f: {  	_ =	shalt  }
0x80: {  	_ =	shalt  }
0x81: {  	_ =	shalt  }
0x82: {  	_ =	shalt  }
0x83: {  	_ =	shalt  }
0x84: {  	_ =	shalt  }
0x85: {  	_ =	shalt  }
0x86: {  	_ =	shalt  }
0x87: {  	_ =	shalt  }
.Lfunc_end0:
.L_simem_size_0:
called_computation_lowered:
.L_overlay_start_0:
0x88: {  	s2 =	sld [smem:$0x3FD9]  }
0x89: {  	s3 =	sld [smem:$0x3FFE];
	_ =	sdelay $0x1  }
0x8a: {  	s1 =	srdreg.scid  }
0x8b: {  	s0 =	sand.u32 $0x1, s1  }
0x8c: {  	s14 =	sshll.u32 s0, $0xA;
	s2 =	sadd.s32 s3, s2  }
0x8d: {  	s2 =	sadd.s32 s2, s14  }
0x8e: {  	[smem:$0x3FC1] =	sst s2  }
0x8f: {  	_ = 	snop  }
0x90: {  	s2 =	sld [smem:$0x3FD0];
	_ =	sdelay $0x1  }
0x91: {  	s15 =	sld [smem:$0x3FC9]  }
0x92: {  	s5 =	simm.s32 $0xA;
	s6 =	simm.s32 $0x10;
	s4 =	sld [smem:$0x3FC8]  }
0x93: {  	[smem:s6], [sflag:s5] =	dma.local [hbm:s2], $0x1  }
0x94: {  	_ =	swait.eq [sflag:s5], $0x1  }
0x95: {  	[sflag:s5] =	ssyncset.done $0x0  }
0x96: {  	[sflag:s5] =	ssyncadd.s32 $0xFFFFFFFF  }
0x97: {  	s16 =	sld [smem:$0x15];
	(tm) =	ssettm $0x1  }
0x98: {  	s17 =	sld [smem:$0x3FFB];
	_ =	sdelay $0x3  }
0x99: {  	_ =	strace s17  }
0x9a: {  	s5 =	sld [smem:$0x3FFC];
	_ =	sdelay $0x3  }
0x9b: {  	_ =	strace s5  }
0x9c: {  	s5 =	sld [smem:$0x3FFD];
	_ =	sdelay $0x3  }
0x9d: {  	_ =	strace s5  }
0x9e: {  	_ =	strace $0x8FFFFFFF  }
0x9f: {  	s18 =	sld [smem:$0x3FDB];
	_ =	sdelay $0x1  }
0xa0: {  	s19 =	simm.s32 $_scs_section_size  }
0xa1: {  	s7 =	simm.s32 $_size__tile_overlayer_lowered;
	s8 =	simm.s32 $_tile_overlayer_lowered  }
0xa2: {  	s22 =	simm.s32 $0x1BFF;
	s21 =	sshll.u32 s8, $0x1;
	s5 =	sadd.s32 s19, s18  }
0xa3: {  	s9 =	simm.s32 $0x0;
	s20 =	sshll.u32 s7, $0x1;
	s7 =	sadd.s32 s21, s5  }
0xa4: {  	[timem:s9], [sflag:s22] =	dma.local [hbm:s7], s20  }
0xa5: {  	_ =	swait.ge [sflag:s22], s20  }
0xa6: {  	s6 =	ssub.s32 $0x0, s20;
	[sflag:s22] =	ssyncset.done $0x0  }
0xa7: {  	[sflag:s22] =	ssyncadd.s32 s6;
	_ =	sdelay $0x1  }
0xa8: {  	s23 =	simm.s32 $0x1B8B  }
0xa9: {  	_ =	swait.ge [sflag:s23], $0x1  }
0xaa: {  	[sflag:s23] =	ssyncset.done $0x0  }
0xab: {  	s25 =	simm.s32 $0x1B8E;
	s24 =	sld [smem:$0x3FFE];
	[sflag:s23] =	ssyncadd.s32 $0xFFFFFFFF  }
0xac: {  	s26 =	simm.s32 $execute0_lowered;
	[smem:$0x3FD2] =	sst s25  }
0xad: {  	s7 =	sshll.u32 s26, $0x1;
	_ =	strace $0x80000046;
	[dreg:$0x1] =	wrdreg $0xFFFFFFFF  }
0xae: {  	s28 =	simm.s32 $_size_execute0_lowered;
	s5 =	sadd.s32 s5, s7;
	[dreg:$0x0] =	wrdreg $0x0  }
0xaf: {  	s7 =	sshll.u32 s28, $0x1;
	[dreg:$0x2] =	wrdreg s5  }
0xb0: {  	[dreg:$0x3] =	wrdreg s7  }
0xb1: {  	[dreg:$0x4] =	wrdreg $0xC0  }
0xb2: {  	_ =	task [dreg:s9], $0x5FFFF  }
0xb3: {  	[dreg:$0x1] =	wrdreg $0xFFFFFFFF  }
0xb4: {  	[dreg:$0x0] =	wrdreg $0x60  }
0xb5: {  	[dreg:$0x2] =	wrdreg s4  }
0xb6: {  	[dreg:$0x3] =	wrdreg s15  }
0xb7: {  	[dreg:$0x4] =	wrdreg s16  }
0xb8: {  	[dreg:$0x5] =	wrdreg s24  }
0xb9: {  	[dreg:$0x6] =	wrdreg $0x121000  }
0xba: {  	[dreg:$0x7] =	wrdreg $0x9  }
0xbb: {  	_ =	task.clear_ibuf [dreg:s9], $0x8FFFF;
	_ =	strace $0x90000046  }
0xbc: {  	s29 =	simm.s32 $0x9;
	_ =	strace $0x80000048  }
0xbd: {  	_ =	swait.ge [sflag:s29], $0x1  }
0xbe: {  	[sflag:s29] =	ssyncadd.s32 $0xFFFFFFFF  }
0xbf: {  	_ =	strace $0x90000048  }
0xc0: {  	_ =	sfence  }
0xc1: {  	s30 =	sld [smem:$0x0];
	_ =	sdelay $0x2  }
0xc2: {  	s31 =	sshll.u32 s1, $0xD;
	s1 =	sshrl.u32 s1, $0x2  }
0xc3: {  	s3 =	sand.u32 $0x4000, s31;
	s1 =	sadd.s32 s1, s30  }
0xc4: {  	s0 =	sor.u32 s3, s0;
	s1 =	sshll.u32 s1, $0x11  }
0xc5: {  	s0 =	sor.u32 s1, s0  }
0xc6: {  	s0 =	sadd.s32 $0x8F2B, s0  }
0xc7: {  	[sflag:s0] =	ssyncadd.remote.s32 $0x1  }
0xc8: {  	_ =	sfence.sel $0xFFFF  }
0xc9: {  	[dreg:$0x0] =	wrdreg $0xFFFFFFFF;
	(pc) =	sbr.abs _section_cstart, $3  }
0xca: {  	[dreg:$0x1] =	wrdreg $0xFFFFFFFF  }
0xcb: {  	_ =	task.clear_ibuf [dreg:s9], $0x2FFFF;
	_ =	strace $0x9FFFFFFF  }
0xcc: {  	(tm) =	ssettm $0x7FFFFFFF  }
0xcd: {  	_ =	shalt  }
tec
execute0_lowered:
.L_overlay_start_1:
0x0: {  	(tag) =	ssettag $0x1  }
0x1: {  	s0 =	rddreg [dreg:$0x1]  }
0x2: {  	s2 =	rddreg [dreg:$0x3];
	s3 =	srdreg.scid  }
0x3: {  	s1 =	simm.s32 $0x0;
	s9 =	stileid.u32;
	s3 =	sand.u32 $0x1, s3  }
0x4: {  	s30 =	rddreg [dreg:$0x0];
	s6 =	sshll.u32 s9, $0x6;
	s5 =	sshll.u32 s3, $0xA  }
0x5: {  	[smem:$0x7FF] =	sst s1;
	s4 =	sadd.s32 $0x3200, s2;
	s5 =	sor.u32 s6, s5  }
0x6: {  	s10 =	ssub.s32 $0x2, s3;
	s8 =	sshll.u32 s5, $0x9;
	s5 =	sshrl.u32 s5, $0x3  }
0x7: {  	s7 =	sadd.s32 $0x4200, s2;
	s11 =	sshrl.u32 s10, $0x1;
	s12 =	sor.u32 $0x100, s5  }
0x8: {  	s6 =	ssub.s32 s10, s11;
	s2 =	sadd.s32 s0, s8;
	s13 =	sadd.s32 s4, s12  }
0x9: {  	s14 =	sor.u32 $0x200, s5;
	s0 =	sadd.s32 s7, s12;
	[dreg:$0x6] =	wrdreg s13  }
0xa: {  	s16 =	sor.u32 $0x300, s5;
	s15 =	sadd.s32 s4, s14;
	[dreg:$0x7] =	wrdreg s0  }
0xb: {  	s18 =	sor.u32 $0x400, s5;
	s17 =	sadd.s32 s4, s16;
	[dreg:$0x8] =	wrdreg s15  }
0xc: {  	s20 =	sor.u32 $0x500, s5;
	s19 =	sadd.s32 s4, s18;
	[dreg:$0xa] =	wrdreg s17  }
0xd: {  	s22 =	sor.u32 $0x600, s5;
	s21 =	sadd.s32 s4, s20;
	[dreg:$0xc] =	wrdreg s19  }
0xe: {  	s24 =	sor.u32 $0x700, s5;
	s23 =	sadd.s32 s4, s22;
	[dreg:$0xe] =	wrdreg s21  }
0xf: {  	s26 =	sor.u32 $0x800, s5;
	s25 =	sadd.s32 s4, s24;
	[dreg:$0x10] =	wrdreg s23  }
0x10: {  	s31 =	sor.u32 $0x900, s5;
	s29 =	sadd.s32 s4, s26;
	[dreg:$0x12] =	wrdreg s25  }
0x11: {  	s11 =	sor.u32 $0xA00, s5;
	s10 =	sadd.s32 s4, s31;
	[dreg:$0x14] =	wrdreg s29  }
0x12: {  	s12 =	sadd.s32 s4, s11;
	[dreg:$0x16] =	wrdreg s10  }
0x13: {  	s0 =	sadd.s32 s7, s14;
	[dreg:$0x18] =	wrdreg s12  }
0x14: {  	s19 =	sadd.s32 s4, s5;
	[dreg:$0x9] =	wrdreg s0  }
0x15: {  	s13 =	sor.u32 $0xB00, s5;
	s0 =	sadd.s32 s7, s16;
	[smem:$0x7F8] =	sst s19  }
0x16: {  	s15 =	sor.u32 $0xC00, s5;
	s14 =	sadd.s32 s4, s13;
	[dreg:$0xb] =	wrdreg s0  }
0x17: {  	s28 =	simm.s32 $0x0;
	s16 =	sadd.s32 s4, s15;
	[dreg:$0x1a] =	wrdreg s14  }
0x18: {  	s17 =	sor.u32 $0xD00, s5;
	s0 =	sadd.s32 s7, s18;
	[dreg:$0x1c] =	wrdreg s16  }
0x19: {  	s21 =	sor.u32 $0xE00, s5;
	s18 =	sadd.s32 s4, s17;
	[dreg:$0xd] =	wrdreg s0  }
0x1a: {  	s29 =	sshll.u32 s9, $0xB;
	s0 =	sadd.s32 s7, s20;
	[dreg:$0x1e] =	wrdreg s18  }
0x1b: {  	s8 =	sor.u32 $0xC0000, s29;
	s20 =	sadd.s32 s7, s5;
	[dreg:$0xf] =	wrdreg s0  }
0x1c: {  	s19 =	simm.s32 $0x1;
	s0 =	sadd.s32 s7, s22;
	[smem:$0x7F9] =	sst s20  }
0x1d: {  	s5 =	sor.u32 $0xF00, s5;
	s22 =	sadd.s32 s4, s21;
	[dreg:$0x11] =	wrdreg s0  }
0x1e: {  	s14 =	sadd.s32 $0x1000, s2;
	s23 =	sadd.s32 s4, s5;
	[smem:$0x7FA] =	sst s22  }
0x1f: {  	s16 =	simm.s32 $0x800;
	s18 =	simm.s32 $0x4000;
	[smem:$0x7FC] =	sst s23  }
0x20: {  	s25 =	sadd.s32 s7, s5;
	s0 =	sadd.s32 s7, s24;
	s24 =	rddreg [dreg:$0x4]  }
0x21: {  	s20 =	simm.s32 $0x2;
	[smem:$0x7FD] =	sst s25;
	s22 =	simm.s32 $0x200  }
0x22: {  	s23 =	simm.s32 $0x400;
	[dreg:$0x13] =	wrdreg s0;
	s0 =	sadd.s32 s7, s26  }
0x23: {  	s25 =	simm.s32 $0x11100;
	s26 =	sor.u32 s9, s3;
	[dreg:$0x15] =	wrdreg s0  }
0x24: {  	s0 =	sadd.s32 s7, s31;
	p0 =	sne.s32 s26, $0x0;
	s31 =	sshll.u32 s9, $0x8  }
0x25: {  	s26 =	simm.s32 $0x11900;
	[dreg:$0x17] =	wrdreg s0;
	s0 =	sadd.s32 s7, s11  }
0x26: {  	s9 =	sadd.s32 s30, s31;
	s10 =	sadd.s32 s31, s24;
	s11 =	smax.u32 s6, $0x1  }
0x27: {  	s24 =	simm.s32 $0xC000;
	[dreg:$0x19] =	wrdreg s0;
	s0 =	sadd.s32 s7, s13  }
.Ltmp0:
0x28: {  	[dreg:$0x1b] =	wrdreg s0;
	s0 =	sadd.s32 s7, s15;
	(pc) =	sbr.rel .LBB2_1-.Ltmp0, $4  }
0x29: {  	v0 =	vlaneseq.u32;
	s12 =	sadd.s32 $0x8000, s9;
	[dreg:$0x1d] =	wrdreg s0;
	s0 =	sadd.s32 s7, s17  }
0x2a: {  	v0 =	vmul.u32 $0x80, v0;
	s13 =	sadd.s32 $0x40, s2;
	[dreg:$0x1f] =	wrdreg s0;
	s0 =	sadd.s32 s7, s21  }
0x2b: {  	s15 =	sadd.s32 $0x1040, s2;
	s17 =	simm.s32 $0x8000;
	[smem:$0x7FB] =	sst s0  }
0x2c: {  	s7 =	sor.u32 $0x80000, s29;
	s21 =	simm.s32 $0x3;
	_ =	strace $0x80000047;
	[tilespmem:$0x1FFF0] =	vst v0  }
.LBB2_15:
0x2d: {  	s0 =	sld [smem:$0x7F8];
	_ =	sdelay $0x1  }
0x2e: {  	s3 =	sld [smem:$0x7F9]  }
0x2f: {  	[hbm4b:s0+s1] =	stream.linear.scatter [tilespmem:s25], [sflag:$0x1], $0x40, $0x38;
	[tilespmem:$0x12200] =	vst v63  }
0x30: {  	s4 =	rddreg [dreg:$0x6]  }
0x31: {  	[hbm4b:s3+s1] =	stream.linear.scatter [tilespmem:s26], [sflag:$0x2], $0x40, $0x38;
	[tilespmem:$0x12200] =	vst v63  }
0x32: {  	s5 =	rddreg [dreg:$0x7];
	s3 =	simm.s32 $0x11180  }
0x33: {  	[hbm4b:s4+s1] =	stream.linear.scatter [tilespmem:s3], [sflag:$0x1], $0x40, $0x38;
	[tilespmem:$0x12200] =	vst v63  }
0x34: {  	s6 =	simm.s32 $0x11980;
	s29 =	rddreg [dreg:$0x8]  }
0x35: {  	[hbm4b:s5+s1] =	stream.linear.scatter [tilespmem:s6], [sflag:$0x2], $0x40, $0x38;
	[tilespmem:$0x12200] =	vst v63  }
0x36: {  	s31 =	simm.s32 $0x11200;
	s3 =	rddreg [dreg:$0x9]  }
0x37: {  	[hbm4b:s29+s1] =	stream.linear.scatter [tilespmem:s31], [sflag:$0x1], $0x40, $0x38;
	[tilespmem:$0x12200] =	vst v63  }
0x38: {  	s4 =	simm.s32 $0x11A00;
	s5 =	rddreg [dreg:$0xa]  }
0x39: {  	[hbm4b:s3+s1] =	stream.linear.scatter [tilespmem:s4], [sflag:$0x2], $0x40, $0x38;
	[tilespmem:$0x12200] =	vst v63  }
0x3a: {  	s6 =	simm.s32 $0x11280;
	s29 =	rddreg [dreg:$0xb]  }
0x3b: {  	[hbm4b:s5+s1] =	stream.linear.scatter [tilespmem:s6], [sflag:$0x1], $0x40, $0x38;
	[tilespmem:$0x12200] =	vst v63  }
0x3c: {  	s31 =	simm.s32 $0x11A80;
	s3 =	rddreg [dreg:$0xc]  }
0x3d: {  	[hbm4b:s29+s1] =	stream.linear.scatter [tilespmem:s31], [sflag:$0x2], $0x40, $0x38;
	[tilespmem:$0x12200] =	vst v63  }
0x3e: {  	s4 =	simm.s32 $0x11300;
	s5 =	rddreg [dreg:$0xd]  }
0x3f: {  	[hbm4b:s3+s1] =	stream.linear.scatter [tilespmem:s4], [sflag:$0x1], $0x40, $0x38;
	[tilespmem:$0x12200] =	vst v63  }
0x40: {  	s6 =	simm.s32 $0x11B00;
	s29 =	rddreg [dreg:$0xe]  }
0x41: {  	[hbm4b:s5+s1] =	stream.linear.scatter [tilespmem:s6], [sflag:$0x2], $0x40, $0x38;
	[tilespmem:$0x12200] =	vst v63  }
0x42: {  	s31 =	simm.s32 $0x11380;
	s3 =	rddreg [dreg:$0xf]  }
0x43: {  	[hbm4b:s29+s1] =	stream.linear.scatter [tilespmem:s31], [sflag:$0x1], $0x40, $0x38;
	[tilespmem:$0x12200] =	vst v63  }
0x44: {  	s4 =	simm.s32 $0x11B80;
	s5 =	rddreg [dreg:$0x10]  }
0x45: {  	[hbm4b:s3+s1] =	stream.linear.scatter [tilespmem:s4], [sflag:$0x2], $0x40, $0x38;
	[tilespmem:$0x12200] =	vst v63  }
0x46: {  	s6 =	simm.s32 $0x11400;
	s29 =	rddreg [dreg:$0x11]  }
0x47: {  	[hbm4b:s5+s1] =	stream.linear.scatter [tilespmem:s6], [sflag:$0x1], $0x40, $0x38;
	[tilespmem:$0x12200] =	vst v63  }
0x48: {  	s31 =	simm.s32 $0x11C00;
	s3 =	rddreg [dreg:$0x12]  }
0x49: {  	[hbm4b:s29+s1] =	stream.linear.scatter [tilespmem:s31], [sflag:$0x2], $0x40, $0x38;
	[tilespmem:$0x12200] =	vst v63  }
0x4a: {  	s4 =	simm.s32 $0x11480;
	s5 =	rddreg [dreg:$0x13]  }
0x4b: {  	[hbm4b:s3+s1] =	stream.linear.scatter [tilespmem:s4], [sflag:$0x1], $0x40, $0x38;
	[tilespmem:$0x12200] =	vst v63  }
0x4c: {  	s6 =	simm.s32 $0x11C80;
	s29 =	rddreg [dreg:$0x14]  }
0x4d: {  	[hbm4b:s5+s1] =	stream.linear.scatter [tilespmem:s6], [sflag:$0x2], $0x40, $0x38;
	[tilespmem:$0x12200] =	vst v63  }
0x4e: {  	s31 =	simm.s32 $0x11500;
	s3 =	rddreg [dreg:$0x15]  }
0x4f: {  	[hbm4b:s29+s1] =	stream.linear.scatter [tilespmem:s31], [sflag:$0x1], $0x40, $0x38;
	[tilespmem:$0x12200] =	vst v63  }
0x50: {  	s4 =	simm.s32 $0x11D00;
	s5 =	rddreg [dreg:$0x16]  }
0x51: {  	[hbm4b:s3+s1] =	stream.linear.scatter [tilespmem:s4], [sflag:$0x2], $0x40, $0x38;
	[tilespmem:$0x12200] =	vst v63  }
0x52: {  	s6 =	simm.s32 $0x11580;
	s29 =	rddreg [dreg:$0x17]  }
0x53: {  	[hbm4b:s5+s1] =	stream.linear.scatter [tilespmem:s6], [sflag:$0x1], $0x40, $0x38;
	[tilespmem:$0x12200] =	vst v63  }
0x54: {  	s31 =	simm.s32 $0x11D80;
	s3 =	rddreg [dreg:$0x18]  }
0x55: {  	[hbm4b:s29+s1] =	stream.linear.scatter [tilespmem:s31], [sflag:$0x2], $0x40, $0x38;
	[tilespmem:$0x12200] =	vst v63  }
0x56: {  	s4 =	simm.s32 $0x11600;
	s5 =	rddreg [dreg:$0x19]  }
0x57: {  	[hbm4b:s3+s1] =	stream.linear.scatter [tilespmem:s4], [sflag:$0x1], $0x40, $0x38;
	[tilespmem:$0x12200] =	vst v63  }
0x58: {  	s6 =	simm.s32 $0x11E00;
	s29 =	rddreg [dreg:$0x1a]  }
0x59: {  	[hbm4b:s5+s1] =	stream.linear.scatter [tilespmem:s6], [sflag:$0x2], $0x40, $0x38;
	[tilespmem:$0x12200] =	vst v63  }
0x5a: {  	s31 =	simm.s32 $0x11680;
	s3 =	rddreg [dreg:$0x1b]  }
0x5b: {  	[hbm4b:s29+s1] =	stream.linear.scatter [tilespmem:s31], [sflag:$0x1], $0x40, $0x38;
	[tilespmem:$0x12200] =	vst v63  }
0x5c: {  	s4 =	simm.s32 $0x11E80;
	s5 =	rddreg [dreg:$0x1c]  }
0x5d: {  	[hbm4b:s3+s1] =	stream.linear.scatter [tilespmem:s4], [sflag:$0x2], $0x40, $0x38;
	[tilespmem:$0x12200] =	vst v63  }
0x5e: {  	s6 =	simm.s32 $0x11700;
	s29 =	rddreg [dreg:$0x1d]  }
0x5f: {  	[hbm4b:s5+s1] =	stream.linear.scatter [tilespmem:s6], [sflag:$0x1], $0x40, $0x38;
	[tilespmem:$0x12200] =	vst v63  }
0x60: {  	s31 =	simm.s32 $0x11F00;
	s3 =	rddreg [dreg:$0x1e]  }
0x61: {  	[hbm4b:s29+s1] =	stream.linear.scatter [tilespmem:s31], [sflag:$0x2], $0x40, $0x38;
	[tilespmem:$0x12200] =	vst v63  }
0x62: {  	s4 =	simm.s32 $0x11780;
	s5 =	rddreg [dreg:$0x1f]  }
0x63: {  	[hbm4b:s3+s1] =	stream.linear.scatter [tilespmem:s4], [sflag:$0x1], $0x40, $0x38;
	[tilespmem:$0x12200] =	vst v63  }
0x64: {  	s6 =	simm.s32 $0x11F80;
	s29 =	sld [smem:$0x7FA]  }
0x65: {  	[hbm4b:s5+s1] =	stream.linear.scatter [tilespmem:s6], [sflag:$0x2], $0x40, $0x38;
	[tilespmem:$0x12200] =	vst v63  }
0x66: {  	s31 =	simm.s32 $0x11800;
	s3 =	sld [smem:$0x7FB]  }
0x67: {  	[hbm4b:s29+s1] =	stream.linear.scatter [tilespmem:s31], [sflag:$0x1], $0x40, $0x38;
	[tilespmem:$0x12200] =	vst v63  }
0x68: {  	s4 =	simm.s32 $0x12000;
	s5 =	sld [smem:$0x7FC]  }
0x69: {  	[hbm4b:s3+s1] =	stream.linear.scatter [tilespmem:s4], [sflag:$0x2], $0x40, $0x38;
	[tilespmem:$0x12200] =	vst v63  }
0x6a: {  	s6 =	simm.s32 $0x11880;
	s29 =	sld [smem:$0x7FD]  }
0x6b: {  	[hbm4b:s5+s1] =	stream.linear.scatter [tilespmem:s6], [sflag:$0x1], $0x40, $0x38;
	[tilespmem:$0x12200] =	vst v63  }
0x6c: {  	s31 =	simm.s32 $0x12080  }
0x6d: {  	[hbm4b:s29+s1] =	stream.linear.scatter [tilespmem:s31], [sflag:$0x2], $0x40, $0x38;
	[tilespmem:$0x12200] =	vst v63  }
0x6e: {  	_ =	swait.ge [sflag:s19], $0x40  }
0x6f: {  	[sflag:s19] =	ssyncset.done $0x0  }
0x70: {  	[sflag:s19] =	ssyncadd.s32 $0xFFFFFFC0  }
0x71: {  	_ =	swait.ge [sflag:s20], $0x40  }
0x72: {  	[sflag:s20] =	ssyncset.done $0x0  }
0x73: {  	[sflag:s20] =	ssyncadd.s32 $0xFFFFFFC0  }
0x74: {  	_ =	swait.ge [sflag:s19], $0x40  }
0x75: {  	[sflag:s19] =	ssyncset.done $0x0  }
0x76: {  	[sflag:s19] =	ssyncadd.s32 $0xFFFFFFC0  }
0x77: {  	_ =	swait.ge [sflag:s20], $0x40  }
0x78: {  	[sflag:s20] =	ssyncset.done $0x0  }
0x79: {  	[sflag:s20] =	ssyncadd.s32 $0xFFFFFFC0  }
0x7a: {  	_ =	swait.ge [sflag:s19], $0x40  }
0x7b: {  	[sflag:s19] =	ssyncset.done $0x0  }
0x7c: {  	[sflag:s19] =	ssyncadd.s32 $0xFFFFFFC0  }
0x7d: {  	_ =	swait.ge [sflag:s20], $0x40  }
0x7e: {  	[sflag:s20] =	ssyncset.done $0x0  }
0x7f: {  	[sflag:s20] =	ssyncadd.s32 $0xFFFFFFC0  }
0x80: {  	_ =	swait.ge [sflag:s19], $0x40  }
0x81: {  	[sflag:s19] =	ssyncset.done $0x0  }
0x82: {  	[sflag:s19] =	ssyncadd.s32 $0xFFFFFFC0  }
0x83: {  	_ =	swait.ge [sflag:s20], $0x40  }
0x84: {  	[sflag:s20] =	ssyncset.done $0x0  }
0x85: {  	[sflag:s20] =	ssyncadd.s32 $0xFFFFFFC0  }
0x86: {  	_ =	swait.ge [sflag:s19], $0x40  }
0x87: {  	[sflag:s19] =	ssyncset.done $0x0  }
0x88: {  	[sflag:s19] =	ssyncadd.s32 $0xFFFFFFC0  }
0x89: {  	_ =	swait.ge [sflag:s20], $0x40  }
0x8a: {  	[sflag:s20] =	ssyncset.done $0x0  }
0x8b: {  	[sflag:s20] =	ssyncadd.s32 $0xFFFFFFC0  }
0x8c: {  	_ =	swait.ge [sflag:s19], $0x40  }
0x8d: {  	[sflag:s19] =	ssyncset.done $0x0  }
0x8e: {  	[sflag:s19] =	ssyncadd.s32 $0xFFFFFFC0  }
0x8f: {  	_ =	swait.ge [sflag:s20], $0x40  }
0x90: {  	[sflag:s20] =	ssyncset.done $0x0  }
0x91: {  	[sflag:s20] =	ssyncadd.s32 $0xFFFFFFC0  }
0x92: {  	_ =	swait.ge [sflag:s19], $0x40  }
0x93: {  	[sflag:s19] =	ssyncset.done $0x0  }
0x94: {  	[sflag:s19] =	ssyncadd.s32 $0xFFFFFFC0  }
0x95: {  	_ =	swait.ge [sflag:s20], $0x40  }
0x96: {  	[sflag:s20] =	ssyncset.done $0x0  }
0x97: {  	[sflag:s20] =	ssyncadd.s32 $0xFFFFFFC0  }
0x98: {  	_ =	swait.ge [sflag:s19], $0x40  }
0x99: {  	[sflag:s19] =	ssyncset.done $0x0  }
0x9a: {  	[sflag:s19] =	ssyncadd.s32 $0xFFFFFFC0  }
0x9b: {  	_ =	swait.ge [sflag:s20], $0x40  }
0x9c: {  	[sflag:s20] =	ssyncset.done $0x0  }
0x9d: {  	[sflag:s20] =	ssyncadd.s32 $0xFFFFFFC0  }
0x9e: {  	_ =	swait.ge [sflag:s19], $0x40  }
0x9f: {  	[sflag:s19] =	ssyncset.done $0x0  }
0xa0: {  	[sflag:s19] =	ssyncadd.s32 $0xFFFFFFC0  }
0xa1: {  	_ =	swait.ge [sflag:s20], $0x40  }
0xa2: {  	[sflag:s20] =	ssyncset.done $0x0  }
0xa3: {  	[sflag:s20] =	ssyncadd.s32 $0xFFFFFFC0  }
0xa4: {  	_ =	swait.ge [sflag:s19], $0x40  }
0xa5: {  	[sflag:s19] =	ssyncset.done $0x0  }
0xa6: {  	[sflag:s19] =	ssyncadd.s32 $0xFFFFFFC0  }
0xa7: {  	_ =	swait.ge [sflag:s20], $0x40  }
0xa8: {  	[sflag:s20] =	ssyncset.done $0x0  }
0xa9: {  	[sflag:s20] =	ssyncadd.s32 $0xFFFFFFC0  }
0xaa: {  	_ =	swait.ge [sflag:s19], $0x40  }
0xab: {  	[sflag:s19] =	ssyncset.done $0x0  }
0xac: {  	[sflag:s19] =	ssyncadd.s32 $0xFFFFFFC0  }
0xad: {  	_ =	swait.ge [sflag:s20], $0x40  }
0xae: {  	[sflag:s20] =	ssyncset.done $0x0  }
0xaf: {  	[sflag:s20] =	ssyncadd.s32 $0xFFFFFFC0  }
0xb0: {  	_ =	swait.ge [sflag:s19], $0x40  }
0xb1: {  	[sflag:s19] =	ssyncset.done $0x0  }
0xb2: {  	[sflag:s19] =	ssyncadd.s32 $0xFFFFFFC0  }
0xb3: {  	_ =	swait.ge [sflag:s20], $0x40  }
0xb4: {  	[sflag:s20] =	ssyncset.done $0x0  }
0xb5: {  	[sflag:s20] =	ssyncadd.s32 $0xFFFFFFC0  }
0xb6: {  	_ =	swait.ge [sflag:s19], $0x40  }
0xb7: {  	[sflag:s19] =	ssyncset.done $0x0  }
0xb8: {  	[sflag:s19] =	ssyncadd.s32 $0xFFFFFFC0  }
0xb9: {  	_ =	swait.ge [sflag:s20], $0x40  }
0xba: {  	[sflag:s20] =	ssyncset.done $0x0  }
0xbb: {  	[sflag:s20] =	ssyncadd.s32 $0xFFFFFFC0  }
0xbc: {  	_ =	swait.ge [sflag:s19], $0x40  }
0xbd: {  	[sflag:s19] =	ssyncset.done $0x0  }
0xbe: {  	[sflag:s19] =	ssyncadd.s32 $0xFFFFFFC0  }
0xbf: {  	_ =	swait.ge [sflag:s20], $0x40  }
0xc0: {  	[sflag:s20] =	ssyncset.done $0x0  }
0xc1: {  	[sflag:s20] =	ssyncadd.s32 $0xFFFFFFC0  }
0xc2: {  	_ =	swait.ge [sflag:s19], $0x40  }
0xc3: {  	[sflag:s19] =	ssyncset.done $0x0  }
0xc4: {  	[sflag:s19] =	ssyncadd.s32 $0xFFFFFFC0  }
0xc5: {  	_ =	swait.ge [sflag:s20], $0x40  }
0xc6: {  	[sflag:s20] =	ssyncset.done $0x0  }
0xc7: {  	s28 =	sadd.s32 $0x1, s28;
	[sflag:s20] =	ssyncadd.s32 $0xFFFFFFC0  }
0xc8: {  	p1 =	sne.s32 s28, s11;
	_ =	swait.ge [sflag:s19], $0x40  }
.Ltmp1:
0xc9: {  	[sflag:s19] =	ssyncset.done $0x0;
	(pc) =	sbr.rel @!p1 .LBB2_16-.Ltmp1, $4  }
0xca: {  	[sflag:s19] =	ssyncadd.s32 $0xFFFFFFC0  }
0xcb: {  	_ =	swait.ge [sflag:s20], $0x40  }
0xcc: {  	[sflag:s20] =	ssyncset.done $0x0  }
0xcd: {  	[sflag:s20] =	ssyncadd.s32 $0xFFFFFFC0  }
.LBB2_1:
0xce: {  	v7 =	vimm.f32 $0.0e+00  }
0xcf: {  	v1 =	vimm.f32 $0.0e+00;
	v2 =	vimm.f32 $0.0e+00;
	v3 =	vimm.f32 $0.0e+00  }
0xd0: {  	v4 =	vimm.f32 $0.0e+00;
	v5 =	vimm.f32 $0.0e+00;
	v6 =	vimm.f32 $0.0e+00  }
0xd1: {  	[tilespmem:s1], [sflag:$0x1] =	stream.strided.gather [hbm4b:s9+s16], $0x4000, s17, s16, $0x38;
	v16 =	vimm.f32 $0.0e+00;
	v15 =	vimm.f32 $0.0e+00;
	v14 =	vimm.f32 $0.0e+00;
	[tilespmem:$0x12200] =	vst v63  }
0xd2: {  	v13 =	vimm.f32 $0.0e+00;
	v12 =	vimm.f32 $0.0e+00;
	v11 =	vimm.f32 $0.0e+00;
	s0 =	simm.s32 $0x0  }
0xd3: {  	v10 =	vimm.f32 $0.0e+00;
	v9 =	vimm.f32 $0.0e+00;
	v8 =	vimm.f32 $0.0e+00;
	[tilespmem:s18], [sflag:$0x2] =	stream.strided.gather [hbm4b:s12+s16], $0x4000, s17, s16, $0x38;
	[tilespmem:$0x12200] =	vst v63  }
.LBB2_2:
0xd4: {  	_ =	swait.ge [sflag:s19], $0x4000;
	s3 =	simm.s32 $0x0  }
0xd5: {  	[sflag:s19] =	ssyncset.done $0x0;
	s4 =	sand.u32 $0x3800, s3;
	s3 =	sand.u32 $0x380, s3  }
0xd6: {  	[sflag:s19] =	ssyncadd.s32 $0xFFFFC000;
	s3 =	sor.u32 s3, s4  }
0xd7: {  	v17 =	vld [tilespmem:s3+$0x470]  }
0xd8: {  	v18 =	vld [tilespmem:s3+$0x0]  }
0xd9: {  	v19 =	vld [tilespmem:s3+$0x10]  }
0xda: {  	v20 =	vld [tilespmem:s3+$0x20]  }
0xdb: {  	v21 =	vld [tilespmem:s3+$0x30]  }
0xdc: {  	v22 =	vld [tilespmem:s3+$0x40]  }
0xdd: {  	v23 =	vld [tilespmem:s3+$0x50]  }
0xde: {  	v24 =	vld [tilespmem:s3+$0x60]  }
0xdf: {  	v25 =	vld [tilespmem:s3+$0x70]  }
0xe0: {  	v26 =	vld [tilespmem:s3+$0x400]  }
0xe1: {  	v7 =	vadd.f32 v17, v7;
	v8 =	vadd.f32 v18, v8;
	v17 =	vld [tilespmem:s3+$0x410]  }
0xe2: {  	v9 =	vadd.f32 v19, v9;
	v10 =	vadd.f32 v20, v10;
	v18 =	vld [tilespmem:s3+$0x420]  }
0xe3: {  	v11 =	vadd.f32 v21, v11;
	v12 =	vadd.f32 v22, v12;
	v19 =	vld [tilespmem:s3+$0x430]  }
0xe4: {  	s5 =	simm.s32 $0x100;
	s4 =	simm.s32 $0x80;
	v13 =	vadd.f32 v23, v13;
	v14 =	vadd.f32 v24, v14;
	v20 =	vld [tilespmem:s3+$0x440]  }
0xe5: {  	s29 =	sand.u32 $0x3800, s5;
	s5 =	simm.s32 $0x200;
	s31 =	sand.u32 $0x380, s4;
	v15 =	vadd.f32 v25, v15;
	v16 =	vadd.f32 v26, v16;
	v21 =	vld [tilespmem:s3+$0x450]  }
.LBB2_3:
0xe6: {  	p1 =	sne.s32 s5, $0x3F00;
	v6 =	vadd.f32 v17, v6;
	v17 =	vld [tilespmem:s3+$0x460];
	s3 =	sor.u32 s31, s29  }
0xe7: {  	v22 =	vld [tilespmem:s3+$0x470];
	v5 =	vadd.f32 v18, v5  }
0xe8: {  	v18 =	vld [tilespmem:s3+$0x0];
	v4 =	vadd.f32 v19, v4  }
0xe9: {  	v19 =	vld [tilespmem:s3+$0x10];
	v3 =	vadd.f32 v20, v3  }
0xea: {  	v20 =	vld [tilespmem:s3+$0x20];
	v2 =	vadd.f32 v21, v2  }
0xeb: {  	v21 =	vld [tilespmem:s3+$0x30];
	v1 =	vadd.f32 v17, v1  }
0xec: {  	v17 =	vld [tilespmem:s3+$0x40];
	v7 =	vadd.f32 v22, v7  }
0xed: {  	v8 =	vadd.f32 v18, v8;
	v18 =	vld [tilespmem:s3+$0x50]  }
0xee: {  	v9 =	vadd.f32 v19, v9;
	v19 =	vld [tilespmem:s3+$0x60]  }
0xef: {  	v10 =	vadd.f32 v20, v10;
	v20 =	vld [tilespmem:s3+$0x70]  }
0xf0: {  	v11 =	vadd.f32 v21, v11;
	v21 =	vld [tilespmem:s3+$0x400]  }
.Ltmp2:
0xf1: {  	v12 =	vadd.f32 v17, v12;
	v17 =	vld [tilespmem:s3+$0x410];
	(pc) =	sbr.rel @p1 .LBB2_3-.Ltmp2, $4  }
0xf2: {  	v13 =	vadd.f32 v18, v13;
	v18 =	vld [tilespmem:s3+$0x420]  }
0xf3: {  	v14 =	vadd.f32 v19, v14;
	v19 =	vld [tilespmem:s3+$0x430]  }
0xf4: {  	s4 =	sadd.s32 $0x80, s4;
	v15 =	vadd.f32 v20, v15;
	v20 =	vld [tilespmem:s3+$0x440]  }
0xf5: {  	s29 =	sand.u32 $0x3800, s5;
	s5 =	sadd.s32 $0x100, s5;
	s31 =	sand.u32 $0x380, s4;
	v16 =	vadd.f32 v21, v16;
	v21 =	vld [tilespmem:s3+$0x450]  }
0xf6: {  	s4 =	sor.u32 s31, s29;
	v22 =	vld [tilespmem:s3+$0x460]  }
0xf7: {  	v23 =	vld [tilespmem:s4+$0x470]  }
0xf8: {  	v24 =	vld [tilespmem:s4+$0x0]  }
0xf9: {  	v25 =	vld [tilespmem:s4+$0x10]  }
0xfa: {  	v26 =	vld [tilespmem:s4+$0x20]  }
0xfb: {  	v27 =	vld [tilespmem:s4+$0x30]  }
0xfc: {  	v28 =	vld [tilespmem:s4+$0x40]  }
0xfd: {  	v29 =	vld [tilespmem:s4+$0x50]  }
0xfe: {  	v30 =	vld [tilespmem:s4+$0x60]  }
0xff: {  	v31 =	vld [tilespmem:s4+$0x70]  }
0x100: {  	v32 =	vld [tilespmem:s4+$0x400]  }
0x101: {  	v33 =	vld [tilespmem:s4+$0x410]  }
0x102: {  	v34 =	vld [tilespmem:s4+$0x420]  }
0x103: {  	v35 =	vld [tilespmem:s4+$0x430]  }
0x104: {  	s3 =	sshll.u32 s0, $0x13;
	p1 =	seq.s32 s0, $0xF;
	v36 =	vld [tilespmem:s4+$0x440]  }
0x105: {  	s5 =	sadd.s32 @!p1 s7, s3;
	v37 =	vld [tilespmem:s4+$0x450]  }
0x106: {  	v38 =	vld [tilespmem:s4+$0x460];
	s4 =	simm.s32 @!p1 $0x800;
	s5 =	sshrl.u32 @!p1 s5, $0x3  }
0x107: {  	s6 =	simm.s32 @!p1 $0x8000;
	s29 =	simm.s32 @!p1 $0x0;
	s5 =	sadd.s32 @!p1 s30, s5  }
0x108: {  	[tilespmem:s29], [sflag:$0x1] =	stream.strided.gather @!p1 [hbm4b:s5+s4], $0x4000, s6, s4, $0x38;
	[tilespmem:$0x12200] =	vst v63  }
0x109: {  	s5 =	simm.s32 $0x0;
	_ =	swait.ge [sflag:s20], $0x4000  }
0x10a: {  	s6 =	sand.u32 $0x3800, s5;
	s4 =	sand.u32 $0x380, s5;
	[sflag:s20] =	ssyncset.done $0x0  }
0x10b: {  	v6 =	vadd.f32 v17, v6;
	v5 =	vadd.f32 v18, v5;
	s4 =	sor.u32 s4, s6;
	[sflag:s20] =	ssyncadd.s32 $0xFFFFC000  }
0x10c: {  	v4 =	vadd.f32 v19, v4;
	v17 =	vadd.f32 v20, v3;
	v18 =	vld [tilespmem:s4+$0x4470]  }
0x10d: {  	v19 =	vadd.f32 v21, v2;
	v20 =	vadd.f32 v22, v1;
	v21 =	vld [tilespmem:s4+$0x4000]  }
0x10e: {  	v7 =	vadd.f32 v23, v7;
	v8 =	vadd.f32 v24, v8;
	v22 =	vld [tilespmem:s4+$0x4010]  }
0x10f: {  	v9 =	vadd.f32 v25, v9;
	v10 =	vadd.f32 v26, v10;
	v23 =	vld [tilespmem:s4+$0x4020]  }
0x110: {  	v11 =	vadd.f32 v27, v11;
	v12 =	vadd.f32 v28, v12;
	v58 =	vld [tilespmem:s4+$0x4030]  }
0x111: {  	v13 =	vadd.f32 v29, v13;
	v14 =	vadd.f32 v30, v14;
	v59 =	vld [tilespmem:s4+$0x4040]  }
0x112: {  	v15 =	vadd.f32 v31, v15;
	v16 =	vadd.f32 v32, v16;
	v60 =	vld [tilespmem:s4+$0x4050]  }
0x113: {  	v1 =	vadd.f32 v33, v6;
	v2 =	vadd.f32 v34, v5;
	v61 =	vld [tilespmem:s4+$0x4060]  }
0x114: {  	v3 =	vadd.f32 v35, v4;
	v4 =	vadd.f32 v36, v17;
	v62 =	vld [tilespmem:s4+$0x4070]  }
0x115: {  	v5 =	vadd.f32 v37, v19;
	v6 =	vadd.f32 v38, v20;
	v63 =	vld [tilespmem:s4+$0x4400]  }
0x116: {  	v17 =	vld [tilespmem:s4+$0x4410];
	v7 =	vadd.f32 v18, v7;
	v8 =	vadd.f32 v21, v8  }
0x117: {  	v9 =	vadd.f32 v22, v9;
	v10 =	vadd.f32 v23, v10;
	v18 =	vld [tilespmem:s4+$0x4420]  }
0x118: {  	v19 =	vld [tilespmem:s4+$0x4430];
	v11 =	vadd.f32 v58, v11;
	v12 =	vadd.f32 v59, v12  }
0x119: {  	s5 =	simm.s32 $0x80;
	s6 =	simm.s32 $0x100;
	v20 =	vld [tilespmem:s4+$0x4440];
	v13 =	vadd.f32 v60, v13;
	v14 =	vadd.f32 v61, v14  }
0x11a: {  	s29 =	simm.s32 $0x200;
	s31 =	sand.u32 $0x3800, s6;
	s6 =	sand.u32 $0x380, s5;
	v15 =	vadd.f32 v62, v15;
	v16 =	vadd.f32 v63, v16;
	v21 =	vld [tilespmem:s4+$0x4450]  }
.LBB2_5:
0x11b: {  	p2 =	sne.s32 s29, $0x3F00;
	v1 =	vadd.f32 v17, v1;
	v17 =	vld [tilespmem:s4+$0x4460];
	s4 =	sor.u32 s6, s31  }
0x11c: {  	v22 =	vld [tilespmem:s4+$0x4470];
	v2 =	vadd.f32 v18, v2  }
0x11d: {  	v18 =	vld [tilespmem:s4+$0x4000];
	v3 =	vadd.f32 v19, v3  }
0x11e: {  	v19 =	vld [tilespmem:s4+$0x4010];
	v4 =	vadd.f32 v20, v4  }
0x11f: {  	v20 =	vld [tilespmem:s4+$0x4020];
	v5 =	vadd.f32 v21, v5  }
0x120: {  	v21 =	vld [tilespmem:s4+$0x4030];
	v6 =	vadd.f32 v17, v6  }
0x121: {  	v17 =	vld [tilespmem:s4+$0x4040];
	v7 =	vadd.f32 v22, v7  }
0x122: {  	v8 =	vadd.f32 v18, v8;
	v18 =	vld [tilespmem:s4+$0x4050]  }
0x123: {  	v9 =	vadd.f32 v19, v9;
	v19 =	vld [tilespmem:s4+$0x4060]  }
0x124: {  	v10 =	vadd.f32 v20, v10;
	v20 =	vld [tilespmem:s4+$0x4070]  }
0x125: {  	v11 =	vadd.f32 v21, v11;
	v21 =	vld [tilespmem:s4+$0x4400]  }
.Ltmp3:
0x126: {  	v12 =	vadd.f32 v17, v12;
	v17 =	vld [tilespmem:s4+$0x4410];
	(pc) =	sbr.rel @p2 .LBB2_5-.Ltmp3, $4  }
0x127: {  	v13 =	vadd.f32 v18, v13;
	v18 =	vld [tilespmem:s4+$0x4420]  }
0x128: {  	v14 =	vadd.f32 v19, v14;
	v19 =	vld [tilespmem:s4+$0x4430]  }
0x129: {  	s5 =	sadd.s32 $0x80, s5;
	v15 =	vadd.f32 v20, v15;
	v20 =	vld [tilespmem:s4+$0x4440]  }
0x12a: {  	s31 =	sand.u32 $0x3800, s29;
	s29 =	sadd.s32 $0x100, s29;
	s6 =	sand.u32 $0x380, s5;
	v16 =	vadd.f32 v21, v16;
	v21 =	vld [tilespmem:s4+$0x4450]  }
0x12b: {  	s5 =	sor.u32 s6, s31;
	v22 =	vld [tilespmem:s4+$0x4460]  }
0x12c: {  	v23 =	vld [tilespmem:s5+$0x4470]  }
0x12d: {  	v24 =	vld [tilespmem:s5+$0x4000]  }
0x12e: {  	v25 =	vld [tilespmem:s5+$0x4010]  }
0x12f: {  	v26 =	vld [tilespmem:s5+$0x4020]  }
0x130: {  	v27 =	vld [tilespmem:s5+$0x4030]  }
0x131: {  	v28 =	vld [tilespmem:s5+$0x4040]  }
0x132: {  	v29 =	vld [tilespmem:s5+$0x4050]  }
0x133: {  	v30 =	vld [tilespmem:s5+$0x4060]  }
0x134: {  	v31 =	vld [tilespmem:s5+$0x4070]  }
0x135: {  	v32 =	vld [tilespmem:s5+$0x4400]  }
0x136: {  	v1 =	vadd.f32 v17, v1;
	v2 =	vadd.f32 v18, v2;
	v17 =	vld [tilespmem:s5+$0x4410]  }
0x137: {  	v60 =	vld [tilespmem:s5+$0x4430];
	v3 =	vadd.f32 v19, v3;
	v18 =	vadd.f32 v20, v4  }
0x138: {  	v61 =	vld [tilespmem:s5+$0x4440];
	v19 =	vadd.f32 v21, v5;
	v59 =	vadd.f32 v22, v6  }
0x139: {  	v63 =	vld [tilespmem:s5+$0x4460];
	v7 =	vadd.f32 v23, v7;
	v8 =	vadd.f32 v24, v8  }
0x13a: {  	v4 =	vld [tilespmem:s5+$0x4420];
	v9 =	vadd.f32 v25, v9;
	v10 =	vadd.f32 v26, v10  }
0x13b: {  	v62 =	vld [tilespmem:s5+$0x4450];
	v11 =	vadd.f32 v27, v11;
	v12 =	vadd.f32 v28, v12  }
.Ltmp4:
0x13c: {  	v13 =	vadd.f32 v29, v13;
	v14 =	vadd.f32 v30, v14;
	(pc) =	sbr.rel @p1 .LBB2_8-.Ltmp4, $4  }
0x13d: {  	v15 =	vadd.f32 v31, v15;
	v16 =	vadd.f32 v32, v16  }
0x13e: {  	v6 =	vadd.f32 v17, v1;
	v1 =	vadd.f32 v63, v59  }
0x13f: {  	v5 =	vadd.f32 v4, v2;
	v4 =	vadd.f32 v60, v3  }
0x140: {  	v3 =	vadd.f32 v61, v18;
	v2 =	vadd.f32 v62, v19  }
.Ltmp5:
0x141: {  	(pc) =	sbr.rel .LBB2_2-.Ltmp5, $4  }
0x142: {  	s3 =	sadd.s32 s8, s3  }
0x143: {  	s3 =	sshrl.u32 s3, $0x3  }
0x144: {  	s0 =	sadd.s32 $0x1, s0;
	s3 =	sadd.s32 s30, s3  }
0x145: {  	[tilespmem:s18], [sflag:$0x2] =	stream.strided.gather [hbm4b:s3+s16], $0x4000, s17, s16, $0x38;
	[tilespmem:$0x12200] =	vst v63  }
.LBB2_8:
0x146: {  	[tilespmem:$0x10000] =	vst v8  }
0x147: {  	[tilespmem:$0x10010] =	vst v9  }
0x148: {  	[tilespmem:$0x10020] =	vst v10  }
0x149: {  	[tilespmem:$0x10030] =	vst v11  }
0x14a: {  	[tilespmem:$0x10040] =	vst v12  }
0x14b: {  	[tilespmem:$0x10050] =	vst v13  }
0x14c: {  	[tilespmem:$0x10060] =	vst v14  }
0x14d: {  	[tilespmem:$0x10070] =	vst v15  }
0x14e: {  	[tilespmem:$0x10080] =	vst v16  }
0x14f: {  	[tilespmem:$0x10090] =	vst v6  }
0x150: {  	[tilespmem:$0x100A0] =	vst v5  }
0x151: {  	[tilespmem:$0x100B0] =	vst v4  }
0x152: {  	[tilespmem:$0x100E0] =	vst v1  }
0x153: {  	[tilespmem:$0x100F0] =	vst v7  }
0x154: {  	[tilespmem:$0x100C0] =	vst v3  }
0x155: {  	s0 =	simm.s32 $0x10000;
	[tilespmem:$0x100D0] =	vst v2  }
0x156: {  	[spmem:s10] =	stream.linear.scatter [tilespmem:s0], [sflag:$0x3], $0x100, $0x38;
	[tilespmem:$0x12200] =	vst v63  }
0x157: {  	_ =	swait.ge [sflag:s21], $0x100  }
0x158: {  	[sflag:s21] =	ssyncset.done $0x0  }
0x159: {  	[sflag:s21] =	ssyncadd.s32 $0xFFFFFF00  }
0x15a: {  	[bflag:$0x0] =	sbarrier.arrive $0xFFFF  }
0x15b: {  	s3 =	simm.s32 $0x10100;
	s31 =	rddreg [dreg:$0x4]  }
0x15c: {  	[tilespmem:s3], [sflag:$0x3] =	stream.linear.gather [spmem:s31], $0x1000, $0x38;
	[tilespmem:$0x12200] =	vst v63  }
0x15d: {  	_ =	swait.ge [sflag:s21], $0x1000  }
0x15e: {  	[sflag:s21] =	ssyncset.done $0x0  }
0x15f: {  	[sflag:s21] =	ssyncadd.s32 $0xFFFFF000  }
0x160: {  	s0 =	simm.s32 @!p0 $0x0;
	s3 =	simm.s32 @!p0 $0x10100;
	s4 =	rddreg [dreg:$0x2]  }
0x161: {  	[hbm4b:s4+s0] =	stream.linear.scatter @!p0 [tilespmem:s3], [sflag:$0x3], $0x1000, $0x38;
	[tilespmem:$0x12200] =	vst v63  }
0x162: {  	s0 =	simm.s32 @!p0 $0x3  }
0x163: {  	_ =	swait.ge @!p0 [sflag:s0], $0x1000  }
0x164: {  	[sflag:s0] =	ssyncset.done @!p0 $0x0  }
0x165: {  	[sflag:s0] =	ssyncadd.s32 @!p0 $0xFFFFF000  }
0x166: {  	[tilespmem:s17], [sflag:$0x1] =	stream.strided.gather [hbm4b:s2+s22], $0x4000, s23, s22, $0x38;
	[tilespmem:$0x12200] =	vst v63  }
0x167: {  	s29 =	simm.s32 $0x0  }
0x168: {  	[tilespmem:s24], [sflag:$0x2] =	stream.strided.gather [hbm4b:s13+s22], $0x4000, s23, s22, $0x38;
	[tilespmem:$0x12200] =	vst v63  }
.LBB2_9:
0x169: {  	_ =	swait.ge [sflag:s19], $0x4000  }
0x16a: {  	[sflag:s19] =	ssyncset.done $0x0  }
0x16b: {  	s3 =	simm.s32 $0x8200;
	[sflag:s19] =	ssyncadd.s32 $0xFFFFC000  }
0x16c: {  	v5 =	vld [tilespmem:s3+$0x0]  }
0x16d: {  	v8 =	vld [tilespmem:s3+$0xFFFFFF80]  }
0x16e: {  	v2 =	vld [tilespmem:s3+$0x1B0]  }
0x16f: {  	v9 =	vld [tilespmem:s3+$0x10]  }
0x170: {  	v4 =	vld [tilespmem:s3+$0xFFFFFFA0]  }
0x171: {  	v11 =	vld [tilespmem:s3+$0x1A0]  }
0x172: {  	v3 =	vld [tilespmem:s3+$0xFFFFFF90]  }
0x173: {  	v12 =	vld [tilespmem:s3+$0xF0]  }
0x174: {  	v13 =	vld [tilespmem:s3+$0x90]  }
0x175: {  	v15 =	vld [tilespmem:s3+$0xE0]  }
0x176: {  	v16 =	vld [tilespmem:s3+$0xC0]  }
0x177: {  	v17 =	vld [tilespmem:s3+$0xD0]  }
0x178: {  	v18 =	vld [tilespmem:s3+$0x80]  }
0x179: {  	v19 =	vld [tilespmem:s3+$0xB0]  }
0x17a: {  	v20 =	vld [tilespmem:s3+$0xA0]  }
0x17b: {  	v6 =	vld [tilespmem:s3+$0xFFFFFFB0]  }
0x17c: {  	v24 =	vld [tilespmem:s3+$0x30]  }
0x17d: {  	s0 =	simm.s32 $0x10180;
	v33 =	vld [tilespmem:s3+$0x60];
	v7 =	vmul.f32 v2, v2  }
0x17e: {  	v35 =	vld [tilespmem:s0+$0x20];
	v21 =	vmul.f32 v11, v11;
	v23 =	vmul.f32 v8, v8  }
0x17f: {  	v54 =	vld [tilespmem:s0+$0x50];
	v25 =	vmul.f32 v15, v15;
	v26 =	vmul.f32 v16, v16  }
0x180: {  	v39 =	vld [tilespmem:s0+$0x40];
	v27 =	vmul.f32 v17, v17;
	v28 =	vmul.f32 v18, v18  }
0x181: {  	v55 =	vld [tilespmem:s3+$0x1C0];
	v29 =	vmul.f32 v13, v13;
	v30 =	vmul.f32 v20, v20  }
0x182: {  	v46 =	vld [tilespmem:s3+$0x140];
	v34 =	vmul.f32 v3, v3;
	v53 =	vmul.f32 v24, v24  }
0x183: {  	v22 =	vld [tilespmem:s3+$0x20];
	v36 =	vmul.f32 v5, v5;
	v37 =	vmul.f32 v33, v33  }
0x184: {  	v48 =	vld [tilespmem:s3+$0x120];
	v38 =	vmul.f32 v6, v6;
	v40 =	vmul.f32 v9, v9  }
0x185: {  	v31 =	vld [tilespmem:s3+$0x70];
	v20 =	vmul.f32 v20, v35;
	v11 =	vmul.f32 v11, v35  }
0x186: {  	v56 =	vld [tilespmem:s3+$0x1F0];
	v17 =	vmul.f32 v17, v54;
	v16 =	vmul.f32 v16, v39  }
0x187: {  	v57 =	vld [tilespmem:s3+$0x1D0];
	v44 =	vmul.f32 v55, v39;
	v49 =	vmul.f32 v46, v46;
	v32 =	vadd.f32 v7, v21  }
0x188: {  	v7 =	vmul.f32 v19, v19;
	v21 =	vmul.f32 v12, v12;
	v23 =	vadd.f32 v34, v23;
	v34 =	vld [tilespmem:s0+$0xFFFFFF80]  }
0x189: {  	v62 =	vmul.f32 v48, v35;
	v26 =	vadd.f32 v27, v26;
	v27 =	vadd.f32 v29, v28;
	v28 =	vld [tilespmem:s3+$0x40]  }
0x18a: {  	v29 =	vmul.f32 v4, v4;
	v7 =	vadd.f32 v7, v30;
	v30 =	vld [tilespmem:s3+$0x50];
	v21 =	vadd.f32 v21, v25  }
0x18b: {  	v43 =	vld [tilespmem:s0+$0x0];
	v36 =	vadd.f32 v40, v36;
	v40 =	vmul.f32 v56, v56;
	v25 =	vmul.f32 v22, v22  }
0x18c: {  	v61 =	vld [tilespmem:s3+$0x100];
	v22 =	vmul.f32 v22, v35;
	v7 =	vadd.f32 v7, v27;
	v21 =	vadd.f32 v21, v26  }
0x18d: {  	v27 =	vld [tilespmem:s0+$0x30];
	v25 =	vadd.f32 v53, v25;
	v26 =	vmul.f32 v31, v31;
	v8 =	vmul.f32 v8, v34  }
0x18e: {  	v7 =	vadd.f32 v21, v7;
	v21 =	vmul.f32 v28, v28;
	v28 =	vmul.f32 v28, v39  }
0x18f: {  	v42 =	vld [tilespmem:s0+$0x60];
	v25 =	vadd.f32 v25, v36;
	v36 =	vmul.f32 v57, v57;
	v41 =	vmul.f32 v30, v30  }
0x190: {  	v10 =	vld [tilespmem:s3+$0x190];
	v26 =	vadd.f32 v26, v37;
	v37 =	vmul.f32 v55, v55;
	v39 =	vmul.f32 v46, v39  }
0x191: {  	v14 =	vld [tilespmem:s3+$0x180];
	v55 =	vmul.f32 v61, v43;
	v30 =	vmul.f32 v30, v54;
	v21 =	vadd.f32 v41, v21  }
0x192: {  	v50 =	vld [tilespmem:s3+$0xFFFFFF00];
	v2 =	vmul.f32 v2, v27;
	v19 =	vmul.f32 v19, v27  }
0x193: {  	v24 =	vmul.f32 v24, v27;
	v41 =	vld [tilespmem:s0+$0x70];
	v28 =	vadd.f32 v30, v28;
	v26 =	vadd.f32 v26, v21  }
0x194: {  	v45 =	vadd.f32 v2, v11;
	v2 =	vld [tilespmem:s3+$0xFFFFFFD0];
	v21 =	vmul.f32 v15, v42;
	v30 =	vadd.f32 v19, v20  }
0x195: {  	v15 =	vadd.f32 v38, v29;
	v29 =	vld [tilespmem:s0+$0x10];
	v20 =	vadd.f32 v17, v16;
	v16 =	vmul.f32 v10, v10  }
0x196: {  	v17 =	vld [tilespmem:s3+$0x1E0];
	v38 =	vmul.f32 v18, v43;
	v11 =	vadd.f32 v26, v25;
	v25 =	vmul.f32 v57, v54  }
0x197: {  	v18 =	vld [tilespmem:s3+$0x160];
	v26 =	vmul.f32 v14, v14;
	v19 =	vadd.f32 v15, v23;
	v15 =	vmul.f32 v33, v42  }
0x198: {  	v60 =	vimm.f32 $0.0e+00;
	v33 =	vmul.f32 v5, v43;
	v5 =	vld [tilespmem:s3+$0xFFFFFFC0];
	v23 =	vmul.f32 v31, v41  }
0x199: {  	v14 =	vmul.f32 v14, v43;
	v31 =	vld [tilespmem:s3+$0x170];
	v12 =	vmul.f32 v12, v41;
	v16 =	vadd.f32 v16, v26  }
0x19a: {  	v26 =	vadd.f32 v24, v22;
	v24 =	vld [tilespmem:s3+$0x130];
	v58 =	vadd.f32 v23, v15;
	v23 =	vmul.f32 v56, v41  }
0x19b: {  	v36 =	vadd.f32 v36, v37;
	v43 =	vld [tilespmem:s3+$0xFFFFFEF0];
	v22 =	vmul.f32 v17, v42;
	v17 =	vmul.f32 v17, v17  }
0x19c: {  	v25 =	vadd.f32 v25, v44;
	v15 =	vld [tilespmem:s3+$0x150];
	v42 =	vmul.f32 v18, v42;
	v10 =	vmul.f32 v10, v29  }
0x19d: {  	v44 =	vld [tilespmem:s3+$0xFFFFFFF0];
	v32 =	vadd.f32 v32, v16;
	v16 =	vmul.f32 v18, v18;
	v18 =	vadd.f32 v23, v22  }
0x19e: {  	v12 =	vadd.f32 v12, v21;
	v22 =	vld [tilespmem:s3+$0x110];
	v14 =	vadd.f32 v10, v14;
	v47 =	vmul.f32 v31, v31  }
0x19f: {  	v31 =	vmul.f32 v31, v41;
	v41 =	vld [tilespmem:s3+$0xFFFFFE50];
	v46 =	vadd.f32 v18, v25;
	v27 =	vmul.f32 v24, v27  }
0x1a0: {  	v24 =	vmul.f32 v24, v24;
	v25 =	vmul.f32 v48, v48;
	v14 =	vadd.f32 v45, v14;
	v45 =	vld [tilespmem:s3+$0xFFFFFE90]  }
0x1a1: {  	v17 =	vadd.f32 v40, v17;
	v23 =	vmul.f32 v15, v54;
	v59 =	vmul.f32 v15, v15;
	v15 =	vld [tilespmem:s3+$0xFFFFFFE0]  }
0x1a2: {  	v28 =	vadd.f32 v58, v28;
	v58 =	vmul.f32 v9, v29;
	v47 =	vadd.f32 v47, v16;
	v16 =	vld [tilespmem:s3+$0xFFFFFF40]  }
0x1a3: {  	v37 =	vmul.f32 v5, v5;
	v12 =	vadd.f32 v12, v20;
	v51 =	vadd.f32 v24, v25;
	v25 =	vld [tilespmem:s3+$0xFFFFFF60]  }
0x1a4: {  	v40 =	vmul.f32 v61, v61;
	v9 =	vadd.f32 v17, v36;
	v33 =	vadd.f32 v58, v33;
	v24 =	vld [tilespmem:s3+$0xFFFFFF10]  }
0x1a5: {  	v58 =	vmul.f32 v50, v50;
	v53 =	vmul.f32 v44, v44;
	v35 =	vadd.f32 v23, v39;
	v23 =	vld [tilespmem:s3+$0xFFFFFF20]  }
0x1a6: {  	v27 =	vadd.f32 v27, v62;
	v63 =	vmul.f32 v22, v29;
	v54 =	vmul.f32 v22, v22;
	v22 =	vld [tilespmem:s3+$0xFFFFFF50]  }
0x1a7: {  	v50 =	vmul.f32 v50, v34;
	v26 =	vadd.f32 v26, v33;
	v18 =	vadd.f32 v59, v49;
	v39 =	vld [tilespmem:s3+$0xFFFFFF70]  }
0x1a8: {  	v9 =	vadd.f32 v9, v32;
	v29 =	vmul.f32 v13, v29;
	v13 =	vadd.f32 v46, v14;
	v46 =	vld [tilespmem:s3+$0xFFFFFED0]  }
0x1a9: {  	v49 =	vld [tilespmem:s0+$0xFFFFFFF0];
	v14 =	vadd.f32 v28, v26;
	v33 =	vmul.f32 v41, v41;
	v47 =	vadd.f32 v47, v18  }
0x1aa: {  	v18 =	vld [tilespmem:s3+$0xFFFFFF30];
	v56 =	vadd.f32 v63, v55;
	v57 =	vadd.f32 v54, v40;
	v63 =	vmul.f32 v2, v2  }
0x1ab: {  	v54 =	vld [tilespmem:s3+$0xFFFFFEC0];
	v26 =	vadd.f32 v29, v38;
	v29 =	vmul.f32 v45, v45;
	v40 =	vmul.f32 v16, v16  }
0x1ac: {  	v28 =	vld [tilespmem:s3+$0xFFFFFE80];
	v52 =	vmul.f32 v15, v15;
	v17 =	vadd.f32 v51, v57;
	v27 =	vadd.f32 v27, v56  }
0x1ad: {  	v55 =	vld [tilespmem:s3+$0xFFFFFE30];
	v62 =	vmul.f32 v25, v25;
	v63 =	vadd.f32 v63, v37;
	v26 =	vadd.f32 v30, v26  }
0x1ae: {  	v30 =	vadd.f32 v31, v42;
	v31 =	vld [tilespmem:s3+$0xFFFFFE60];
	v59 =	vmul.f32 v23, v23;
	v57 =	vmul.f32 v22, v22  }
0x1af: {  	v21 =	vmul.f32 v46, v46;
	v10 =	vadd.f32 v47, v17;
	v47 =	vld [tilespmem:s3+$0xFFFFFEE0];
	v61 =	vmul.f32 v18, v18  }
0x1b0: {  	v51 =	vadd.f32 v53, v52;
	v53 =	vmul.f32 v39, v49;
	v17 =	vld [tilespmem:s3+$0xFFFFFEA0];
	v56 =	vmul.f32 v54, v54  }
0x1b1: {  	v52 =	vld [tilespmem:s3+$0xFFFFFE40];
	v35 =	vadd.f32 v30, v35;
	v36 =	vadd.f32 v61, v59;
	v59 =	vmul.f32 v24, v24  }
0x1b2: {  	v61 =	vmul.f32 v39, v39;
	v38 =	vadd.f32 v21, v56;
	v21 =	vadd.f32 v12, v26;
	v12 =	vld [tilespmem:s3+$0xFFFFFE10]  }
0x1b3: {  	v40 =	vadd.f32 v57, v40;
	v26 =	vmul.f32 v31, v31;
	v39 =	vld [tilespmem:s0+$0xFFFFFF90];
	v48 =	vadd.f32 v59, v58  }
0x1b4: {  	v32 =	vadd.f32 v61, v62;
	v57 =	vmul.f32 v47, v47;
	v61 =	vmul.f32 v28, v28  }
0x1b5: {  	v42 =	vld [tilespmem:s3+$0xFFFFFE20];
	v58 =	vmul.f32 v17, v17;
	v59 =	vmul.f32 v43, v43;
	v62 =	vadd.f32 v36, v48  }
0x1b6: {  	v37 =	vld [tilespmem:s3+$0xFFFFFE70];
	v28 =	vmul.f32 v28, v34;
	v32 =	vadd.f32 v32, v40;
	v29 =	vadd.f32 v29, v61  }
0x1b7: {  	v48 =	vld [tilespmem:s3+$0xFFFFFEB0];
	v36 =	vadd.f32 v51, v63;
	v63 =	vmul.f32 v52, v52;
	v61 =	vmul.f32 v55, v55  }
0x1b8: {  	v40 =	vld [tilespmem:s3+$0xFFFFFE00];
	v56 =	vmul.f32 v12, v12;
	v12 =	vmul.f32 v12, v39;
	v32 =	vadd.f32 v32, v62  }
0x1b9: {  	v51 =	vld [tilespmem:s0+$0xFFFFFFE0];
	v24 =	vmul.f32 v24, v39;
	v3 =	vmul.f32 v3, v39;
	v62 =	vadd.f32 v59, v57  }
0x1ba: {  	v19 =	vadd.f32 v36, v19;
	v57 =	vmul.f32 v42, v42;
	v20 =	vadd.f32 v32, v60  }
0x1bb: {  	v32 =	vadd.f32 v62, v38;
	v62 =	vmul.f32 v37, v37;
	v38 =	vadd.f32 v33, v63  }
0x1bc: {  	v19 =	vadd.f32 v19, v60;
	v33 =	vld [tilespmem:s0+$0xFFFFFFA0];
	v63 =	vmul.f32 v37, v49;
	v30 =	vmul.f32 v48, v48  }
0x1bd: {  	v36 =	vadd.f32 v61, v57;
	v59 =	vmul.f32 v40, v40;
	v40 =	vmul.f32 v40, v34  }
0x1be: {  	v47 =	vmul.f32 v47, v51;
	v34 =	vmul.f32 v44, v49;
	v26 =	vadd.f32 v62, v26  }
0x1bf: {  	v31 =	vmul.f32 v31, v51;
	v30 =	vadd.f32 v30, v58;
	v56 =	vadd.f32 v56, v59  }
0x1c0: {  	v58 =	vld [tilespmem:s0+$0xFFFFFFB0];
	v59 =	vmul.f32 v43, v49;
	v12 =	vadd.f32 v12, v40;
	v57 =	vadd.f32 v26, v38  }
0x1c1: {  	v26 =	vadd.f32 v35, v27;
	v29 =	vadd.f32 v30, v29;
	v27 =	vmul.f32 v42, v33  }
0x1c2: {  	v36 =	vadd.f32 v36, v56;
	v38 =	vmul.f32 v23, v33;
	v23 =	vmul.f32 v25, v51  }
0x1c3: {  	v30 =	vld [tilespmem:s0+$0xFFFFFFD0];
	v37 =	vadd.f32 v59, v47;
	v25 =	vmul.f32 v45, v39;
	v4 =	vmul.f32 v4, v33  }
0x1c4: {  	v39 =	vadd.f32 v3, v8;
	v8 =	vimm.f32 $0.0e+00;
	v29 =	vadd.f32 v32, v29  }
0x1c5: {  	v32 =	vld [tilespmem:s0+$0xFFFFFFC0];
	v62 =	vadd.f32 v57, v36;
	v36 =	vadd.f32 v63, v31;
	v61 =	vmul.f32 v55, v58  }
0x1c6: {  	v28 =	vadd.f32 v25, v28;
	v6 =	vmul.f32 v6, v58;
	v42 =	vmul.f32 v18, v58  }
0x1c7: {  	v25 =	vmul.f32 v48, v58;
	v63 =	vadd.f32 v29, v60;
	v35 =	vadd.f32 v62, v60  }
0x1c8: {  	v46 =	vmul.f32 v46, v30;
	v27 =	vadd.f32 v61, v27;
	v41 =	vmul.f32 v41, v30  }
0x1c9: {  	v40 =	vadd.f32 v6, v4;
	v6 =	vimm.f32 $0.0e+00;
	v4 =	vimm.f32 $0.0e+00  }
0x1ca: {  	v3 =	vadd.f32 v11, v35;
	v11 =	vadd.f32 v53, v23;
	v31 =	vmul.f32 v54, v32  }
0x1cb: {  	v7 =	vadd.f32 v7, v63;
	v52 =	vmul.f32 v52, v32;
	v29 =	vadd.f32 v27, v12  }
0x1cc: {  	v27 =	vadd.f32 v24, v50;
	v16 =	vmul.f32 v16, v32;
	v31 =	vadd.f32 v46, v31  }
0x1cd: {  	s4 =	simm.s32 $0x8600;
	s3 =	simm.s32 $0x0;
	v12 =	vadd.f32 v41, v52;
	v41 =	vmul.f32 v22, v30;
	v22 =	vmul.f32 v15, v51  }
.LBB2_10:
0x1ce: {  	v23 =	vld [tilespmem:s4+$0x0]  }
0x1cf: {  	v15 =	vld [tilespmem:s4+$0xFFFFFF80]  }
0x1d0: {  	v2 =	vmul.f32 v2, v30;
	v30 =	vld [tilespmem:s4+$0x1B0]  }
0x1d1: {  	v5 =	vmul.f32 v5, v32;
	v32 =	vld [tilespmem:s4+$0x30]  }
0x1d2: {  	v63 =	vld [tilespmem:s4+$0x40]  }
0x1d3: {  	v43 =	vld [tilespmem:s4+$0x50]  }
0x1d4: {  	v56 =	vadd.f32 v36, v12;
	v12 =	vld [tilespmem:s4+$0xFFFFFFA0]  }
0x1d5: {  	v36 =	vld [tilespmem:s4+$0x20]  }
0x1d6: {  	v24 =	vadd.f32 v37, v31;
	v31 =	vadd.f32 v40, v39;
	v39 =	vld [tilespmem:s4+$0x70]  }
0x1d7: {  	s0 =	sadd.s32 $0x100, s0;
	v40 =	vld [tilespmem:s4+$0x60]  }
0x1d8: {  	v18 =	vmul.f32 v17, v33;
	v20 =	vadd.f32 v10, v20;
	v16 =	vadd.f32 v41, v16;
	v41 =	vld [tilespmem:s0+$0x20]  }
0x1d9: {  	v17 =	vadd.f32 v42, v38;
	v22 =	vadd.f32 v34, v22;
	v38 =	vld [tilespmem:s0+$0x30]  }
0x1da: {  	v44 =	vld [tilespmem:s0+$0x50];
	v18 =	vadd.f32 v25, v18;
	v2 =	vadd.f32 v2, v5  }
0x1db: {  	v46 =	vld [tilespmem:s0+$0x40];
	v27 =	vadd.f32 v17, v27;
	v25 =	vadd.f32 v56, v29  }
0x1dc: {  	v5 =	vld [tilespmem:s4+$0x1A0];
	v18 =	vadd.f32 v18, v28;
	v2 =	vadd.f32 v22, v2  }
0x1dd: {  	v17 =	vld [tilespmem:s4+$0x10];
	v22 =	vmul.f32 v30, v30;
	v1 =	vadd.f32 v25, v60;
	v25 =	vmul.f32 v23, v23  }
0x1de: {  	v16 =	vadd.f32 v11, v16;
	v11 =	vld [tilespmem:s4+$0xFFFFFF90];
	v52 =	vmul.f32 v32, v32;
	v56 =	vmul.f32 v63, v63  }
0x1df: {  	v29 =	vld [tilespmem:s4+$0xB0];
	v48 =	vmul.f32 v43, v43;
	v18 =	vadd.f32 v24, v18;
	v24 =	vmul.f32 v12, v12  }
0x1e0: {  	v28 =	vld [tilespmem:s4+$0x80];
	v16 =	vadd.f32 v16, v27;
	v51 =	vmul.f32 v36, v36;
	v54 =	vmul.f32 v39, v39  }
0x1e1: {  	v27 =	vld [tilespmem:s4+$0xD0];
	v2 =	vadd.f32 v2, v31;
	v55 =	vmul.f32 v40, v40;
	v10 =	vmul.f32 v5, v5  }
0x1e2: {  	v31 =	vld [tilespmem:s4+$0xA0];
	v30 =	vmul.f32 v30, v38;
	v0 =	vadd.f32 v14, v1;
	v8 =	vadd.f32 v18, v8  }
0x1e3: {  	v43 =	vmul.f32 v43, v44;
	v2 =	vadd.f32 v2, v4;
	v14 =	vadd.f32 v22, v10;
	v22 =	vld [tilespmem:s4+$0xE0]  }
0x1e4: {  	v6 =	vadd.f32 v16, v6;
	v16 =	vmul.f32 v15, v15;
	v8 =	vadd.f32 v21, v8;
	v21 =	vld [tilespmem:s4+$0xF0]  }
0x1e5: {  	v5 =	vmul.f32 v5, v41;
	v18 =	vmul.f32 v11, v11;
	v4 =	vadd.f32 v13, v2;
	v13 =	vld [tilespmem:s4+$0x90]  }
0x1e6: {  	v19 =	vadd.f32 v9, v19;
	v60 =	vmul.f32 v29, v29;
	v47 =	vmul.f32 v17, v17;
	v2 =	vld [tilespmem:s4+$0xC0]  }
0x1e7: {  	v42 =	vld [tilespmem:s4+$0x1C0];
	v53 =	vadd.f32 v52, v51;
	v29 =	vmul.f32 v29, v38;
	v57 =	vmul.f32 v28, v28  }
0x1e8: {  	v50 =	vld [tilespmem:s4+$0x1D0];
	v6 =	vadd.f32 v26, v6;
	v10 =	vmul.f32 v27, v27;
	v27 =	vmul.f32 v27, v44  }
0x1e9: {  	v49 =	vld [tilespmem:s0+$0x60];
	v25 =	vadd.f32 v47, v25;
	v59 =	vmul.f32 v31, v31;
	v31 =	vmul.f32 v31, v41  }
0x1ea: {  	v26 =	vadd.f32 v18, v16;
	v16 =	vld [tilespmem:s4+$0xFFFFFFB0];
	v18 =	vmul.f32 v22, v22;
	v58 =	vmul.f32 v13, v13  }
0x1eb: {  	v51 =	vld [tilespmem:s0+$0x0];
	v25 =	vadd.f32 v53, v25;
	v9 =	vmul.f32 v2, v2;
	v61 =	vmul.f32 v21, v21  }
0x1ec: {  	v53 =	vmul.f32 v42, v46;
	v62 =	vadd.f32 v60, v59;
	v59 =	vld [tilespmem:s4+$0x1F0];
	v33 =	vadd.f32 v58, v57  }
0x1ed: {  	v60 =	vmul.f32 v63, v46;
	v63 =	vld [tilespmem:s4+$0x140];
	v35 =	vadd.f32 v10, v9;
	v18 =	vadd.f32 v61, v18  }
0x1ee: {  	v42 =	vmul.f32 v42, v42;
	v9 =	vld [tilespmem:s4+$0x190];
	v58 =	vadd.f32 v48, v56;
	v33 =	vadd.f32 v62, v33  }
0x1ef: {  	v45 =	vmul.f32 v16, v16;
	v10 =	vld [tilespmem:s4+$0x180];
	v18 =	vadd.f32 v18, v35;
	v35 =	vadd.f32 v54, v55  }
0x1f0: {  	v34 =	vadd.f32 v29, v31;
	v52 =	vmul.f32 v2, v46;
	v2 =	vld [tilespmem:s4+$0xFFFFFFD0];
	v57 =	vmul.f32 v32, v38  }
0x1f1: {  	v32 =	vmul.f32 v22, v49;
	v18 =	vadd.f32 v18, v33;
	v33 =	vld [tilespmem:s0+$0x70];
	v61 =	vadd.f32 v35, v58  }
0x1f2: {  	v56 =	vld [tilespmem:s4+$0x110];
	v48 =	vmul.f32 v59, v59;
	v54 =	vadd.f32 v30, v5;
	v5 =	vadd.f32 v45, v24  }
0x1f3: {  	v45 =	vmul.f32 v28, v51;
	v28 =	vmul.f32 v36, v41;
	v22 =	vadd.f32 v61, v25;
	v25 =	vld [tilespmem:s4+$0x1E0]  }
0x1f4: {  	v43 =	vadd.f32 v43, v60;
	v55 =	vld [tilespmem:s4+$0x120];
	v24 =	vmul.f32 v9, v9;
	v29 =	vmul.f32 v10, v10  }
0x1f5: {  	v26 =	vadd.f32 v5, v26;
	v5 =	vmul.f32 v40, v49;
	v40 =	vmul.f32 v23, v51;
	v23 =	vld [tilespmem:s4+$0x160]  }
0x1f6: {  	v46 =	vmul.f32 v63, v46;
	v24 =	vadd.f32 v24, v29;
	v29 =	vld [tilespmem:s4+$0x130];
	v31 =	vmul.f32 v39, v33  }
0x1f7: {  	v30 =	vadd.f32 v27, v52;
	v27 =	vmul.f32 v50, v44;
	v47 =	vadd.f32 v57, v28;
	v39 =	vld [tilespmem:s4+$0x170]  }
0x1f8: {  	v62 =	vmul.f32 v59, v33;
	v37 =	vadd.f32 v31, v5;
	v31 =	vld [tilespmem:s4+$0x150];
	v28 =	vmul.f32 v25, v49  }
0x1f9: {  	v50 =	vmul.f32 v50, v50;
	v36 =	vld [tilespmem:s4+$0xFFFFFF00];
	v27 =	vadd.f32 v27, v53;
	v58 =	vmul.f32 v2, v2  }
0x1fa: {  	v35 =	vld [tilespmem:s0+$0x10];
	v61 =	vmul.f32 v55, v41;
	v14 =	vadd.f32 v14, v24;
	v24 =	vadd.f32 v62, v28  }
0x1fb: {  	v42 =	vadd.f32 v50, v42;
	v5 =	vld [tilespmem:s4+$0xFFFFFFC0];
	v25 =	vmul.f32 v25, v25;
	v49 =	vmul.f32 v23, v49  }
0x1fc: {  	v23 =	vmul.f32 v23, v23;
	v60 =	vmul.f32 v39, v39;
	v52 =	vadd.f32 v24, v27;
	v24 =	vld [tilespmem:s4+$0xFFFFFF40]  }
0x1fd: {  	v27 =	vmul.f32 v29, v38;
	v28 =	vmul.f32 v31, v44;
	v44 =	vadd.f32 v48, v25;
	v48 =	vld [tilespmem:s4+$0x100]  }
0x1fe: {  	v31 =	vmul.f32 v31, v31;
	v25 =	vmul.f32 v63, v63;
	v53 =	vadd.f32 v60, v23;
	v23 =	vld [tilespmem:s4+$0xFFFFFFE0]  }
0x1ff: {  	v62 =	vmul.f32 v56, v35;
	v43 =	vadd.f32 v37, v43;
	v63 =	vmul.f32 v56, v56;
	v56 =	vld [tilespmem:s4+$0xFFFFFF70]  }
0x200: {  	v10 =	vmul.f32 v10, v51;
	v37 =	vadd.f32 v27, v61;
	v27 =	vld [tilespmem:s4+$0xFFFFFF50];
	v25 =	vadd.f32 v31, v25  }
0x201: {  	v29 =	vmul.f32 v29, v29;
	v41 =	vadd.f32 v28, v46;
	v31 =	vmul.f32 v55, v55;
	v28 =	vld [tilespmem:s4+$0xFFFFFF20]  }
0x202: {  	v21 =	vmul.f32 v21, v33;
	v53 =	vadd.f32 v53, v25;
	v25 =	vld [tilespmem:s4+$0xFFFFFF30];
	v60 =	vmul.f32 v48, v51  }
0x203: {  	v9 =	vmul.f32 v9, v35;
	v57 =	vadd.f32 v29, v31;
	v31 =	vld [tilespmem:s4+$0xFFFFFF60];
	v48 =	vmul.f32 v48, v48  }
0x204: {  	v21 =	vadd.f32 v21, v32;
	v29 =	vld [tilespmem:s4+$0xFFFFFF10];
	v59 =	vmul.f32 v23, v23;
	v38 =	vadd.f32 v62, v60  }
0x205: {  	v55 =	vld [tilespmem:s4+$0xFFFFFE90];
	v61 =	vadd.f32 v63, v48;
	v48 =	vmul.f32 v24, v24;
	v62 =	vmul.f32 v17, v35  }
0x206: {  	v51 =	vld [tilespmem:s4+$0xFFFFFEF0];
	v17 =	vadd.f32 v44, v42;
	v63 =	vmul.f32 v28, v28;
	v60 =	vadd.f32 v9, v10  }
0x207: {  	v44 =	vld [tilespmem:s4+$0xFFFFFFF0];
	v46 =	vadd.f32 v57, v61;
	v61 =	vmul.f32 v25, v25;
	v37 =	vadd.f32 v37, v38  }
0x208: {  	v9 =	vadd.f32 v17, v14;
	v38 =	vld [tilespmem:s0+$0xFFFFFF80];
	v14 =	vmul.f32 v31, v31;
	v40 =	vadd.f32 v62, v40  }
0x209: {  	v17 =	vld [tilespmem:s4+$0xFFFFFEA0];
	v57 =	vmul.f32 v29, v29;
	v54 =	vadd.f32 v54, v60;
	v62 =	vmul.f32 v13, v35  }
0x20a: {  	v35 =	vld [tilespmem:s4+$0xFFFFFEB0];
	v10 =	vadd.f32 v53, v46;
	v46 =	vmul.f32 v27, v27;
	v53 =	vmul.f32 v36, v36  }
0x20b: {  	v42 =	vadd.f32 v61, v63;
	v40 =	vadd.f32 v47, v40;
	v47 =	vld [tilespmem:s4+$0xFFFFFEC0];
	v61 =	vmul.f32 v56, v56  }
0x20c: {  	v13 =	vadd.f32 v52, v54;
	v52 =	vld [tilespmem:s4+$0xFFFFFED0];
	v60 =	vmul.f32 v44, v44;
	v53 =	vadd.f32 v57, v53  }
0x20d: {  	v39 =	vmul.f32 v39, v33;
	v46 =	vadd.f32 v46, v48;
	v48 =	vld [tilespmem:s4+$0xFFFFFEE0];
	v63 =	vadd.f32 v61, v14  }
0x20e: {  	v50 =	vmul.f32 v5, v5;
	v14 =	vadd.f32 v43, v40;
	v40 =	vld [tilespmem:s4+$0xFFFFFE80];
	v57 =	vadd.f32 v60, v59  }
0x20f: {  	v43 =	vmul.f32 v55, v55;
	v60 =	vadd.f32 v62, v45;
	v62 =	vadd.f32 v39, v49;
	v39 =	vld [tilespmem:s4+$0xFFFFFE60]  }
0x210: {  	v21 =	vadd.f32 v21, v30;
	v45 =	vld [tilespmem:s4+$0xFFFFFE50];
	v32 =	vmul.f32 v17, v17;
	v59 =	vmul.f32 v51, v51  }
0x211: {  	v15 =	vmul.f32 v15, v38;
	v61 =	vadd.f32 v63, v46;
	v46 =	vadd.f32 v58, v50;
	v50 =	vld [tilespmem:s4+$0xFFFFFE70]  }
0x212: {  	v42 =	vadd.f32 v42, v53;
	v58 =	vld [tilespmem:s4+$0xFFFFFE20];
	v53 =	vmul.f32 v47, v47;
	v33 =	vadd.f32 v34, v60  }
0x213: {  	v54 =	vmul.f32 v52, v52;
	v41 =	vadd.f32 v62, v41;
	v34 =	vmul.f32 v35, v35;
	v60 =	vld [tilespmem:s4+$0xFFFFFE40]  }
0x214: {  	v42 =	vadd.f32 v61, v42;
	v46 =	vadd.f32 v57, v46;
	v57 =	vld [tilespmem:s0+$0xFFFFFFF0];
	v49 =	vmul.f32 v48, v48  }
0x215: {  	v30 =	vmul.f32 v40, v40;
	v53 =	vadd.f32 v54, v53;
	v21 =	vadd.f32 v21, v33;
	v54 =	vld [tilespmem:s4+$0xFFFFFE10]  }
0x216: {  	v32 =	vadd.f32 v34, v32;
	v34 =	vld [tilespmem:s4+$0xFFFFFE00];
	v40 =	vmul.f32 v40, v38;
	v20 =	vadd.f32 v42, v20  }
0x217: {  	v33 =	vmul.f32 v39, v39;
	v26 =	vadd.f32 v46, v26;
	v49 =	vadd.f32 v59, v49  }
0x218: {  	v42 =	vld [tilespmem:s4+$0xFFFFFE30];
	v30 =	vadd.f32 v43, v30;
	v43 =	vmul.f32 v45, v45;
	v61 =	vmul.f32 v50, v50  }
0x219: {  	v59 =	vld [tilespmem:s0+$0xFFFFFFE0];
	v63 =	vmul.f32 v58, v58;
	v49 =	vadd.f32 v49, v53;
	v53 =	vmul.f32 v36, v38  }
0x21a: {  	v32 =	vadd.f32 v32, v30;
	v36 =	vmul.f32 v60, v60;
	v30 =	vld [tilespmem:s0+$0xFFFFFFD0];
	v51 =	vmul.f32 v51, v57  }
0x21b: {  	[tilespmem:$0x1FFE0] =	vst v0;
	v61 =	vadd.f32 v61, v33;
	v33 =	vld [tilespmem:s0+$0xFFFFFFA0];
	v62 =	vmul.f32 v54, v54;
	v0 =	vmul.f32 v34, v34  }
0x21c: {  	v19 =	vadd.f32 v26, v19;
	v1 =	vmul.f32 v34, v38;
	v34 =	vmul.f32 v44, v57  }
0x21d: {  	v44 =	vmul.f32 v50, v57;
	v46 =	vmul.f32 v42, v42;
	v49 =	vadd.f32 v49, v32  }
0x21e: {  	v32 =	vld [tilespmem:s0+$0xFFFFFFC0];
	v36 =	vadd.f32 v43, v36;
	v0 =	vadd.f32 v62, v0;
	v38 =	vmul.f32 v48, v59  }
0x21f: {  	v43 =	vld [tilespmem:s0+$0xFFFFFFB0];
	v39 =	vmul.f32 v39, v59;
	v26 =	vadd.f32 v46, v63;
	v46 =	vmul.f32 v56, v57  }
0x220: {  	v36 =	vadd.f32 v61, v36;
	v48 =	vmul.f32 v52, v30;
	v63 =	vmul.f32 v58, v33  }
0x221: {  	v56 =	vld [tilespmem:s0+$0xFFFFFF90];
	v7 =	vadd.f32 v49, v7;
	v58 =	vmul.f32 v31, v59;
	v61 =	vmul.f32 v45, v30  }
0x222: {  	v62 =	vmul.f32 v12, v33;
	v0 =	vadd.f32 v26, v0;
	v26 =	vadd.f32 v41, v37  }
0x223: {  	v37 =	vadd.f32 v51, v38;
	v38 =	vmul.f32 v28, v33;
	v41 =	vmul.f32 v27, v30  }
0x224: {  	v7 =	vadd.f32 v18, v7;
	v50 =	vmul.f32 v60, v32;
	v42 =	vmul.f32 v42, v43  }
0x225: {  	v16 =	vmul.f32 v16, v43;
	v31 =	vmul.f32 v47, v32;
	v0 =	vadd.f32 v36, v0  }
0x226: {  	s3 =	sadd.s32 $0x2, s3;
	v36 =	vadd.f32 v44, v39;
	v54 =	vmul.f32 v54, v56;
	v57 =	vadd.f32 v42, v63  }
0x227: {  	p1 =	slt.u32 s3, $0x1E;
	v28 =	vmul.f32 v55, v56;
	v31 =	vadd.f32 v48, v31;
	v63 =	vmul.f32 v29, v56  }
.Ltmp6:
0x228: {  	v12 =	vadd.f32 v61, v50;
	v42 =	vmul.f32 v25, v43;
	v1 =	vadd.f32 v54, v1;
	(pc) =	sbr.rel @p1 .LBB2_10-.Ltmp6, $4  }
0x229: {  	v25 =	vmul.f32 v35, v43;
	v0 =	vadd.f32 v0, v3;
	v28 =	vadd.f32 v28, v40  }
0x22a: {  	v27 =	vadd.f32 v63, v53;
	v29 =	vadd.f32 v57, v1;
	v1 =	vmul.f32 v11, v56  }
0x22b: {  	v40 =	vadd.f32 v16, v62;
	v16 =	vmul.f32 v24, v32;
	v3 =	vadd.f32 v22, v0  }
0x22c: {  	s4 =	sadd.s32 $0x400, s4;
	v60 =	vld [tilespmem:$0x1FFE0];
	v22 =	vmul.f32 v23, v59;
	v11 =	vadd.f32 v46, v58;
	v39 =	vadd.f32 v1, v15  }
0x22d: {  	v2 =	vmul.f32 v2, v30;
	v5 =	vmul.f32 v5, v32  }
0x22e: {  	v0 =	vadd.f32 v42, v38  }
0x22f: {  	v1 =	vmul.f32 v17, v33;
	v17 =	vadd.f32 v34, v22;
	v2 =	vadd.f32 v2, v5  }
0x230: {  	v15 =	vadd.f32 v37, v31;
	v16 =	vadd.f32 v41, v16  }
0x231: {  	v12 =	vadd.f32 v36, v12;
	s31 =	sshll.u32 s29, $0x3;
	v2 =	vadd.f32 v17, v2;
	v17 =	vld [tilespmem:$0x1FFF0]  }
0x232: {  	v0 =	vadd.f32 v0, v27;
	v11 =	vadd.f32 v11, v16;
	v16 =	vmov s31  }
0x233: {  	s0 =	sor.u32 $0x1, s31;
	v1 =	vadd.f32 v25, v1;
	v5 =	vadd.f32 v12, v29;
	v12 =	vand.u32 $0x78, v16  }
0x234: {  	v18 =	vadd.f32 v40, v39;
	v16 =	vmov s0;
	v12 =	vbroadcast v12, $0x0  }
0x235: {  	s4 =	sor.u32 $0x2, s31;
	v1 =	vadd.f32 v1, v28;
	v0 =	vadd.f32 v11, v0;
	v11 =	vand.u32 $0x79, v16  }
0x236: {  	v16 =	vmov s4;
	v11 =	vbroadcast v11, $0x0;
	v12 =	vor.u32 v17, v12  }
0x237: {  	s5 =	sor.u32 $0x3, s31;
	v5 =	vadd.f32 v5, v60;
	v1 =	vadd.f32 v15, v1;
	v15 =	vand.u32 $0x7A, v16  }
0x238: {  	v16 =	vmov s5;
	v15 =	vbroadcast v15, $0x0;
	v11 =	vor.u32 v17, v11  }
0x239: {  	v5 =	vadd.f32 v14, v5;
	v1 =	vadd.f32 v1, v8;
	v8 =	vand.u32 $0x7B, v16  }
0x23a: {  	v0 =	vadd.f32 v0, v6;
	v6 =	vor.u32 v17, v15;
	v8 =	vbroadcast v8, $0x0  }
0x23b: {  	v2 =	vadd.f32 v2, v18;
	v1 =	vadd.f32 v21, v1;
	[tilespmem:v12+s25+$0x0] =	vst.idx.msk $0xffff, v5  }
0x23c: {  	[tilespmem:v12+s26+$0x0] =	vst.idx.msk $0xffff, v3;
	v3 =	vor.u32 v17, v8  }
0x23d: {  	v2 =	vadd.f32 v2, v4;
	v0 =	vadd.f32 v26, v0;
	[tilespmem:v11+s25+$0x0] =	vst.idx.msk $0xffff, v1  }
0x23e: {  	v1 =	vadd.f32 v10, v20;
	[tilespmem:v11+s26+$0x0] =	vst.idx.msk $0xffff, v7  }
0x23f: {  	v2 =	vadd.f32 v13, v2;
	[tilespmem:v6+s25+$0x0] =	vst.idx.msk $0xffff, v0  }
0x240: {  	p1 =	seq.s32 s29, $0x7;
	v0 =	vadd.f32 v9, v19;
	[tilespmem:v6+s26+$0x0] =	vst.idx.msk $0xffff, v1  }
0x241: {  	s6 =	simm.s32 @!p1 $0x8000;
	s0 =	sshll.u32 s29, $0xC;
	[tilespmem:v3+s25+$0x0] =	vst.idx.msk $0xffff, v2  }
0x242: {  	s3 =	sadd.s32 @!p1 s0, s14;
	s4 =	simm.s32 @!p1 $0x200;
	s5 =	simm.s32 @!p1 $0x400;
	[tilespmem:v3+s26+$0x0] =	vst.idx.msk $0xffff, v0  }
0x243: {  	[tilespmem:s6], [sflag:$0x1] =	stream.strided.gather @!p1 [hbm4b:s3+s4], $0x4000, s5, s4, $0x38;
	[tilespmem:$0x12200] =	vst v63  }
0x244: {  	_ =	swait.ge [sflag:s20], $0x4000  }
0x245: {  	[sflag:s20] =	ssyncset.done $0x0  }
0x246: {  	s6 =	simm.s32 $0xC3F0;
	[sflag:s20] =	ssyncadd.s32 $0xFFFFC000  }
0x247: {  	v0 =	vld [tilespmem:s6+$0xFFFFFE10]  }
0x248: {  	v8 =	vld [tilespmem:s6+$0xFFFFFD90]  }
0x249: {  	v2 =	vld [tilespmem:s6+$0xFFFFFFC0]  }
0x24a: {  	v9 =	vld [tilespmem:s6+$0xFFFFFE20]  }
0x24b: {  	v5 =	vld [tilespmem:s6+$0xFFFFFFB0]  }
0x24c: {  	v3 =	vld [tilespmem:s6+$0xFFFFFDA0]  }
0x24d: {  	v12 =	vld [tilespmem:s6+$0xFFFFFF00]  }
0x24e: {  	v13 =	vld [tilespmem:s6+$0xFFFFFEA0]  }
0x24f: {  	v11 =	vld [tilespmem:s6+$0xFFFFFEF0]  }
0x250: {  	v15 =	vld [tilespmem:s6+$0xFFFFFED0]  }
0x251: {  	v16 =	vld [tilespmem:s6+$0xFFFFFEE0]  }
0x252: {  	v17 =	vld [tilespmem:s6+$0xFFFFFE90]  }
0x253: {  	v19 =	vld [tilespmem:s6+$0xFFFFFEB0]  }
0x254: {  	v6 =	vld [tilespmem:s6+$0xFFFFFDC0]  }
0x255: {  	v23 =	vld [tilespmem:s6+$0xFFFFFE40]  }
0x256: {  	s3 =	simm.s32 $0x10180;
	v63 =	vld [tilespmem:s6+$0xFFFFFE70]  }
0x257: {  	v34 =	vld [tilespmem:s3+$0x20];
	v7 =	vmul.f32 v2, v2  }
0x258: {  	v49 =	vld [tilespmem:s3+$0x50];
	v20 =	vmul.f32 v5, v5;
	v21 =	vmul.f32 v8, v8  }
0x259: {  	v52 =	vld [tilespmem:s3+$0x40];
	v24 =	vmul.f32 v11, v11;
	v25 =	vmul.f32 v15, v15  }
0x25a: {  	v55 =	vld [tilespmem:s6+$0xFFFFFFD0];
	v26 =	vmul.f32 v16, v16;
	v27 =	vmul.f32 v17, v17  }
0x25b: {  	v57 =	vld [tilespmem:s6+$0x0];
	v28 =	vmul.f32 v13, v13;
	v29 =	vmul.f32 v19, v19  }
0x25c: {  	v42 =	vld [tilespmem:s3+$0x70];
	v47 =	vmul.f32 v3, v3;
	v48 =	vmul.f32 v23, v23  }
0x25d: {  	v58 =	vld [tilespmem:s6+$0xFFFFFFE0];
	v35 =	vmul.f32 v0, v0;
	v50 =	vmul.f32 v63, v63  }
0x25e: {  	v18 =	vld [tilespmem:s6+$0xFFFFFEC0];
	v51 =	vmul.f32 v6, v6;
	v53 =	vmul.f32 v9, v9  }
0x25f: {  	v4 =	vld [tilespmem:s6+$0xFFFFFDB0];
	v19 =	vmul.f32 v19, v34;
	v5 =	vmul.f32 v5, v34  }
0x260: {  	v59 =	vld [tilespmem:s6+$0xFFFFFF60];
	v16 =	vmul.f32 v16, v49;
	v15 =	vmul.f32 v15, v52  }
0x261: {  	v61 =	vld [tilespmem:s6+$0xFFFFFF50];
	v43 =	vmul.f32 v55, v52;
	v60 =	vmul.f32 v57, v42  }
0x262: {  	v1 =	vimm.f32 $0.0e+00;
	v22 =	vld [tilespmem:s6+$0xFFFFFE30];
	v40 =	vmul.f32 v58, v58;
	v39 =	vmul.f32 v57, v57  }
0x263: {  	v30 =	vld [tilespmem:s6+$0xFFFFFE80];
	v31 =	vadd.f32 v7, v20;
	v7 =	vmul.f32 v18, v18;
	v20 =	vmul.f32 v12, v12  }
0x264: {  	v36 =	vmul.f32 v55, v55;
	v25 =	vadd.f32 v26, v25;
	v26 =	vadd.f32 v28, v27;
	v27 =	vld [tilespmem:s6+$0xFFFFFE50]  }
0x265: {  	v33 =	vmul.f32 v59, v49;
	v7 =	vadd.f32 v7, v29;
	v29 =	vld [tilespmem:s6+$0xFFFFFE60];
	v20 =	vadd.f32 v20, v24  }
0x266: {  	v38 =	vmul.f32 v61, v52;
	v28 =	vmul.f32 v4, v4;
	v24 =	vadd.f32 v47, v21;
	v47 =	vld [tilespmem:s6+$0xFFFFFF30]  }
0x267: {  	v21 =	vmul.f32 v22, v22;
	v7 =	vadd.f32 v7, v26;
	v26 =	vld [tilespmem:s3+$0x30];
	v20 =	vadd.f32 v20, v25  }
0x268: {  	v35 =	vadd.f32 v53, v35;
	v33 =	vadd.f32 v33, v38;
	v25 =	vmul.f32 v30, v30  }
0x269: {  	v10 =	vld [tilespmem:s6+$0xFFFFFFA0];
	v22 =	vmul.f32 v22, v34;
	v21 =	vadd.f32 v48, v21;
	v7 =	vadd.f32 v20, v7  }
0x26a: {  	v56 =	vld [tilespmem:s3+$0x60];
	v20 =	vmul.f32 v27, v27;
	v25 =	vadd.f32 v25, v50;
	v54 =	vmul.f32 v29, v29  }
0x26b: {  	v14 =	vld [tilespmem:s6+$0xFFFFFF90];
	v35 =	vadd.f32 v21, v35;
	v21 =	vmul.f32 v27, v52;
	v29 =	vmul.f32 v29, v49  }
0x26c: {  	v27 =	vld [tilespmem:s3+$0x0];
	v34 =	vmul.f32 v47, v34;
	v20 =	vadd.f32 v54, v20;
	v2 =	vmul.f32 v2, v26  }
0x26d: {  	v37 =	vld [tilespmem:s6+$0xFFFFFE00];
	v52 =	vmul.f32 v47, v47;
	v18 =	vmul.f32 v18, v26;
	v29 =	vadd.f32 v29, v21  }
0x26e: {  	v38 =	vld [tilespmem:s6+$0xFFFFFD00];
	v23 =	vmul.f32 v23, v26;
	v25 =	vadd.f32 v25, v20;
	v44 =	vadd.f32 v2, v5  }
0x26f: {  	v21 =	vmul.f32 v11, v56;
	v45 =	vadd.f32 v18, v19;
	v5 =	vadd.f32 v51, v28;
	v28 =	vld [tilespmem:s3+$0x10]  }
0x270: {  	v20 =	vadd.f32 v16, v15;
	v15 =	vmul.f32 v10, v10;
	v16 =	vld [tilespmem:s6+$0xFFFFFFF0];
	v18 =	vmul.f32 v58, v49  }
0x271: {  	v36 =	vadd.f32 v40, v36;
	v0 =	vmul.f32 v0, v27;
	v32 =	vmul.f32 v17, v27;
	v17 =	vld [tilespmem:s6+$0xFFFFFF70]  }
0x272: {  	v48 =	vld [tilespmem:s6+$0xFFFFFD10];
	v46 =	vadd.f32 v23, v22;
	v11 =	vadd.f32 v25, v35;
	v25 =	vmul.f32 v14, v14  }
0x273: {  	v19 =	vadd.f32 v5, v24;
	v5 =	vmul.f32 v63, v56;
	v24 =	vmul.f32 v30, v42;
	v30 =	vld [tilespmem:s6+$0xFFFFFF80]  }
0x274: {  	v18 =	vadd.f32 v18, v43;
	v35 =	vmul.f32 v59, v59;
	v63 =	vld [tilespmem:s6+$0xFFFFFF10];
	v14 =	vmul.f32 v14, v27  }
0x275: {  	v2 =	vld [tilespmem:s6+$0xFFFFFDE0];
	v15 =	vadd.f32 v15, v25;
	v22 =	vmul.f32 v16, v56;
	v16 =	vmul.f32 v16, v16  }
0x276: {  	v23 =	vld [tilespmem:s6+$0xFFFFFF40];
	v24 =	vadd.f32 v24, v5;
	v41 =	vmul.f32 v17, v56;
	v10 =	vmul.f32 v10, v28  }
0x277: {  	v5 =	vld [tilespmem:s6+$0xFFFFFDD0];
	v57 =	vmul.f32 v9, v28;
	v31 =	vadd.f32 v31, v15;
	v15 =	vmul.f32 v17, v17  }
0x278: {  	v29 =	vadd.f32 v24, v29;
	v24 =	vld [tilespmem:s6+$0xFFFFFD20];
	v25 =	vmul.f32 v30, v30;
	v17 =	vadd.f32 v60, v22  }
0x279: {  	v22 =	vld [tilespmem:s6+$0xFFFFFF20];
	v62 =	vadd.f32 v39, v16;
	v16 =	vmul.f32 v61, v61;
	v50 =	vmul.f32 v63, v27  }
0x27a: {  	v39 =	vmul.f32 v63, v63;
	v14 =	vadd.f32 v10, v14;
	v25 =	vadd.f32 v25, v15;
	v15 =	vld [tilespmem:s6+$0xFFFFFDF0]  }
0x27b: {  	v30 =	vmul.f32 v30, v42;
	v43 =	vadd.f32 v17, v18;
	v18 =	vadd.f32 v35, v16;
	v16 =	vld [tilespmem:s6+$0xFFFFFD50]  }
0x27c: {  	v0 =	vadd.f32 v57, v0;
	v17 =	vmul.f32 v23, v26;
	v26 =	vmul.f32 v23, v23;
	v23 =	vld [tilespmem:s6+$0xFFFFFD30]  }
0x27d: {  	v61 =	vmul.f32 v2, v2;
	v9 =	vadd.f32 v62, v36;
	v14 =	vadd.f32 v44, v14;
	v44 =	vld [tilespmem:s6+$0xFFFFFCA0]  }
0x27e: {  	v40 =	vmul.f32 v5, v5;
	v0 =	vadd.f32 v46, v0;
	v46 =	vld [tilespmem:s6+$0xFFFFFCD0];
	v30 =	vadd.f32 v30, v41  }
0x27f: {  	v62 =	vmul.f32 v48, v48;
	v35 =	vld [tilespmem:s6+$0xFFFFFCF0];
	v49 =	vadd.f32 v25, v18;
	v26 =	vadd.f32 v26, v52  }
0x280: {  	v18 =	vld [tilespmem:s6+$0xFFFFFD40];
	v17 =	vadd.f32 v17, v34;
	v63 =	vmul.f32 v24, v24;
	v52 =	vmul.f32 v37, v37  }
0x281: {  	v25 =	vld [tilespmem:s6+$0xFFFFFD70];
	v57 =	vadd.f32 v61, v40;
	v61 =	vmul.f32 v38, v38;
	v53 =	vmul.f32 v22, v28  }
0x282: {  	v34 =	vld [tilespmem:s6+$0xFFFFFD80];
	v9 =	vadd.f32 v9, v31;
	v54 =	vmul.f32 v22, v22;
	v28 =	vmul.f32 v13, v28  }
0x283: {  	v31 =	vld [tilespmem:s3+$0xFFFFFF80];
	v13 =	vadd.f32 v43, v14;
	v14 =	vadd.f32 v29, v0;
	v0 =	vmul.f32 v12, v42  }
0x284: {  	v43 =	vld [tilespmem:s6+$0xFFFFFCE0];
	v27 =	vadd.f32 v53, v50;
	v55 =	vadd.f32 v54, v39;
	v56 =	vmul.f32 v16, v16  }
0x285: {  	v22 =	vld [tilespmem:s6+$0xFFFFFD60];
	v58 =	vmul.f32 v23, v23;
	v51 =	vmul.f32 v15, v15;
	v39 =	vadd.f32 v63, v62  }
0x286: {  	v41 =	vld [tilespmem:s6+$0xFFFFFC70];
	v12 =	vadd.f32 v28, v32;
	v29 =	vmul.f32 v44, v44;
	v0 =	vadd.f32 v0, v21  }
0x287: {  	v28 =	vld [tilespmem:s6+$0xFFFFFC90];
	v26 =	vadd.f32 v26, v55;
	v59 =	vmul.f32 v18, v18;
	v27 =	vadd.f32 v17, v27  }
0x288: {  	v50 =	vld [tilespmem:s6+$0xFFFFFC30];
	v60 =	vmul.f32 v25, v25;
	v53 =	vmul.f32 v34, v34;
	v12 =	vadd.f32 v45, v12  }
0x289: {  	v63 =	vld [tilespmem:s6+$0xFFFFFC10];
	v0 =	vadd.f32 v0, v20;
	v8 =	vmul.f32 v8, v31;
	v21 =	vmul.f32 v43, v43  }
0x28a: {  	v17 =	vld [tilespmem:s6+$0xFFFFFCB0];
	v10 =	vadd.f32 v49, v26;
	v26 =	vmul.f32 v22, v22;
	v36 =	vadd.f32 v59, v58  }
0x28b: {  	v47 =	vadd.f32 v53, v60;
	v58 =	vmul.f32 v46, v46;
	v59 =	vmul.f32 v35, v35;
	v53 =	vld [tilespmem:s3+$0xFFFFFFB0]  }
0x28c: {  	v62 =	vmul.f32 v28, v28;
	v26 =	vadd.f32 v26, v56;
	v56 =	vadd.f32 v52, v51;
	v51 =	vld [tilespmem:s6+$0xFFFFFCC0]  }
0x28d: {  	v28 =	vmul.f32 v28, v31;
	v36 =	vadd.f32 v36, v39;
	v39 =	vld [tilespmem:s6+$0xFFFFFC80];
	v40 =	vadd.f32 v21, v58  }
0x28e: {  	v52 =	vld [tilespmem:s6+$0xFFFFFC50];
	v21 =	vadd.f32 v0, v12;
	v12 =	vmul.f32 v41, v41;
	v29 =	vadd.f32 v29, v62  }
0x28f: {  	v0 =	vld [tilespmem:s6+$0xFFFFFC20];
	v58 =	vmul.f32 v63, v63;
	v26 =	vadd.f32 v47, v26;
	v47 =	vadd.f32 v30, v33  }
0x290: {  	v45 =	vld [tilespmem:s6+$0xFFFFFC60];
	v60 =	vmul.f32 v17, v17;
	v33 =	vadd.f32 v61, v59;
	v32 =	vadd.f32 v56, v57  }
0x291: {  	v61 =	vld [tilespmem:s3+$0xFFFFFFF0];
	v57 =	vmul.f32 v50, v50;
	v6 =	vmul.f32 v6, v53;
	v26 =	vadd.f32 v26, v36  }
0x292: {  	v33 =	vadd.f32 v33, v40;
	v40 =	vmul.f32 v48, v31;
	v48 =	vld [tilespmem:s3+$0xFFFFFFE0];
	v31 =	vmul.f32 v63, v31  }
0x293: {  	v19 =	vadd.f32 v32, v19;
	v32 =	vld [tilespmem:s3+$0xFFFFFFC0];
	v30 =	vmul.f32 v51, v51;
	v62 =	vmul.f32 v52, v52  }
0x294: {  	v55 =	vmul.f32 v39, v39;
	v56 =	vmul.f32 v0, v0;
	v20 =	vadd.f32 v26, v1;
	v26 =	vld [tilespmem:s6+$0xFFFFFC40]  }
0x295: {  	v19 =	vadd.f32 v19, v1;
	v30 =	vadd.f32 v30, v60;
	v60 =	vmul.f32 v45, v45  }
0x296: {  	v12 =	vadd.f32 v55, v12;
	v55 =	vld [tilespmem:s3+$0xFFFFFF90];
	v56 =	vadd.f32 v56, v58;
	v39 =	vmul.f32 v39, v61  }
0x297: {  	v59 =	vmul.f32 v38, v61;
	v29 =	vadd.f32 v30, v29;
	v35 =	vmul.f32 v35, v48  }
0x298: {  	v42 =	vadd.f32 v60, v62;
	v58 =	vmul.f32 v52, v32;
	v41 =	vmul.f32 v41, v48  }
0x299: {  	v30 =	vld [tilespmem:s3+$0xFFFFFFD0];
	v16 =	vmul.f32 v16, v32;
	v54 =	vmul.f32 v26, v26;
	v29 =	vadd.f32 v33, v29  }
0x29a: {  	v33 =	vld [tilespmem:s3+$0xFFFFFFA0];
	v12 =	vadd.f32 v12, v42;
	v60 =	vmul.f32 v26, v53;
	v42 =	vmul.f32 v18, v53  }
0x29b: {  	v26 =	vadd.f32 v47, v27;
	v0 =	vmul.f32 v0, v55;
	v24 =	vmul.f32 v24, v55  }
0x29c: {  	v3 =	vmul.f32 v3, v55;
	v63 =	vadd.f32 v54, v57;
	v54 =	vmul.f32 v34, v61  }
0x29d: {  	v34 =	vmul.f32 v37, v61;
	v37 =	vadd.f32 v59, v35;
	v61 =	vmul.f32 v46, v32  }
0x29e: {  	v62 =	vadd.f32 v29, v1;
	v57 =	vmul.f32 v43, v30;
	v0 =	vadd.f32 v0, v31  }
0x29f: {  	v36 =	vadd.f32 v63, v56;
	v63 =	vmul.f32 v45, v30;
	v27 =	vmul.f32 v50, v33  }
0x2a0: {  	v7 =	vadd.f32 v7, v62;
	v38 =	vmul.f32 v23, v33;
	v23 =	vmul.f32 v25, v48  }
0x2a1: {  	v25 =	vmul.f32 v44, v55;
	v31 =	vadd.f32 v57, v61;
	v12 =	vadd.f32 v12, v36  }
0x2a2: {  	v4 =	vmul.f32 v4, v33;
	v36 =	vadd.f32 v39, v41;
	v27 =	vadd.f32 v60, v27  }
0x2a3: {  	v41 =	vmul.f32 v22, v30;
	v39 =	vadd.f32 v3, v8;
	v22 =	vmul.f32 v15, v48  }
0x2a4: {  	v8 =	vimm.f32 $0.0e+00;
	v28 =	vadd.f32 v25, v28;
	v29 =	vadd.f32 v27, v0  }
0x2a5: {  	v25 =	vmul.f32 v51, v53;
	v0 =	vadd.f32 v12, v1;
	v12 =	vadd.f32 v63, v58  }
0x2a6: {  	v27 =	vadd.f32 v24, v40;
	v40 =	vadd.f32 v6, v4;
	v6 =	vimm.f32 $0.0e+00  }
0x2a7: {  	s4 =	simm.s32 $0x0;
	s5 =	simm.s32 $0xC7F0;
	v4 =	vimm.f32 $0.0e+00;
	v3 =	vadd.f32 v11, v0;
	v11 =	vadd.f32 v54, v23  }
.LBB2_12:
0x2a8: {  	v23 =	vld [tilespmem:s5+$0xFFFFFE10];
	s4 =	sadd.s32 $0x2, s4;
	v0 =	vmul.f32 v17, v33;
	v18 =	vadd.f32 v37, v31;
	v17 =	vadd.f32 v42, v38;
	s3 =	sadd.s32 $0x100, s3  }
0x2a9: {  	v16 =	vadd.f32 v41, v16;
	v2 =	vmul.f32 v2, v30;
	v15 =	vld [tilespmem:s5+$0xFFFFFD90];
	p2 =	slt.u32 s4, $0x1E;
	v22 =	vadd.f32 v34, v22  }
0x2aa: {  	v5 =	vmul.f32 v5, v32;
	v30 =	vadd.f32 v40, v39;
	v24 =	vld [tilespmem:s5+$0xFFFFFFC0];
	v27 =	vadd.f32 v17, v27  }
0x2ab: {  	v31 =	vadd.f32 v36, v12;
	v0 =	vadd.f32 v25, v0;
	v17 =	vld [tilespmem:s5+$0xFFFFFE20]  }
0x2ac: {  	v16 =	vadd.f32 v11, v16;
	v2 =	vadd.f32 v2, v5;
	v12 =	vld [tilespmem:s5+$0xFFFFFDB0]  }
0x2ad: {  	v25 =	vadd.f32 v31, v29;
	v0 =	vadd.f32 v0, v28;
	v5 =	vld [tilespmem:s5+$0xFFFFFFB0]  }
0x2ae: {  	v16 =	vadd.f32 v16, v27;
	v2 =	vadd.f32 v22, v2;
	v11 =	vld [tilespmem:s5+$0xFFFFFDA0]  }
0x2af: {  	v1 =	vadd.f32 v25, v1;
	v0 =	vadd.f32 v18, v0;
	v22 =	vmul.f32 v24, v24  }
0x2b0: {  	v6 =	vadd.f32 v16, v6;
	v2 =	vadd.f32 v2, v30  }
0x2b1: {  	v20 =	vadd.f32 v10, v20;
	v0 =	vadd.f32 v0, v8;
	v25 =	vmul.f32 v12, v12  }
0x2b2: {  	v27 =	vmul.f32 v23, v23;
	v1 =	vadd.f32 v14, v1;
	v8 =	vmul.f32 v5, v5  }
0x2b3: {  	v10 =	vmul.f32 v15, v15;
	v2 =	vadd.f32 v2, v4;
	v6 =	vadd.f32 v26, v6  }
0x2b4: {  	v16 =	vmul.f32 v11, v11;
	v14 =	vadd.f32 v22, v8;
	v8 =	vadd.f32 v21, v0  }
0x2b5: {  	v19 =	vadd.f32 v9, v19;
	v4 =	vadd.f32 v13, v2;
	v21 =	vld [tilespmem:s5+$0xFFFFFF00]  }
0x2b6: {  	v0 =	vadd.f32 v16, v10;
	v13 =	vld [tilespmem:s5+$0xFFFFFEA0]  }
0x2b7: {  	v22 =	vld [tilespmem:s5+$0xFFFFFEF0]  }
0x2b8: {  	v2 =	vld [tilespmem:s5+$0xFFFFFED0]  }
0x2b9: {  	v26 =	vld [tilespmem:s5+$0xFFFFFEE0]  }
0x2ba: {  	v28 =	vld [tilespmem:s5+$0xFFFFFE90]  }
0x2bb: {  	v29 =	vld [tilespmem:s5+$0xFFFFFEC0]  }
0x2bc: {  	v30 =	vld [tilespmem:s5+$0xFFFFFEB0];
	v18 =	vmul.f32 v22, v22  }
0x2bd: {  	v16 =	vld [tilespmem:s5+$0xFFFFFDC0]  }
0x2be: {  	v9 =	vmul.f32 v2, v2;
	v31 =	vld [tilespmem:s5+$0xFFFFFE30];
	v10 =	vmul.f32 v26, v26  }
0x2bf: {  	v32 =	vld [tilespmem:s5+$0xFFFFFE40];
	v33 =	vmul.f32 v28, v28  }
0x2c0: {  	v34 =	vmul.f32 v13, v13;
	v35 =	vadd.f32 v10, v9;
	v9 =	vld [tilespmem:s5+$0xFFFFFFA0]  }
0x2c1: {  	v37 =	vmul.f32 v29, v29;
	v36 =	vmul.f32 v30, v30;
	v10 =	vld [tilespmem:s5+$0xFFFFFF90]  }
0x2c2: {  	v38 =	vld [tilespmem:s5+$0xFFFFFE80]  }
0x2c3: {  	v40 =	vmul.f32 v21, v21;
	v33 =	vadd.f32 v34, v33;
	v39 =	vld [tilespmem:s5+$0xFFFFFE70];
	v34 =	vadd.f32 v37, v36  }
0x2c4: {  	v37 =	vmul.f32 v31, v31;
	v36 =	vld [tilespmem:s5+$0xFFFFFE50];
	v41 =	vmul.f32 v32, v32  }
0x2c5: {  	v18 =	vadd.f32 v40, v18;
	v42 =	vld [tilespmem:s5+$0xFFFFFE60];
	v33 =	vadd.f32 v34, v33  }
0x2c6: {  	v40 =	vld [tilespmem:s3+$0x20];
	v34 =	vadd.f32 v41, v37  }
0x2c7: {  	v18 =	vadd.f32 v18, v35;
	v37 =	vld [tilespmem:s3+$0x30];
	v41 =	vmul.f32 v38, v38  }
0x2c8: {  	v43 =	vld [tilespmem:s3+$0x50];
	v35 =	vmul.f32 v39, v39  }
0x2c9: {  	v46 =	vmul.f32 v17, v17;
	v44 =	vmul.f32 v16, v16;
	v18 =	vadd.f32 v18, v33;
	v45 =	vld [tilespmem:s3+$0x40]  }
0x2ca: {  	v33 =	vmul.f32 v36, v36;
	v47 =	vmul.f32 v42, v42;
	v35 =	vadd.f32 v41, v35;
	v41 =	vld [tilespmem:s5+$0xFFFFFFD0]  }
0x2cb: {  	v27 =	vadd.f32 v46, v27;
	v48 =	vld [tilespmem:s3+$0x60];
	v30 =	vmul.f32 v30, v40;
	v5 =	vmul.f32 v5, v40  }
0x2cc: {  	v46 =	vmul.f32 v32, v37;
	v32 =	vadd.f32 v47, v33;
	v47 =	vld [tilespmem:s5+$0x0];
	v24 =	vmul.f32 v24, v37  }
0x2cd: {  	v27 =	vadd.f32 v34, v27;
	v29 =	vmul.f32 v29, v37;
	v42 =	vmul.f32 v42, v43;
	v49 =	vld [tilespmem:s5+$0xFFFFFFE0]  }
0x2ce: {  	v26 =	vmul.f32 v26, v43;
	v33 =	vld [tilespmem:s3+$0x70];
	v34 =	vmul.f32 v36, v45;
	v36 =	vadd.f32 v35, v32  }
0x2cf: {  	v51 =	vmul.f32 v2, v45;
	v53 =	vadd.f32 v24, v5;
	v50 =	vld [tilespmem:s3+$0x0];
	v52 =	vmul.f32 v41, v45  }
0x2d0: {  	v2 =	vld [tilespmem:s5+$0xFFFFFDE0];
	v42 =	vadd.f32 v42, v34;
	v32 =	vmul.f32 v22, v48;
	v34 =	vadd.f32 v29, v30  }
0x2d1: {  	v5 =	vadd.f32 v44, v25;
	v24 =	vmul.f32 v9, v9;
	v30 =	vadd.f32 v26, v51;
	v35 =	vld [tilespmem:s3+$0x10]  }
0x2d2: {  	v22 =	vadd.f32 v36, v27;
	v29 =	vmul.f32 v10, v10;
	v25 =	vld [tilespmem:s5+$0xFFFFFFF0];
	v27 =	vmul.f32 v49, v43  }
0x2d3: {  	v26 =	vadd.f32 v5, v0;
	v0 =	vmul.f32 v39, v48;
	v5 =	vmul.f32 v38, v33;
	v38 =	vld [tilespmem:s5+$0xFFFFFF80]  }
0x2d4: {  	v39 =	vmul.f32 v23, v50;
	v44 =	vmul.f32 v28, v50;
	v23 =	vld [tilespmem:s5+$0xFFFFFF70];
	v27 =	vadd.f32 v27, v52  }
0x2d5: {  	v36 =	vmul.f32 v47, v33;
	v28 =	vmul.f32 v31, v40;
	v0 =	vadd.f32 v5, v0;
	v31 =	vld [tilespmem:s5+$0xFFFFFF60]  }
0x2d6: {  	v49 =	vmul.f32 v49, v49;
	v24 =	vadd.f32 v24, v29;
	v47 =	vmul.f32 v47, v47;
	v51 =	vld [tilespmem:s5+$0xFFFFFF50]  }
0x2d7: {  	v46 =	vadd.f32 v46, v28;
	v5 =	vld [tilespmem:s5+$0xFFFFFDD0];
	v28 =	vmul.f32 v25, v48;
	v25 =	vmul.f32 v25, v25  }
0x2d8: {  	v41 =	vmul.f32 v41, v41;
	v14 =	vadd.f32 v14, v24;
	v29 =	vld [tilespmem:s5+$0xFFFFFF40];
	v52 =	vmul.f32 v38, v38  }
0x2d9: {  	v54 =	vld [tilespmem:s5+$0xFFFFFF30];
	v48 =	vmul.f32 v23, v48;
	v23 =	vmul.f32 v23, v23;
	v24 =	vadd.f32 v36, v28  }
0x2da: {  	v55 =	vld [tilespmem:s5+$0xFFFFFF20];
	v28 =	vmul.f32 v31, v43;
	v31 =	vmul.f32 v31, v31;
	v43 =	vadd.f32 v47, v25  }
0x2db: {  	v41 =	vadd.f32 v49, v41;
	v47 =	vld [tilespmem:s5+$0xFFFFFF10];
	v25 =	vmul.f32 v51, v51;
	v52 =	vadd.f32 v52, v23  }
0x2dc: {  	v45 =	vmul.f32 v51, v45;
	v51 =	vadd.f32 v24, v27;
	v23 =	vld [tilespmem:s5+$0xFFFFFDF0];
	v49 =	vmul.f32 v5, v5  }
0x2dd: {  	v36 =	vld [tilespmem:s5+$0xFFFFFD10];
	v27 =	vmul.f32 v29, v37;
	v29 =	vmul.f32 v29, v29;
	v25 =	vadd.f32 v31, v25  }
0x2de: {  	v24 =	vld [tilespmem:s5+$0xFFFFFD50];
	v37 =	vmul.f32 v54, v40;
	v40 =	vadd.f32 v28, v45;
	v31 =	vmul.f32 v54, v54  }
0x2df: {  	v28 =	vld [tilespmem:s5+$0xFFFFFD30];
	v45 =	vmul.f32 v55, v35;
	v54 =	vmul.f32 v55, v55;
	v52 =	vadd.f32 v52, v25  }
0x2e0: {  	v25 =	vld [tilespmem:s5+$0xFFFFFD40];
	v55 =	vmul.f32 v47, v50;
	v47 =	vmul.f32 v47, v47;
	v56 =	vadd.f32 v29, v31  }
0x2e1: {  	v10 =	vmul.f32 v10, v50;
	v0 =	vadd.f32 v0, v42;
	v37 =	vadd.f32 v27, v37;
	v31 =	vld [tilespmem:s5+$0xFFFFFD70]  }
0x2e2: {  	v9 =	vmul.f32 v9, v35;
	v27 =	vld [tilespmem:s5+$0xFFFFFD60];
	v42 =	vadd.f32 v45, v55;
	v45 =	vadd.f32 v54, v47  }
0x2e3: {  	v50 =	vmul.f32 v17, v35;
	v17 =	vadd.f32 v43, v41;
	v29 =	vld [tilespmem:s5+$0xFFFFFD20];
	v47 =	vmul.f32 v24, v24  }
0x2e4: {  	v54 =	vadd.f32 v9, v10;
	v41 =	vmul.f32 v28, v28;
	v43 =	vld [tilespmem:s5+$0xFFFFFE00];
	v45 =	vadd.f32 v56, v45  }
0x2e5: {  	v9 =	vadd.f32 v17, v14;
	v37 =	vadd.f32 v37, v42;
	v55 =	vld [tilespmem:s5+$0xFFFFFD80];
	v56 =	vmul.f32 v25, v25  }
0x2e6: {  	v57 =	vmul.f32 v2, v2;
	v42 =	vld [tilespmem:s3+$0xFFFFFF80];
	v14 =	vmul.f32 v31, v31;
	v10 =	vadd.f32 v52, v45  }
0x2e7: {  	v39 =	vadd.f32 v50, v39;
	v17 =	vld [tilespmem:s5+$0xFFFFFCB0];
	v45 =	vmul.f32 v27, v27;
	v41 =	vadd.f32 v56, v41  }
0x2e8: {  	v53 =	vadd.f32 v53, v54;
	v52 =	vmul.f32 v36, v36;
	v50 =	vld [tilespmem:s5+$0xFFFFFD00];
	v56 =	vmul.f32 v29, v29  }
0x2e9: {  	v58 =	vmul.f32 v23, v23;
	v39 =	vadd.f32 v46, v39;
	v54 =	vld [tilespmem:s5+$0xFFFFFCA0];
	v59 =	vmul.f32 v43, v43  }
0x2ea: {  	v45 =	vadd.f32 v45, v47;
	v46 =	vld [tilespmem:s5+$0xFFFFFCD0];
	v60 =	vmul.f32 v55, v55;
	v52 =	vadd.f32 v56, v52  }
0x2eb: {  	v47 =	vld [tilespmem:s5+$0xFFFFFCF0];
	v56 =	vadd.f32 v59, v58;
	v58 =	vmul.f32 v13, v35;
	v13 =	vadd.f32 v51, v53  }
0x2ec: {  	v38 =	vmul.f32 v38, v33;
	v51 =	vld [tilespmem:s5+$0xFFFFFCE0];
	v53 =	vadd.f32 v60, v14;
	v41 =	vadd.f32 v41, v52  }
0x2ed: {  	v14 =	vadd.f32 v0, v39;
	v0 =	vmul.f32 v21, v33;
	v35 =	vld [tilespmem:s5+$0xFFFFFCC0];
	v21 =	vadd.f32 v58, v44  }
0x2ee: {  	v33 =	vld [tilespmem:s5+$0xFFFFFC90];
	v39 =	vmul.f32 v54, v54;
	v44 =	vadd.f32 v53, v45;
	v45 =	vadd.f32 v57, v49  }
0x2ef: {  	v49 =	vld [tilespmem:s5+$0xFFFFFC80];
	v52 =	vmul.f32 v46, v46;
	v21 =	vadd.f32 v34, v21;
	v34 =	vadd.f32 v38, v48  }
0x2f0: {  	v0 =	vadd.f32 v0, v32;
	v38 =	vld [tilespmem:s5+$0xFFFFFC70];
	v48 =	vmul.f32 v47, v47;
	v41 =	vadd.f32 v44, v41  }
0x2f1: {  	v32 =	vmul.f32 v17, v17;
	v44 =	vld [tilespmem:s5+$0xFFFFFC60];
	v53 =	vmul.f32 v51, v51;
	v40 =	vadd.f32 v34, v40  }
0x2f2: {  	v58 =	vmul.f32 v50, v50;
	v0 =	vadd.f32 v0, v30;
	v57 =	vld [tilespmem:s5+$0xFFFFFC30];
	v34 =	vmul.f32 v35, v35  }
0x2f3: {  	v20 =	vadd.f32 v41, v20;
	v59 =	vld [tilespmem:s5+$0xFFFFFC50];
	v30 =	vmul.f32 v33, v33;
	v52 =	vadd.f32 v53, v52  }
0x2f4: {  	v48 =	vadd.f32 v58, v48;
	v21 =	vadd.f32 v0, v21;
	v41 =	vld [tilespmem:s5+$0xFFFFFC40]  }
0x2f5: {  	v32 =	vadd.f32 v34, v32;
	v0 =	vld [tilespmem:s5+$0xFFFFFC20];
	v53 =	vmul.f32 v38, v38;
	v30 =	vadd.f32 v39, v30  }
0x2f6: {  	v15 =	vmul.f32 v15, v42;
	v45 =	vadd.f32 v56, v45;
	v34 =	vld [tilespmem:s5+$0xFFFFFC10];
	v39 =	vmul.f32 v44, v44  }
0x2f7: {  	v48 =	vadd.f32 v48, v52;
	v52 =	vmul.f32 v36, v42;
	v56 =	vld [tilespmem:s3+$0xFFFFFFF0];
	v32 =	vadd.f32 v32, v30  }
0x2f8: {  	v26 =	vadd.f32 v45, v26;
	v60 =	vmul.f32 v33, v42;
	v58 =	vld [tilespmem:s3+$0xFFFFFFE0];
	v36 =	vmul.f32 v59, v59  }
0x2f9: {  	v33 =	vmul.f32 v49, v49;
	v30 =	vld [tilespmem:s3+$0xFFFFFFD0];
	v45 =	vmul.f32 v41, v41;
	v48 =	vadd.f32 v48, v32  }
0x2fa: {  	v62 =	vmul.f32 v57, v57;
	v32 =	vld [tilespmem:s3+$0xFFFFFFC0];
	v61 =	vmul.f32 v0, v0;
	v36 =	vadd.f32 v39, v36  }
0x2fb: {  	v19 =	vadd.f32 v26, v19;
	v53 =	vadd.f32 v33, v53;
	v63 =	vld [tilespmem:s3+$0xFFFFFFB0];
	v39 =	vmul.f32 v34, v34  }
0x2fc: {  	v42 =	vmul.f32 v34, v42;
	v26 =	vadd.f32 v45, v62;
	v33 =	vld [tilespmem:s3+$0xFFFFFFA0];
	v45 =	vmul.f32 v55, v56  }
0x2fd: {  	v34 =	vmul.f32 v43, v56;
	v55 =	vld [tilespmem:s3+$0xFFFFFF90];
	v39 =	vadd.f32 v61, v39;
	v47 =	vmul.f32 v47, v58  }
0x2fe: {  	v43 =	vmul.f32 v49, v56;
	v36 =	vadd.f32 v53, v36;
	v49 =	vmul.f32 v51, v30  }
0x2ff: {  	v50 =	vmul.f32 v50, v56;
	v51 =	vmul.f32 v59, v32;
	v39 =	vadd.f32 v26, v39  }
0x300: {  	v38 =	vmul.f32 v38, v58;
	v26 =	vadd.f32 v40, v37;
	v41 =	vmul.f32 v41, v63  }
0x301: {  	v37 =	vadd.f32 v50, v47;
	v40 =	vmul.f32 v57, v33;
	v39 =	vadd.f32 v36, v39  }
0x302: {  	v16 =	vmul.f32 v16, v63;
	v36 =	vadd.f32 v43, v38;
	v0 =	vmul.f32 v0, v55  }
0x303: {  	v38 =	vmul.f32 v28, v33;
	v43 =	vmul.f32 v31, v58;
	v40 =	vadd.f32 v41, v40  }
0x304: {  	v7 =	vadd.f32 v48, v7;
	v31 =	vmul.f32 v46, v32;
	v28 =	vmul.f32 v54, v55  }
0x305: {  	v41 =	vmul.f32 v44, v30;
	v44 =	vmul.f32 v12, v33;
	v0 =	vadd.f32 v0, v42  }
0x306: {  	v31 =	vadd.f32 v49, v31;
	v28 =	vadd.f32 v28, v60;
	v42 =	vmul.f32 v29, v55  }
.Ltmp7:
0x307: {  	v29 =	vadd.f32 v40, v0;
	v0 =	vadd.f32 v39, v3;
	v3 =	vmul.f32 v11, v55;
	(pc) =	sbr.rel @p2 .LBB2_12-.Ltmp7, $4  }
0x308: {  	v12 =	vadd.f32 v41, v51;
	v41 =	vmul.f32 v27, v30;
	v27 =	vadd.f32 v42, v52  }
0x309: {  	v42 =	vmul.f32 v25, v63;
	v40 =	vadd.f32 v16, v44;
	v39 =	vadd.f32 v3, v15  }
0x30a: {  	v25 =	vmul.f32 v35, v63;
	v16 =	vmul.f32 v24, v32;
	v3 =	vadd.f32 v22, v0  }
0x30b: {  	s5 =	sadd.s32 $0x400, s5;
	v7 =	vadd.f32 v18, v7;
	v11 =	vadd.f32 v45, v43;
	v22 =	vmul.f32 v23, v58  }
0x30c: {  	v0 =	vadd.f32 v42, v38  }
0x30d: {  	v15 =	vmul.f32 v17, v33;
	v47 =	vadd.f32 v37, v31;
	v16 =	vadd.f32 v41, v16  }
0x30e: {  	v2 =	vmul.f32 v2, v30;
	v5 =	vmul.f32 v5, v32;
	v48 =	vadd.f32 v40, v39;
	s3 =	sor.u32 $0x4, s31  }
0x30f: {  	v12 =	vadd.f32 v36, v12;
	s5 =	sor.u32 $0x5, s31;
	s6 =	sor.u32 $0x6, s31;
	v54 =	vld [tilespmem:$0x1FFF0];
	s31 =	sor.u32 $0x7, s31;
	v18 =	vadd.f32 v34, v22;
	v49 =	vmov s3  }
0x310: {  	v52 =	vmov s5;
	v55 =	vmov s6;
	v58 =	vmov s31  }
0x311: {  	v0 =	vadd.f32 v0, v27;
	v15 =	vadd.f32 v25, v15;
	v51 =	vand.u32 $0x7C, v49  }
0x312: {  	v11 =	vadd.f32 v11, v16;
	v50 =	vadd.f32 v12, v29;
	v12 =	vbroadcast v51, $0x0  }
0x313: {  	v2 =	vadd.f32 v2, v5;
	v53 =	vand.u32 $0x7D, v52;
	v15 =	vadd.f32 v15, v28  }
0x314: {  	v0 =	vadd.f32 v11, v0;
	v11 =	vbroadcast v53, $0x0;
	v12 =	vor.u32 v54, v12  }
0x315: {  	v57 =	vand.u32 $0x7E, v55;
	v1 =	vadd.f32 v50, v1;
	v56 =	vadd.f32 v47, v15  }
0x316: {  	v2 =	vadd.f32 v18, v2;
	v11 =	vor.u32 v54, v11;
	v15 =	vbroadcast v57, $0x0  }
0x317: {  	v59 =	vand.u32 $0x7F, v58;
	v1 =	vadd.f32 v14, v1;
	v5 =	vadd.f32 v56, v8  }
0x318: {  	v0 =	vadd.f32 v0, v6;
	v60 =	vor.u32 v54, v15;
	v8 =	vbroadcast v59, $0x0  }
0x319: {  	v2 =	vadd.f32 v2, v48;
	v5 =	vadd.f32 v21, v5;
	[tilespmem:v12+s25+$0x0] =	vst.idx.msk $0xffff, v1  }
0x31a: {  	v61 =	vor.u32 v54, v8;
	[tilespmem:v12+s26+$0x0] =	vst.idx.msk $0xffff, v3  }
0x31b: {  	v2 =	vadd.f32 v2, v4;
	v0 =	vadd.f32 v26, v0;
	[tilespmem:v11+s25+$0x0] =	vst.idx.msk $0xffff, v5  }
.Ltmp8:
0x31c: {  	v62 =	vadd.f32 v10, v20;
	[tilespmem:v11+s26+$0x0] =	vst.idx.msk $0xffff, v7;
	(pc) =	sbr.rel @p1 .LBB2_15-.Ltmp8, $4  }
0x31d: {  	v2 =	vadd.f32 v13, v2;
	[tilespmem:v60+s25+$0x0] =	vst.idx.msk $0xffff, v0  }
0x31e: {  	v63 =	vadd.f32 v9, v19;
	[tilespmem:v60+s26+$0x0] =	vst.idx.msk $0xffff, v62  }
0x31f: {  	[tilespmem:v61+s25+$0x0] =	vst.idx.msk $0xffff, v2  }
0x320: {  	[tilespmem:v61+s26+$0x0] =	vst.idx.msk $0xffff, v63  }
.Ltmp9:
0x321: {  	(pc) =	sbr.rel .LBB2_9-.Ltmp9, $3  }
0x322: {  	_ =	sdelay $0x1  }
0x323: {  	s0 =	sadd.s32 s0, s15;
	s29 =	sadd.s32 $0x1, s29  }
0x324: {  	[tilespmem:s24], [sflag:$0x2] =	stream.strided.gather [hbm4b:s0+s22], $0x4000, s23, s22, $0x38;
	[tilespmem:$0x12200] =	vst v63  }
.LBB2_16:
0x325: {  	_ =	sfence.sel $0x180000  }
0x326: {  	[bflag:$0x0] =	sbarrier.arrive $0xFFFF  }
0x327: {  	_ =	strace $0x90000047  }
0x328: {  	s0 =	stileid.u32;
	[bflag:$0x2] =	sbarrier.arrive $0xFFFF  }
0x329: {  	p0 =	sne.s32 s0, $0x0;
	s0 =	rddreg [dreg:$0x5]  }
0x32a: {  	s0 =	sadd.s32 @!p0 $0x100000, s0  }
0x32b: {  	[sflag:s0] =	ssyncadd.tile.s32 @!p0 $0x1;
	_ =	shalt  }
.Lfunc_end2:
_tile_overlayer_lowered:
.L_overlay_start_2:
0x32c: {  	(tag) =	ssettag $0x2  }
0x32d: {  	s0 =	rddreg [dreg:$0x0];
	s2 =	stileid.u32  }
0x32e: {  	s1 =	rddreg [dreg:$0x1];
	p0 =	sne.s32 s2, $0x0  }
0x32f: {  	s3 =	rddreg [dreg:$0x2];
	[bflag:$0x3] =	sbarrier.arrive $0xFFFF;
	s2 =	simm.s32 @!p0 $0x1C03  }
0x330: {  	[timem:s3], [sflag:s2] =	dma.local @!p0 [hbm:s0], s1  }
0x331: {  	s0 =	simm.s32 @!p0 $0x3  }
0x332: {  	_ =	swait.ge @!p0 [sflag:s0], s1  }
0x333: {  	s1 =	ssub.s32 @!p0 $0x0, s1;
	[sflag:s0] =	ssyncset.done @!p0 $0x0  }
0x334: {  	[sflag:s0] =	ssyncadd.s32 @!p0 s1  }
0x335: {  	[bflag:$0x3] =	sbarrier.arrive $0xFFFF  }
0x336: {  	_ =	shalt  }

</sc_bundles>
